<compile_context>
chip_gen: v7x
topology: tpu7x:2x2x1
jax: 0.10.2.dev20260603
libtpu: 0.0.44.dev20260713+nightly
codegen_flags: <defaults>
</compile_context>

<pallas_src>
import functools

import jax
import jax.numpy as jnp
from jax import lax
from jax.experimental import pallas as pl
from jax.experimental.pallas import tpu as pltpu
from jax.experimental.pallas import tpu_sc as plsc

EMBED_DIM = 64
BATCH = 4096
HIST = 50

NC = 2
NS = 16
NW = NC * NS
B_PER_W = BATCH // NW
ROWS_PER_W = B_PER_W * HIST
NROW = 4
CHUNK = NROW * HIST
N_CHUNK = B_PER_W // NROW

NBUF = 8

HIST_PAD = 56
DIM_PAD = 128


def _emb_body(idx_hbm, table_hbm, out_hbm, idx_v, rows_v,
              g0, g1, g2, g3, g4, g5, g6, g7, w0, w1, w2, w3, w4, w5, w6, w7):
    wid = lax.axis_index("s") * NC + lax.axis_index("c")
    b0 = wid * B_PER_W
    pltpu.sync_copy(idx_hbm.at[wid], idx_v)

    gs = (g0, g1, g2, g3, g4, g5, g6, g7)
    ws = (w0, w1, w2, w3, w4, w5, w6, w7)

    def gather(c, b):
        return pltpu.make_async_copy(
            table_hbm.at[idx_v.at[pl.ds(c * CHUNK, CHUNK)]],
            rows_v.at[b], gs[b]
        )

    def write(c, b):
        return [
            pltpu.make_async_copy(
                rows_v.at[b, pl.ds(k * HIST, HIST)],
                out_hbm.at[b0 + c * NROW + k, pl.ds(0, HIST), pl.ds(0, EMBED_DIM)],
                ws[b],
            )
            for k in range(NROW)
        ]

    for b in range(NBUF):
        gather(b, b).start()

    def body(cc, _):
        for b in range(NBUF):
            c = cc * NBUF + b
            gather(c, b).wait()
            for cp in write(c, b):
                cp.start()
            prev_b = (b - 1) % NBUF

            @pl.when(jnp.logical_and(c >= 1, c + NBUF - 1 < N_CHUNK))
            def _():
                for cp in write(c - 1, prev_b):
                    cp.wait()
                gather(c + NBUF - 1, prev_b).start()
        return 0

    lax.fori_loop(0, N_CHUNK // NBUF, body, 0)

    for c in range(N_CHUNK - NBUF, N_CHUNK):
        for cp in write(c, c % NBUF):
            cp.wait()


@functools.partial(jax.jit)
def kernel(x, table):
    idx = x.astype(jnp.int32).reshape(NW, ROWS_PER_W)
    mesh = plsc.VectorSubcoreMesh(core_axis_name="c", subcore_axis_name="s")
    out = pl.kernel(
        _emb_body,
        out_type=jax.ShapeDtypeStruct((BATCH, HIST_PAD, DIM_PAD), jnp.float32),
        mesh=mesh,
        scratch_types=[
            pltpu.VMEM((ROWS_PER_W,), jnp.int32),
            pltpu.VMEM((NBUF, CHUNK, EMBED_DIM), jnp.float32),
        ] + [pltpu.SemaphoreType.DMA] * (2 * NBUF),
        compiler_params=pltpu.CompilerParams(use_tc_tiling_on_sc=False),
    )(idx, table)
    return out[:, :HIST, :EMBED_DIM]

# --- scband reference (transcript-rebuilt; emitter-appended) ---
"""Pipeline reference for scband-embedding-layer-6176162972006 (READ-ONLY COPY).

The authoritative reference and input builder live on the scoring server;
editing this copy changes nothing except your own understanding.
"""

import jax, jax.numpy as jnp
import numpy as np

VOCAB = 100000
EMBED_DIM = 64
BATCH = 4096
HIST = 50

def setup_inputs(seed: int = 0) -> dict:
    key = jax.random.key(seed)
    k_idx, k_tab = jax.random.split(key)
    x = jax.random.randint(k_idx, (BATCH, HIST), 0, VOCAB, dtype=jnp.int64)
    # pre-trained (frozen) embedding table, materialized per init_kwargs
    table = jax.random.normal(k_tab, (VOCAB, EMBED_DIM), dtype=jnp.float32)
    return {"x": x, "table": table}

def reference(x, table):
    x = x.astype(jnp.int64)
    embedsm = jnp.take(table, x, axis=0)
    return embedsm

if __name__ == "__main__":
    import jax
    _d = setup_inputs()
    print(jax.jit(kernel)(*tuple(_d.values())))

</pallas_src>

<mosaic_0001>
#map = affine_map<(d0, d1) -> (0, 0)>
#map1 = affine_map<(d0, d1) -> (0, 0, 0)>
module attributes {stable_mosaic.version = 14 : i64} {
  func.func @_emb_body(%arg0: i32, %arg1: i32, %arg2: memref<32x6400xi32, #tpu.memory_space<hbm>>, %arg3: memref<100000x64xf32, #tpu.memory_space<hbm>>, %arg4: memref<4096x56x128xf32, #tpu.memory_space<hbm>>, %arg5: memref<6400xi32, #tpu.memory_space<vmem>>, %arg6: memref<8x200x64xf32, #tpu.memory_space<vmem>>, %arg7: memref<!tpu.dma_semaphore, #tpu.memory_space<semaphore_mem>>, %arg8: memref<!tpu.dma_semaphore, #tpu.memory_space<semaphore_mem>>, %arg9: memref<!tpu.dma_semaphore, #tpu.memory_space<semaphore_mem>>, %arg10: memref<!tpu.dma_semaphore, #tpu.memory_space<semaphore_mem>>, %arg11: memref<!tpu.dma_semaphore, #tpu.memory_space<semaphore_mem>>, %arg12: memref<!tpu.dma_semaphore, #tpu.memory_space<semaphore_mem>>, %arg13: memref<!tpu.dma_semaphore, #tpu.memory_space<semaphore_mem>>, %arg14: memref<!tpu.dma_semaphore, #tpu.memory_space<semaphore_mem>>, %arg15: memref<!tpu.dma_semaphore, #tpu.memory_space<semaphore_mem>>, %arg16: memref<!tpu.dma_semaphore, #tpu.memory_space<semaphore_mem>>, %arg17: memref<!tpu.dma_semaphore, #tpu.memory_space<semaphore_mem>>, %arg18: memref<!tpu.dma_semaphore, #tpu.memory_space<semaphore_mem>>, %arg19: memref<!tpu.dma_semaphore, #tpu.memory_space<semaphore_mem>>, %arg20: memref<!tpu.dma_semaphore, #tpu.memory_space<semaphore_mem>>, %arg21: memref<!tpu.dma_semaphore, #tpu.memory_space<semaphore_mem>>, %arg22: memref<!tpu.dma_semaphore, #tpu.memory_space<semaphore_mem>>) attributes {dimension_semantics = [#tpu.dimension_semantics<core_parallel>, #tpu.dimension_semantics<subcore_parallel>], iteration_bounds = array<i64: 2, 16>, scalar_prefetch = 0 : i64, scratch_operands = 18 : i64, tpu.core_type = #tpu.core_type<sc_vector_subcore>, window_params = [{transform_indices = #map}, {transform_indices = #map}, {transform_indices = #map1}]} {
    %mul3A = arith.constant 2 : i32
    %mul3A_0 = arith.muli %arg1, %mul3A : i32
    %add3A = arith.addi %mul3A_0, %arg0 : i32
    %mul3A_1 = arith.constant 128 : i32
    %mul3A_2 = arith.muli %add3A, %mul3A_1 : i32
    "tpu.region"() ({
      %run_scoped3A = tpu.sem_alloc : memref<!tpu.dma_semaphore, #tpu.memory_space<semaphore_mem>>
      %dma_start3A_759 = arith.constant 0 : i32
      %dma_start3A_760 = tpu.memref_slice %arg2[%add3A, %dma_start3A_759] : memref<32x6400xi32, #tpu.memory_space<hbm>> -> memref<1x6400xi32, #tpu.memory_space<hbm>>
      %dma_start3A_761 = tpu.memref_squeeze %dma_start3A_760 : memref<1x6400xi32, #tpu.memory_space<hbm>> -> memref<6400xi32, #tpu.memory_space<hbm>>
      %dma_start3A_762 = arith.constant 0 : i32
      %dma_start3A_763 = tpu.memref_slice %arg2[%add3A, %dma_start3A_762] : memref<32x6400xi32, #tpu.memory_space<hbm>> -> memref<1x6400xi32, #tpu.memory_space<hbm>>
      %dma_start3A_764 = tpu.memref_squeeze %dma_start3A_763 : memref<1x6400xi32, #tpu.memory_space<hbm>> -> memref<6400xi32, #tpu.memory_space<hbm>>
      tpu.enqueue_dma source(%dma_start3A_764 : memref<6400xi32, #tpu.memory_space<hbm>>) target(%arg5 : memref<6400xi32, #tpu.memory_space<vmem>>) target_semaphore(%run_scoped3A : memref<!tpu.dma_semaphore, #tpu.memory_space<semaphore_mem>>)
      %dma_wait3A_765 = arith.constant 0 : i32
      %dma_wait3A_766 = tpu.memref_slice %arg2[%add3A, %dma_wait3A_765] : memref<32x6400xi32, #tpu.memory_space<hbm>> -> memref<1x6400xi32, #tpu.memory_space<hbm>>
      %dma_wait3A_767 = tpu.memref_squeeze %dma_wait3A_766 : memref<1x6400xi32, #tpu.memory_space<hbm>> -> memref<6400xi32, #tpu.memory_space<hbm>>
      %dma_wait3A_768 = arith.constant 0 : i32
      %dma_wait3A_769 = tpu.memref_slice %arg2[%add3A, %dma_wait3A_768] : memref<32x6400xi32, #tpu.memory_space<hbm>> -> memref<1x6400xi32, #tpu.memory_space<hbm>>
      %dma_wait3A_770 = tpu.memref_squeeze %dma_wait3A_769 : memref<1x6400xi32, #tpu.memory_space<hbm>> -> memref<6400xi32, #tpu.memory_space<hbm>>
      tpu.wait_dma2 semaphore(%run_scoped3A : memref<!tpu.dma_semaphore, #tpu.memory_space<semaphore_mem>>) src(%dma_wait3A_770 : memref<6400xi32, #tpu.memory_space<hbm>>) dst(%arg5 : memref<6400xi32, #tpu.memory_space<vmem>>)
      tpu.yield
    }) : () -> ()
    %dma_start3A = arith.constant 0 : i32
    %dma_start3A_3 = arith.constant 0 : i32
    %dma_start3A_4 = arith.constant 0 : i32
    %dma_start3A_5 = tpu.memref_slice %arg6[%dma_start3A, %dma_start3A_3, %dma_start3A_4] : memref<8x200x64xf32, #tpu.memory_space<vmem>> -> memref<1x200x64xf32, #tpu.memory_space<vmem>>
    %dma_start3A_6 = tpu.memref_squeeze %dma_start3A_5 : memref<1x200x64xf32, #tpu.memory_space<vmem>> -> memref<200x64xf32, #tpu.memory_space<vmem>>
    %dma_start3A_7 = arith.constant 0 : i32
    %dma_start3A_8 = tpu.memref_slice %arg5[%dma_start3A_7] : memref<6400xi32, #tpu.memory_space<vmem>> -> memref<200xi32, #tpu.memory_space<vmem>>
    %dma_start3A_9 = arith.constant 0 : i32
    %dma_start3A_10 = arith.constant 0 : i32
    %dma_start3A_11 = tpu.memref_slice %arg3[%dma_start3A_9, %dma_start3A_10] : memref<100000x64xf32, #tpu.memory_space<hbm>> -> memref<100000x64xf32, #tpu.memory_space<hbm>>
    tpu.enqueue_indirect_dma source(%dma_start3A_11 : memref<100000x64xf32, #tpu.memory_space<hbm>>) target(%dma_start3A_6 : memref<200x64xf32, #tpu.memory_space<vmem>>) offsets(%dma_start3A_8 : memref<200xi32, #tpu.memory_space<vmem>>) semaphore(%arg7 : memref<!tpu.dma_semaphore, #tpu.memory_space<semaphore_mem>>)
    %dma_start3A_12 = arith.constant 1 : i32
    %dma_start3A_13 = arith.constant 0 : i32
    %dma_start3A_14 = arith.constant 0 : i32
    %dma_start3A_15 = tpu.memref_slice %arg6[%dma_start3A_12, %dma_start3A_13, %dma_start3A_14] : memref<8x200x64xf32, #tpu.memory_space<vmem>> -> memref<1x200x64xf32, #tpu.memory_space<vmem>>
    %dma_start3A_16 = tpu.memref_squeeze %dma_start3A_15 : memref<1x200x64xf32, #tpu.memory_space<vmem>> -> memref<200x64xf32, #tpu.memory_space<vmem>>
    %dma_start3A_17 = arith.constant 200 : i32
    %dma_start3A_18 = tpu.memref_slice %arg5[%dma_start3A_17] : memref<6400xi32, #tpu.memory_space<vmem>> -> memref<200xi32, #tpu.memory_space<vmem>>
    %dma_start3A_19 = arith.constant 0 : i32
    %dma_start3A_20 = arith.constant 0 : i32
    %dma_start3A_21 = tpu.memref_slice %arg3[%dma_start3A_19, %dma_start3A_20] : memref<100000x64xf32, #tpu.memory_space<hbm>> -> memref<100000x64xf32, #tpu.memory_space<hbm>>
    tpu.enqueue_indirect_dma source(%dma_start3A_21 : memref<100000x64xf32, #tpu.memory_space<hbm>>) target(%dma_start3A_16 : memref<200x64xf32, #tpu.memory_space<vmem>>) offsets(%dma_start3A_18 : memref<200xi32, #tpu.memory_space<vmem>>) semaphore(%arg8 : memref<!tpu.dma_semaphore, #tpu.memory_space<semaphore_mem>>)
    %dma_start3A_22 = arith.constant 2 : i32
    %dma_start3A_23 = arith.constant 0 : i32
    %dma_start3A_24 = arith.constant 0 : i32
    %dma_start3A_25 = tpu.memref_slice %arg6[%dma_start3A_22, %dma_start3A_23, %dma_start3A_24] : memref<8x200x64xf32, #tpu.memory_space<vmem>> -> memref<1x200x64xf32, #tpu.memory_space<vmem>>
    %dma_start3A_26 = tpu.memref_squeeze %dma_start3A_25 : memref<1x200x64xf32, #tpu.memory_space<vmem>> -> memref<200x64xf32, #tpu.memory_space<vmem>>
    %dma_start3A_27 = arith.constant 400 : i32
    %dma_start3A_28 = tpu.memref_slice %arg5[%dma_start3A_27] : memref<6400xi32, #tpu.memory_space<vmem>> -> memref<200xi32, #tpu.memory_space<vmem>>
    %dma_start3A_29 = arith.constant 0 : i32
    %dma_start3A_30 = arith.constant 0 : i32
    %dma_start3A_31 = tpu.memref_slice %arg3[%dma_start3A_29, %dma_start3A_30] : memref<100000x64xf32, #tpu.memory_space<hbm>> -> memref<100000x64xf32, #tpu.memory_space<hbm>>
    tpu.enqueue_indirect_dma source(%dma_start3A_31 : memref<100000x64xf32, #tpu.memory_space<hbm>>) target(%dma_start3A_26 : memref<200x64xf32, #tpu.memory_space<vmem>>) offsets(%dma_start3A_28 : memref<200xi32, #tpu.memory_space<vmem>>) semaphore(%arg9 : memref<!tpu.dma_semaphore, #tpu.memory_space<semaphore_mem>>)
    %dma_start3A_32 = arith.constant 3 : i32
    %dma_start3A_33 = arith.constant 0 : i32
    %dma_start3A_34 = arith.constant 0 : i32
    %dma_start3A_35 = tpu.memref_slice %arg6[%dma_start3A_32, %dma_start3A_33, %dma_start3A_34] : memref<8x200x64xf32, #tpu.memory_space<vmem>> -> memref<1x200x64xf32, #tpu.memory_space<vmem>>
    %dma_start3A_36 = tpu.memref_squeeze %dma_start3A_35 : memref<1x200x64xf32, #tpu.memory_space<vmem>> -> memref<200x64xf32, #tpu.memory_space<vmem>>
    %dma_start3A_37 = arith.constant 600 : i32
    %dma_start3A_38 = tpu.memref_slice %arg5[%dma_start3A_37] : memref<6400xi32, #tpu.memory_space<vmem>> -> memref<200xi32, #tpu.memory_space<vmem>>
    %dma_start3A_39 = arith.constant 0 : i32
    %dma_start3A_40 = arith.constant 0 : i32
    %dma_start3A_41 = tpu.memref_slice %arg3[%dma_start3A_39, %dma_start3A_40] : memref<100000x64xf32, #tpu.memory_space<hbm>> -> memref<100000x64xf32, #tpu.memory_space<hbm>>
    tpu.enqueue_indirect_dma source(%dma_start3A_41 : memref<100000x64xf32, #tpu.memory_space<hbm>>) target(%dma_start3A_36 : memref<200x64xf32, #tpu.memory_space<vmem>>) offsets(%dma_start3A_38 : memref<200xi32, #tpu.memory_space<vmem>>) semaphore(%arg10 : memref<!tpu.dma_semaphore, #tpu.memory_space<semaphore_mem>>)
    %dma_start3A_42 = arith.constant 4 : i32
    %dma_start3A_43 = arith.constant 0 : i32
    %dma_start3A_44 = arith.constant 0 : i32
    %dma_start3A_45 = tpu.memref_slice %arg6[%dma_start3A_42, %dma_start3A_43, %dma_start3A_44] : memref<8x200x64xf32, #tpu.memory_space<vmem>> -> memref<1x200x64xf32, #tpu.memory_space<vmem>>
    %dma_start3A_46 = tpu.memref_squeeze %dma_start3A_45 : memref<1x200x64xf32, #tpu.memory_space<vmem>> -> memref<200x64xf32, #tpu.memory_space<vmem>>
    %dma_start3A_47 = arith.constant 800 : i32
    %dma_start3A_48 = tpu.memref_slice %arg5[%dma_start3A_47] : memref<6400xi32, #tpu.memory_space<vmem>> -> memref<200xi32, #tpu.memory_space<vmem>>
    %dma_start3A_49 = arith.constant 0 : i32
    %dma_start3A_50 = arith.constant 0 : i32
    %dma_start3A_51 = tpu.memref_slice %arg3[%dma_start3A_49, %dma_start3A_50] : memref<100000x64xf32, #tpu.memory_space<hbm>> -> memref<100000x64xf32, #tpu.memory_space<hbm>>
    tpu.enqueue_indirect_dma source(%dma_start3A_51 : memref<100000x64xf32, #tpu.memory_space<hbm>>) target(%dma_start3A_46 : memref<200x64xf32, #tpu.memory_space<vmem>>) offsets(%dma_start3A_48 : memref<200xi32, #tpu.memory_space<vmem>>) semaphore(%arg11 : memref<!tpu.dma_semaphore, #tpu.memory_space<semaphore_mem>>)
    %dma_start3A_52 = arith.constant 5 : i32
    %dma_start3A_53 = arith.constant 0 : i32
    %dma_start3A_54 = arith.constant 0 : i32
    %dma_start3A_55 = tpu.memref_slice %arg6[%dma_start3A_52, %dma_start3A_53, %dma_start3A_54] : memref<8x200x64xf32, #tpu.memory_space<vmem>> -> memref<1x200x64xf32, #tpu.memory_space<vmem>>
    %dma_start3A_56 = tpu.memref_squeeze %dma_start3A_55 : memref<1x200x64xf32, #tpu.memory_space<vmem>> -> memref<200x64xf32, #tpu.memory_space<vmem>>
    %dma_start3A_57 = arith.constant 1000 : i32
    %dma_start3A_58 = tpu.memref_slice %arg5[%dma_start3A_57] : memref<6400xi32, #tpu.memory_space<vmem>> -> memref<200xi32, #tpu.memory_space<vmem>>
    %dma_start3A_59 = arith.constant 0 : i32
    %dma_start3A_60 = arith.constant 0 : i32
    %dma_start3A_61 = tpu.memref_slice %arg3[%dma_start3A_59, %dma_start3A_60] : memref<100000x64xf32, #tpu.memory_space<hbm>> -> memref<100000x64xf32, #tpu.memory_space<hbm>>
    tpu.enqueue_indirect_dma source(%dma_start3A_61 : memref<100000x64xf32, #tpu.memory_space<hbm>>) target(%dma_start3A_56 : memref<200x64xf32, #tpu.memory_space<vmem>>) offsets(%dma_start3A_58 : memref<200xi32, #tpu.memory_space<vmem>>) semaphore(%arg12 : memref<!tpu.dma_semaphore, #tpu.memory_space<semaphore_mem>>)
    %dma_start3A_62 = arith.constant 6 : i32
    %dma_start3A_63 = arith.constant 0 : i32
    %dma_start3A_64 = arith.constant 0 : i32
    %dma_start3A_65 = tpu.memref_slice %arg6[%dma_start3A_62, %dma_start3A_63, %dma_start3A_64] : memref<8x200x64xf32, #tpu.memory_space<vmem>> -> memref<1x200x64xf32, #tpu.memory_space<vmem>>
    %dma_start3A_66 = tpu.memref_squeeze %dma_start3A_65 : memref<1x200x64xf32, #tpu.memory_space<vmem>> -> memref<200x64xf32, #tpu.memory_space<vmem>>
    %dma_start3A_67 = arith.constant 1200 : i32
    %dma_start3A_68 = tpu.memref_slice %arg5[%dma_start3A_67] : memref<6400xi32, #tpu.memory_space<vmem>> -> memref<200xi32, #tpu.memory_space<vmem>>
    %dma_start3A_69 = arith.constant 0 : i32
    %dma_start3A_70 = arith.constant 0 : i32
    %dma_start3A_71 = tpu.memref_slice %arg3[%dma_start3A_69, %dma_start3A_70] : memref<100000x64xf32, #tpu.memory_space<hbm>> -> memref<100000x64xf32, #tpu.memory_space<hbm>>
    tpu.enqueue_indirect_dma source(%dma_start3A_71 : memref<100000x64xf32, #tpu.memory_space<hbm>>) target(%dma_start3A_66 : memref<200x64xf32, #tpu.memory_space<vmem>>) offsets(%dma_start3A_68 : memref<200xi32, #tpu.memory_space<vmem>>) semaphore(%arg13 : memref<!tpu.dma_semaphore, #tpu.memory_space<semaphore_mem>>)
    %dma_start3A_72 = arith.constant 7 : i32
    %dma_start3A_73 = arith.constant 0 : i32
    %dma_start3A_74 = arith.constant 0 : i32
    %dma_start3A_75 = tpu.memref_slice %arg6[%dma_start3A_72, %dma_start3A_73, %dma_start3A_74] : memref<8x200x64xf32, #tpu.memory_space<vmem>> -> memref<1x200x64xf32, #tpu.memory_space<vmem>>
    %dma_start3A_76 = tpu.memref_squeeze %dma_start3A_75 : memref<1x200x64xf32, #tpu.memory_space<vmem>> -> memref<200x64xf32, #tpu.memory_space<vmem>>
    %dma_start3A_77 = arith.constant 1400 : i32
    %dma_start3A_78 = tpu.memref_slice %arg5[%dma_start3A_77] : memref<6400xi32, #tpu.memory_space<vmem>> -> memref<200xi32, #tpu.memory_space<vmem>>
    %dma_start3A_79 = arith.constant 0 : i32
    %dma_start3A_80 = arith.constant 0 : i32
    %dma_start3A_81 = tpu.memref_slice %arg3[%dma_start3A_79, %dma_start3A_80] : memref<100000x64xf32, #tpu.memory_space<hbm>> -> memref<100000x64xf32, #tpu.memory_space<hbm>>
    tpu.enqueue_indirect_dma source(%dma_start3A_81 : memref<100000x64xf32, #tpu.memory_space<hbm>>) target(%dma_start3A_76 : memref<200x64xf32, #tpu.memory_space<vmem>>) offsets(%dma_start3A_78 : memref<200xi32, #tpu.memory_space<vmem>>) semaphore(%arg14 : memref<!tpu.dma_semaphore, #tpu.memory_space<semaphore_mem>>)
    %scan3A = arith.constant 0 : i32
    %scan3A_82 = arith.constant 0 : i32
    %scan3A_83 = arith.constant 4 : i32
    %scan3A_84 = arith.addi %scan3A_82, %scan3A_83 : i32
    %scan3A_85 = arith.constant 1 : i32
    %scan3A_86 = scf.for %scan3A_759 = %scan3A_82 to %scan3A_84 step %scan3A_85 iter_args(%scan3A_760 = %scan3A) -> (i32)  : i32 {
      %mul3A_761 = arith.constant 8 : i32
      %mul3A_762 = arith.muli %scan3A_759, %mul3A_761 : i32
      %add3A_763 = arith.constant 0 : i32
      %add3A_764 = arith.addi %mul3A_762, %add3A_763 : i32
      %mul3A_765 = arith.constant 200 : i32
      %mul3A_766 = arith.muli %add3A_764, %mul3A_765 : i32
      %dma_wait3A_767 = arith.constant 0 : i32
      %dma_wait3A_768 = arith.constant 0 : i32
      %dma_wait3A_769 = arith.constant 0 : i32
      %dma_wait3A_770 = tpu.memref_slice %arg6[%dma_wait3A_767, %dma_wait3A_768, %dma_wait3A_769] : memref<8x200x64xf32, #tpu.memory_space<vmem>> -> memref<1x200x64xf32, #tpu.memory_space<vmem>>
      %dma_wait3A_771 = tpu.memref_squeeze %dma_wait3A_770 : memref<1x200x64xf32, #tpu.memory_space<vmem>> -> memref<200x64xf32, #tpu.memory_space<vmem>>
      %dma_wait3A_772 = tpu.memref_slice %arg5[%mul3A_766] : memref<6400xi32, #tpu.memory_space<vmem>> -> memref<200xi32, #tpu.memory_space<vmem>>
      %dma_wait3A_773 = arith.constant 0 : i32
      %dma_wait3A_774 = arith.constant 0 : i32
      %dma_wait3A_775 = tpu.memref_slice %arg3[%dma_wait3A_773, %dma_wait3A_774] : memref<100000x64xf32, #tpu.memory_space<hbm>> -> memref<100000x64xf32, #tpu.memory_space<hbm>>
      tpu.wait_indirect_dma semaphore(%arg7 : memref<!tpu.dma_semaphore, #tpu.memory_space<semaphore_mem>>) src(%dma_wait3A_775 : memref<100000x64xf32, #tpu.memory_space<hbm>>) dst(%dma_wait3A_771 : memref<200x64xf32, #tpu.memory_space<vmem>>)
      %mul3A_776 = arith.constant 4 : i32
      %mul3A_777 = arith.muli %add3A_764, %mul3A_776 : i32
      %add3A_778 = arith.addi %mul3A_2, %mul3A_777 : i32
      %add3A_779 = arith.constant 0 : i32
      %add3A_780 = arith.addi %add3A_778, %add3A_779 : i32
      %mul3A_781 = arith.constant 4 : i32
      %mul3A_782 = arith.muli %add3A_764, %mul3A_781 : i32
      %add3A_783 = arith.addi %mul3A_2, %mul3A_782 : i32
      %add3A_784 = arith.constant 1 : i32
      %add3A_785 = arith.addi %add3A_783, %add3A_784 : i32
      %mul3A_786 = arith.constant 4 : i32
      %mul3A_787 = arith.muli %add3A_764, %mul3A_786 : i32
      %add3A_788 = arith.addi %mul3A_2, %mul3A_787 : i32
      %add3A_789 = arith.constant 2 : i32
      %add3A_790 = arith.addi %add3A_788, %add3A_789 : i32
      %mul3A_791 = arith.constant 4 : i32
      %mul3A_792 = arith.muli %add3A_764, %mul3A_791 : i32
      %add3A_793 = arith.addi %mul3A_2, %mul3A_792 : i32
      %add3A_794 = arith.constant 3 : i32
      %add3A_795 = arith.addi %add3A_793, %add3A_794 : i32
      %dma_start3A_796 = arith.constant 0 : i32
      %dma_start3A_797 = arith.constant 0 : i32
      %dma_start3A_798 = arith.constant 0 : i32
      %dma_start3A_799 = tpu.memref_slice %arg6[%dma_start3A_796, %dma_start3A_797, %dma_start3A_798] : memref<8x200x64xf32, #tpu.memory_space<vmem>> -> memref<1x50x64xf32, #tpu.memory_space<vmem>>
      %dma_start3A_800 = tpu.memref_squeeze %dma_start3A_799 : memref<1x50x64xf32, #tpu.memory_space<vmem>> -> memref<50x64xf32, #tpu.memory_space<vmem>>
      %dma_start3A_801 = arith.constant 0 : i32
      %dma_start3A_802 = arith.constant 0 : i32
      %dma_start3A_803 = tpu.memref_slice %arg4[%add3A_780, %dma_start3A_801, %dma_start3A_802] : memref<4096x56x128xf32, #tpu.memory_space<hbm>> -> memref<1x50x64xf32, #tpu.memory_space<hbm>>
      %dma_start3A_804 = tpu.memref_squeeze %dma_start3A_803 : memref<1x50x64xf32, #tpu.memory_space<hbm>> -> memref<50x64xf32, #tpu.memory_space<hbm>>
      %dma_start3A_805 = arith.constant 0 : i32
      %dma_start3A_806 = arith.constant 0 : i32
      %dma_start3A_807 = tpu.memref_slice %arg4[%add3A_780, %dma_start3A_805, %dma_start3A_806] : memref<4096x56x128xf32, #tpu.memory_space<hbm>> -> memref<1x50x64xf32, #tpu.memory_space<hbm>>
      %dma_start3A_808 = tpu.memref_squeeze %dma_start3A_807 : memref<1x50x64xf32, #tpu.memory_space<hbm>> -> memref<50x64xf32, #tpu.memory_space<hbm>>
      %dma_start3A_809 = arith.constant 0 : i32
      %dma_start3A_810 = arith.constant 0 : i32
      %dma_start3A_811 = tpu.memref_slice %arg6[%dma_start3A_796, %dma_start3A_809, %dma_start3A_810] : memref<8x200x64xf32, #tpu.memory_space<vmem>> -> memref<1x50x64xf32, #tpu.memory_space<vmem>>
      %dma_start3A_812 = tpu.memref_squeeze %dma_start3A_811 : memref<1x50x64xf32, #tpu.memory_space<vmem>> -> memref<50x64xf32, #tpu.memory_space<vmem>>
      tpu.enqueue_dma source(%dma_start3A_812 : memref<50x64xf32, #tpu.memory_space<vmem>>) target(%dma_start3A_808 : memref<50x64xf32, #tpu.memory_space<hbm>>) target_semaphore(%arg15 : memref<!tpu.dma_semaphore, #tpu.memory_space<semaphore_mem>>)
      %dma_start3A_813 = arith.constant 0 : i32
      %dma_start3A_814 = arith.constant 50 : i32
      %dma_start3A_815 = arith.constant 0 : i32
      %dma_start3A_816 = tpu.memref_slice %arg6[%dma_start3A_813, %dma_start3A_814, %dma_start3A_815] : memref<8x200x64xf32, #tpu.memory_space<vmem>> -> memref<1x50x64xf32, #tpu.memory_space<vmem>>
      %dma_start3A_817 = tpu.memref_squeeze %dma_start3A_816 : memref<1x50x64xf32, #tpu.memory_space<vmem>> -> memref<50x64xf32, #tpu.memory_space<vmem>>
      %dma_start3A_818 = arith.constant 0 : i32
      %dma_start3A_819 = arith.constant 0 : i32
      %dma_start3A_820 = tpu.memref_slice %arg4[%add3A_785, %dma_start3A_818, %dma_start3A_819] : memref<4096x56x128xf32, #tpu.memory_space<hbm>> -> memref<1x50x64xf32, #tpu.memory_space<hbm>>
      %dma_start3A_821 = tpu.memref_squeeze %dma_start3A_820 : memref<1x50x64xf32, #tpu.memory_space<hbm>> -> memref<50x64xf32, #tpu.memory_space<hbm>>
      %dma_start3A_822 = arith.constant 0 : i32
      %dma_start3A_823 = arith.constant 0 : i32
      %dma_start3A_824 = tpu.memref_slice %arg4[%add3A_785, %dma_start3A_822, %dma_start3A_823] : memref<4096x56x128xf32, #tpu.memory_space<hbm>> -> memref<1x50x64xf32, #tpu.memory_space<hbm>>
      %dma_start3A_825 = tpu.memref_squeeze %dma_start3A_824 : memref<1x50x64xf32, #tpu.memory_space<hbm>> -> memref<50x64xf32, #tpu.memory_space<hbm>>
      %dma_start3A_826 = arith.constant 50 : i32
      %dma_start3A_827 = arith.constant 0 : i32
      %dma_start3A_828 = tpu.memref_slice %arg6[%dma_start3A_813, %dma_start3A_826, %dma_start3A_827] : memref<8x200x64xf32, #tpu.memory_space<vmem>> -> memref<1x50x64xf32, #tpu.memory_space<vmem>>
      %dma_start3A_829 = tpu.memref_squeeze %dma_start3A_828 : memref<1x50x64xf32, #tpu.memory_space<vmem>> -> memref<50x64xf32, #tpu.memory_space<vmem>>
      tpu.enqueue_dma source(%dma_start3A_829 : memref<50x64xf32, #tpu.memory_space<vmem>>) target(%dma_start3A_825 : memref<50x64xf32, #tpu.memory_space<hbm>>) target_semaphore(%arg15 : memref<!tpu.dma_semaphore, #tpu.memory_space<semaphore_mem>>)
      %dma_start3A_830 = arith.constant 0 : i32
      %dma_start3A_831 = arith.constant 100 : i32
      %dma_start3A_832 = arith.constant 0 : i32
      %dma_start3A_833 = tpu.memref_slice %arg6[%dma_start3A_830, %dma_start3A_831, %dma_start3A_832] : memref<8x200x64xf32, #tpu.memory_space<vmem>> -> memref<1x50x64xf32, #tpu.memory_space<vmem>>
      %dma_start3A_834 = tpu.memref_squeeze %dma_start3A_833 : memref<1x50x64xf32, #tpu.memory_space<vmem>> -> memref<50x64xf32, #tpu.memory_space<vmem>>
      %dma_start3A_835 = arith.constant 0 : i32
      %dma_start3A_836 = arith.constant 0 : i32
      %dma_start3A_837 = tpu.memref_slice %arg4[%add3A_790, %dma_start3A_835, %dma_start3A_836] : memref<4096x56x128xf32, #tpu.memory_space<hbm>> -> memref<1x50x64xf32, #tpu.memory_space<hbm>>
      %dma_start3A_838 = tpu.memref_squeeze %dma_start3A_837 : memref<1x50x64xf32, #tpu.memory_space<hbm>> -> memref<50x64xf32, #tpu.memory_space<hbm>>
      %dma_start3A_839 = arith.constant 0 : i32
      %dma_start3A_840 = arith.constant 0 : i32
      %dma_start3A_841 = tpu.memref_slice %arg4[%add3A_790, %dma_start3A_839, %dma_start3A_840] : memref<4096x56x128xf32, #tpu.memory_space<hbm>> -> memref<1x50x64xf32, #tpu.memory_space<hbm>>
      %dma_start3A_842 = tpu.memref_squeeze %dma_start3A_841 : memref<1x50x64xf32, #tpu.memory_space<hbm>> -> memref<50x64xf32, #tpu.memory_space<hbm>>
      %dma_start3A_843 = arith.constant 100 : i32
      %dma_start3A_844 = arith.constant 0 : i32
      %dma_start3A_845 = tpu.memref_slice %arg6[%dma_start3A_830, %dma_start3A_843, %dma_start3A_844] : memref<8x200x64xf32, #tpu.memory_space<vmem>> -> memref<1x50x64xf32, #tpu.memory_space<vmem>>
      %dma_start3A_846 = tpu.memref_squeeze %dma_start3A_845 : memref<1x50x64xf32, #tpu.memory_space<vmem>> -> memref<50x64xf32, #tpu.memory_space<vmem>>
      tpu.enqueue_dma source(%dma_start3A_846 : memref<50x64xf32, #tpu.memory_space<vmem>>) target(%dma_start3A_842 : memref<50x64xf32, #tpu.memory_space<hbm>>) target_semaphore(%arg15 : memref<!tpu.dma_semaphore, #tpu.memory_space<semaphore_mem>>)
      %dma_start3A_847 = arith.constant 0 : i32
      %dma_start3A_848 = arith.constant 150 : i32
      %dma_start3A_849 = arith.constant 0 : i32
      %dma_start3A_850 = tpu.memref_slice %arg6[%dma_start3A_847, %dma_start3A_848, %dma_start3A_849] : memref<8x200x64xf32, #tpu.memory_space<vmem>> -> memref<1x50x64xf32, #tpu.memory_space<vmem>>
      %dma_start3A_851 = tpu.memref_squeeze %dma_start3A_850 : memref<1x50x64xf32, #tpu.memory_space<vmem>> -> memref<50x64xf32, #tpu.memory_space<vmem>>
      %dma_start3A_852 = arith.constant 0 : i32
      %dma_start3A_853 = arith.constant 0 : i32
      %dma_start3A_854 = tpu.memref_slice %arg4[%add3A_795, %dma_start3A_852, %dma_start3A_853] : memref<4096x56x128xf32, #tpu.memory_space<hbm>> -> memref<1x50x64xf32, #tpu.memory_space<hbm>>
      %dma_start3A_855 = tpu.memref_squeeze %dma_start3A_854 : memref<1x50x64xf32, #tpu.memory_space<hbm>> -> memref<50x64xf32, #tpu.memory_space<hbm>>
      %dma_start3A_856 = arith.constant 0 : i32
      %dma_start3A_857 = arith.constant 0 : i32
      %dma_start3A_858 = tpu.memref_slice %arg4[%add3A_795, %dma_start3A_856, %dma_start3A_857] : memref<4096x56x128xf32, #tpu.memory_space<hbm>> -> memref<1x50x64xf32, #tpu.memory_space<hbm>>
      %dma_start3A_859 = tpu.memref_squeeze %dma_start3A_858 : memref<1x50x64xf32, #tpu.memory_space<hbm>> -> memref<50x64xf32, #tpu.memory_space<hbm>>
      %dma_start3A_860 = arith.constant 150 : i32
      %dma_start3A_861 = arith.constant 0 : i32
      %dma_start3A_862 = tpu.memref_slice %arg6[%dma_start3A_847, %dma_start3A_860, %dma_start3A_861] : memref<8x200x64xf32, #tpu.memory_space<vmem>> -> memref<1x50x64xf32, #tpu.memory_space<vmem>>
      %dma_start3A_863 = tpu.memref_squeeze %dma_start3A_862 : memref<1x50x64xf32, #tpu.memory_space<vmem>> -> memref<50x64xf32, #tpu.memory_space<vmem>>
      tpu.enqueue_dma source(%dma_start3A_863 : memref<50x64xf32, #tpu.memory_space<vmem>>) target(%dma_start3A_859 : memref<50x64xf32, #tpu.memory_space<hbm>>) target_semaphore(%arg15 : memref<!tpu.dma_semaphore, #tpu.memory_space<semaphore_mem>>)
      %ge3A = arith.constant 1 : i32
      %ge3A_864 = arith.cmpi sge, %add3A_764, %ge3A : i32
      %add3A_865 = arith.constant 8 : i32
      %add3A_866 = arith.addi %add3A_764, %add3A_865 : i32
      %sub3A = arith.constant 1 : i32
      %sub3A_867 = arith.subi %add3A_866, %sub3A : i32
      %lt3A = arith.constant 32 : i32
      %lt3A_868 = arith.cmpi slt, %sub3A_867, %lt3A : i32
      %and3A = arith.andi %ge3A_864, %lt3A_868 : i1
      %convert_element_type3A = arith.extui %and3A : i1 to i32
      %cond3A = arith.constant 0 : i32
      %cond3A_869 = arith.cmpi ne, %convert_element_type3A, %cond3A : i32
      scf.if %cond3A_869 {
        %sub3A_1676 = arith.constant 1 : i32
        %sub3A_1677 = arith.subi %add3A_764, %sub3A_1676 : i32
        %mul3A_1678 = arith.constant 4 : i32
        %mul3A_1679 = arith.muli %sub3A_1677, %mul3A_1678 : i32
        %add3A_1680 = arith.addi %mul3A_2, %mul3A_1679 : i32
        %add3A_1681 = arith.constant 0 : i32
        %add3A_1682 = arith.addi %add3A_1680, %add3A_1681 : i32
        %mul3A_1683 = arith.constant 4 : i32
        %mul3A_1684 = arith.muli %sub3A_1677, %mul3A_1683 : i32
        %add3A_1685 = arith.addi %mul3A_2, %mul3A_1684 : i32
        %add3A_1686 = arith.constant 1 : i32
        %add3A_1687 = arith.addi %add3A_1685, %add3A_1686 : i32
        %mul3A_1688 = arith.constant 4 : i32
        %mul3A_1689 = arith.muli %sub3A_1677, %mul3A_1688 : i32
        %add3A_1690 = arith.addi %mul3A_2, %mul3A_1689 : i32
        %add3A_1691 = arith.constant 2 : i32
        %add3A_1692 = arith.addi %add3A_1690, %add3A_1691 : i32
        %mul3A_1693 = arith.constant 4 : i32
        %mul3A_1694 = arith.muli %sub3A_1677, %mul3A_1693 : i32
        %add3A_1695 = arith.addi %mul3A_2, %mul3A_1694 : i32
        %add3A_1696 = arith.constant 3 : i32
        %add3A_1697 = arith.addi %add3A_1695, %add3A_1696 : i32
        %dma_wait3A_1698 = arith.constant 7 : i32
        %dma_wait3A_1699 = arith.constant 0 : i32
        %dma_wait3A_1700 = arith.constant 0 : i32
        %dma_wait3A_1701 = tpu.memref_slice %arg6[%dma_wait3A_1698, %dma_wait3A_1699, %dma_wait3A_1700] : memref<8x200x64xf32, #tpu.memory_space<vmem>> -> memref<1x50x64xf32, #tpu.memory_space<vmem>>
        %dma_wait3A_1702 = tpu.memref_squeeze %dma_wait3A_1701 : memref<1x50x64xf32, #tpu.memory_space<vmem>> -> memref<50x64xf32, #tpu.memory_space<vmem>>
        %dma_wait3A_1703 = arith.constant 0 : i32
        %dma_wait3A_1704 = arith.constant 0 : i32
        %dma_wait3A_1705 = tpu.memref_slice %arg4[%add3A_1682, %dma_wait3A_1703, %dma_wait3A_1704] : memref<4096x56x128xf32, #tpu.memory_space<hbm>> -> memref<1x50x64xf32, #tpu.memory_space<hbm>>
        %dma_wait3A_1706 = tpu.memref_squeeze %dma_wait3A_1705 : memref<1x50x64xf32, #tpu.memory_space<hbm>> -> memref<50x64xf32, #tpu.memory_space<hbm>>
        %dma_wait3A_1707 = arith.constant 0 : i32
        %dma_wait3A_1708 = arith.constant 0 : i32
        %dma_wait3A_1709 = tpu.memref_slice %arg4[%add3A_1682, %dma_wait3A_1707, %dma_wait3A_1708] : memref<4096x56x128xf32, #tpu.memory_space<hbm>> -> memref<1x50x64xf32, #tpu.memory_space<hbm>>
        %dma_wait3A_1710 = tpu.memref_squeeze %dma_wait3A_1709 : memref<1x50x64xf32, #tpu.memory_space<hbm>> -> memref<50x64xf32, #tpu.memory_space<hbm>>
        %dma_wait3A_1711 = arith.constant 0 : i32
        %dma_wait3A_1712 = arith.constant 0 : i32
        %dma_wait3A_1713 = tpu.memref_slice %arg6[%dma_wait3A_1698, %dma_wait3A_1711, %dma_wait3A_1712] : memref<8x200x64xf32, #tpu.memory_space<vmem>> -> memref<1x50x64xf32, #tpu.memory_space<vmem>>
        %dma_wait3A_1714 = tpu.memref_squeeze %dma_wait3A_1713 : memref<1x50x64xf32, #tpu.memory_space<vmem>> -> memref<50x64xf32, #tpu.memory_space<vmem>>
        tpu.wait_dma2 semaphore(%arg22 : memref<!tpu.dma_semaphore, #tpu.memory_space<semaphore_mem>>) src(%dma_wait3A_1714 : memref<50x64xf32, #tpu.memory_space<vmem>>) dst(%dma_wait3A_1710 : memref<50x64xf32, #tpu.memory_space<hbm>>)
        %dma_wait3A_1715 = arith.constant 7 : i32
        %dma_wait3A_1716 = arith.constant 50 : i32
        %dma_wait3A_1717 = arith.constant 0 : i32
        %dma_wait3A_1718 = tpu.memref_slice %arg6[%dma_wait3A_1715, %dma_wait3A_1716, %dma_wait3A_1717] : memref<8x200x64xf32, #tpu.memory_space<vmem>> -> memref<1x50x64xf32, #tpu.memory_space<vmem>>
        %dma_wait3A_1719 = tpu.memref_squeeze %dma_wait3A_1718 : memref<1x50x64xf32, #tpu.memory_space<vmem>> -> memref<50x64xf32, #tpu.memory_space<vmem>>
        %dma_wait3A_1720 = arith.constant 0 : i32
        %dma_wait3A_1721 = arith.constant 0 : i32
        %dma_wait3A_1722 = tpu.memref_slice %arg4[%add3A_1687, %dma_wait3A_1720, %dma_wait3A_1721] : memref<4096x56x128xf32, #tpu.memory_space<hbm>> -> memref<1x50x64xf32, #tpu.memory_space<hbm>>
        %dma_wait3A_1723 = tpu.memref_squeeze %dma_wait3A_1722 : memref<1x50x64xf32, #tpu.memory_space<hbm>> -> memref<50x64xf32, #tpu.memory_space<hbm>>
        %dma_wait3A_1724 = arith.constant 0 : i32
        %dma_wait3A_1725 = arith.constant 0 : i32
        %dma_wait3A_1726 = tpu.memref_slice %arg4[%add3A_1687, %dma_wait3A_1724, %dma_wait3A_1725] : memref<4096x56x128xf32, #tpu.memory_space<hbm>> -> memref<1x50x64xf32, #tpu.memory_space<hbm>>
        %dma_wait3A_1727 = tpu.memref_squeeze %dma_wait3A_1726 : memref<1x50x64xf32, #tpu.memory_space<hbm>> -> memref<50x64xf32, #tpu.memory_space<hbm>>
        %dma_wait3A_1728 = arith.constant 50 : i32
        %dma_wait3A_1729 = arith.constant 0 : i32
        %dma_wait3A_1730 = tpu.memref_slice %arg6[%dma_wait3A_1715, %dma_wait3A_1728, %dma_wait3A_1729] : memref<8x200x64xf32, #tpu.memory_space<vmem>> -> memref<1x50x64xf32, #tpu.memory_space<vmem>>
        %dma_wait3A_1731 = tpu.memref_squeeze %dma_wait3A_1730 : memref<1x50x64xf32, #tpu.memory_space<vmem>> -> memref<50x64xf32, #tpu.memory_space<vmem>>
        tpu.wait_dma2 semaphore(%arg22 : memref<!tpu.dma_semaphore, #tpu.memory_space<semaphore_mem>>) src(%dma_wait3A_1731 : memref<50x64xf32, #tpu.memory_space<vmem>>) dst(%dma_wait3A_1727 : memref<50x64xf32, #tpu.memory_space<hbm>>)
        %dma_wait3A_1732 = arith.constant 7 : i32
        %dma_wait3A_1733 = arith.constant 100 : i32
        %dma_wait3A_1734 = arith.constant 0 : i32
        %dma_wait3A_1735 = tpu.memref_slice %arg6[%dma_wait3A_1732, %dma_wait3A_1733, %dma_wait3A_1734] : memref<8x200x64xf32, #tpu.memory_space<vmem>> -> memref<1x50x64xf32, #tpu.memory_space<vmem>>
        %dma_wait3A_1736 = tpu.memref_squeeze %dma_wait3A_1735 : memref<1x50x64xf32, #tpu.memory_space<vmem>> -> memref<50x64xf32, #tpu.memory_space<vmem>>
        %dma_wait3A_1737 = arith.constant 0 : i32
        %dma_wait3A_1738 = arith.constant 0 : i32
        %dma_wait3A_1739 = tpu.memref_slice %arg4[%add3A_1692, %dma_wait3A_1737, %dma_wait3A_1738] : memref<4096x56x128xf32, #tpu.memory_space<hbm>> -> memref<1x50x64xf32, #tpu.memory_space<hbm>>
        %dma_wait3A_1740 = tpu.memref_squeeze %dma_wait3A_1739 : memref<1x50x64xf32, #tpu.memory_space<hbm>> -> memref<50x64xf32, #tpu.memory_space<hbm>>
        %dma_wait3A_1741 = arith.constant 0 : i32
        %dma_wait3A_1742 = arith.constant 0 : i32
        %dma_wait3A_1743 = tpu.memref_slice %arg4[%add3A_1692, %dma_wait3A_1741, %dma_wait3A_1742] : memref<4096x56x128xf32, #tpu.memory_space<hbm>> -> memref<1x50x64xf32, #tpu.memory_space<hbm>>
        %dma_wait3A_1744 = tpu.memref_squeeze %dma_wait3A_1743 : memref<1x50x64xf32, #tpu.memory_space<hbm>> -> memref<50x64xf32, #tpu.memory_space<hbm>>
        %dma_wait3A_1745 = arith.constant 100 : i32
        %dma_wait3A_1746 = arith.constant 0 : i32
        %dma_wait3A_1747 = tpu.memref_slice %arg6[%dma_wait3A_1732, %dma_wait3A_1745, %dma_wait3A_1746] : memref<8x200x64xf32, #tpu.memory_space<vmem>> -> memref<1x50x64xf32, #tpu.memory_space<vmem>>
        %dma_wait3A_1748 = tpu.memref_squeeze %dma_wait3A_1747 : memref<1x50x64xf32, #tpu.memory_space<vmem>> -> memref<50x64xf32, #tpu.memory_space<vmem>>
        tpu.wait_dma2 semaphore(%arg22 : memref<!tpu.dma_semaphore, #tpu.memory_space<semaphore_mem>>) src(%dma_wait3A_1748 : memref<50x64xf32, #tpu.memory_space<vmem>>) dst(%dma_wait3A_1744 : memref<50x64xf32, #tpu.memory_space<hbm>>)
        %dma_wait3A_1749 = arith.constant 7 : i32
        %dma_wait3A_1750 = arith.constant 150 : i32
        %dma_wait3A_1751 = arith.constant 0 : i32
        %dma_wait3A_1752 = tpu.memref_slice %arg6[%dma_wait3A_1749, %dma_wait3A_1750, %dma_wait3A_1751] : memref<8x200x64xf32, #tpu.memory_space<vmem>> -> memref<1x50x64xf32, #tpu.memory_space<vmem>>
        %dma_wait3A_1753 = tpu.memref_squeeze %dma_wait3A_1752 : memref<1x50x64xf32, #tpu.memory_space<vmem>> -> memref<50x64xf32, #tpu.memory_space<vmem>>
        %dma_wait3A_1754 = arith.constant 0 : i32
        %dma_wait3A_1755 = arith.constant 0 : i32
        %dma_wait3A_1756 = tpu.memref_slice %arg4[%add3A_1697, %dma_wait3A_1754, %dma_wait3A_1755] : memref<4096x56x128xf32, #tpu.memory_space<hbm>> -> memref<1x50x64xf32, #tpu.memory_space<hbm>>
        %dma_wait3A_1757 = tpu.memref_squeeze %dma_wait3A_1756 : memref<1x50x64xf32, #tpu.memory_space<hbm>> -> memref<50x64xf32, #tpu.memory_space<hbm>>
        %dma_wait3A_1758 = arith.constant 0 : i32
        %dma_wait3A_1759 = arith.constant 0 : i32
        %dma_wait3A_1760 = tpu.memref_slice %arg4[%add3A_1697, %dma_wait3A_1758, %dma_wait3A_1759] : memref<4096x56x128xf32, #tpu.memory_space<hbm>> -> memref<1x50x64xf32, #tpu.memory_space<hbm>>
        %dma_wait3A_1761 = tpu.memref_squeeze %dma_wait3A_1760 : memref<1x50x64xf32, #tpu.memory_space<hbm>> -> memref<50x64xf32, #tpu.memory_space<hbm>>
        %dma_wait3A_1762 = arith.constant 150 : i32
        %dma_wait3A_1763 = arith.constant 0 : i32
        %dma_wait3A_1764 = tpu.memref_slice %arg6[%dma_wait3A_1749, %dma_wait3A_1762, %dma_wait3A_1763] : memref<8x200x64xf32, #tpu.memory_space<vmem>> -> memref<1x50x64xf32, #tpu.memory_space<vmem>>
        %dma_wait3A_1765 = tpu.memref_squeeze %dma_wait3A_1764 : memref<1x50x64xf32, #tpu.memory_space<vmem>> -> memref<50x64xf32, #tpu.memory_space<vmem>>
        tpu.wait_dma2 semaphore(%arg22 : memref<!tpu.dma_semaphore, #tpu.memory_space<semaphore_mem>>) src(%dma_wait3A_1765 : memref<50x64xf32, #tpu.memory_space<vmem>>) dst(%dma_wait3A_1761 : memref<50x64xf32, #tpu.memory_space<hbm>>)
        %add3A_1766 = arith.constant 8 : i32
        %add3A_1767 = arith.addi %add3A_764, %add3A_1766 : i32
        %sub3A_1768 = arith.constant 1 : i32
        %sub3A_1769 = arith.subi %add3A_1767, %sub3A_1768 : i32
        %mul3A_1770 = arith.constant 200 : i32
        %mul3A_1771 = arith.muli %sub3A_1769, %mul3A_1770 : i32
        %dma_start3A_1772 = arith.constant 7 : i32
        %dma_start3A_1773 = arith.constant 0 : i32
        %dma_start3A_1774 = arith.constant 0 : i32
        %dma_start3A_1775 = tpu.memref_slice %arg6[%dma_start3A_1772, %dma_start3A_1773, %dma_start3A_1774] : memref<8x200x64xf32, #tpu.memory_space<vmem>> -> memref<1x200x64xf32, #tpu.memory_space<vmem>>
        %dma_start3A_1776 = tpu.memref_squeeze %dma_start3A_1775 : memref<1x200x64xf32, #tpu.memory_space<vmem>> -> memref<200x64xf32, #tpu.memory_space<vmem>>
        %dma_start3A_1777 = tpu.memref_slice %arg5[%mul3A_1771] : memref<6400xi32, #tpu.memory_space<vmem>> -> memref<200xi32, #tpu.memory_space<vmem>>
        %dma_start3A_1778 = arith.constant 0 : i32
        %dma_start3A_1779 = arith.constant 0 : i32
        %dma_start3A_1780 = tpu.memref_slice %arg3[%dma_start3A_1778, %dma_start3A_1779] : memref<100000x64xf32, #tpu.memory_space<hbm>> -> memref<100000x64xf32, #tpu.memory_space<hbm>>
        tpu.enqueue_indirect_dma source(%dma_start3A_1780 : memref<100000x64xf32, #tpu.memory_space<hbm>>) target(%dma_start3A_1776 : memref<200x64xf32, #tpu.memory_space<vmem>>) offsets(%dma_start3A_1777 : memref<200xi32, #tpu.memory_space<vmem>>) semaphore(%arg14 : memref<!tpu.dma_semaphore, #tpu.memory_space<semaphore_mem>>)
      } else {
      }
      %mul3A_870 = arith.constant 8 : i32
      %mul3A_871 = arith.muli %scan3A_759, %mul3A_870 : i32
      %add3A_872 = arith.constant 1 : i32
      %add3A_873 = arith.addi %mul3A_871, %add3A_872 : i32
      %mul3A_874 = arith.constant 200 : i32
      %mul3A_875 = arith.muli %add3A_873, %mul3A_874 : i32
      %dma_wait3A_876 = arith.constant 1 : i32
      %dma_wait3A_877 = arith.constant 0 : i32
      %dma_wait3A_878 = arith.constant 0 : i32
      %dma_wait3A_879 = tpu.memref_slice %arg6[%dma_wait3A_876, %dma_wait3A_877, %dma_wait3A_878] : memref<8x200x64xf32, #tpu.memory_space<vmem>> -> memref<1x200x64xf32, #tpu.memory_space<vmem>>
      %dma_wait3A_880 = tpu.memref_squeeze %dma_wait3A_879 : memref<1x200x64xf32, #tpu.memory_space<vmem>> -> memref<200x64xf32, #tpu.memory_space<vmem>>
      %dma_wait3A_881 = tpu.memref_slice %arg5[%mul3A_875] : memref<6400xi32, #tpu.memory_space<vmem>> -> memref<200xi32, #tpu.memory_space<vmem>>
      %dma_wait3A_882 = arith.constant 0 : i32
      %dma_wait3A_883 = arith.constant 0 : i32
      %dma_wait3A_884 = tpu.memref_slice %arg3[%dma_wait3A_882, %dma_wait3A_883] : memref<100000x64xf32, #tpu.memory_space<hbm>> -> memref<100000x64xf32, #tpu.memory_space<hbm>>
      tpu.wait_indirect_dma semaphore(%arg8 : memref<!tpu.dma_semaphore, #tpu.memory_space<semaphore_mem>>) src(%dma_wait3A_884 : memref<100000x64xf32, #tpu.memory_space<hbm>>) dst(%dma_wait3A_880 : memref<200x64xf32, #tpu.memory_space<vmem>>)
      %mul3A_885 = arith.constant 4 : i32
      %mul3A_886 = arith.muli %add3A_873, %mul3A_885 : i32
      %add3A_887 = arith.addi %mul3A_2, %mul3A_886 : i32
      %add3A_888 = arith.constant 0 : i32
      %add3A_889 = arith.addi %add3A_887, %add3A_888 : i32
      %mul3A_890 = arith.constant 4 : i32
      %mul3A_891 = arith.muli %add3A_873, %mul3A_890 : i32
      %add3A_892 = arith.addi %mul3A_2, %mul3A_891 : i32
      %add3A_893 = arith.constant 1 : i32
      %add3A_894 = arith.addi %add3A_892, %add3A_893 : i32
      %mul3A_895 = arith.constant 4 : i32
      %mul3A_896 = arith.muli %add3A_873, %mul3A_895 : i32
      %add3A_897 = arith.addi %mul3A_2, %mul3A_896 : i32
      %add3A_898 = arith.constant 2 : i32
      %add3A_899 = arith.addi %add3A_897, %add3A_898 : i32
      %mul3A_900 = arith.constant 4 : i32
      %mul3A_901 = arith.muli %add3A_873, %mul3A_900 : i32
      %add3A_902 = arith.addi %mul3A_2, %mul3A_901 : i32
      %add3A_903 = arith.constant 3 : i32
      %add3A_904 = arith.addi %add3A_902, %add3A_903 : i32
      %dma_start3A_905 = arith.constant 1 : i32
      %dma_start3A_906 = arith.constant 0 : i32
      %dma_start3A_907 = arith.constant 0 : i32
      %dma_start3A_908 = tpu.memref_slice %arg6[%dma_start3A_905, %dma_start3A_906, %dma_start3A_907] : memref<8x200x64xf32, #tpu.memory_space<vmem>> -> memref<1x50x64xf32, #tpu.memory_space<vmem>>
      %dma_start3A_909 = tpu.memref_squeeze %dma_start3A_908 : memref<1x50x64xf32, #tpu.memory_space<vmem>> -> memref<50x64xf32, #tpu.memory_space<vmem>>
      %dma_start3A_910 = arith.constant 0 : i32
      %dma_start3A_911 = arith.constant 0 : i32
      %dma_start3A_912 = tpu.memref_slice %arg4[%add3A_889, %dma_start3A_910, %dma_start3A_911] : memref<4096x56x128xf32, #tpu.memory_space<hbm>> -> memref<1x50x64xf32, #tpu.memory_space<hbm>>
      %dma_start3A_913 = tpu.memref_squeeze %dma_start3A_912 : memref<1x50x64xf32, #tpu.memory_space<hbm>> -> memref<50x64xf32, #tpu.memory_space<hbm>>
      %dma_start3A_914 = arith.constant 0 : i32
      %dma_start3A_915 = arith.constant 0 : i32
      %dma_start3A_916 = tpu.memref_slice %arg4[%add3A_889, %dma_start3A_914, %dma_start3A_915] : memref<4096x56x128xf32, #tpu.memory_space<hbm>> -> memref<1x50x64xf32, #tpu.memory_space<hbm>>
      %dma_start3A_917 = tpu.memref_squeeze %dma_start3A_916 : memref<1x50x64xf32, #tpu.memory_space<hbm>> -> memref<50x64xf32, #tpu.memory_space<hbm>>
      %dma_start3A_918 = arith.constant 0 : i32
      %dma_start3A_919 = arith.constant 0 : i32
      %dma_start3A_920 = tpu.memref_slice %arg6[%dma_start3A_905, %dma_start3A_918, %dma_start3A_919] : memref<8x200x64xf32, #tpu.memory_space<vmem>> -> memref<1x50x64xf32, #tpu.memory_space<vmem>>
      %dma_start3A_921 = tpu.memref_squeeze %dma_start3A_920 : memref<1x50x64xf32, #tpu.memory_space<vmem>> -> memref<50x64xf32, #tpu.memory_space<vmem>>
      tpu.enqueue_dma source(%dma_start3A_921 : memref<50x64xf32, #tpu.memory_space<vmem>>) target(%dma_start3A_917 : memref<50x64xf32, #tpu.memory_space<hbm>>) target_semaphore(%arg16 : memref<!tpu.dma_semaphore, #tpu.memory_space<semaphore_mem>>)
      %dma_start3A_922 = arith.constant 1 : i32
      %dma_start3A_923 = arith.constant 50 : i32
      %dma_start3A_924 = arith.constant 0 : i32
      %dma_start3A_925 = tpu.memref_slice %arg6[%dma_start3A_922, %dma_start3A_923, %dma_start3A_924] : memref<8x200x64xf32, #tpu.memory_space<vmem>> -> memref<1x50x64xf32, #tpu.memory_space<vmem>>
      %dma_start3A_926 = tpu.memref_squeeze %dma_start3A_925 : memref<1x50x64xf32, #tpu.memory_space<vmem>> -> memref<50x64xf32, #tpu.memory_space<vmem>>
      %dma_start3A_927 = arith.constant 0 : i32
      %dma_start3A_928 = arith.constant 0 : i32
      %dma_start3A_929 = tpu.memref_slice %arg4[%add3A_894, %dma_start3A_927, %dma_start3A_928] : memref<4096x56x128xf32, #tpu.memory_space<hbm>> -> memref<1x50x64xf32, #tpu.memory_space<hbm>>
      %dma_start3A_930 = tpu.memref_squeeze %dma_start3A_929 : memref<1x50x64xf32, #tpu.memory_space<hbm>> -> memref<50x64xf32, #tpu.memory_space<hbm>>
      %dma_start3A_931 = arith.constant 0 : i32
      %dma_start3A_932 = arith.constant 0 : i32
      %dma_start3A_933 = tpu.memref_slice %arg4[%add3A_894, %dma_start3A_931, %dma_start3A_932] : memref<4096x56x128xf32, #tpu.memory_space<hbm>> -> memref<1x50x64xf32, #tpu.memory_space<hbm>>
      %dma_start3A_934 = tpu.memref_squeeze %dma_start3A_933 : memref<1x50x64xf32, #tpu.memory_space<hbm>> -> memref<50x64xf32, #tpu.memory_space<hbm>>
      %dma_start3A_935 = arith.constant 50 : i32
      %dma_start3A_936 = arith.constant 0 : i32
      %dma_start3A_937 = tpu.memref_slice %arg6[%dma_start3A_922, %dma_start3A_935, %dma_start3A_936] : memref<8x200x64xf32, #tpu.memory_space<vmem>> -> memref<1x50x64xf32, #tpu.memory_space<vmem>>
      %dma_start3A_938 = tpu.memref_squeeze %dma_start3A_937 : memref<1x50x64xf32, #tpu.memory_space<vmem>> -> memref<50x64xf32, #tpu.memory_space<vmem>>
      tpu.enqueue_dma source(%dma_start3A_938 : memref<50x64xf32, #tpu.memory_space<vmem>>) target(%dma_start3A_934 : memref<50x64xf32, #tpu.memory_space<hbm>>) target_semaphore(%arg16 : memref<!tpu.dma_semaphore, #tpu.memory_space<semaphore_mem>>)
      %dma_start3A_939 = arith.constant 1 : i32
      %dma_start3A_940 = arith.constant 100 : i32
      %dma_start3A_941 = arith.constant 0 : i32
      %dma_start3A_942 = tpu.memref_slice %arg6[%dma_start3A_939, %dma_start3A_940, %dma_start3A_941] : memref<8x200x64xf32, #tpu.memory_space<vmem>> -> memref<1x50x64xf32, #tpu.memory_space<vmem>>
      %dma_start3A_943 = tpu.memref_squeeze %dma_start3A_942 : memref<1x50x64xf32, #tpu.memory_space<vmem>> -> memref<50x64xf32, #tpu.memory_space<vmem>>
      %dma_start3A_944 = arith.constant 0 : i32
      %dma_start3A_945 = arith.constant 0 : i32
      %dma_start3A_946 = tpu.memref_slice %arg4[%add3A_899, %dma_start3A_944, %dma_start3A_945] : memref<4096x56x128xf32, #tpu.memory_space<hbm>> -> memref<1x50x64xf32, #tpu.memory_space<hbm>>
      %dma_start3A_947 = tpu.memref_squeeze %dma_start3A_946 : memref<1x50x64xf32, #tpu.memory_space<hbm>> -> memref<50x64xf32, #tpu.memory_space<hbm>>
      %dma_start3A_948 = arith.constant 0 : i32
      %dma_start3A_949 = arith.constant 0 : i32
      %dma_start3A_950 = tpu.memref_slice %arg4[%add3A_899, %dma_start3A_948, %dma_start3A_949] : memref<4096x56x128xf32, #tpu.memory_space<hbm>> -> memref<1x50x64xf32, #tpu.memory_space<hbm>>
      %dma_start3A_951 = tpu.memref_squeeze %dma_start3A_950 : memref<1x50x64xf32, #tpu.memory_space<hbm>> -> memref<50x64xf32, #tpu.memory_space<hbm>>
      %dma_start3A_952 = arith.constant 100 : i32
      %dma_start3A_953 = arith.constant 0 : i32
      %dma_start3A_954 = tpu.memref_slice %arg6[%dma_start3A_939, %dma_start3A_952, %dma_start3A_953] : memref<8x200x64xf32, #tpu.memory_space<vmem>> -> memref<1x50x64xf32, #tpu.memory_space<vmem>>
      %dma_start3A_955 = tpu.memref_squeeze %dma_start3A_954 : memref<1x50x64xf32, #tpu.memory_space<vmem>> -> memref<50x64xf32, #tpu.memory_space<vmem>>
      tpu.enqueue_dma source(%dma_start3A_955 : memref<50x64xf32, #tpu.memory_space<vmem>>) target(%dma_start3A_951 : memref<50x64xf32, #tpu.memory_space<hbm>>) target_semaphore(%arg16 : memref<!tpu.dma_semaphore, #tpu.memory_space<semaphore_mem>>)
      %dma_start3A_956 = arith.constant 1 : i32
      %dma_start3A_957 = arith.constant 150 : i32
      %dma_start3A_958 = arith.constant 0 : i32
      %dma_start3A_959 = tpu.memref_slice %arg6[%dma_start3A_956, %dma_start3A_957, %dma_start3A_958] : memref<8x200x64xf32, #tpu.memory_space<vmem>> -> memref<1x50x64xf32, #tpu.memory_space<vmem>>
      %dma_start3A_960 = tpu.memref_squeeze %dma_start3A_959 : memref<1x50x64xf32, #tpu.memory_space<vmem>> -> memref<50x64xf32, #tpu.memory_space<vmem>>
      %dma_start3A_961 = arith.constant 0 : i32
      %dma_start3A_962 = arith.constant 0 : i32
      %dma_start3A_963 = tpu.memref_slice %arg4[%add3A_904, %dma_start3A_961, %dma_start3A_962] : memref<4096x56x128xf32, #tpu.memory_space<hbm>> -> memref<1x50x64xf32, #tpu.memory_space<hbm>>
      %dma_start3A_964 = tpu.memref_squeeze %dma_start3A_963 : memref<1x50x64xf32, #tpu.memory_space<hbm>> -> memref<50x64xf32, #tpu.memory_space<hbm>>
      %dma_start3A_965 = arith.constant 0 : i32
      %dma_start3A_966 = arith.constant 0 : i32
      %dma_start3A_967 = tpu.memref_slice %arg4[%add3A_904, %dma_start3A_965, %dma_start3A_966] : memref<4096x56x128xf32, #tpu.memory_space<hbm>> -> memref<1x50x64xf32, #tpu.memory_space<hbm>>
      %dma_start3A_968 = tpu.memref_squeeze %dma_start3A_967 : memref<1x50x64xf32, #tpu.memory_space<hbm>> -> memref<50x64xf32, #tpu.memory_space<hbm>>
      %dma_start3A_969 = arith.constant 150 : i32
      %dma_start3A_970 = arith.constant 0 : i32
      %dma_start3A_971 = tpu.memref_slice %arg6[%dma_start3A_956, %dma_start3A_969, %dma_start3A_970] : memref<8x200x64xf32, #tpu.memory_space<vmem>> -> memref<1x50x64xf32, #tpu.memory_space<vmem>>
      %dma_start3A_972 = tpu.memref_squeeze %dma_start3A_971 : memref<1x50x64xf32, #tpu.memory_space<vmem>> -> memref<50x64xf32, #tpu.memory_space<vmem>>
      tpu.enqueue_dma source(%dma_start3A_972 : memref<50x64xf32, #tpu.memory_space<vmem>>) target(%dma_start3A_968 : memref<50x64xf32, #tpu.memory_space<hbm>>) target_semaphore(%arg16 : memref<!tpu.dma_semaphore, #tpu.memory_space<semaphore_mem>>)
      %ge3A_973 = arith.constant 1 : i32
      %ge3A_974 = arith.cmpi sge, %add3A_873, %ge3A_973 : i32
      %add3A_975 = arith.constant 8 : i32
      %add3A_976 = arith.addi %add3A_873, %add3A_975 : i32
      %sub3A_977 = arith.constant 1 : i32
      %sub3A_978 = arith.subi %add3A_976, %sub3A_977 : i32
      %lt3A_979 = arith.constant 32 : i32
      %lt3A_980 = arith.cmpi slt, %sub3A_978, %lt3A_979 : i32
      %and3A_981 = arith.andi %ge3A_974, %lt3A_980 : i1
      %convert_element_type3A_982 = arith.extui %and3A_981 : i1 to i32
      %cond3A_983 = arith.constant 0 : i32
      %cond3A_984 = arith.cmpi ne, %convert_element_type3A_982, %cond3A_983 : i32
      scf.if %cond3A_984 {
        %sub3A_1676 = arith.constant 1 : i32
        %sub3A_1677 = arith.subi %add3A_873, %sub3A_1676 : i32
        %mul3A_1678 = arith.constant 4 : i32
        %mul3A_1679 = arith.muli %sub3A_1677, %mul3A_1678 : i32
        %add3A_1680 = arith.addi %mul3A_2, %mul3A_1679 : i32
        %add3A_1681 = arith.constant 0 : i32
        %add3A_1682 = arith.addi %add3A_1680, %add3A_1681 : i32
        %mul3A_1683 = arith.constant 4 : i32
        %mul3A_1684 = arith.muli %sub3A_1677, %mul3A_1683 : i32
        %add3A_1685 = arith.addi %mul3A_2, %mul3A_1684 : i32
        %add3A_1686 = arith.constant 1 : i32
        %add3A_1687 = arith.addi %add3A_1685, %add3A_1686 : i32
        %mul3A_1688 = arith.constant 4 : i32
        %mul3A_1689 = arith.muli %sub3A_1677, %mul3A_1688 : i32
        %add3A_1690 = arith.addi %mul3A_2, %mul3A_1689 : i32
        %add3A_1691 = arith.constant 2 : i32
        %add3A_1692 = arith.addi %add3A_1690, %add3A_1691 : i32
        %mul3A_1693 = arith.constant 4 : i32
        %mul3A_1694 = arith.muli %sub3A_1677, %mul3A_1693 : i32
        %add3A_1695 = arith.addi %mul3A_2, %mul3A_1694 : i32
        %add3A_1696 = arith.constant 3 : i32
        %add3A_1697 = arith.addi %add3A_1695, %add3A_1696 : i32
        %dma_wait3A_1698 = arith.constant 0 : i32
        %dma_wait3A_1699 = arith.constant 0 : i32
        %dma_wait3A_1700 = arith.constant 0 : i32
        %dma_wait3A_1701 = tpu.memref_slice %arg6[%dma_wait3A_1698, %dma_wait3A_1699, %dma_wait3A_1700] : memref<8x200x64xf32, #tpu.memory_space<vmem>> -> memref<1x50x64xf32, #tpu.memory_space<vmem>>
        %dma_wait3A_1702 = tpu.memref_squeeze %dma_wait3A_1701 : memref<1x50x64xf32, #tpu.memory_space<vmem>> -> memref<50x64xf32, #tpu.memory_space<vmem>>
        %dma_wait3A_1703 = arith.constant 0 : i32
        %dma_wait3A_1704 = arith.constant 0 : i32
        %dma_wait3A_1705 = tpu.memref_slice %arg4[%add3A_1682, %dma_wait3A_1703, %dma_wait3A_1704] : memref<4096x56x128xf32, #tpu.memory_space<hbm>> -> memref<1x50x64xf32, #tpu.memory_space<hbm>>
        %dma_wait3A_1706 = tpu.memref_squeeze %dma_wait3A_1705 : memref<1x50x64xf32, #tpu.memory_space<hbm>> -> memref<50x64xf32, #tpu.memory_space<hbm>>
        %dma_wait3A_1707 = arith.constant 0 : i32
        %dma_wait3A_1708 = arith.constant 0 : i32
        %dma_wait3A_1709 = tpu.memref_slice %arg4[%add3A_1682, %dma_wait3A_1707, %dma_wait3A_1708] : memref<4096x56x128xf32, #tpu.memory_space<hbm>> -> memref<1x50x64xf32, #tpu.memory_space<hbm>>
        %dma_wait3A_1710 = tpu.memref_squeeze %dma_wait3A_1709 : memref<1x50x64xf32, #tpu.memory_space<hbm>> -> memref<50x64xf32, #tpu.memory_space<hbm>>
        %dma_wait3A_1711 = arith.constant 0 : i32
        %dma_wait3A_1712 = arith.constant 0 : i32
        %dma_wait3A_1713 = tpu.memref_slice %arg6[%dma_wait3A_1698, %dma_wait3A_1711, %dma_wait3A_1712] : memref<8x200x64xf32, #tpu.memory_space<vmem>> -> memref<1x50x64xf32, #tpu.memory_space<vmem>>
        %dma_wait3A_1714 = tpu.memref_squeeze %dma_wait3A_1713 : memref<1x50x64xf32, #tpu.memory_space<vmem>> -> memref<50x64xf32, #tpu.memory_space<vmem>>
        tpu.wait_dma2 semaphore(%arg15 : memref<!tpu.dma_semaphore, #tpu.memory_space<semaphore_mem>>) src(%dma_wait3A_1714 : memref<50x64xf32, #tpu.memory_space<vmem>>) dst(%dma_wait3A_1710 : memref<50x64xf32, #tpu.memory_space<hbm>>)
        %dma_wait3A_1715 = arith.constant 0 : i32
        %dma_wait3A_1716 = arith.constant 50 : i32
        %dma_wait3A_1717 = arith.constant 0 : i32
        %dma_wait3A_1718 = tpu.memref_slice %arg6[%dma_wait3A_1715, %dma_wait3A_1716, %dma_wait3A_1717] : memref<8x200x64xf32, #tpu.memory_space<vmem>> -> memref<1x50x64xf32, #tpu.memory_space<vmem>>
        %dma_wait3A_1719 = tpu.memref_squeeze %dma_wait3A_1718 : memref<1x50x64xf32, #tpu.memory_space<vmem>> -> memref<50x64xf32, #tpu.memory_space<vmem>>
        %dma_wait3A_1720 = arith.constant 0 : i32
        %dma_wait3A_1721 = arith.constant 0 : i32
        %dma_wait3A_1722 = tpu.memref_slice %arg4[%add3A_1687, %dma_wait3A_1720, %dma_wait3A_1721] : memref<4096x56x128xf32, #tpu.memory_space<hbm>> -> memref<1x50x64xf32, #tpu.memory_space<hbm>>
        %dma_wait3A_1723 = tpu.memref_squeeze %dma_wait3A_1722 : memref<1x50x64xf32, #tpu.memory_space<hbm>> -> memref<50x64xf32, #tpu.memory_space<hbm>>
        %dma_wait3A_1724 = arith.constant 0 : i32
        %dma_wait3A_1725 = arith.constant 0 : i32
        %dma_wait3A_1726 = tpu.memref_slice %arg4[%add3A_1687, %dma_wait3A_1724, %dma_wait3A_1725] : memref<4096x56x128xf32, #tpu.memory_space<hbm>> -> memref<1x50x64xf32, #tpu.memory_space<hbm>>
        %dma_wait3A_1727 = tpu.memref_squeeze %dma_wait3A_1726 : memref<1x50x64xf32, #tpu.memory_space<hbm>> -> memref<50x64xf32, #tpu.memory_space<hbm>>
        %dma_wait3A_1728 = arith.constant 50 : i32
        %dma_wait3A_1729 = arith.constant 0 : i32
        %dma_wait3A_1730 = tpu.memref_slice %arg6[%dma_wait3A_1715, %dma_wait3A_1728, %dma_wait3A_1729] : memref<8x200x64xf32, #tpu.memory_space<vmem>> -> memref<1x50x64xf32, #tpu.memory_space<vmem>>
        %dma_wait3A_1731 = tpu.memref_squeeze %dma_wait3A_1730 : memref<1x50x64xf32, #tpu.memory_space<vmem>> -> memref<50x64xf32, #tpu.memory_space<vmem>>
        tpu.wait_dma2 semaphore(%arg15 : memref<!tpu.dma_semaphore, #tpu.memory_space<semaphore_mem>>) src(%dma_wait3A_1731 : memref<50x64xf32, #tpu.memory_space<vmem>>) dst(%dma_wait3A_1727 : memref<50x64xf32, #tpu.memory_space<hbm>>)
        %dma_wait3A_1732 = arith.constant 0 : i32
        %dma_wait3A_1733 = arith.constant 100 : i32
        %dma_wait3A_1734 = arith.constant 0 : i32
        %dma_wait3A_1735 = tpu.memref_slice %arg6[%dma_wait3A_1732, %dma_wait3A_1733, %dma_wait3A_1734] : memref<8x200x64xf32, #tpu.memory_space<vmem>> -> memref<1x50x64xf32, #tpu.memory_space<vmem>>
        %dma_wait3A_1736 = tpu.memref_squeeze %dma_wait3A_1735 : memref<1x50x64xf32, #tpu.memory_space<vmem>> -> memref<50x64xf32, #tpu.memory_space<vmem>>
        %dma_wait3A_1737 = arith.constant 0 : i32
        %dma_wait3A_1738 = arith.constant 0 : i32
        %dma_wait3A_1739 = tpu.memref_slice %arg4[%add3A_1692, %dma_wait3A_1737, %dma_wait3A_1738] : memref<4096x56x128xf32, #tpu.memory_space<hbm>> -> memref<1x50x64xf32, #tpu.memory_space<hbm>>
        %dma_wait3A_1740 = tpu.memref_squeeze %dma_wait3A_1739 : memref<1x50x64xf32, #tpu.memory_space<hbm>> -> memref<50x64xf32, #tpu.memory_space<hbm>>
        %dma_wait3A_1741 = arith.constant 0 : i32
        %dma_wait3A_1742 = arith.constant 0 : i32
        %dma_wait3A_1743 = tpu.memref_slice %arg4[%add3A_1692, %dma_wait3A_1741, %dma_wait3A_1742] : memref<4096x56x128xf32, #tpu.memory_space<hbm>> -> memref<1x50x64xf32, #tpu.memory_space<hbm>>
        %dma_wait3A_1744 = tpu.memref_squeeze %dma_wait3A_1743 : memref<1x50x64xf32, #tpu.memory_space<hbm>> -> memref<50x64xf32, #tpu.memory_space<hbm>>
        %dma_wait3A_1745 = arith.constant 100 : i32
        %dma_wait3A_1746 = arith.constant 0 : i32
        %dma_wait3A_1747 = tpu.memref_slice %arg6[%dma_wait3A_1732, %dma_wait3A_1745, %dma_wait3A_1746] : memref<8x200x64xf32, #tpu.memory_space<vmem>> -> memref<1x50x64xf32, #tpu.memory_space<vmem>>
        %dma_wait3A_1748 = tpu.memref_squeeze %dma_wait3A_1747 : memref<1x50x64xf32, #tpu.memory_space<vmem>> -> memref<50x64xf32, #tpu.memory_space<vmem>>
        tpu.wait_dma2 semaphore(%arg15 : memref<!tpu.dma_semaphore, #tpu.memory_space<semaphore_mem>>) src(%dma_wait3A_1748 : memref<50x64xf32, #tpu.memory_space<vmem>>) dst(%dma_wait3A_1744 : memref<50x64xf32, #tpu.memory_space<hbm>>)
        %dma_wait3A_1749 = arith.constant 0 : i32
        %dma_wait3A_1750 = arith.constant 150 : i32
        %dma_wait3A_1751 = arith.constant 0 : i32
        %dma_wait3A_1752 = tpu.memref_slice %arg6[%dma_wait3A_1749, %dma_wait3A_1750, %dma_wait3A_1751] : memref<8x200x64xf32, #tpu.memory_space<vmem>> -> memref<1x50x64xf32, #tpu.memory_space<vmem>>
        %dma_wait3A_1753 = tpu.memref_squeeze %dma_wait3A_1752 : memref<1x50x64xf32, #tpu.memory_space<vmem>> -> memref<50x64xf32, #tpu.memory_space<vmem>>
        %dma_wait3A_1754 = arith.constant 0 : i32
        %dma_wait3A_1755 = arith.constant 0 : i32
        %dma_wait3A_1756 = tpu.memref_slice %arg4[%add3A_1697, %dma_wait3A_1754, %dma_wait3A_1755] : memref<4096x56x128xf32, #tpu.memory_space<hbm>> -> memref<1x50x64xf32, #tpu.memory_space<hbm>>
        %dma_wait3A_1757 = tpu.memref_squeeze %dma_wait3A_1756 : memref<1x50x64xf32, #tpu.memory_space<hbm>> -> memref<50x64xf32, #tpu.memory_space<hbm>>
        %dma_wait3A_1758 = arith.constant 0 : i32
        %dma_wait3A_1759 = arith.constant 0 : i32
        %dma_wait3A_1760 = tpu.memref_slice %arg4[%add3A_1697, %dma_wait3A_1758, %dma_wait3A_1759] : memref<4096x56x128xf32, #tpu.memory_space<hbm>> -> memref<1x50x64xf32, #tpu.memory_space<hbm>>
        %dma_wait3A_1761 = tpu.memref_squeeze %dma_wait3A_1760 : memref<1x50x64xf32, #tpu.memory_space<hbm>> -> memref<50x64xf32, #tpu.memory_space<hbm>>
        %dma_wait3A_1762 = arith.constant 150 : i32
        %dma_wait3A_1763 = arith.constant 0 : i32
        %dma_wait3A_1764 = tpu.memref_slice %arg6[%dma_wait3A_1749, %dma_wait3A_1762, %dma_wait3A_1763] : memref<8x200x64xf32, #tpu.memory_space<vmem>> -> memref<1x50x64xf32, #tpu.memory_space<vmem>>
        %dma_wait3A_1765 = tpu.memref_squeeze %dma_wait3A_1764 : memref<1x50x64xf32, #tpu.memory_space<vmem>> -> memref<50x64xf32, #tpu.memory_space<vmem>>
        tpu.wait_dma2 semaphore(%arg15 : memref<!tpu.dma_semaphore, #tpu.memory_space<semaphore_mem>>) src(%dma_wait3A_1765 : memref<50x64xf32, #tpu.memory_space<vmem>>) dst(%dma_wait3A_1761 : memref<50x64xf32, #tpu.memory_space<hbm>>)
        %add3A_1766 = arith.constant 8 : i32
        %add3A_1767 = arith.addi %add3A_873, %add3A_1766 : i32
        %sub3A_1768 = arith.constant 1 : i32
        %sub3A_1769 = arith.subi %add3A_1767, %sub3A_1768 : i32
        %mul3A_1770 = arith.constant 200 : i32
        %mul3A_1771 = arith.muli %sub3A_1769, %mul3A_1770 : i32
        %dma_start3A_1772 = arith.constant 0 : i32
        %dma_start3A_1773 = arith.constant 0 : i32
        %dma_start3A_1774 = arith.constant 0 : i32
        %dma_start3A_1775 = tpu.memref_slice %arg6[%dma_start3A_1772, %dma_start3A_1773, %dma_start3A_1774] : memref<8x200x64xf32, #tpu.memory_space<vmem>> -> memref<1x200x64xf32, #tpu.memory_space<vmem>>
        %dma_start3A_1776 = tpu.memref_squeeze %dma_start3A_1775 : memref<1x200x64xf32, #tpu.memory_space<vmem>> -> memref<200x64xf32, #tpu.memory_space<vmem>>
        %dma_start3A_1777 = tpu.memref_slice %arg5[%mul3A_1771] : memref<6400xi32, #tpu.memory_space<vmem>> -> memref<200xi32, #tpu.memory_space<vmem>>
        %dma_start3A_1778 = arith.constant 0 : i32
        %dma_start3A_1779 = arith.constant 0 : i32
        %dma_start3A_1780 = tpu.memref_slice %arg3[%dma_start3A_1778, %dma_start3A_1779] : memref<100000x64xf32, #tpu.memory_space<hbm>> -> memref<100000x64xf32, #tpu.memory_space<hbm>>
        tpu.enqueue_indirect_dma source(%dma_start3A_1780 : memref<100000x64xf32, #tpu.memory_space<hbm>>) target(%dma_start3A_1776 : memref<200x64xf32, #tpu.memory_space<vmem>>) offsets(%dma_start3A_1777 : memref<200xi32, #tpu.memory_space<vmem>>) semaphore(%arg7 : memref<!tpu.dma_semaphore, #tpu.memory_space<semaphore_mem>>)
      } else {
      }
      %mul3A_985 = arith.constant 8 : i32
      %mul3A_986 = arith.muli %scan3A_759, %mul3A_985 : i32
      %add3A_987 = arith.constant 2 : i32
      %add3A_988 = arith.addi %mul3A_986, %add3A_987 : i32
      %mul3A_989 = arith.constant 200 : i32
      %mul3A_990 = arith.muli %add3A_988, %mul3A_989 : i32
      %dma_wait3A_991 = arith.constant 2 : i32
      %dma_wait3A_992 = arith.constant 0 : i32
      %dma_wait3A_993 = arith.constant 0 : i32
      %dma_wait3A_994 = tpu.memref_slice %arg6[%dma_wait3A_991, %dma_wait3A_992, %dma_wait3A_993] : memref<8x200x64xf32, #tpu.memory_space<vmem>> -> memref<1x200x64xf32, #tpu.memory_space<vmem>>
      %dma_wait3A_995 = tpu.memref_squeeze %dma_wait3A_994 : memref<1x200x64xf32, #tpu.memory_space<vmem>> -> memref<200x64xf32, #tpu.memory_space<vmem>>
      %dma_wait3A_996 = tpu.memref_slice %arg5[%mul3A_990] : memref<6400xi32, #tpu.memory_space<vmem>> -> memref<200xi32, #tpu.memory_space<vmem>>
      %dma_wait3A_997 = arith.constant 0 : i32
      %dma_wait3A_998 = arith.constant 0 : i32
      %dma_wait3A_999 = tpu.memref_slice %arg3[%dma_wait3A_997, %dma_wait3A_998] : memref<100000x64xf32, #tpu.memory_space<hbm>> -> memref<100000x64xf32, #tpu.memory_space<hbm>>
      tpu.wait_indirect_dma semaphore(%arg9 : memref<!tpu.dma_semaphore, #tpu.memory_space<semaphore_mem>>) src(%dma_wait3A_999 : memref<100000x64xf32, #tpu.memory_space<hbm>>) dst(%dma_wait3A_995 : memref<200x64xf32, #tpu.memory_space<vmem>>)
      %mul3A_1000 = arith.constant 4 : i32
      %mul3A_1001 = arith.muli %add3A_988, %mul3A_1000 : i32
      %add3A_1002 = arith.addi %mul3A_2, %mul3A_1001 : i32
      %add3A_1003 = arith.constant 0 : i32
      %add3A_1004 = arith.addi %add3A_1002, %add3A_1003 : i32
      %mul3A_1005 = arith.constant 4 : i32
      %mul3A_1006 = arith.muli %add3A_988, %mul3A_1005 : i32
      %add3A_1007 = arith.addi %mul3A_2, %mul3A_1006 : i32
      %add3A_1008 = arith.constant 1 : i32
      %add3A_1009 = arith.addi %add3A_1007, %add3A_1008 : i32
      %mul3A_1010 = arith.constant 4 : i32
      %mul3A_1011 = arith.muli %add3A_988, %mul3A_1010 : i32
      %add3A_1012 = arith.addi %mul3A_2, %mul3A_1011 : i32
      %add3A_1013 = arith.constant 2 : i32
      %add3A_1014 = arith.addi %add3A_1012, %add3A_1013 : i32
      %mul3A_1015 = arith.constant 4 : i32
      %mul3A_1016 = arith.muli %add3A_988, %mul3A_1015 : i32
      %add3A_1017 = arith.addi %mul3A_2, %mul3A_1016 : i32
      %add3A_1018 = arith.constant 3 : i32
      %add3A_1019 = arith.addi %add3A_1017, %add3A_1018 : i32
      %dma_start3A_1020 = arith.constant 2 : i32
      %dma_start3A_1021 = arith.constant 0 : i32
      %dma_start3A_1022 = arith.constant 0 : i32
      %dma_start3A_1023 = tpu.memref_slice %arg6[%dma_start3A_1020, %dma_start3A_1021, %dma_start3A_1022] : memref<8x200x64xf32, #tpu.memory_space<vmem>> -> memref<1x50x64xf32, #tpu.memory_space<vmem>>
      %dma_start3A_1024 = tpu.memref_squeeze %dma_start3A_1023 : memref<1x50x64xf32, #tpu.memory_space<vmem>> -> memref<50x64xf32, #tpu.memory_space<vmem>>
      %dma_start3A_1025 = arith.constant 0 : i32
      %dma_start3A_1026 = arith.constant 0 : i32
      %dma_start3A_1027 = tpu.memref_slice %arg4[%add3A_1004, %dma_start3A_1025, %dma_start3A_1026] : memref<4096x56x128xf32, #tpu.memory_space<hbm>> -> memref<1x50x64xf32, #tpu.memory_space<hbm>>
      %dma_start3A_1028 = tpu.memref_squeeze %dma_start3A_1027 : memref<1x50x64xf32, #tpu.memory_space<hbm>> -> memref<50x64xf32, #tpu.memory_space<hbm>>
      %dma_start3A_1029 = arith.constant 0 : i32
      %dma_start3A_1030 = arith.constant 0 : i32
      %dma_start3A_1031 = tpu.memref_slice %arg4[%add3A_1004, %dma_start3A_1029, %dma_start3A_1030] : memref<4096x56x128xf32, #tpu.memory_space<hbm>> -> memref<1x50x64xf32, #tpu.memory_space<hbm>>
      %dma_start3A_1032 = tpu.memref_squeeze %dma_start3A_1031 : memref<1x50x64xf32, #tpu.memory_space<hbm>> -> memref<50x64xf32, #tpu.memory_space<hbm>>
      %dma_start3A_1033 = arith.constant 0 : i32
      %dma_start3A_1034 = arith.constant 0 : i32
      %dma_start3A_1035 = tpu.memref_slice %arg6[%dma_start3A_1020, %dma_start3A_1033, %dma_start3A_1034] : memref<8x200x64xf32, #tpu.memory_space<vmem>> -> memref<1x50x64xf32, #tpu.memory_space<vmem>>
      %dma_start3A_1036 = tpu.memref_squeeze %dma_start3A_1035 : memref<1x50x64xf32, #tpu.memory_space<vmem>> -> memref<50x64xf32, #tpu.memory_space<vmem>>
      tpu.enqueue_dma source(%dma_start3A_1036 : memref<50x64xf32, #tpu.memory_space<vmem>>) target(%dma_start3A_1032 : memref<50x64xf32, #tpu.memory_space<hbm>>) target_semaphore(%arg17 : memref<!tpu.dma_semaphore, #tpu.memory_space<semaphore_mem>>)
      %dma_start3A_1037 = arith.constant 2 : i32
      %dma_start3A_1038 = arith.constant 50 : i32
      %dma_start3A_1039 = arith.constant 0 : i32
      %dma_start3A_1040 = tpu.memref_slice %arg6[%dma_start3A_1037, %dma_start3A_1038, %dma_start3A_1039] : memref<8x200x64xf32, #tpu.memory_space<vmem>> -> memref<1x50x64xf32, #tpu.memory_space<vmem>>
      %dma_start3A_1041 = tpu.memref_squeeze %dma_start3A_1040 : memref<1x50x64xf32, #tpu.memory_space<vmem>> -> memref<50x64xf32, #tpu.memory_space<vmem>>
      %dma_start3A_1042 = arith.constant 0 : i32
      %dma_start3A_1043 = arith.constant 0 : i32
      %dma_start3A_1044 = tpu.memref_slice %arg4[%add3A_1009, %dma_start3A_1042, %dma_start3A_1043] : memref<4096x56x128xf32, #tpu.memory_space<hbm>> -> memref<1x50x64xf32, #tpu.memory_space<hbm>>
      %dma_start3A_1045 = tpu.memref_squeeze %dma_start3A_1044 : memref<1x50x64xf32, #tpu.memory_space<hbm>> -> memref<50x64xf32, #tpu.memory_space<hbm>>
      %dma_start3A_1046 = arith.constant 0 : i32
      %dma_start3A_1047 = arith.constant 0 : i32
      %dma_start3A_1048 = tpu.memref_slice %arg4[%add3A_1009, %dma_start3A_1046, %dma_start3A_1047] : memref<4096x56x128xf32, #tpu.memory_space<hbm>> -> memref<1x50x64xf32, #tpu.memory_space<hbm>>
      %dma_start3A_1049 = tpu.memref_squeeze %dma_start3A_1048 : memref<1x50x64xf32, #tpu.memory_space<hbm>> -> memref<50x64xf32, #tpu.memory_space<hbm>>
      %dma_start3A_1050 = arith.constant 50 : i32
      %dma_start3A_1051 = arith.constant 0 : i32
      %dma_start3A_1052 = tpu.memref_slice %arg6[%dma_start3A_1037, %dma_start3A_1050, %dma_start3A_1051] : memref<8x200x64xf32, #tpu.memory_space<vmem>> -> memref<1x50x64xf32, #tpu.memory_space<vmem>>
      %dma_start3A_1053 = tpu.memref_squeeze %dma_start3A_1052 : memref<1x50x64xf32, #tpu.memory_space<vmem>> -> memref<50x64xf32, #tpu.memory_space<vmem>>
      tpu.enqueue_dma source(%dma_start3A_1053 : memref<50x64xf32, #tpu.memory_space<vmem>>) target(%dma_start3A_1049 : memref<50x64xf32, #tpu.memory_space<hbm>>) target_semaphore(%arg17 : memref<!tpu.dma_semaphore, #tpu.memory_space<semaphore_mem>>)
      %dma_start3A_1054 = arith.constant 2 : i32
      %dma_start3A_1055 = arith.constant 100 : i32
      %dma_start3A_1056 = arith.constant 0 : i32
      %dma_start3A_1057 = tpu.memref_slice %arg6[%dma_start3A_1054, %dma_start3A_1055, %dma_start3A_1056] : memref<8x200x64xf32, #tpu.memory_space<vmem>> -> memref<1x50x64xf32, #tpu.memory_space<vmem>>
      %dma_start3A_1058 = tpu.memref_squeeze %dma_start3A_1057 : memref<1x50x64xf32, #tpu.memory_space<vmem>> -> memref<50x64xf32, #tpu.memory_space<vmem>>
      %dma_start3A_1059 = arith.constant 0 : i32
      %dma_start3A_1060 = arith.constant 0 : i32
      %dma_start3A_1061 = tpu.memref_slice %arg4[%add3A_1014, %dma_start3A_1059, %dma_start3A_1060] : memref<4096x56x128xf32, #tpu.memory_space<hbm>> -> memref<1x50x64xf32, #tpu.memory_space<hbm>>
      %dma_start3A_1062 = tpu.memref_squeeze %dma_start3A_1061 : memref<1x50x64xf32, #tpu.memory_space<hbm>> -> memref<50x64xf32, #tpu.memory_space<hbm>>
      %dma_start3A_1063 = arith.constant 0 : i32
      %dma_start3A_1064 = arith.constant 0 : i32
      %dma_start3A_1065 = tpu.memref_slice %arg4[%add3A_1014, %dma_start3A_1063, %dma_start3A_1064] : memref<4096x56x128xf32, #tpu.memory_space<hbm>> -> memref<1x50x64xf32, #tpu.memory_space<hbm>>
      %dma_start3A_1066 = tpu.memref_squeeze %dma_start3A_1065 : memref<1x50x64xf32, #tpu.memory_space<hbm>> -> memref<50x64xf32, #tpu.memory_space<hbm>>
      %dma_start3A_1067 = arith.constant 100 : i32
      %dma_start3A_1068 = arith.constant 0 : i32
      %dma_start3A_1069 = tpu.memref_slice %arg6[%dma_start3A_1054, %dma_start3A_1067, %dma_start3A_1068] : memref<8x200x64xf32, #tpu.memory_space<vmem>> -> memref<1x50x64xf32, #tpu.memory_space<vmem>>
      %dma_start3A_1070 = tpu.memref_squeeze %dma_start3A_1069 : memref<1x50x64xf32, #tpu.memory_space<vmem>> -> memref<50x64xf32, #tpu.memory_space<vmem>>
      tpu.enqueue_dma source(%dma_start3A_1070 : memref<50x64xf32, #tpu.memory_space<vmem>>) target(%dma_start3A_1066 : memref<50x64xf32, #tpu.memory_space<hbm>>) target_semaphore(%arg17 : memref<!tpu.dma_semaphore, #tpu.memory_space<semaphore_mem>>)
      %dma_start3A_1071 = arith.constant 2 : i32
      %dma_start3A_1072 = arith.constant 150 : i32
      %dma_start3A_1073 = arith.constant 0 : i32
      %dma_start3A_1074 = tpu.memref_slice %arg6[%dma_start3A_1071, %dma_start3A_1072, %dma_start3A_1073] : memref<8x200x64xf32, #tpu.memory_space<vmem>> -> memref<1x50x64xf32, #tpu.memory_space<vmem>>
      %dma_start3A_1075 = tpu.memref_squeeze %dma_start3A_1074 : memref<1x50x64xf32, #tpu.memory_space<vmem>> -> memref<50x64xf32, #tpu.memory_space<vmem>>
      %dma_start3A_1076 = arith.constant 0 : i32
      %dma_start3A_1077 = arith.constant 0 : i32
      %dma_start3A_1078 = tpu.memref_slice %arg4[%add3A_1019, %dma_start3A_1076, %dma_start3A_1077] : memref<4096x56x128xf32, #tpu.memory_space<hbm>> -> memref<1x50x64xf32, #tpu.memory_space<hbm>>
      %dma_start3A_1079 = tpu.memref_squeeze %dma_start3A_1078 : memref<1x50x64xf32, #tpu.memory_space<hbm>> -> memref<50x64xf32, #tpu.memory_space<hbm>>
      %dma_start3A_1080 = arith.constant 0 : i32
      %dma_start3A_1081 = arith.constant 0 : i32
      %dma_start3A_1082 = tpu.memref_slice %arg4[%add3A_1019, %dma_start3A_1080, %dma_start3A_1081] : memref<4096x56x128xf32, #tpu.memory_space<hbm>> -> memref<1x50x64xf32, #tpu.memory_space<hbm>>
      %dma_start3A_1083 = tpu.memref_squeeze %dma_start3A_1082 : memref<1x50x64xf32, #tpu.memory_space<hbm>> -> memref<50x64xf32, #tpu.memory_space<hbm>>
      %dma_start3A_1084 = arith.constant 150 : i32
      %dma_start3A_1085 = arith.constant 0 : i32
      %dma_start3A_1086 = tpu.memref_slice %arg6[%dma_start3A_1071, %dma_start3A_1084, %dma_start3A_1085] : memref<8x200x64xf32, #tpu.memory_space<vmem>> -> memref<1x50x64xf32, #tpu.memory_space<vmem>>
      %dma_start3A_1087 = tpu.memref_squeeze %dma_start3A_1086 : memref<1x50x64xf32, #tpu.memory_space<vmem>> -> memref<50x64xf32, #tpu.memory_space<vmem>>
      tpu.enqueue_dma source(%dma_start3A_1087 : memref<50x64xf32, #tpu.memory_space<vmem>>) target(%dma_start3A_1083 : memref<50x64xf32, #tpu.memory_space<hbm>>) target_semaphore(%arg17 : memref<!tpu.dma_semaphore, #tpu.memory_space<semaphore_mem>>)
      %ge3A_1088 = arith.constant 1 : i32
      %ge3A_1089 = arith.cmpi sge, %add3A_988, %ge3A_1088 : i32
      %add3A_1090 = arith.constant 8 : i32
      %add3A_1091 = arith.addi %add3A_988, %add3A_1090 : i32
      %sub3A_1092 = arith.constant 1 : i32
      %sub3A_1093 = arith.subi %add3A_1091, %sub3A_1092 : i32
      %lt3A_1094 = arith.constant 32 : i32
      %lt3A_1095 = arith.cmpi slt, %sub3A_1093, %lt3A_1094 : i32
      %and3A_1096 = arith.andi %ge3A_1089, %lt3A_1095 : i1
      %convert_element_type3A_1097 = arith.extui %and3A_1096 : i1 to i32
      %cond3A_1098 = arith.constant 0 : i32
      %cond3A_1099 = arith.cmpi ne, %convert_element_type3A_1097, %cond3A_1098 : i32
      scf.if %cond3A_1099 {
        %sub3A_1676 = arith.constant 1 : i32
        %sub3A_1677 = arith.subi %add3A_988, %sub3A_1676 : i32
        %mul3A_1678 = arith.constant 4 : i32
        %mul3A_1679 = arith.muli %sub3A_1677, %mul3A_1678 : i32
        %add3A_1680 = arith.addi %mul3A_2, %mul3A_1679 : i32
        %add3A_1681 = arith.constant 0 : i32
        %add3A_1682 = arith.addi %add3A_1680, %add3A_1681 : i32
        %mul3A_1683 = arith.constant 4 : i32
        %mul3A_1684 = arith.muli %sub3A_1677, %mul3A_1683 : i32
        %add3A_1685 = arith.addi %mul3A_2, %mul3A_1684 : i32
        %add3A_1686 = arith.constant 1 : i32
        %add3A_1687 = arith.addi %add3A_1685, %add3A_1686 : i32
        %mul3A_1688 = arith.constant 4 : i32
        %mul3A_1689 = arith.muli %sub3A_1677, %mul3A_1688 : i32
        %add3A_1690 = arith.addi %mul3A_2, %mul3A_1689 : i32
        %add3A_1691 = arith.constant 2 : i32
        %add3A_1692 = arith.addi %add3A_1690, %add3A_1691 : i32
        %mul3A_1693 = arith.constant 4 : i32
        %mul3A_1694 = arith.muli %sub3A_1677, %mul3A_1693 : i32
        %add3A_1695 = arith.addi %mul3A_2, %mul3A_1694 : i32
        %add3A_1696 = arith.constant 3 : i32
        %add3A_1697 = arith.addi %add3A_1695, %add3A_1696 : i32
        %dma_wait3A_1698 = arith.constant 1 : i32
        %dma_wait3A_1699 = arith.constant 0 : i32
        %dma_wait3A_1700 = arith.constant 0 : i32
        %dma_wait3A_1701 = tpu.memref_slice %arg6[%dma_wait3A_1698, %dma_wait3A_1699, %dma_wait3A_1700] : memref<8x200x64xf32, #tpu.memory_space<vmem>> -> memref<1x50x64xf32, #tpu.memory_space<vmem>>
        %dma_wait3A_1702 = tpu.memref_squeeze %dma_wait3A_1701 : memref<1x50x64xf32, #tpu.memory_space<vmem>> -> memref<50x64xf32, #tpu.memory_space<vmem>>
        %dma_wait3A_1703 = arith.constant 0 : i32
        %dma_wait3A_1704 = arith.constant 0 : i32
        %dma_wait3A_1705 = tpu.memref_slice %arg4[%add3A_1682, %dma_wait3A_1703, %dma_wait3A_1704] : memref<4096x56x128xf32, #tpu.memory_space<hbm>> -> memref<1x50x64xf32, #tpu.memory_space<hbm>>
        %dma_wait3A_1706 = tpu.memref_squeeze %dma_wait3A_1705 : memref<1x50x64xf32, #tpu.memory_space<hbm>> -> memref<50x64xf32, #tpu.memory_space<hbm>>
        %dma_wait3A_1707 = arith.constant 0 : i32
        %dma_wait3A_1708 = arith.constant 0 : i32
        %dma_wait3A_1709 = tpu.memref_slice %arg4[%add3A_1682, %dma_wait3A_1707, %dma_wait3A_1708] : memref<4096x56x128xf32, #tpu.memory_space<hbm>> -> memref<1x50x64xf32, #tpu.memory_space<hbm>>
        %dma_wait3A_1710 = tpu.memref_squeeze %dma_wait3A_1709 : memref<1x50x64xf32, #tpu.memory_space<hbm>> -> memref<50x64xf32, #tpu.memory_space<hbm>>
        %dma_wait3A_1711 = arith.constant 0 : i32
        %dma_wait3A_1712 = arith.constant 0 : i32
        %dma_wait3A_1713 = tpu.memref_slice %arg6[%dma_wait3A_1698, %dma_wait3A_1711, %dma_wait3A_1712] : memref<8x200x64xf32, #tpu.memory_space<vmem>> -> memref<1x50x64xf32, #tpu.memory_space<vmem>>
        %dma_wait3A_1714 = tpu.memref_squeeze %dma_wait3A_1713 : memref<1x50x64xf32, #tpu.memory_space<vmem>> -> memref<50x64xf32, #tpu.memory_space<vmem>>
        tpu.wait_dma2 semaphore(%arg16 : memref<!tpu.dma_semaphore, #tpu.memory_space<semaphore_mem>>) src(%dma_wait3A_1714 : memref<50x64xf32, #tpu.memory_space<vmem>>) dst(%dma_wait3A_1710 : memref<50x64xf32, #tpu.memory_space<hbm>>)
        %dma_wait3A_1715 = arith.constant 1 : i32
        %dma_wait3A_1716 = arith.constant 50 : i32
        %dma_wait3A_1717 = arith.constant 0 : i32
        %dma_wait3A_1718 = tpu.memref_slice %arg6[%dma_wait3A_1715, %dma_wait3A_1716, %dma_wait3A_1717] : memref<8x200x64xf32, #tpu.memory_space<vmem>> -> memref<1x50x64xf32, #tpu.memory_space<vmem>>
        %dma_wait3A_1719 = tpu.memref_squeeze %dma_wait3A_1718 : memref<1x50x64xf32, #tpu.memory_space<vmem>> -> memref<50x64xf32, #tpu.memory_space<vmem>>
        %dma_wait3A_1720 = arith.constant 0 : i32
        %dma_wait3A_1721 = arith.constant 0 : i32
        %dma_wait3A_1722 = tpu.memref_slice %arg4[%add3A_1687, %dma_wait3A_1720, %dma_wait3A_1721] : memref<4096x56x128xf32, #tpu.memory_space<hbm>> -> memref<1x50x64xf32, #tpu.memory_space<hbm>>
        %dma_wait3A_1723 = tpu.memref_squeeze %dma_wait3A_1722 : memref<1x50x64xf32, #tpu.memory_space<hbm>> -> memref<50x64xf32, #tpu.memory_space<hbm>>
        %dma_wait3A_1724 = arith.constant 0 : i32
        %dma_wait3A_1725 = arith.constant 0 : i32
        %dma_wait3A_1726 = tpu.memref_slice %arg4[%add3A_1687, %dma_wait3A_1724, %dma_wait3A_1725] : memref<4096x56x128xf32, #tpu.memory_space<hbm>> -> memref<1x50x64xf32, #tpu.memory_space<hbm>>
        %dma_wait3A_1727 = tpu.memref_squeeze %dma_wait3A_1726 : memref<1x50x64xf32, #tpu.memory_space<hbm>> -> memref<50x64xf32, #tpu.memory_space<hbm>>
        %dma_wait3A_1728 = arith.constant 50 : i32
        %dma_wait3A_1729 = arith.constant 0 : i32
        %dma_wait3A_1730 = tpu.memref_slice %arg6[%dma_wait3A_1715, %dma_wait3A_1728, %dma_wait3A_1729] : memref<8x200x64xf32, #tpu.memory_space<vmem>> -> memref<1x50x64xf32, #tpu.memory_space<vmem>>
        %dma_wait3A_1731 = tpu.memref_squeeze %dma_wait3A_1730 : memref<1x50x64xf32, #tpu.memory_space<vmem>> -> memref<50x64xf32, #tpu.memory_space<vmem>>
        tpu.wait_dma2 semaphore(%arg16 : memref<!tpu.dma_semaphore, #tpu.memory_space<semaphore_mem>>) src(%dma_wait3A_1731 : memref<50x64xf32, #tpu.memory_space<vmem>>) dst(%dma_wait3A_1727 : memref<50x64xf32, #tpu.memory_space<hbm>>)
        %dma_wait3A_1732 = arith.constant 1 : i32
        %dma_wait3A_1733 = arith.constant 100 : i32
        %dma_wait3A_1734 = arith.constant 0 : i32
        %dma_wait3A_1735 = tpu.memref_slice %arg6[%dma_wait3A_1732, %dma_wait3A_1733, %dma_wait3A_1734] : memref<8x200x64xf32, #tpu.memory_space<vmem>> -> memref<1x50x64xf32, #tpu.memory_space<vmem>>
        %dma_wait3A_1736 = tpu.memref_squeeze %dma_wait3A_1735 : memref<1x50x64xf32, #tpu.memory_space<vmem>> -> memref<50x64xf32, #tpu.memory_space<vmem>>
        %dma_wait3A_1737 = arith.constant 0 : i32
        %dma_wait3A_1738 = arith.constant 0 : i32
        %dma_wait3A_1739 = tpu.memref_slice %arg4[%add3A_1692, %dma_wait3A_1737, %dma_wait3A_1738] : memref<4096x56x128xf32, #tpu.memory_space<hbm>> -> memref<1x50x64xf32, #tpu.memory_space<hbm>>
        %dma_wait3A_1740 = tpu.memref_squeeze %dma_wait3A_1739 : memref<1x50x64xf32, #tpu.memory_space<hbm>> -> memref<50x64xf32, #tpu.memory_space<hbm>>
        %dma_wait3A_1741 = arith.constant 0 : i32
        %dma_wait3A_1742 = arith.constant 0 : i32
        %dma_wait3A_1743 = tpu.memref_slice %arg4[%add3A_1692, %dma_wait3A_1741, %dma_wait3A_1742] : memref<4096x56x128xf32, #tpu.memory_space<hbm>> -> memref<1x50x64xf32, #tpu.memory_space<hbm>>
        %dma_wait3A_1744 = tpu.memref_squeeze %dma_wait3A_1743 : memref<1x50x64xf32, #tpu.memory_space<hbm>> -> memref<50x64xf32, #tpu.memory_space<hbm>>
        %dma_wait3A_1745 = arith.constant 100 : i32
        %dma_wait3A_1746 = arith.constant 0 : i32
        %dma_wait3A_1747 = tpu.memref_slice %arg6[%dma_wait3A_1732, %dma_wait3A_1745, %dma_wait3A_1746] : memref<8x200x64xf32, #tpu.memory_space<vmem>> -> memref<1x50x64xf32, #tpu.memory_space<vmem>>
        %dma_wait3A_1748 = tpu.memref_squeeze %dma_wait3A_1747 : memref<1x50x64xf32, #tpu.memory_space<vmem>> -> memref<50x64xf32, #tpu.memory_space<vmem>>
        tpu.wait_dma2 semaphore(%arg16 : memref<!tpu.dma_semaphore, #tpu.memory_space<semaphore_mem>>) src(%dma_wait3A_1748 : memref<50x64xf32, #tpu.memory_space<vmem>>) dst(%dma_wait3A_1744 : memref<50x64xf32, #tpu.memory_space<hbm>>)
        %dma_wait3A_1749 = arith.constant 1 : i32
        %dma_wait3A_1750 = arith.constant 150 : i32
        %dma_wait3A_1751 = arith.constant 0 : i32
        %dma_wait3A_1752 = tpu.memref_slice %arg6[%dma_wait3A_1749, %dma_wait3A_1750, %dma_wait3A_1751] : memref<8x200x64xf32, #tpu.memory_space<vmem>> -> memref<1x50x64xf32, #tpu.memory_space<vmem>>
        %dma_wait3A_1753 = tpu.memref_squeeze %dma_wait3A_1752 : memref<1x50x64xf32, #tpu.memory_space<vmem>> -> memref<50x64xf32, #tpu.memory_space<vmem>>
        %dma_wait3A_1754 = arith.constant 0 : i32
        %dma_wait3A_1755 = arith.constant 0 : i32
        %dma_wait3A_1756 = tpu.memref_slice %arg4[%add3A_1697, %dma_wait3A_1754, %dma_wait3A_1755] : memref<4096x56x128xf32, #tpu.memory_space<hbm>> -> memref<1x50x64xf32, #tpu.memory_space<hbm>>
        %dma_wait3A_1757 = tpu.memref_squeeze %dma_wait3A_1756 : memref<1x50x64xf32, #tpu.memory_space<hbm>> -> memref<50x64xf32, #tpu.memory_space<hbm>>
        %dma_wait3A_1758 = arith.constant 0 : i32
        %dma_wait3A_1759 = arith.constant 0 : i32
        %dma_wait3A_1760 = tpu.memref_slice %arg4[%add3A_1697, %dma_wait3A_1758, %dma_wait3A_1759] : memref<4096x56x128xf32, #tpu.memory_space<hbm>> -> memref<1x50x64xf32, #tpu.memory_space<hbm>>
        %dma_wait3A_1761 = tpu.memref_squeeze %dma_wait3A_1760 : memref<1x50x64xf32, #tpu.memory_space<hbm>> -> memref<50x64xf32, #tpu.memory_space<hbm>>
        %dma_wait3A_1762 = arith.constant 150 : i32
        %dma_wait3A_1763 = arith.constant 0 : i32
        %dma_wait3A_1764 = tpu.memref_slice %arg6[%dma_wait3A_1749, %dma_wait3A_1762, %dma_wait3A_1763] : memref<8x200x64xf32, #tpu.memory_space<vmem>> -> memref<1x50x64xf32, #tpu.memory_space<vmem>>
        %dma_wait3A_1765 = tpu.memref_squeeze %dma_wait3A_1764 : memref<1x50x64xf32, #tpu.memory_space<vmem>> -> memref<50x64xf32, #tpu.memory_space<vmem>>
        tpu.wait_dma2 semaphore(%arg16 : memref<!tpu.dma_semaphore, #tpu.memory_space<semaphore_mem>>) src(%dma_wait3A_1765 : memref<50x64xf32, #tpu.memory_space<vmem>>) dst(%dma_wait3A_1761 : memref<50x64xf32, #tpu.memory_space<hbm>>)
        %add3A_1766 = arith.constant 8 : i32
        %add3A_1767 = arith.addi %add3A_988, %add3A_1766 : i32
        %sub3A_1768 = arith.constant 1 : i32
        %sub3A_1769 = arith.subi %add3A_1767, %sub3A_1768 : i32
        %mul3A_1770 = arith.constant 200 : i32
        %mul3A_1771 = arith.muli %sub3A_1769, %mul3A_1770 : i32
        %dma_start3A_1772 = arith.constant 1 : i32
        %dma_start3A_1773 = arith.constant 0 : i32
        %dma_start3A_1774 = arith.constant 0 : i32
        %dma_start3A_1775 = tpu.memref_slice %arg6[%dma_start3A_1772, %dma_start3A_1773, %dma_start3A_1774] : memref<8x200x64xf32, #tpu.memory_space<vmem>> -> memref<1x200x64xf32, #tpu.memory_space<vmem>>
        %dma_start3A_1776 = tpu.memref_squeeze %dma_start3A_1775 : memref<1x200x64xf32, #tpu.memory_space<vmem>> -> memref<200x64xf32, #tpu.memory_space<vmem>>
        %dma_start3A_1777 = tpu.memref_slice %arg5[%mul3A_1771] : memref<6400xi32, #tpu.memory_space<vmem>> -> memref<200xi32, #tpu.memory_space<vmem>>
        %dma_start3A_1778 = arith.constant 0 : i32
        %dma_start3A_1779 = arith.constant 0 : i32
        %dma_start3A_1780 = tpu.memref_slice %arg3[%dma_start3A_1778, %dma_start3A_1779] : memref<100000x64xf32, #tpu.memory_space<hbm>> -> memref<100000x64xf32, #tpu.memory_space<hbm>>
        tpu.enqueue_indirect_dma source(%dma_start3A_1780 : memref<100000x64xf32, #tpu.memory_space<hbm>>) target(%dma_start3A_1776 : memref<200x64xf32, #tpu.memory_space<vmem>>) offsets(%dma_start3A_1777 : memref<200xi32, #tpu.memory_space<vmem>>) semaphore(%arg8 : memref<!tpu.dma_semaphore, #tpu.memory_space<semaphore_mem>>)
      } else {
      }
      %mul3A_1100 = arith.constant 8 : i32
      %mul3A_1101 = arith.muli %scan3A_759, %mul3A_1100 : i32
      %add3A_1102 = arith.constant 3 : i32
      %add3A_1103 = arith.addi %mul3A_1101, %add3A_1102 : i32
      %mul3A_1104 = arith.constant 200 : i32
      %mul3A_1105 = arith.muli %add3A_1103, %mul3A_1104 : i32
      %dma_wait3A_1106 = arith.constant 3 : i32
      %dma_wait3A_1107 = arith.constant 0 : i32
      %dma_wait3A_1108 = arith.constant 0 : i32
      %dma_wait3A_1109 = tpu.memref_slice %arg6[%dma_wait3A_1106, %dma_wait3A_1107, %dma_wait3A_1108] : memref<8x200x64xf32, #tpu.memory_space<vmem>> -> memref<1x200x64xf32, #tpu.memory_space<vmem>>
      %dma_wait3A_1110 = tpu.memref_squeeze %dma_wait3A_1109 : memref<1x200x64xf32, #tpu.memory_space<vmem>> -> memref<200x64xf32, #tpu.memory_space<vmem>>
      %dma_wait3A_1111 = tpu.memref_slice %arg5[%mul3A_1105] : memref<6400xi32, #tpu.memory_space<vmem>> -> memref<200xi32, #tpu.memory_space<vmem>>
      %dma_wait3A_1112 = arith.constant 0 : i32
      %dma_wait3A_1113 = arith.constant 0 : i32
      %dma_wait3A_1114 = tpu.memref_slice %arg3[%dma_wait3A_1112, %dma_wait3A_1113] : memref<100000x64xf32, #tpu.memory_space<hbm>> -> memref<100000x64xf32, #tpu.memory_space<hbm>>
      tpu.wait_indirect_dma semaphore(%arg10 : memref<!tpu.dma_semaphore, #tpu.memory_space<semaphore_mem>>) src(%dma_wait3A_1114 : memref<100000x64xf32, #tpu.memory_space<hbm>>) dst(%dma_wait3A_1110 : memref<200x64xf32, #tpu.memory_space<vmem>>)
      %mul3A_1115 = arith.constant 4 : i32
      %mul3A_1116 = arith.muli %add3A_1103, %mul3A_1115 : i32
      %add3A_1117 = arith.addi %mul3A_2, %mul3A_1116 : i32
      %add3A_1118 = arith.constant 0 : i32
      %add3A_1119 = arith.addi %add3A_1117, %add3A_1118 : i32
      %mul3A_1120 = arith.constant 4 : i32
      %mul3A_1121 = arith.muli %add3A_1103, %mul3A_1120 : i32
      %add3A_1122 = arith.addi %mul3A_2, %mul3A_1121 : i32
      %add3A_1123 = arith.constant 1 : i32
      %add3A_1124 = arith.addi %add3A_1122, %add3A_1123 : i32
      %mul3A_1125 = arith.constant 4 : i32
      %mul3A_1126 = arith.muli %add3A_1103, %mul3A_1125 : i32
      %add3A_1127 = arith.addi %mul3A_2, %mul3A_1126 : i32
      %add3A_1128 = arith.constant 2 : i32
      %add3A_1129 = arith.addi %add3A_1127, %add3A_1128 : i32
      %mul3A_1130 = arith.constant 4 : i32
      %mul3A_1131 = arith.muli %add3A_1103, %mul3A_1130 : i32
      %add3A_1132 = arith.addi %mul3A_2, %mul3A_1131 : i32
      %add3A_1133 = arith.constant 3 : i32
      %add3A_1134 = arith.addi %add3A_1132, %add3A_1133 : i32
      %dma_start3A_1135 = arith.constant 3 : i32
      %dma_start3A_1136 = arith.constant 0 : i32
      %dma_start3A_1137 = arith.constant 0 : i32
      %dma_start3A_1138 = tpu.memref_slice %arg6[%dma_start3A_1135, %dma_start3A_1136, %dma_start3A_1137] : memref<8x200x64xf32, #tpu.memory_space<vmem>> -> memref<1x50x64xf32, #tpu.memory_space<vmem>>
      %dma_start3A_1139 = tpu.memref_squeeze %dma_start3A_1138 : memref<1x50x64xf32, #tpu.memory_space<vmem>> -> memref<50x64xf32, #tpu.memory_space<vmem>>
      %dma_start3A_1140 = arith.constant 0 : i32
      %dma_start3A_1141 = arith.constant 0 : i32
      %dma_start3A_1142 = tpu.memref_slice %arg4[%add3A_1119, %dma_start3A_1140, %dma_start3A_1141] : memref<4096x56x128xf32, #tpu.memory_space<hbm>> -> memref<1x50x64xf32, #tpu.memory_space<hbm>>
      %dma_start3A_1143 = tpu.memref_squeeze %dma_start3A_1142 : memref<1x50x64xf32, #tpu.memory_space<hbm>> -> memref<50x64xf32, #tpu.memory_space<hbm>>
      %dma_start3A_1144 = arith.constant 0 : i32
      %dma_start3A_1145 = arith.constant 0 : i32
      %dma_start3A_1146 = tpu.memref_slice %arg4[%add3A_1119, %dma_start3A_1144, %dma_start3A_1145] : memref<4096x56x128xf32, #tpu.memory_space<hbm>> -> memref<1x50x64xf32, #tpu.memory_space<hbm>>
      %dma_start3A_1147 = tpu.memref_squeeze %dma_start3A_1146 : memref<1x50x64xf32, #tpu.memory_space<hbm>> -> memref<50x64xf32, #tpu.memory_space<hbm>>
      %dma_start3A_1148 = arith.constant 0 : i32
      %dma_start3A_1149 = arith.constant 0 : i32
      %dma_start3A_1150 = tpu.memref_slice %arg6[%dma_start3A_1135, %dma_start3A_1148, %dma_start3A_1149] : memref<8x200x64xf32, #tpu.memory_space<vmem>> -> memref<1x50x64xf32, #tpu.memory_space<vmem>>
      %dma_start3A_1151 = tpu.memref_squeeze %dma_start3A_1150 : memref<1x50x64xf32, #tpu.memory_space<vmem>> -> memref<50x64xf32, #tpu.memory_space<vmem>>
      tpu.enqueue_dma source(%dma_start3A_1151 : memref<50x64xf32, #tpu.memory_space<vmem>>) target(%dma_start3A_1147 : memref<50x64xf32, #tpu.memory_space<hbm>>) target_semaphore(%arg18 : memref<!tpu.dma_semaphore, #tpu.memory_space<semaphore_mem>>)
      %dma_start3A_1152 = arith.constant 3 : i32
      %dma_start3A_1153 = arith.constant 50 : i32
      %dma_start3A_1154 = arith.constant 0 : i32
      %dma_start3A_1155 = tpu.memref_slice %arg6[%dma_start3A_1152, %dma_start3A_1153, %dma_start3A_1154] : memref<8x200x64xf32, #tpu.memory_space<vmem>> -> memref<1x50x64xf32, #tpu.memory_space<vmem>>
      %dma_start3A_1156 = tpu.memref_squeeze %dma_start3A_1155 : memref<1x50x64xf32, #tpu.memory_space<vmem>> -> memref<50x64xf32, #tpu.memory_space<vmem>>
      %dma_start3A_1157 = arith.constant 0 : i32
      %dma_start3A_1158 = arith.constant 0 : i32
      %dma_start3A_1159 = tpu.memref_slice %arg4[%add3A_1124, %dma_start3A_1157, %dma_start3A_1158] : memref<4096x56x128xf32, #tpu.memory_space<hbm>> -> memref<1x50x64xf32, #tpu.memory_space<hbm>>
      %dma_start3A_1160 = tpu.memref_squeeze %dma_start3A_1159 : memref<1x50x64xf32, #tpu.memory_space<hbm>> -> memref<50x64xf32, #tpu.memory_space<hbm>>
      %dma_start3A_1161 = arith.constant 0 : i32
      %dma_start3A_1162 = arith.constant 0 : i32
      %dma_start3A_1163 = tpu.memref_slice %arg4[%add3A_1124, %dma_start3A_1161, %dma_start3A_1162] : memref<4096x56x128xf32, #tpu.memory_space<hbm>> -> memref<1x50x64xf32, #tpu.memory_space<hbm>>
      %dma_start3A_1164 = tpu.memref_squeeze %dma_start3A_1163 : memref<1x50x64xf32, #tpu.memory_space<hbm>> -> memref<50x64xf32, #tpu.memory_space<hbm>>
      %dma_start3A_1165 = arith.constant 50 : i32
      %dma_start3A_1166 = arith.constant 0 : i32
      %dma_start3A_1167 = tpu.memref_slice %arg6[%dma_start3A_1152, %dma_start3A_1165, %dma_start3A_1166] : memref<8x200x64xf32, #tpu.memory_space<vmem>> -> memref<1x50x64xf32, #tpu.memory_space<vmem>>
      %dma_start3A_1168 = tpu.memref_squeeze %dma_start3A_1167 : memref<1x50x64xf32, #tpu.memory_space<vmem>> -> memref<50x64xf32, #tpu.memory_space<vmem>>
      tpu.enqueue_dma source(%dma_start3A_1168 : memref<50x64xf32, #tpu.memory_space<vmem>>) target(%dma_start3A_1164 : memref<50x64xf32, #tpu.memory_space<hbm>>) target_semaphore(%arg18 : memref<!tpu.dma_semaphore, #tpu.memory_space<semaphore_mem>>)
      %dma_start3A_1169 = arith.constant 3 : i32
      %dma_start3A_1170 = arith.constant 100 : i32
      %dma_start3A_1171 = arith.constant 0 : i32
      %dma_start3A_1172 = tpu.memref_slice %arg6[%dma_start3A_1169, %dma_start3A_1170, %dma_start3A_1171] : memref<8x200x64xf32, #tpu.memory_space<vmem>> -> memref<1x50x64xf32, #tpu.memory_space<vmem>>
      %dma_start3A_1173 = tpu.memref_squeeze %dma_start3A_1172 : memref<1x50x64xf32, #tpu.memory_space<vmem>> -> memref<50x64xf32, #tpu.memory_space<vmem>>
      %dma_start3A_1174 = arith.constant 0 : i32
      %dma_start3A_1175 = arith.constant 0 : i32
      %dma_start3A_1176 = tpu.memref_slice %arg4[%add3A_1129, %dma_start3A_1174, %dma_start3A_1175] : memref<4096x56x128xf32, #tpu.memory_space<hbm>> -> memref<1x50x64xf32, #tpu.memory_space<hbm>>
      %dma_start3A_1177 = tpu.memref_squeeze %dma_start3A_1176 : memref<1x50x64xf32, #tpu.memory_space<hbm>> -> memref<50x64xf32, #tpu.memory_space<hbm>>
      %dma_start3A_1178 = arith.constant 0 : i32
      %dma_start3A_1179 = arith.constant 0 : i32
      %dma_start3A_1180 = tpu.memref_slice %arg4[%add3A_1129, %dma_start3A_1178, %dma_start3A_1179] : memref<4096x56x128xf32, #tpu.memory_space<hbm>> -> memref<1x50x64xf32, #tpu.memory_space<hbm>>
      %dma_start3A_1181 = tpu.memref_squeeze %dma_start3A_1180 : memref<1x50x64xf32, #tpu.memory_space<hbm>> -> memref<50x64xf32, #tpu.memory_space<hbm>>
      %dma_start3A_1182 = arith.constant 100 : i32
      %dma_start3A_1183 = arith.constant 0 : i32
      %dma_start3A_1184 = tpu.memref_slice %arg6[%dma_start3A_1169, %dma_start3A_1182, %dma_start3A_1183] : memref<8x200x64xf32, #tpu.memory_space<vmem>> -> memref<1x50x64xf32, #tpu.memory_space<vmem>>
      %dma_start3A_1185 = tpu.memref_squeeze %dma_start3A_1184 : memref<1x50x64xf32, #tpu.memory_space<vmem>> -> memref<50x64xf32, #tpu.memory_space<vmem>>
      tpu.enqueue_dma source(%dma_start3A_1185 : memref<50x64xf32, #tpu.memory_space<vmem>>) target(%dma_start3A_1181 : memref<50x64xf32, #tpu.memory_space<hbm>>) target_semaphore(%arg18 : memref<!tpu.dma_semaphore, #tpu.memory_space<semaphore_mem>>)
      %dma_start3A_1186 = arith.constant 3 : i32
      %dma_start3A_1187 = arith.constant 150 : i32
      %dma_start3A_1188 = arith.constant 0 : i32
      %dma_start3A_1189 = tpu.memref_slice %arg6[%dma_start3A_1186, %dma_start3A_1187, %dma_start3A_1188] : memref<8x200x64xf32, #tpu.memory_space<vmem>> -> memref<1x50x64xf32, #tpu.memory_space<vmem>>
      %dma_start3A_1190 = tpu.memref_squeeze %dma_start3A_1189 : memref<1x50x64xf32, #tpu.memory_space<vmem>> -> memref<50x64xf32, #tpu.memory_space<vmem>>
      %dma_start3A_1191 = arith.constant 0 : i32
      %dma_start3A_1192 = arith.constant 0 : i32
      %dma_start3A_1193 = tpu.memref_slice %arg4[%add3A_1134, %dma_start3A_1191, %dma_start3A_1192] : memref<4096x56x128xf32, #tpu.memory_space<hbm>> -> memref<1x50x64xf32, #tpu.memory_space<hbm>>
      %dma_start3A_1194 = tpu.memref_squeeze %dma_start3A_1193 : memref<1x50x64xf32, #tpu.memory_space<hbm>> -> memref<50x64xf32, #tpu.memory_space<hbm>>
      %dma_start3A_1195 = arith.constant 0 : i32
      %dma_start3A_1196 = arith.constant 0 : i32
      %dma_start3A_1197 = tpu.memref_slice %arg4[%add3A_1134, %dma_start3A_1195, %dma_start3A_1196] : memref<4096x56x128xf32, #tpu.memory_space<hbm>> -> memref<1x50x64xf32, #tpu.memory_space<hbm>>
      %dma_start3A_1198 = tpu.memref_squeeze %dma_start3A_1197 : memref<1x50x64xf32, #tpu.memory_space<hbm>> -> memref<50x64xf32, #tpu.memory_space<hbm>>
      %dma_start3A_1199 = arith.constant 150 : i32
      %dma_start3A_1200 = arith.constant 0 : i32
      %dma_start3A_1201 = tpu.memref_slice %arg6[%dma_start3A_1186, %dma_start3A_1199, %dma_start3A_1200] : memref<8x200x64xf32, #tpu.memory_space<vmem>> -> memref<1x50x64xf32, #tpu.memory_space<vmem>>
      %dma_start3A_1202 = tpu.memref_squeeze %dma_start3A_1201 : memref<1x50x64xf32, #tpu.memory_space<vmem>> -> memref<50x64xf32, #tpu.memory_space<vmem>>
      tpu.enqueue_dma source(%dma_start3A_1202 : memref<50x64xf32, #tpu.memory_space<vmem>>) target(%dma_start3A_1198 : memref<50x64xf32, #tpu.memory_space<hbm>>) target_semaphore(%arg18 : memref<!tpu.dma_semaphore, #tpu.memory_space<semaphore_mem>>)
      %ge3A_1203 = arith.constant 1 : i32
      %ge3A_1204 = arith.cmpi sge, %add3A_1103, %ge3A_1203 : i32
      %add3A_1205 = arith.constant 8 : i32
      %add3A_1206 = arith.addi %add3A_1103, %add3A_1205 : i32
      %sub3A_1207 = arith.constant 1 : i32
      %sub3A_1208 = arith.subi %add3A_1206, %sub3A_1207 : i32
      %lt3A_1209 = arith.constant 32 : i32
      %lt3A_1210 = arith.cmpi slt, %sub3A_1208, %lt3A_1209 : i32
      %and3A_1211 = arith.andi %ge3A_1204, %lt3A_1210 : i1
      %convert_element_type3A_1212 = arith.extui %and3A_1211 : i1 to i32
      %cond3A_1213 = arith.constant 0 : i32
      %cond3A_1214 = arith.cmpi ne, %convert_element_type3A_1212, %cond3A_1213 : i32
      scf.if %cond3A_1214 {
        %sub3A_1676 = arith.constant 1 : i32
        %sub3A_1677 = arith.subi %add3A_1103, %sub3A_1676 : i32
        %mul3A_1678 = arith.constant 4 : i32
        %mul3A_1679 = arith.muli %sub3A_1677, %mul3A_1678 : i32
        %add3A_1680 = arith.addi %mul3A_2, %mul3A_1679 : i32
        %add3A_1681 = arith.constant 0 : i32
        %add3A_1682 = arith.addi %add3A_1680, %add3A_1681 : i32
        %mul3A_1683 = arith.constant 4 : i32
        %mul3A_1684 = arith.muli %sub3A_1677, %mul3A_1683 : i32
        %add3A_1685 = arith.addi %mul3A_2, %mul3A_1684 : i32
        %add3A_1686 = arith.constant 1 : i32
        %add3A_1687 = arith.addi %add3A_1685, %add3A_1686 : i32
        %mul3A_1688 = arith.constant 4 : i32
        %mul3A_1689 = arith.muli %sub3A_1677, %mul3A_1688 : i32
        %add3A_1690 = arith.addi %mul3A_2, %mul3A_1689 : i32
        %add3A_1691 = arith.constant 2 : i32
        %add3A_1692 = arith.addi %add3A_1690, %add3A_1691 : i32
        %mul3A_1693 = arith.constant 4 : i32
        %mul3A_1694 = arith.muli %sub3A_1677, %mul3A_1693 : i32
        %add3A_1695 = arith.addi %mul3A_2, %mul3A_1694 : i32
        %add3A_1696 = arith.constant 3 : i32
        %add3A_1697 = arith.addi %add3A_1695, %add3A_1696 : i32
        %dma_wait3A_1698 = arith.constant 2 : i32
        %dma_wait3A_1699 = arith.constant 0 : i32
        %dma_wait3A_1700 = arith.constant 0 : i32
        %dma_wait3A_1701 = tpu.memref_slice %arg6[%dma_wait3A_1698, %dma_wait3A_1699, %dma_wait3A_1700] : memref<8x200x64xf32, #tpu.memory_space<vmem>> -> memref<1x50x64xf32, #tpu.memory_space<vmem>>
        %dma_wait3A_1702 = tpu.memref_squeeze %dma_wait3A_1701 : memref<1x50x64xf32, #tpu.memory_space<vmem>> -> memref<50x64xf32, #tpu.memory_space<vmem>>
        %dma_wait3A_1703 = arith.constant 0 : i32
        %dma_wait3A_1704 = arith.constant 0 : i32
        %dma_wait3A_1705 = tpu.memref_slice %arg4[%add3A_1682, %dma_wait3A_1703, %dma_wait3A_1704] : memref<4096x56x128xf32, #tpu.memory_space<hbm>> -> memref<1x50x64xf32, #tpu.memory_space<hbm>>
        %dma_wait3A_1706 = tpu.memref_squeeze %dma_wait3A_1705 : memref<1x50x64xf32, #tpu.memory_space<hbm>> -> memref<50x64xf32, #tpu.memory_space<hbm>>
        %dma_wait3A_1707 = arith.constant 0 : i32
        %dma_wait3A_1708 = arith.constant 0 : i32
        %dma_wait3A_1709 = tpu.memref_slice %arg4[%add3A_1682, %dma_wait3A_1707, %dma_wait3A_1708] : memref<4096x56x128xf32, #tpu.memory_space<hbm>> -> memref<1x50x64xf32, #tpu.memory_space<hbm>>
        %dma_wait3A_1710 = tpu.memref_squeeze %dma_wait3A_1709 : memref<1x50x64xf32, #tpu.memory_space<hbm>> -> memref<50x64xf32, #tpu.memory_space<hbm>>
        %dma_wait3A_1711 = arith.constant 0 : i32
        %dma_wait3A_1712 = arith.constant 0 : i32
        %dma_wait3A_1713 = tpu.memref_slice %arg6[%dma_wait3A_1698, %dma_wait3A_1711, %dma_wait3A_1712] : memref<8x200x64xf32, #tpu.memory_space<vmem>> -> memref<1x50x64xf32, #tpu.memory_space<vmem>>
        %dma_wait3A_1714 = tpu.memref_squeeze %dma_wait3A_1713 : memref<1x50x64xf32, #tpu.memory_space<vmem>> -> memref<50x64xf32, #tpu.memory_space<vmem>>
        tpu.wait_dma2 semaphore(%arg17 : memref<!tpu.dma_semaphore, #tpu.memory_space<semaphore_mem>>) src(%dma_wait3A_1714 : memref<50x64xf32, #tpu.memory_space<vmem>>) dst(%dma_wait3A_1710 : memref<50x64xf32, #tpu.memory_space<hbm>>)
        %dma_wait3A_1715 = arith.constant 2 : i32
        %dma_wait3A_1716 = arith.constant 50 : i32
        %dma_wait3A_1717 = arith.constant 0 : i32
        %dma_wait3A_1718 = tpu.memref_slice %arg6[%dma_wait3A_1715, %dma_wait3A_1716, %dma_wait3A_1717] : memref<8x200x64xf32, #tpu.memory_space<vmem>> -> memref<1x50x64xf32, #tpu.memory_space<vmem>>
        %dma_wait3A_1719 = tpu.memref_squeeze %dma_wait3A_1718 : memref<1x50x64xf32, #tpu.memory_space<vmem>> -> memref<50x64xf32, #tpu.memory_space<vmem>>
        %dma_wait3A_1720 = arith.constant 0 : i32
        %dma_wait3A_1721 = arith.constant 0 : i32
        %dma_wait3A_1722 = tpu.memref_slice %arg4[%add3A_1687, %dma_wait3A_1720, %dma_wait3A_1721] : memref<4096x56x128xf32, #tpu.memory_space<hbm>> -> memref<1x50x64xf32, #tpu.memory_space<hbm>>
        %dma_wait3A_1723 = tpu.memref_squeeze %dma_wait3A_1722 : memref<1x50x64xf32, #tpu.memory_space<hbm>> -> memref<50x64xf32, #tpu.memory_space<hbm>>
        %dma_wait3A_1724 = arith.constant 0 : i32
        %dma_wait3A_1725 = arith.constant 0 : i32
        %dma_wait3A_1726 = tpu.memref_slice %arg4[%add3A_1687, %dma_wait3A_1724, %dma_wait3A_1725] : memref<4096x56x128xf32, #tpu.memory_space<hbm>> -> memref<1x50x64xf32, #tpu.memory_space<hbm>>
        %dma_wait3A_1727 = tpu.memref_squeeze %dma_wait3A_1726 : memref<1x50x64xf32, #tpu.memory_space<hbm>> -> memref<50x64xf32, #tpu.memory_space<hbm>>
        %dma_wait3A_1728 = arith.constant 50 : i32
        %dma_wait3A_1729 = arith.constant 0 : i32
        %dma_wait3A_1730 = tpu.memref_slice %arg6[%dma_wait3A_1715, %dma_wait3A_1728, %dma_wait3A_1729] : memref<8x200x64xf32, #tpu.memory_space<vmem>> -> memref<1x50x64xf32, #tpu.memory_space<vmem>>
        %dma_wait3A_1731 = tpu.memref_squeeze %dma_wait3A_1730 : memref<1x50x64xf32, #tpu.memory_space<vmem>> -> memref<50x64xf32, #tpu.memory_space<vmem>>
        tpu.wait_dma2 semaphore(%arg17 : memref<!tpu.dma_semaphore, #tpu.memory_space<semaphore_mem>>) src(%dma_wait3A_1731 : memref<50x64xf32, #tpu.memory_space<vmem>>) dst(%dma_wait3A_1727 : memref<50x64xf32, #tpu.memory_space<hbm>>)
        %dma_wait3A_1732 = arith.constant 2 : i32
        %dma_wait3A_1733 = arith.constant 100 : i32
        %dma_wait3A_1734 = arith.constant 0 : i32
        %dma_wait3A_1735 = tpu.memref_slice %arg6[%dma_wait3A_1732, %dma_wait3A_1733, %dma_wait3A_1734] : memref<8x200x64xf32, #tpu.memory_space<vmem>> -> memref<1x50x64xf32, #tpu.memory_space<vmem>>
        %dma_wait3A_1736 = tpu.memref_squeeze %dma_wait3A_1735 : memref<1x50x64xf32, #tpu.memory_space<vmem>> -> memref<50x64xf32, #tpu.memory_space<vmem>>
        %dma_wait3A_1737 = arith.constant 0 : i32
        %dma_wait3A_1738 = arith.constant 0 : i32
        %dma_wait3A_1739 = tpu.memref_slice %arg4[%add3A_1692, %dma_wait3A_1737, %dma_wait3A_1738] : memref<4096x56x128xf32, #tpu.memory_space<hbm>> -> memref<1x50x64xf32, #tpu.memory_space<hbm>>
        %dma_wait3A_1740 = tpu.memref_squeeze %dma_wait3A_1739 : memref<1x50x64xf32, #tpu.memory_space<hbm>> -> memref<50x64xf32, #tpu.memory_space<hbm>>
        %dma_wait3A_1741 = arith.constant 0 : i32
        %dma_wait3A_1742 = arith.constant 0 : i32
        %dma_wait3A_1743 = tpu.memref_slice %arg4[%add3A_1692, %dma_wait3A_1741, %dma_wait3A_1742] : memref<4096x56x128xf32, #tpu.memory_space<hbm>> -> memref<1x50x64xf32, #tpu.memory_space<hbm>>
        %dma_wait3A_1744 = tpu.memref_squeeze %dma_wait3A_1743 : memref<1x50x64xf32, #tpu.memory_space<hbm>> -> memref<50x64xf32, #tpu.memory_space<hbm>>
        %dma_wait3A_1745 = arith.constant 100 : i32
        %dma_wait3A_1746 = arith.constant 0 : i32
        %dma_wait3A_1747 = tpu.memref_slice %arg6[%dma_wait3A_1732, %dma_wait3A_1745, %dma_wait3A_1746] : memref<8x200x64xf32, #tpu.memory_space<vmem>> -> memref<1x50x64xf32, #tpu.memory_space<vmem>>
        %dma_wait3A_1748 = tpu.memref_squeeze %dma_wait3A_1747 : memref<1x50x64xf32, #tpu.memory_space<vmem>> -> memref<50x64xf32, #tpu.memory_space<vmem>>
        tpu.wait_dma2 semaphore(%arg17 : memref<!tpu.dma_semaphore, #tpu.memory_space<semaphore_mem>>) src(%dma_wait3A_1748 : memref<50x64xf32, #tpu.memory_space<vmem>>) dst(%dma_wait3A_1744 : memref<50x64xf32, #tpu.memory_space<hbm>>)
        %dma_wait3A_1749 = arith.constant 2 : i32
        %dma_wait3A_1750 = arith.constant 150 : i32
        %dma_wait3A_1751 = arith.constant 0 : i32
        %dma_wait3A_1752 = tpu.memref_slice %arg6[%dma_wait3A_1749, %dma_wait3A_1750, %dma_wait3A_1751] : memref<8x200x64xf32, #tpu.memory_space<vmem>> -> memref<1x50x64xf32, #tpu.memory_space<vmem>>
        %dma_wait3A_1753 = tpu.memref_squeeze %dma_wait3A_1752 : memref<1x50x64xf32, #tpu.memory_space<vmem>> -> memref<50x64xf32, #tpu.memory_space<vmem>>
        %dma_wait3A_1754 = arith.constant 0 : i32
        %dma_wait3A_1755 = arith.constant 0 : i32
        %dma_wait3A_1756 = tpu.memref_slice %arg4[%add3A_1697, %dma_wait3A_1754, %dma_wait3A_1755] : memref<4096x56x128xf32, #tpu.memory_space<hbm>> -> memref<1x50x64xf32, #tpu.memory_space<hbm>>
        %dma_wait3A_1757 = tpu.memref_squeeze %dma_wait3A_1756 : memref<1x50x64xf32, #tpu.memory_space<hbm>> -> memref<50x64xf32, #tpu.memory_space<hbm>>
        %dma_wait3A_1758 = arith.constant 0 : i32
        %dma_wait3A_1759 = arith.constant 0 : i32
        %dma_wait3A_1760 = tpu.memref_slice %arg4[%add3A_1697, %dma_wait3A_1758, %dma_wait3A_1759] : memref<4096x56x128xf32, #tpu.memory_space<hbm>> -> memref<1x50x64xf32, #tpu.memory_space<hbm>>
        %dma_wait3A_1761 = tpu.memref_squeeze %dma_wait3A_1760 : memref<1x50x64xf32, #tpu.memory_space<hbm>> -> memref<50x64xf32, #tpu.memory_space<hbm>>
        %dma_wait3A_1762 = arith.constant 150 : i32
        %dma_wait3A_1763 = arith.constant 0 : i32
        %dma_wait3A_1764 = tpu.memref_slice %arg6[%dma_wait3A_1749, %dma_wait3A_1762, %dma_wait3A_1763] : memref<8x200x64xf32, #tpu.memory_space<vmem>> -> memref<1x50x64xf32, #tpu.memory_space<vmem>>
        %dma_wait3A_1765 = tpu.memref_squeeze %dma_wait3A_1764 : memref<1x50x64xf32, #tpu.memory_space<vmem>> -> memref<50x64xf32, #tpu.memory_space<vmem>>
        tpu.wait_dma2 semaphore(%arg17 : memref<!tpu.dma_semaphore, #tpu.memory_space<semaphore_mem>>) src(%dma_wait3A_1765 : memref<50x64xf32, #tpu.memory_space<vmem>>) dst(%dma_wait3A_1761 : memref<50x64xf32, #tpu.memory_space<hbm>>)
        %add3A_1766 = arith.constant 8 : i32
        %add3A_1767 = arith.addi %add3A_1103, %add3A_1766 : i32
        %sub3A_1768 = arith.constant 1 : i32
        %sub3A_1769 = arith.subi %add3A_1767, %sub3A_1768 : i32
        %mul3A_1770 = arith.constant 200 : i32
        %mul3A_1771 = arith.muli %sub3A_1769, %mul3A_1770 : i32
        %dma_start3A_1772 = arith.constant 2 : i32
        %dma_start3A_1773 = arith.constant 0 : i32
        %dma_start3A_1774 = arith.constant 0 : i32
        %dma_start3A_1775 = tpu.memref_slice %arg6[%dma_start3A_1772, %dma_start3A_1773, %dma_start3A_1774] : memref<8x200x64xf32, #tpu.memory_space<vmem>> -> memref<1x200x64xf32, #tpu.memory_space<vmem>>
        %dma_start3A_1776 = tpu.memref_squeeze %dma_start3A_1775 : memref<1x200x64xf32, #tpu.memory_space<vmem>> -> memref<200x64xf32, #tpu.memory_space<vmem>>
        %dma_start3A_1777 = tpu.memref_slice %arg5[%mul3A_1771] : memref<6400xi32, #tpu.memory_space<vmem>> -> memref<200xi32, #tpu.memory_space<vmem>>
        %dma_start3A_1778 = arith.constant 0 : i32
        %dma_start3A_1779 = arith.constant 0 : i32
        %dma_start3A_1780 = tpu.memref_slice %arg3[%dma_start3A_1778, %dma_start3A_1779] : memref<100000x64xf32, #tpu.memory_space<hbm>> -> memref<100000x64xf32, #tpu.memory_space<hbm>>
        tpu.enqueue_indirect_dma source(%dma_start3A_1780 : memref<100000x64xf32, #tpu.memory_space<hbm>>) target(%dma_start3A_1776 : memref<200x64xf32, #tpu.memory_space<vmem>>) offsets(%dma_start3A_1777 : memref<200xi32, #tpu.memory_space<vmem>>) semaphore(%arg9 : memref<!tpu.dma_semaphore, #tpu.memory_space<semaphore_mem>>)
      } else {
      }
      %mul3A_1215 = arith.constant 8 : i32
      %mul3A_1216 = arith.muli %scan3A_759, %mul3A_1215 : i32
      %add3A_1217 = arith.constant 4 : i32
      %add3A_1218 = arith.addi %mul3A_1216, %add3A_1217 : i32
      %mul3A_1219 = arith.constant 200 : i32
      %mul3A_1220 = arith.muli %add3A_1218, %mul3A_1219 : i32
      %dma_wait3A_1221 = arith.constant 4 : i32
      %dma_wait3A_1222 = arith.constant 0 : i32
      %dma_wait3A_1223 = arith.constant 0 : i32
      %dma_wait3A_1224 = tpu.memref_slice %arg6[%dma_wait3A_1221, %dma_wait3A_1222, %dma_wait3A_1223] : memref<8x200x64xf32, #tpu.memory_space<vmem>> -> memref<1x200x64xf32, #tpu.memory_space<vmem>>
      %dma_wait3A_1225 = tpu.memref_squeeze %dma_wait3A_1224 : memref<1x200x64xf32, #tpu.memory_space<vmem>> -> memref<200x64xf32, #tpu.memory_space<vmem>>
      %dma_wait3A_1226 = tpu.memref_slice %arg5[%mul3A_1220] : memref<6400xi32, #tpu.memory_space<vmem>> -> memref<200xi32, #tpu.memory_space<vmem>>
      %dma_wait3A_1227 = arith.constant 0 : i32
      %dma_wait3A_1228 = arith.constant 0 : i32
      %dma_wait3A_1229 = tpu.memref_slice %arg3[%dma_wait3A_1227, %dma_wait3A_1228] : memref<100000x64xf32, #tpu.memory_space<hbm>> -> memref<100000x64xf32, #tpu.memory_space<hbm>>
      tpu.wait_indirect_dma semaphore(%arg11 : memref<!tpu.dma_semaphore, #tpu.memory_space<semaphore_mem>>) src(%dma_wait3A_1229 : memref<100000x64xf32, #tpu.memory_space<hbm>>) dst(%dma_wait3A_1225 : memref<200x64xf32, #tpu.memory_space<vmem>>)
      %mul3A_1230 = arith.constant 4 : i32
      %mul3A_1231 = arith.muli %add3A_1218, %mul3A_1230 : i32
      %add3A_1232 = arith.addi %mul3A_2, %mul3A_1231 : i32
      %add3A_1233 = arith.constant 0 : i32
      %add3A_1234 = arith.addi %add3A_1232, %add3A_1233 : i32
      %mul3A_1235 = arith.constant 4 : i32
      %mul3A_1236 = arith.muli %add3A_1218, %mul3A_1235 : i32
      %add3A_1237 = arith.addi %mul3A_2, %mul3A_1236 : i32
      %add3A_1238 = arith.constant 1 : i32
      %add3A_1239 = arith.addi %add3A_1237, %add3A_1238 : i32
      %mul3A_1240 = arith.constant 4 : i32
      %mul3A_1241 = arith.muli %add3A_1218, %mul3A_1240 : i32
      %add3A_1242 = arith.addi %mul3A_2, %mul3A_1241 : i32
      %add3A_1243 = arith.constant 2 : i32
      %add3A_1244 = arith.addi %add3A_1242, %add3A_1243 : i32
      %mul3A_1245 = arith.constant 4 : i32
      %mul3A_1246 = arith.muli %add3A_1218, %mul3A_1245 : i32
      %add3A_1247 = arith.addi %mul3A_2, %mul3A_1246 : i32
      %add3A_1248 = arith.constant 3 : i32
      %add3A_1249 = arith.addi %add3A_1247, %add3A_1248 : i32
      %dma_start3A_1250 = arith.constant 4 : i32
      %dma_start3A_1251 = arith.constant 0 : i32
      %dma_start3A_1252 = arith.constant 0 : i32
      %dma_start3A_1253 = tpu.memref_slice %arg6[%dma_start3A_1250, %dma_start3A_1251, %dma_start3A_1252] : memref<8x200x64xf32, #tpu.memory_space<vmem>> -> memref<1x50x64xf32, #tpu.memory_space<vmem>>
      %dma_start3A_1254 = tpu.memref_squeeze %dma_start3A_1253 : memref<1x50x64xf32, #tpu.memory_space<vmem>> -> memref<50x64xf32, #tpu.memory_space<vmem>>
      %dma_start3A_1255 = arith.constant 0 : i32
      %dma_start3A_1256 = arith.constant 0 : i32
      %dma_start3A_1257 = tpu.memref_slice %arg4[%add3A_1234, %dma_start3A_1255, %dma_start3A_1256] : memref<4096x56x128xf32, #tpu.memory_space<hbm>> -> memref<1x50x64xf32, #tpu.memory_space<hbm>>
      %dma_start3A_1258 = tpu.memref_squeeze %dma_start3A_1257 : memref<1x50x64xf32, #tpu.memory_space<hbm>> -> memref<50x64xf32, #tpu.memory_space<hbm>>
      %dma_start3A_1259 = arith.constant 0 : i32
      %dma_start3A_1260 = arith.constant 0 : i32
      %dma_start3A_1261 = tpu.memref_slice %arg4[%add3A_1234, %dma_start3A_1259, %dma_start3A_1260] : memref<4096x56x128xf32, #tpu.memory_space<hbm>> -> memref<1x50x64xf32, #tpu.memory_space<hbm>>
      %dma_start3A_1262 = tpu.memref_squeeze %dma_start3A_1261 : memref<1x50x64xf32, #tpu.memory_space<hbm>> -> memref<50x64xf32, #tpu.memory_space<hbm>>
      %dma_start3A_1263 = arith.constant 0 : i32
      %dma_start3A_1264 = arith.constant 0 : i32
      %dma_start3A_1265 = tpu.memref_slice %arg6[%dma_start3A_1250, %dma_start3A_1263, %dma_start3A_1264] : memref<8x200x64xf32, #tpu.memory_space<vmem>> -> memref<1x50x64xf32, #tpu.memory_space<vmem>>
      %dma_start3A_1266 = tpu.memref_squeeze %dma_start3A_1265 : memref<1x50x64xf32, #tpu.memory_space<vmem>> -> memref<50x64xf32, #tpu.memory_space<vmem>>
      tpu.enqueue_dma source(%dma_start3A_1266 : memref<50x64xf32, #tpu.memory_space<vmem>>) target(%dma_start3A_1262 : memref<50x64xf32, #tpu.memory_space<hbm>>) target_semaphore(%arg19 : memref<!tpu.dma_semaphore, #tpu.memory_space<semaphore_mem>>)
      %dma_start3A_1267 = arith.constant 4 : i32
      %dma_start3A_1268 = arith.constant 50 : i32
      %dma_start3A_1269 = arith.constant 0 : i32
      %dma_start3A_1270 = tpu.memref_slice %arg6[%dma_start3A_1267, %dma_start3A_1268, %dma_start3A_1269] : memref<8x200x64xf32, #tpu.memory_space<vmem>> -> memref<1x50x64xf32, #tpu.memory_space<vmem>>
      %dma_start3A_1271 = tpu.memref_squeeze %dma_start3A_1270 : memref<1x50x64xf32, #tpu.memory_space<vmem>> -> memref<50x64xf32, #tpu.memory_space<vmem>>
      %dma_start3A_1272 = arith.constant 0 : i32
      %dma_start3A_1273 = arith.constant 0 : i32
      %dma_start3A_1274 = tpu.memref_slice %arg4[%add3A_1239, %dma_start3A_1272, %dma_start3A_1273] : memref<4096x56x128xf32, #tpu.memory_space<hbm>> -> memref<1x50x64xf32, #tpu.memory_space<hbm>>
      %dma_start3A_1275 = tpu.memref_squeeze %dma_start3A_1274 : memref<1x50x64xf32, #tpu.memory_space<hbm>> -> memref<50x64xf32, #tpu.memory_space<hbm>>
      %dma_start3A_1276 = arith.constant 0 : i32
      %dma_start3A_1277 = arith.constant 0 : i32
      %dma_start3A_1278 = tpu.memref_slice %arg4[%add3A_1239, %dma_start3A_1276, %dma_start3A_1277] : memref<4096x56x128xf32, #tpu.memory_space<hbm>> -> memref<1x50x64xf32, #tpu.memory_space<hbm>>
      %dma_start3A_1279 = tpu.memref_squeeze %dma_start3A_1278 : memref<1x50x64xf32, #tpu.memory_space<hbm>> -> memref<50x64xf32, #tpu.memory_space<hbm>>
      %dma_start3A_1280 = arith.constant 50 : i32
      %dma_start3A_1281 = arith.constant 0 : i32
      %dma_start3A_1282 = tpu.memref_slice %arg6[%dma_start3A_1267, %dma_start3A_1280, %dma_start3A_1281] : memref<8x200x64xf32, #tpu.memory_space<vmem>> -> memref<1x50x64xf32, #tpu.memory_space<vmem>>
      %dma_start3A_1283 = tpu.memref_squeeze %dma_start3A_1282 : memref<1x50x64xf32, #tpu.memory_space<vmem>> -> memref<50x64xf32, #tpu.memory_space<vmem>>
      tpu.enqueue_dma source(%dma_start3A_1283 : memref<50x64xf32, #tpu.memory_space<vmem>>) target(%dma_start3A_1279 : memref<50x64xf32, #tpu.memory_space<hbm>>) target_semaphore(%arg19 : memref<!tpu.dma_semaphore, #tpu.memory_space<semaphore_mem>>)
      %dma_start3A_1284 = arith.constant 4 : i32
      %dma_start3A_1285 = arith.constant 100 : i32
      %dma_start3A_1286 = arith.constant 0 : i32
      %dma_start3A_1287 = tpu.memref_slice %arg6[%dma_start3A_1284, %dma_start3A_1285, %dma_start3A_1286] : memref<8x200x64xf32, #tpu.memory_space<vmem>> -> memref<1x50x64xf32, #tpu.memory_space<vmem>>
      %dma_start3A_1288 = tpu.memref_squeeze %dma_start3A_1287 : memref<1x50x64xf32, #tpu.memory_space<vmem>> -> memref<50x64xf32, #tpu.memory_space<vmem>>
      %dma_start3A_1289 = arith.constant 0 : i32
      %dma_start3A_1290 = arith.constant 0 : i32
      %dma_start3A_1291 = tpu.memref_slice %arg4[%add3A_1244, %dma_start3A_1289, %dma_start3A_1290] : memref<4096x56x128xf32, #tpu.memory_space<hbm>> -> memref<1x50x64xf32, #tpu.memory_space<hbm>>
      %dma_start3A_1292 = tpu.memref_squeeze %dma_start3A_1291 : memref<1x50x64xf32, #tpu.memory_space<hbm>> -> memref<50x64xf32, #tpu.memory_space<hbm>>
      %dma_start3A_1293 = arith.constant 0 : i32
      %dma_start3A_1294 = arith.constant 0 : i32
      %dma_start3A_1295 = tpu.memref_slice %arg4[%add3A_1244, %dma_start3A_1293, %dma_start3A_1294] : memref<4096x56x128xf32, #tpu.memory_space<hbm>> -> memref<1x50x64xf32, #tpu.memory_space<hbm>>
      %dma_start3A_1296 = tpu.memref_squeeze %dma_start3A_1295 : memref<1x50x64xf32, #tpu.memory_space<hbm>> -> memref<50x64xf32, #tpu.memory_space<hbm>>
      %dma_start3A_1297 = arith.constant 100 : i32
      %dma_start3A_1298 = arith.constant 0 : i32
      %dma_start3A_1299 = tpu.memref_slice %arg6[%dma_start3A_1284, %dma_start3A_1297, %dma_start3A_1298] : memref<8x200x64xf32, #tpu.memory_space<vmem>> -> memref<1x50x64xf32, #tpu.memory_space<vmem>>
      %dma_start3A_1300 = tpu.memref_squeeze %dma_start3A_1299 : memref<1x50x64xf32, #tpu.memory_space<vmem>> -> memref<50x64xf32, #tpu.memory_space<vmem>>
      tpu.enqueue_dma source(%dma_start3A_1300 : memref<50x64xf32, #tpu.memory_space<vmem>>) target(%dma_start3A_1296 : memref<50x64xf32, #tpu.memory_space<hbm>>) target_semaphore(%arg19 : memref<!tpu.dma_semaphore, #tpu.memory_space<semaphore_mem>>)
      %dma_start3A_1301 = arith.constant 4 : i32
      %dma_start3A_1302 = arith.constant 150 : i32
      %dma_start3A_1303 = arith.constant 0 : i32
      %dma_start3A_1304 = tpu.memref_slice %arg6[%dma_start3A_1301, %dma_start3A_1302, %dma_start3A_1303] : memref<8x200x64xf32, #tpu.memory_space<vmem>> -> memref<1x50x64xf32, #tpu.memory_space<vmem>>
      %dma_start3A_1305 = tpu.memref_squeeze %dma_start3A_1304 : memref<1x50x64xf32, #tpu.memory_space<vmem>> -> memref<50x64xf32, #tpu.memory_space<vmem>>
      %dma_start3A_1306 = arith.constant 0 : i32
      %dma_start3A_1307 = arith.constant 0 : i32
      %dma_start3A_1308 = tpu.memref_slice %arg4[%add3A_1249, %dma_start3A_1306, %dma_start3A_1307] : memref<4096x56x128xf32, #tpu.memory_space<hbm>> -> memref<1x50x64xf32, #tpu.memory_space<hbm>>
      %dma_start3A_1309 = tpu.memref_squeeze %dma_start3A_1308 : memref<1x50x64xf32, #tpu.memory_space<hbm>> -> memref<50x64xf32, #tpu.memory_space<hbm>>
      %dma_start3A_1310 = arith.constant 0 : i32
      %dma_start3A_1311 = arith.constant 0 : i32
      %dma_start3A_1312 = tpu.memref_slice %arg4[%add3A_1249, %dma_start3A_1310, %dma_start3A_1311] : memref<4096x56x128xf32, #tpu.memory_space<hbm>> -> memref<1x50x64xf32, #tpu.memory_space<hbm>>
      %dma_start3A_1313 = tpu.memref_squeeze %dma_start3A_1312 : memref<1x50x64xf32, #tpu.memory_space<hbm>> -> memref<50x64xf32, #tpu.memory_space<hbm>>
      %dma_start3A_1314 = arith.constant 150 : i32
      %dma_start3A_1315 = arith.constant 0 : i32
      %dma_start3A_1316 = tpu.memref_slice %arg6[%dma_start3A_1301, %dma_start3A_1314, %dma_start3A_1315] : memref<8x200x64xf32, #tpu.memory_space<vmem>> -> memref<1x50x64xf32, #tpu.memory_space<vmem>>
      %dma_start3A_1317 = tpu.memref_squeeze %dma_start3A_1316 : memref<1x50x64xf32, #tpu.memory_space<vmem>> -> memref<50x64xf32, #tpu.memory_space<vmem>>
      tpu.enqueue_dma source(%dma_start3A_1317 : memref<50x64xf32, #tpu.memory_space<vmem>>) target(%dma_start3A_1313 : memref<50x64xf32, #tpu.memory_space<hbm>>) target_semaphore(%arg19 : memref<!tpu.dma_semaphore, #tpu.memory_space<semaphore_mem>>)
      %ge3A_1318 = arith.constant 1 : i32
      %ge3A_1319 = arith.cmpi sge, %add3A_1218, %ge3A_1318 : i32
      %add3A_1320 = arith.constant 8 : i32
      %add3A_1321 = arith.addi %add3A_1218, %add3A_1320 : i32
      %sub3A_1322 = arith.constant 1 : i32
      %sub3A_1323 = arith.subi %add3A_1321, %sub3A_1322 : i32
      %lt3A_1324 = arith.constant 32 : i32
      %lt3A_1325 = arith.cmpi slt, %sub3A_1323, %lt3A_1324 : i32
      %and3A_1326 = arith.andi %ge3A_1319, %lt3A_1325 : i1
      %convert_element_type3A_1327 = arith.extui %and3A_1326 : i1 to i32
      %cond3A_1328 = arith.constant 0 : i32
      %cond3A_1329 = arith.cmpi ne, %convert_element_type3A_1327, %cond3A_1328 : i32
      scf.if %cond3A_1329 {
        %sub3A_1676 = arith.constant 1 : i32
        %sub3A_1677 = arith.subi %add3A_1218, %sub3A_1676 : i32
        %mul3A_1678 = arith.constant 4 : i32
        %mul3A_1679 = arith.muli %sub3A_1677, %mul3A_1678 : i32
        %add3A_1680 = arith.addi %mul3A_2, %mul3A_1679 : i32
        %add3A_1681 = arith.constant 0 : i32
        %add3A_1682 = arith.addi %add3A_1680, %add3A_1681 : i32
        %mul3A_1683 = arith.constant 4 : i32
        %mul3A_1684 = arith.muli %sub3A_1677, %mul3A_1683 : i32
        %add3A_1685 = arith.addi %mul3A_2, %mul3A_1684 : i32
        %add3A_1686 = arith.constant 1 : i32
        %add3A_1687 = arith.addi %add3A_1685, %add3A_1686 : i32
        %mul3A_1688 = arith.constant 4 : i32
        %mul3A_1689 = arith.muli %sub3A_1677, %mul3A_1688 : i32
        %add3A_1690 = arith.addi %mul3A_2, %mul3A_1689 : i32
        %add3A_1691 = arith.constant 2 : i32
        %add3A_1692 = arith.addi %add3A_1690, %add3A_1691 : i32
        %mul3A_1693 = arith.constant 4 : i32
        %mul3A_1694 = arith.muli %sub3A_1677, %mul3A_1693 : i32
        %add3A_1695 = arith.addi %mul3A_2, %mul3A_1694 : i32
        %add3A_1696 = arith.constant 3 : i32
        %add3A_1697 = arith.addi %add3A_1695, %add3A_1696 : i32
        %dma_wait3A_1698 = arith.constant 3 : i32
        %dma_wait3A_1699 = arith.constant 0 : i32
        %dma_wait3A_1700 = arith.constant 0 : i32
        %dma_wait3A_1701 = tpu.memref_slice %arg6[%dma_wait3A_1698, %dma_wait3A_1699, %dma_wait3A_1700] : memref<8x200x64xf32, #tpu.memory_space<vmem>> -> memref<1x50x64xf32, #tpu.memory_space<vmem>>
        %dma_wait3A_1702 = tpu.memref_squeeze %dma_wait3A_1701 : memref<1x50x64xf32, #tpu.memory_space<vmem>> -> memref<50x64xf32, #tpu.memory_space<vmem>>
        %dma_wait3A_1703 = arith.constant 0 : i32
        %dma_wait3A_1704 = arith.constant 0 : i32
        %dma_wait3A_1705 = tpu.memref_slice %arg4[%add3A_1682, %dma_wait3A_1703, %dma_wait3A_1704] : memref<4096x56x128xf32, #tpu.memory_space<hbm>> -> memref<1x50x64xf32, #tpu.memory_space<hbm>>
        %dma_wait3A_1706 = tpu.memref_squeeze %dma_wait3A_1705 : memref<1x50x64xf32, #tpu.memory_space<hbm>> -> memref<50x64xf32, #tpu.memory_space<hbm>>
        %dma_wait3A_1707 = arith.constant 0 : i32
        %dma_wait3A_1708 = arith.constant 0 : i32
        %dma_wait3A_1709 = tpu.memref_slice %arg4[%add3A_1682, %dma_wait3A_1707, %dma_wait3A_1708] : memref<4096x56x128xf32, #tpu.memory_space<hbm>> -> memref<1x50x64xf32, #tpu.memory_space<hbm>>
        %dma_wait3A_1710 = tpu.memref_squeeze %dma_wait3A_1709 : memref<1x50x64xf32, #tpu.memory_space<hbm>> -> memref<50x64xf32, #tpu.memory_space<hbm>>
        %dma_wait3A_1711 = arith.constant 0 : i32
        %dma_wait3A_1712 = arith.constant 0 : i32
        %dma_wait3A_1713 = tpu.memref_slice %arg6[%dma_wait3A_1698, %dma_wait3A_1711, %dma_wait3A_1712] : memref<8x200x64xf32, #tpu.memory_space<vmem>> -> memref<1x50x64xf32, #tpu.memory_space<vmem>>
        %dma_wait3A_1714 = tpu.memref_squeeze %dma_wait3A_1713 : memref<1x50x64xf32, #tpu.memory_space<vmem>> -> memref<50x64xf32, #tpu.memory_space<vmem>>
        tpu.wait_dma2 semaphore(%arg18 : memref<!tpu.dma_semaphore, #tpu.memory_space<semaphore_mem>>) src(%dma_wait3A_1714 : memref<50x64xf32, #tpu.memory_space<vmem>>) dst(%dma_wait3A_1710 : memref<50x64xf32, #tpu.memory_space<hbm>>)
        %dma_wait3A_1715 = arith.constant 3 : i32
        %dma_wait3A_1716 = arith.constant 50 : i32
        %dma_wait3A_1717 = arith.constant 0 : i32
        %dma_wait3A_1718 = tpu.memref_slice %arg6[%dma_wait3A_1715, %dma_wait3A_1716, %dma_wait3A_1717] : memref<8x200x64xf32, #tpu.memory_space<vmem>> -> memref<1x50x64xf32, #tpu.memory_space<vmem>>
        %dma_wait3A_1719 = tpu.memref_squeeze %dma_wait3A_1718 : memref<1x50x64xf32, #tpu.memory_space<vmem>> -> memref<50x64xf32, #tpu.memory_space<vmem>>
        %dma_wait3A_1720 = arith.constant 0 : i32
        %dma_wait3A_1721 = arith.constant 0 : i32
        %dma_wait3A_1722 = tpu.memref_slice %arg4[%add3A_1687, %dma_wait3A_1720, %dma_wait3A_1721] : memref<4096x56x128xf32, #tpu.memory_space<hbm>> -> memref<1x50x64xf32, #tpu.memory_space<hbm>>
        %dma_wait3A_1723 = tpu.memref_squeeze %dma_wait3A_1722 : memref<1x50x64xf32, #tpu.memory_space<hbm>> -> memref<50x64xf32, #tpu.memory_space<hbm>>
        %dma_wait3A_1724 = arith.constant 0 : i32
        %dma_wait3A_1725 = arith.constant 0 : i32
        %dma_wait3A_1726 = tpu.memref_slice %arg4[%add3A_1687, %dma_wait3A_1724, %dma_wait3A_1725] : memref<4096x56x128xf32, #tpu.memory_space<hbm>> -> memref<1x50x64xf32, #tpu.memory_space<hbm>>
        %dma_wait3A_1727 = tpu.memref_squeeze %dma_wait3A_1726 : memref<1x50x64xf32, #tpu.memory_space<hbm>> -> memref<50x64xf32, #tpu.memory_space<hbm>>
        %dma_wait3A_1728 = arith.constant 50 : i32
        %dma_wait3A_1729 = arith.constant 0 : i32
        %dma_wait3A_1730 = tpu.memref_slice %arg6[%dma_wait3A_1715, %dma_wait3A_1728, %dma_wait3A_1729] : memref<8x200x64xf32, #tpu.memory_space<vmem>> -> memref<1x50x64xf32, #tpu.memory_space<vmem>>
        %dma_wait3A_1731 = tpu.memref_squeeze %dma_wait3A_1730 : memref<1x50x64xf32, #tpu.memory_space<vmem>> -> memref<50x64xf32, #tpu.memory_space<vmem>>
        tpu.wait_dma2 semaphore(%arg18 : memref<!tpu.dma_semaphore, #tpu.memory_space<semaphore_mem>>) src(%dma_wait3A_1731 : memref<50x64xf32, #tpu.memory_space<vmem>>) dst(%dma_wait3A_1727 : memref<50x64xf32, #tpu.memory_space<hbm>>)
        %dma_wait3A_1732 = arith.constant 3 : i32
        %dma_wait3A_1733 = arith.constant 100 : i32
        %dma_wait3A_1734 = arith.constant 0 : i32
        %dma_wait3A_1735 = tpu.memref_slice %arg6[%dma_wait3A_1732, %dma_wait3A_1733, %dma_wait3A_1734] : memref<8x200x64xf32, #tpu.memory_space<vmem>> -> memref<1x50x64xf32, #tpu.memory_space<vmem>>
        %dma_wait3A_1736 = tpu.memref_squeeze %dma_wait3A_1735 : memref<1x50x64xf32, #tpu.memory_space<vmem>> -> memref<50x64xf32, #tpu.memory_space<vmem>>
        %dma_wait3A_1737 = arith.constant 0 : i32
        %dma_wait3A_1738 = arith.constant 0 : i32
        %dma_wait3A_1739 = tpu.memref_slice %arg4[%add3A_1692, %dma_wait3A_1737, %dma_wait3A_1738] : memref<4096x56x128xf32, #tpu.memory_space<hbm>> -> memref<1x50x64xf32, #tpu.memory_space<hbm>>
        %dma_wait3A_1740 = tpu.memref_squeeze %dma_wait3A_1739 : memref<1x50x64xf32, #tpu.memory_space<hbm>> -> memref<50x64xf32, #tpu.memory_space<hbm>>
        %dma_wait3A_1741 = arith.constant 0 : i32
        %dma_wait3A_1742 = arith.constant 0 : i32
        %dma_wait3A_1743 = tpu.memref_slice %arg4[%add3A_1692, %dma_wait3A_1741, %dma_wait3A_1742] : memref<4096x56x128xf32, #tpu.memory_space<hbm>> -> memref<1x50x64xf32, #tpu.memory_space<hbm>>
        %dma_wait3A_1744 = tpu.memref_squeeze %dma_wait3A_1743 : memref<1x50x64xf32, #tpu.memory_space<hbm>> -> memref<50x64xf32, #tpu.memory_space<hbm>>
        %dma_wait3A_1745 = arith.constant 100 : i32
        %dma_wait3A_1746 = arith.constant 0 : i32
        %dma_wait3A_1747 = tpu.memref_slice %arg6[%dma_wait3A_1732, %dma_wait3A_1745, %dma_wait3A_1746] : memref<8x200x64xf32, #tpu.memory_space<vmem>> -> memref<1x50x64xf32, #tpu.memory_space<vmem>>
        %dma_wait3A_1748 = tpu.memref_squeeze %dma_wait3A_1747 : memref<1x50x64xf32, #tpu.memory_space<vmem>> -> memref<50x64xf32, #tpu.memory_space<vmem>>
        tpu.wait_dma2 semaphore(%arg18 : memref<!tpu.dma_semaphore, #tpu.memory_space<semaphore_mem>>) src(%dma_wait3A_1748 : memref<50x64xf32, #tpu.memory_space<vmem>>) dst(%dma_wait3A_1744 : memref<50x64xf32, #tpu.memory_space<hbm>>)
        %dma_wait3A_1749 = arith.constant 3 : i32
        %dma_wait3A_1750 = arith.constant 150 : i32
        %dma_wait3A_1751 = arith.constant 0 : i32
        %dma_wait3A_1752 = tpu.memref_slice %arg6[%dma_wait3A_1749, %dma_wait3A_1750, %dma_wait3A_1751] : memref<8x200x64xf32, #tpu.memory_space<vmem>> -> memref<1x50x64xf32, #tpu.memory_space<vmem>>
        %dma_wait3A_1753 = tpu.memref_squeeze %dma_wait3A_1752 : memref<1x50x64xf32, #tpu.memory_space<vmem>> -> memref<50x64xf32, #tpu.memory_space<vmem>>
        %dma_wait3A_1754 = arith.constant 0 : i32
        %dma_wait3A_1755 = arith.constant 0 : i32
        %dma_wait3A_1756 = tpu.memref_slice %arg4[%add3A_1697, %dma_wait3A_1754, %dma_wait3A_1755] : memref<4096x56x128xf32, #tpu.memory_space<hbm>> -> memref<1x50x64xf32, #tpu.memory_space<hbm>>
        %dma_wait3A_1757 = tpu.memref_squeeze %dma_wait3A_1756 : memref<1x50x64xf32, #tpu.memory_space<hbm>> -> memref<50x64xf32, #tpu.memory_space<hbm>>
        %dma_wait3A_1758 = arith.constant 0 : i32
        %dma_wait3A_1759 = arith.constant 0 : i32
        %dma_wait3A_1760 = tpu.memref_slice %arg4[%add3A_1697, %dma_wait3A_1758, %dma_wait3A_1759] : memref<4096x56x128xf32, #tpu.memory_space<hbm>> -> memref<1x50x64xf32, #tpu.memory_space<hbm>>
        %dma_wait3A_1761 = tpu.memref_squeeze %dma_wait3A_1760 : memref<1x50x64xf32, #tpu.memory_space<hbm>> -> memref<50x64xf32, #tpu.memory_space<hbm>>
        %dma_wait3A_1762 = arith.constant 150 : i32
        %dma_wait3A_1763 = arith.constant 0 : i32
        %dma_wait3A_1764 = tpu.memref_slice %arg6[%dma_wait3A_1749, %dma_wait3A_1762, %dma_wait3A_1763] : memref<8x200x64xf32, #tpu.memory_space<vmem>> -> memref<1x50x64xf32, #tpu.memory_space<vmem>>
        %dma_wait3A_1765 = tpu.memref_squeeze %dma_wait3A_1764 : memref<1x50x64xf32, #tpu.memory_space<vmem>> -> memref<50x64xf32, #tpu.memory_space<vmem>>
        tpu.wait_dma2 semaphore(%arg18 : memref<!tpu.dma_semaphore, #tpu.memory_space<semaphore_mem>>) src(%dma_wait3A_1765 : memref<50x64xf32, #tpu.memory_space<vmem>>) dst(%dma_wait3A_1761 : memref<50x64xf32, #tpu.memory_space<hbm>>)
        %add3A_1766 = arith.constant 8 : i32
        %add3A_1767 = arith.addi %add3A_1218, %add3A_1766 : i32
        %sub3A_1768 = arith.constant 1 : i32
        %sub3A_1769 = arith.subi %add3A_1767, %sub3A_1768 : i32
        %mul3A_1770 = arith.constant 200 : i32
        %mul3A_1771 = arith.muli %sub3A_1769, %mul3A_1770 : i32
        %dma_start3A_1772 = arith.constant 3 : i32
        %dma_start3A_1773 = arith.constant 0 : i32
        %dma_start3A_1774 = arith.constant 0 : i32
        %dma_start3A_1775 = tpu.memref_slice %arg6[%dma_start3A_1772, %dma_start3A_1773, %dma_start3A_1774] : memref<8x200x64xf32, #tpu.memory_space<vmem>> -> memref<1x200x64xf32, #tpu.memory_space<vmem>>
        %dma_start3A_1776 = tpu.memref_squeeze %dma_start3A_1775 : memref<1x200x64xf32, #tpu.memory_space<vmem>> -> memref<200x64xf32, #tpu.memory_space<vmem>>
        %dma_start3A_1777 = tpu.memref_slice %arg5[%mul3A_1771] : memref<6400xi32, #tpu.memory_space<vmem>> -> memref<200xi32, #tpu.memory_space<vmem>>
        %dma_start3A_1778 = arith.constant 0 : i32
        %dma_start3A_1779 = arith.constant 0 : i32
        %dma_start3A_1780 = tpu.memref_slice %arg3[%dma_start3A_1778, %dma_start3A_1779] : memref<100000x64xf32, #tpu.memory_space<hbm>> -> memref<100000x64xf32, #tpu.memory_space<hbm>>
        tpu.enqueue_indirect_dma source(%dma_start3A_1780 : memref<100000x64xf32, #tpu.memory_space<hbm>>) target(%dma_start3A_1776 : memref<200x64xf32, #tpu.memory_space<vmem>>) offsets(%dma_start3A_1777 : memref<200xi32, #tpu.memory_space<vmem>>) semaphore(%arg10 : memref<!tpu.dma_semaphore, #tpu.memory_space<semaphore_mem>>)
      } else {
      }
      %mul3A_1330 = arith.constant 8 : i32
      %mul3A_1331 = arith.muli %scan3A_759, %mul3A_1330 : i32
      %add3A_1332 = arith.constant 5 : i32
      %add3A_1333 = arith.addi %mul3A_1331, %add3A_1332 : i32
      %mul3A_1334 = arith.constant 200 : i32
      %mul3A_1335 = arith.muli %add3A_1333, %mul3A_1334 : i32
      %dma_wait3A_1336 = arith.constant 5 : i32
      %dma_wait3A_1337 = arith.constant 0 : i32
      %dma_wait3A_1338 = arith.constant 0 : i32
      %dma_wait3A_1339 = tpu.memref_slice %arg6[%dma_wait3A_1336, %dma_wait3A_1337, %dma_wait3A_1338] : memref<8x200x64xf32, #tpu.memory_space<vmem>> -> memref<1x200x64xf32, #tpu.memory_space<vmem>>
      %dma_wait3A_1340 = tpu.memref_squeeze %dma_wait3A_1339 : memref<1x200x64xf32, #tpu.memory_space<vmem>> -> memref<200x64xf32, #tpu.memory_space<vmem>>
      %dma_wait3A_1341 = tpu.memref_slice %arg5[%mul3A_1335] : memref<6400xi32, #tpu.memory_space<vmem>> -> memref<200xi32, #tpu.memory_space<vmem>>
      %dma_wait3A_1342 = arith.constant 0 : i32
      %dma_wait3A_1343 = arith.constant 0 : i32
      %dma_wait3A_1344 = tpu.memref_slice %arg3[%dma_wait3A_1342, %dma_wait3A_1343] : memref<100000x64xf32, #tpu.memory_space<hbm>> -> memref<100000x64xf32, #tpu.memory_space<hbm>>
      tpu.wait_indirect_dma semaphore(%arg12 : memref<!tpu.dma_semaphore, #tpu.memory_space<semaphore_mem>>) src(%dma_wait3A_1344 : memref<100000x64xf32, #tpu.memory_space<hbm>>) dst(%dma_wait3A_1340 : memref<200x64xf32, #tpu.memory_space<vmem>>)
      %mul3A_1345 = arith.constant 4 : i32
      %mul3A_1346 = arith.muli %add3A_1333, %mul3A_1345 : i32
      %add3A_1347 = arith.addi %mul3A_2, %mul3A_1346 : i32
      %add3A_1348 = arith.constant 0 : i32
      %add3A_1349 = arith.addi %add3A_1347, %add3A_1348 : i32
      %mul3A_1350 = arith.constant 4 : i32
      %mul3A_1351 = arith.muli %add3A_1333, %mul3A_1350 : i32
      %add3A_1352 = arith.addi %mul3A_2, %mul3A_1351 : i32
      %add3A_1353 = arith.constant 1 : i32
      %add3A_1354 = arith.addi %add3A_1352, %add3A_1353 : i32
      %mul3A_1355 = arith.constant 4 : i32
      %mul3A_1356 = arith.muli %add3A_1333, %mul3A_1355 : i32
      %add3A_1357 = arith.addi %mul3A_2, %mul3A_1356 : i32
      %add3A_1358 = arith.constant 2 : i32
      %add3A_1359 = arith.addi %add3A_1357, %add3A_1358 : i32
      %mul3A_1360 = arith.constant 4 : i32
      %mul3A_1361 = arith.muli %add3A_1333, %mul3A_1360 : i32
      %add3A_1362 = arith.addi %mul3A_2, %mul3A_1361 : i32
      %add3A_1363 = arith.constant 3 : i32
      %add3A_1364 = arith.addi %add3A_1362, %add3A_1363 : i32
      %dma_start3A_1365 = arith.constant 5 : i32
      %dma_start3A_1366 = arith.constant 0 : i32
      %dma_start3A_1367 = arith.constant 0 : i32
      %dma_start3A_1368 = tpu.memref_slice %arg6[%dma_start3A_1365, %dma_start3A_1366, %dma_start3A_1367] : memref<8x200x64xf32, #tpu.memory_space<vmem>> -> memref<1x50x64xf32, #tpu.memory_space<vmem>>
      %dma_start3A_1369 = tpu.memref_squeeze %dma_start3A_1368 : memref<1x50x64xf32, #tpu.memory_space<vmem>> -> memref<50x64xf32, #tpu.memory_space<vmem>>
      %dma_start3A_1370 = arith.constant 0 : i32
      %dma_start3A_1371 = arith.constant 0 : i32
      %dma_start3A_1372 = tpu.memref_slice %arg4[%add3A_1349, %dma_start3A_1370, %dma_start3A_1371] : memref<4096x56x128xf32, #tpu.memory_space<hbm>> -> memref<1x50x64xf32, #tpu.memory_space<hbm>>
      %dma_start3A_1373 = tpu.memref_squeeze %dma_start3A_1372 : memref<1x50x64xf32, #tpu.memory_space<hbm>> -> memref<50x64xf32, #tpu.memory_space<hbm>>
      %dma_start3A_1374 = arith.constant 0 : i32
      %dma_start3A_1375 = arith.constant 0 : i32
      %dma_start3A_1376 = tpu.memref_slice %arg4[%add3A_1349, %dma_start3A_1374, %dma_start3A_1375] : memref<4096x56x128xf32, #tpu.memory_space<hbm>> -> memref<1x50x64xf32, #tpu.memory_space<hbm>>
      %dma_start3A_1377 = tpu.memref_squeeze %dma_start3A_1376 : memref<1x50x64xf32, #tpu.memory_space<hbm>> -> memref<50x64xf32, #tpu.memory_space<hbm>>
      %dma_start3A_1378 = arith.constant 0 : i32
      %dma_start3A_1379 = arith.constant 0 : i32
      %dma_start3A_1380 = tpu.memref_slice %arg6[%dma_start3A_1365, %dma_start3A_1378, %dma_start3A_1379] : memref<8x200x64xf32, #tpu.memory_space<vmem>> -> memref<1x50x64xf32, #tpu.memory_space<vmem>>
      %dma_start3A_1381 = tpu.memref_squeeze %dma_start3A_1380 : memref<1x50x64xf32, #tpu.memory_space<vmem>> -> memref<50x64xf32, #tpu.memory_space<vmem>>
      tpu.enqueue_dma source(%dma_start3A_1381 : memref<50x64xf32, #tpu.memory_space<vmem>>) target(%dma_start3A_1377 : memref<50x64xf32, #tpu.memory_space<hbm>>) target_semaphore(%arg20 : memref<!tpu.dma_semaphore, #tpu.memory_space<semaphore_mem>>)
      %dma_start3A_1382 = arith.constant 5 : i32
      %dma_start3A_1383 = arith.constant 50 : i32
      %dma_start3A_1384 = arith.constant 0 : i32
      %dma_start3A_1385 = tpu.memref_slice %arg6[%dma_start3A_1382, %dma_start3A_1383, %dma_start3A_1384] : memref<8x200x64xf32, #tpu.memory_space<vmem>> -> memref<1x50x64xf32, #tpu.memory_space<vmem>>
      %dma_start3A_1386 = tpu.memref_squeeze %dma_start3A_1385 : memref<1x50x64xf32, #tpu.memory_space<vmem>> -> memref<50x64xf32, #tpu.memory_space<vmem>>
      %dma_start3A_1387 = arith.constant 0 : i32
      %dma_start3A_1388 = arith.constant 0 : i32
      %dma_start3A_1389 = tpu.memref_slice %arg4[%add3A_1354, %dma_start3A_1387, %dma_start3A_1388] : memref<4096x56x128xf32, #tpu.memory_space<hbm>> -> memref<1x50x64xf32, #tpu.memory_space<hbm>>
      %dma_start3A_1390 = tpu.memref_squeeze %dma_start3A_1389 : memref<1x50x64xf32, #tpu.memory_space<hbm>> -> memref<50x64xf32, #tpu.memory_space<hbm>>
      %dma_start3A_1391 = arith.constant 0 : i32
      %dma_start3A_1392 = arith.constant 0 : i32
      %dma_start3A_1393 = tpu.memref_slice %arg4[%add3A_1354, %dma_start3A_1391, %dma_start3A_1392] : memref<4096x56x128xf32, #tpu.memory_space<hbm>> -> memref<1x50x64xf32, #tpu.memory_space<hbm>>
      %dma_start3A_1394 = tpu.memref_squeeze %dma_start3A_1393 : memref<1x50x64xf32, #tpu.memory_space<hbm>> -> memref<50x64xf32, #tpu.memory_space<hbm>>
      %dma_start3A_1395 = arith.constant 50 : i32
      %dma_start3A_1396 = arith.constant 0 : i32
      %dma_start3A_1397 = tpu.memref_slice %arg6[%dma_start3A_1382, %dma_start3A_1395, %dma_start3A_1396] : memref<8x200x64xf32, #tpu.memory_space<vmem>> -> memref<1x50x64xf32, #tpu.memory_space<vmem>>
      %dma_start3A_1398 = tpu.memref_squeeze %dma_start3A_1397 : memref<1x50x64xf32, #tpu.memory_space<vmem>> -> memref<50x64xf32, #tpu.memory_space<vmem>>
      tpu.enqueue_dma source(%dma_start3A_1398 : memref<50x64xf32, #tpu.memory_space<vmem>>) target(%dma_start3A_1394 : memref<50x64xf32, #tpu.memory_space<hbm>>) target_semaphore(%arg20 : memref<!tpu.dma_semaphore, #tpu.memory_space<semaphore_mem>>)
      %dma_start3A_1399 = arith.constant 5 : i32
      %dma_start3A_1400 = arith.constant 100 : i32
      %dma_start3A_1401 = arith.constant 0 : i32
      %dma_start3A_1402 = tpu.memref_slice %arg6[%dma_start3A_1399, %dma_start3A_1400, %dma_start3A_1401] : memref<8x200x64xf32, #tpu.memory_space<vmem>> -> memref<1x50x64xf32, #tpu.memory_space<vmem>>
      %dma_start3A_1403 = tpu.memref_squeeze %dma_start3A_1402 : memref<1x50x64xf32, #tpu.memory_space<vmem>> -> memref<50x64xf32, #tpu.memory_space<vmem>>
      %dma_start3A_1404 = arith.constant 0 : i32
      %dma_start3A_1405 = arith.constant 0 : i32
      %dma_start3A_1406 = tpu.memref_slice %arg4[%add3A_1359, %dma_start3A_1404, %dma_start3A_1405] : memref<4096x56x128xf32, #tpu.memory_space<hbm>> -> memref<1x50x64xf32, #tpu.memory_space<hbm>>
      %dma_start3A_1407 = tpu.memref_squeeze %dma_start3A_1406 : memref<1x50x64xf32, #tpu.memory_space<hbm>> -> memref<50x64xf32, #tpu.memory_space<hbm>>
      %dma_start3A_1408 = arith.constant 0 : i32
      %dma_start3A_1409 = arith.constant 0 : i32
      %dma_start3A_1410 = tpu.memref_slice %arg4[%add3A_1359, %dma_start3A_1408, %dma_start3A_1409] : memref<4096x56x128xf32, #tpu.memory_space<hbm>> -> memref<1x50x64xf32, #tpu.memory_space<hbm>>
      %dma_start3A_1411 = tpu.memref_squeeze %dma_start3A_1410 : memref<1x50x64xf32, #tpu.memory_space<hbm>> -> memref<50x64xf32, #tpu.memory_space<hbm>>
      %dma_start3A_1412 = arith.constant 100 : i32
      %dma_start3A_1413 = arith.constant 0 : i32
      %dma_start3A_1414 = tpu.memref_slice %arg6[%dma_start3A_1399, %dma_start3A_1412, %dma_start3A_1413] : memref<8x200x64xf32, #tpu.memory_space<vmem>> -> memref<1x50x64xf32, #tpu.memory_space<vmem>>
      %dma_start3A_1415 = tpu.memref_squeeze %dma_start3A_1414 : memref<1x50x64xf32, #tpu.memory_space<vmem>> -> memref<50x64xf32, #tpu.memory_space<vmem>>
      tpu.enqueue_dma source(%dma_start3A_1415 : memref<50x64xf32, #tpu.memory_space<vmem>>) target(%dma_start3A_1411 : memref<50x64xf32, #tpu.memory_space<hbm>>) target_semaphore(%arg20 : memref<!tpu.dma_semaphore, #tpu.memory_space<semaphore_mem>>)
      %dma_start3A_1416 = arith.constant 5 : i32
      %dma_start3A_1417 = arith.constant 150 : i32
      %dma_start3A_1418 = arith.constant 0 : i32
      %dma_start3A_1419 = tpu.memref_slice %arg6[%dma_start3A_1416, %dma_start3A_1417, %dma_start3A_1418] : memref<8x200x64xf32, #tpu.memory_space<vmem>> -> memref<1x50x64xf32, #tpu.memory_space<vmem>>
      %dma_start3A_1420 = tpu.memref_squeeze %dma_start3A_1419 : memref<1x50x64xf32, #tpu.memory_space<vmem>> -> memref<50x64xf32, #tpu.memory_space<vmem>>
      %dma_start3A_1421 = arith.constant 0 : i32
      %dma_start3A_1422 = arith.constant 0 : i32
      %dma_start3A_1423 = tpu.memref_slice %arg4[%add3A_1364, %dma_start3A_1421, %dma_start3A_1422] : memref<4096x56x128xf32, #tpu.memory_space<hbm>> -> memref<1x50x64xf32, #tpu.memory_space<hbm>>
      %dma_start3A_1424 = tpu.memref_squeeze %dma_start3A_1423 : memref<1x50x64xf32, #tpu.memory_space<hbm>> -> memref<50x64xf32, #tpu.memory_space<hbm>>
      %dma_start3A_1425 = arith.constant 0 : i32
      %dma_start3A_1426 = arith.constant 0 : i32
      %dma_start3A_1427 = tpu.memref_slice %arg4[%add3A_1364, %dma_start3A_1425, %dma_start3A_1426] : memref<4096x56x128xf32, #tpu.memory_space<hbm>> -> memref<1x50x64xf32, #tpu.memory_space<hbm>>
      %dma_start3A_1428 = tpu.memref_squeeze %dma_start3A_1427 : memref<1x50x64xf32, #tpu.memory_space<hbm>> -> memref<50x64xf32, #tpu.memory_space<hbm>>
      %dma_start3A_1429 = arith.constant 150 : i32
      %dma_start3A_1430 = arith.constant 0 : i32
      %dma_start3A_1431 = tpu.memref_slice %arg6[%dma_start3A_1416, %dma_start3A_1429, %dma_start3A_1430] : memref<8x200x64xf32, #tpu.memory_space<vmem>> -> memref<1x50x64xf32, #tpu.memory_space<vmem>>
      %dma_start3A_1432 = tpu.memref_squeeze %dma_start3A_1431 : memref<1x50x64xf32, #tpu.memory_space<vmem>> -> memref<50x64xf32, #tpu.memory_space<vmem>>
      tpu.enqueue_dma source(%dma_start3A_1432 : memref<50x64xf32, #tpu.memory_space<vmem>>) target(%dma_start3A_1428 : memref<50x64xf32, #tpu.memory_space<hbm>>) target_semaphore(%arg20 : memref<!tpu.dma_semaphore, #tpu.memory_space<semaphore_mem>>)
      %ge3A_1433 = arith.constant 1 : i32
      %ge3A_1434 = arith.cmpi sge, %add3A_1333, %ge3A_1433 : i32
      %add3A_1435 = arith.constant 8 : i32
      %add3A_1436 = arith.addi %add3A_1333, %add3A_1435 : i32
      %sub3A_1437 = arith.constant 1 : i32
      %sub3A_1438 = arith.subi %add3A_1436, %sub3A_1437 : i32
      %lt3A_1439 = arith.constant 32 : i32
      %lt3A_1440 = arith.cmpi slt, %sub3A_1438, %lt3A_1439 : i32
      %and3A_1441 = arith.andi %ge3A_1434, %lt3A_1440 : i1
      %convert_element_type3A_1442 = arith.extui %and3A_1441 : i1 to i32
      %cond3A_1443 = arith.constant 0 : i32
      %cond3A_1444 = arith.cmpi ne, %convert_element_type3A_1442, %cond3A_1443 : i32
      scf.if %cond3A_1444 {
        %sub3A_1676 = arith.constant 1 : i32
        %sub3A_1677 = arith.subi %add3A_1333, %sub3A_1676 : i32
        %mul3A_1678 = arith.constant 4 : i32
        %mul3A_1679 = arith.muli %sub3A_1677, %mul3A_1678 : i32
        %add3A_1680 = arith.addi %mul3A_2, %mul3A_1679 : i32
        %add3A_1681 = arith.constant 0 : i32
        %add3A_1682 = arith.addi %add3A_1680, %add3A_1681 : i32
        %mul3A_1683 = arith.constant 4 : i32
        %mul3A_1684 = arith.muli %sub3A_1677, %mul3A_1683 : i32
        %add3A_1685 = arith.addi %mul3A_2, %mul3A_1684 : i32
        %add3A_1686 = arith.constant 1 : i32
        %add3A_1687 = arith.addi %add3A_1685, %add3A_1686 : i32
        %mul3A_1688 = arith.constant 4 : i32
        %mul3A_1689 = arith.muli %sub3A_1677, %mul3A_1688 : i32
        %add3A_1690 = arith.addi %mul3A_2, %mul3A_1689 : i32
        %add3A_1691 = arith.constant 2 : i32
        %add3A_1692 = arith.addi %add3A_1690, %add3A_1691 : i32
        %mul3A_1693 = arith.constant 4 : i32
        %mul3A_1694 = arith.muli %sub3A_1677, %mul3A_1693 : i32
        %add3A_1695 = arith.addi %mul3A_2, %mul3A_1694 : i32
        %add3A_1696 = arith.constant 3 : i32
        %add3A_1697 = arith.addi %add3A_1695, %add3A_1696 : i32
        %dma_wait3A_1698 = arith.constant 4 : i32
        %dma_wait3A_1699 = arith.constant 0 : i32
        %dma_wait3A_1700 = arith.constant 0 : i32
        %dma_wait3A_1701 = tpu.memref_slice %arg6[%dma_wait3A_1698, %dma_wait3A_1699, %dma_wait3A_1700] : memref<8x200x64xf32, #tpu.memory_space<vmem>> -> memref<1x50x64xf32, #tpu.memory_space<vmem>>
        %dma_wait3A_1702 = tpu.memref_squeeze %dma_wait3A_1701 : memref<1x50x64xf32, #tpu.memory_space<vmem>> -> memref<50x64xf32, #tpu.memory_space<vmem>>
        %dma_wait3A_1703 = arith.constant 0 : i32
        %dma_wait3A_1704 = arith.constant 0 : i32
        %dma_wait3A_1705 = tpu.memref_slice %arg4[%add3A_1682, %dma_wait3A_1703, %dma_wait3A_1704] : memref<4096x56x128xf32, #tpu.memory_space<hbm>> -> memref<1x50x64xf32, #tpu.memory_space<hbm>>
        %dma_wait3A_1706 = tpu.memref_squeeze %dma_wait3A_1705 : memref<1x50x64xf32, #tpu.memory_space<hbm>> -> memref<50x64xf32, #tpu.memory_space<hbm>>
        %dma_wait3A_1707 = arith.constant 0 : i32
        %dma_wait3A_1708 = arith.constant 0 : i32
        %dma_wait3A_1709 = tpu.memref_slice %arg4[%add3A_1682, %dma_wait3A_1707, %dma_wait3A_1708] : memref<4096x56x128xf32, #tpu.memory_space<hbm>> -> memref<1x50x64xf32, #tpu.memory_space<hbm>>
        %dma_wait3A_1710 = tpu.memref_squeeze %dma_wait3A_1709 : memref<1x50x64xf32, #tpu.memory_space<hbm>> -> memref<50x64xf32, #tpu.memory_space<hbm>>
        %dma_wait3A_1711 = arith.constant 0 : i32
        %dma_wait3A_1712 = arith.constant 0 : i32
        %dma_wait3A_1713 = tpu.memref_slice %arg6[%dma_wait3A_1698, %dma_wait3A_1711, %dma_wait3A_1712] : memref<8x200x64xf32, #tpu.memory_space<vmem>> -> memref<1x50x64xf32, #tpu.memory_space<vmem>>
        %dma_wait3A_1714 = tpu.memref_squeeze %dma_wait3A_1713 : memref<1x50x64xf32, #tpu.memory_space<vmem>> -> memref<50x64xf32, #tpu.memory_space<vmem>>
        tpu.wait_dma2 semaphore(%arg19 : memref<!tpu.dma_semaphore, #tpu.memory_space<semaphore_mem>>) src(%dma_wait3A_1714 : memref<50x64xf32, #tpu.memory_space<vmem>>) dst(%dma_wait3A_1710 : memref<50x64xf32, #tpu.memory_space<hbm>>)
        %dma_wait3A_1715 = arith.constant 4 : i32
        %dma_wait3A_1716 = arith.constant 50 : i32
        %dma_wait3A_1717 = arith.constant 0 : i32
        %dma_wait3A_1718 = tpu.memref_slice %arg6[%dma_wait3A_1715, %dma_wait3A_1716, %dma_wait3A_1717] : memref<8x200x64xf32, #tpu.memory_space<vmem>> -> memref<1x50x64xf32, #tpu.memory_space<vmem>>
        %dma_wait3A_1719 = tpu.memref_squeeze %dma_wait3A_1718 : memref<1x50x64xf32, #tpu.memory_space<vmem>> -> memref<50x64xf32, #tpu.memory_space<vmem>>
        %dma_wait3A_1720 = arith.constant 0 : i32
        %dma_wait3A_1721 = arith.constant 0 : i32
        %dma_wait3A_1722 = tpu.memref_slice %arg4[%add3A_1687, %dma_wait3A_1720, %dma_wait3A_1721] : memref<4096x56x128xf32, #tpu.memory_space<hbm>> -> memref<1x50x64xf32, #tpu.memory_space<hbm>>
        %dma_wait3A_1723 = tpu.memref_squeeze %dma_wait3A_1722 : memref<1x50x64xf32, #tpu.memory_space<hbm>> -> memref<50x64xf32, #tpu.memory_space<hbm>>
        %dma_wait3A_1724 = arith.constant 0 : i32
        %dma_wait3A_1725 = arith.constant 0 : i32
        %dma_wait3A_1726 = tpu.memref_slice %arg4[%add3A_1687, %dma_wait3A_1724, %dma_wait3A_1725] : memref<4096x56x128xf32, #tpu.memory_space<hbm>> -> memref<1x50x64xf32, #tpu.memory_space<hbm>>
        %dma_wait3A_1727 = tpu.memref_squeeze %dma_wait3A_1726 : memref<1x50x64xf32, #tpu.memory_space<hbm>> -> memref<50x64xf32, #tpu.memory_space<hbm>>
        %dma_wait3A_1728 = arith.constant 50 : i32
        %dma_wait3A_1729 = arith.constant 0 : i32
        %dma_wait3A_1730 = tpu.memref_slice %arg6[%dma_wait3A_1715, %dma_wait3A_1728, %dma_wait3A_1729] : memref<8x200x64xf32, #tpu.memory_space<vmem>> -> memref<1x50x64xf32, #tpu.memory_space<vmem>>
        %dma_wait3A_1731 = tpu.memref_squeeze %dma_wait3A_1730 : memref<1x50x64xf32, #tpu.memory_space<vmem>> -> memref<50x64xf32, #tpu.memory_space<vmem>>
        tpu.wait_dma2 semaphore(%arg19 : memref<!tpu.dma_semaphore, #tpu.memory_space<semaphore_mem>>) src(%dma_wait3A_1731 : memref<50x64xf32, #tpu.memory_space<vmem>>) dst(%dma_wait3A_1727 : memref<50x64xf32, #tpu.memory_space<hbm>>)
        %dma_wait3A_1732 = arith.constant 4 : i32
        %dma_wait3A_1733 = arith.constant 100 : i32
        %dma_wait3A_1734 = arith.constant 0 : i32
        %dma_wait3A_1735 = tpu.memref_slice %arg6[%dma_wait3A_1732, %dma_wait3A_1733, %dma_wait3A_1734] : memref<8x200x64xf32, #tpu.memory_space<vmem>> -> memref<1x50x64xf32, #tpu.memory_space<vmem>>
        %dma_wait3A_1736 = tpu.memref_squeeze %dma_wait3A_1735 : memref<1x50x64xf32, #tpu.memory_space<vmem>> -> memref<50x64xf32, #tpu.memory_space<vmem>>
        %dma_wait3A_1737 = arith.constant 0 : i32
        %dma_wait3A_1738 = arith.constant 0 : i32
        %dma_wait3A_1739 = tpu.memref_slice %arg4[%add3A_1692, %dma_wait3A_1737, %dma_wait3A_1738] : memref<4096x56x128xf32, #tpu.memory_space<hbm>> -> memref<1x50x64xf32, #tpu.memory_space<hbm>>
        %dma_wait3A_1740 = tpu.memref_squeeze %dma_wait3A_1739 : memref<1x50x64xf32, #tpu.memory_space<hbm>> -> memref<50x64xf32, #tpu.memory_space<hbm>>
        %dma_wait3A_1741 = arith.constant 0 : i32
        %dma_wait3A_1742 = arith.constant 0 : i32
        %dma_wait3A_1743 = tpu.memref_slice %arg4[%add3A_1692, %dma_wait3A_1741, %dma_wait3A_1742] : memref<4096x56x128xf32, #tpu.memory_space<hbm>> -> memref<1x50x64xf32, #tpu.memory_space<hbm>>
        %dma_wait3A_1744 = tpu.memref_squeeze %dma_wait3A_1743 : memref<1x50x64xf32, #tpu.memory_space<hbm>> -> memref<50x64xf32, #tpu.memory_space<hbm>>
        %dma_wait3A_1745 = arith.constant 100 : i32
        %dma_wait3A_1746 = arith.constant 0 : i32
        %dma_wait3A_1747 = tpu.memref_slice %arg6[%dma_wait3A_1732, %dma_wait3A_1745, %dma_wait3A_1746] : memref<8x200x64xf32, #tpu.memory_space<vmem>> -> memref<1x50x64xf32, #tpu.memory_space<vmem>>
        %dma_wait3A_1748 = tpu.memref_squeeze %dma_wait3A_1747 : memref<1x50x64xf32, #tpu.memory_space<vmem>> -> memref<50x64xf32, #tpu.memory_space<vmem>>
        tpu.wait_dma2 semaphore(%arg19 : memref<!tpu.dma_semaphore, #tpu.memory_space<semaphore_mem>>) src(%dma_wait3A_1748 : memref<50x64xf32, #tpu.memory_space<vmem>>) dst(%dma_wait3A_1744 : memref<50x64xf32, #tpu.memory_space<hbm>>)
        %dma_wait3A_1749 = arith.constant 4 : i32
        %dma_wait3A_1750 = arith.constant 150 : i32
        %dma_wait3A_1751 = arith.constant 0 : i32
        %dma_wait3A_1752 = tpu.memref_slice %arg6[%dma_wait3A_1749, %dma_wait3A_1750, %dma_wait3A_1751] : memref<8x200x64xf32, #tpu.memory_space<vmem>> -> memref<1x50x64xf32, #tpu.memory_space<vmem>>
        %dma_wait3A_1753 = tpu.memref_squeeze %dma_wait3A_1752 : memref<1x50x64xf32, #tpu.memory_space<vmem>> -> memref<50x64xf32, #tpu.memory_space<vmem>>
        %dma_wait3A_1754 = arith.constant 0 : i32
        %dma_wait3A_1755 = arith.constant 0 : i32
        %dma_wait3A_1756 = tpu.memref_slice %arg4[%add3A_1697, %dma_wait3A_1754, %dma_wait3A_1755] : memref<4096x56x128xf32, #tpu.memory_space<hbm>> -> memref<1x50x64xf32, #tpu.memory_space<hbm>>
        %dma_wait3A_1757 = tpu.memref_squeeze %dma_wait3A_1756 : memref<1x50x64xf32, #tpu.memory_space<hbm>> -> memref<50x64xf32, #tpu.memory_space<hbm>>
        %dma_wait3A_1758 = arith.constant 0 : i32
        %dma_wait3A_1759 = arith.constant 0 : i32
        %dma_wait3A_1760 = tpu.memref_slice %arg4[%add3A_1697, %dma_wait3A_1758, %dma_wait3A_1759] : memref<4096x56x128xf32, #tpu.memory_space<hbm>> -> memref<1x50x64xf32, #tpu.memory_space<hbm>>
        %dma_wait3A_1761 = tpu.memref_squeeze %dma_wait3A_1760 : memref<1x50x64xf32, #tpu.memory_space<hbm>> -> memref<50x64xf32, #tpu.memory_space<hbm>>
        %dma_wait3A_1762 = arith.constant 150 : i32
        %dma_wait3A_1763 = arith.constant 0 : i32
        %dma_wait3A_1764 = tpu.memref_slice %arg6[%dma_wait3A_1749, %dma_wait3A_1762, %dma_wait3A_1763] : memref<8x200x64xf32, #tpu.memory_space<vmem>> -> memref<1x50x64xf32, #tpu.memory_space<vmem>>
        %dma_wait3A_1765 = tpu.memref_squeeze %dma_wait3A_1764 : memref<1x50x64xf32, #tpu.memory_space<vmem>> -> memref<50x64xf32, #tpu.memory_space<vmem>>
        tpu.wait_dma2 semaphore(%arg19 : memref<!tpu.dma_semaphore, #tpu.memory_space<semaphore_mem>>) src(%dma_wait3A_1765 : memref<50x64xf32, #tpu.memory_space<vmem>>) dst(%dma_wait3A_1761 : memref<50x64xf32, #tpu.memory_space<hbm>>)
        %add3A_1766 = arith.constant 8 : i32
        %add3A_1767 = arith.addi %add3A_1333, %add3A_1766 : i32
        %sub3A_1768 = arith.constant 1 : i32
        %sub3A_1769 = arith.subi %add3A_1767, %sub3A_1768 : i32
        %mul3A_1770 = arith.constant 200 : i32
        %mul3A_1771 = arith.muli %sub3A_1769, %mul3A_1770 : i32
        %dma_start3A_1772 = arith.constant 4 : i32
        %dma_start3A_1773 = arith.constant 0 : i32
        %dma_start3A_1774 = arith.constant 0 : i32
        %dma_start3A_1775 = tpu.memref_slice %arg6[%dma_start3A_1772, %dma_start3A_1773, %dma_start3A_1774] : memref<8x200x64xf32, #tpu.memory_space<vmem>> -> memref<1x200x64xf32, #tpu.memory_space<vmem>>
        %dma_start3A_1776 = tpu.memref_squeeze %dma_start3A_1775 : memref<1x200x64xf32, #tpu.memory_space<vmem>> -> memref<200x64xf32, #tpu.memory_space<vmem>>
        %dma_start3A_1777 = tpu.memref_slice %arg5[%mul3A_1771] : memref<6400xi32, #tpu.memory_space<vmem>> -> memref<200xi32, #tpu.memory_space<vmem>>
        %dma_start3A_1778 = arith.constant 0 : i32
        %dma_start3A_1779 = arith.constant 0 : i32
        %dma_start3A_1780 = tpu.memref_slice %arg3[%dma_start3A_1778, %dma_start3A_1779] : memref<100000x64xf32, #tpu.memory_space<hbm>> -> memref<100000x64xf32, #tpu.memory_space<hbm>>
        tpu.enqueue_indirect_dma source(%dma_start3A_1780 : memref<100000x64xf32, #tpu.memory_space<hbm>>) target(%dma_start3A_1776 : memref<200x64xf32, #tpu.memory_space<vmem>>) offsets(%dma_start3A_1777 : memref<200xi32, #tpu.memory_space<vmem>>) semaphore(%arg11 : memref<!tpu.dma_semaphore, #tpu.memory_space<semaphore_mem>>)
      } else {
      }
      %mul3A_1445 = arith.constant 8 : i32
      %mul3A_1446 = arith.muli %scan3A_759, %mul3A_1445 : i32
      %add3A_1447 = arith.constant 6 : i32
      %add3A_1448 = arith.addi %mul3A_1446, %add3A_1447 : i32
      %mul3A_1449 = arith.constant 200 : i32
      %mul3A_1450 = arith.muli %add3A_1448, %mul3A_1449 : i32
      %dma_wait3A_1451 = arith.constant 6 : i32
      %dma_wait3A_1452 = arith.constant 0 : i32
      %dma_wait3A_1453 = arith.constant 0 : i32
      %dma_wait3A_1454 = tpu.memref_slice %arg6[%dma_wait3A_1451, %dma_wait3A_1452, %dma_wait3A_1453] : memref<8x200x64xf32, #tpu.memory_space<vmem>> -> memref<1x200x64xf32, #tpu.memory_space<vmem>>
      %dma_wait3A_1455 = tpu.memref_squeeze %dma_wait3A_1454 : memref<1x200x64xf32, #tpu.memory_space<vmem>> -> memref<200x64xf32, #tpu.memory_space<vmem>>
      %dma_wait3A_1456 = tpu.memref_slice %arg5[%mul3A_1450] : memref<6400xi32, #tpu.memory_space<vmem>> -> memref<200xi32, #tpu.memory_space<vmem>>
      %dma_wait3A_1457 = arith.constant 0 : i32
      %dma_wait3A_1458 = arith.constant 0 : i32
      %dma_wait3A_1459 = tpu.memref_slice %arg3[%dma_wait3A_1457, %dma_wait3A_1458] : memref<100000x64xf32, #tpu.memory_space<hbm>> -> memref<100000x64xf32, #tpu.memory_space<hbm>>
      tpu.wait_indirect_dma semaphore(%arg13 : memref<!tpu.dma_semaphore, #tpu.memory_space<semaphore_mem>>) src(%dma_wait3A_1459 : memref<100000x64xf32, #tpu.memory_space<hbm>>) dst(%dma_wait3A_1455 : memref<200x64xf32, #tpu.memory_space<vmem>>)
      %mul3A_1460 = arith.constant 4 : i32
      %mul3A_1461 = arith.muli %add3A_1448, %mul3A_1460 : i32
      %add3A_1462 = arith.addi %mul3A_2, %mul3A_1461 : i32
      %add3A_1463 = arith.constant 0 : i32
      %add3A_1464 = arith.addi %add3A_1462, %add3A_1463 : i32
      %mul3A_1465 = arith.constant 4 : i32
      %mul3A_1466 = arith.muli %add3A_1448, %mul3A_1465 : i32
      %add3A_1467 = arith.addi %mul3A_2, %mul3A_1466 : i32
      %add3A_1468 = arith.constant 1 : i32
      %add3A_1469 = arith.addi %add3A_1467, %add3A_1468 : i32
      %mul3A_1470 = arith.constant 4 : i32
      %mul3A_1471 = arith.muli %add3A_1448, %mul3A_1470 : i32
      %add3A_1472 = arith.addi %mul3A_2, %mul3A_1471 : i32
      %add3A_1473 = arith.constant 2 : i32
      %add3A_1474 = arith.addi %add3A_1472, %add3A_1473 : i32
      %mul3A_1475 = arith.constant 4 : i32
      %mul3A_1476 = arith.muli %add3A_1448, %mul3A_1475 : i32
      %add3A_1477 = arith.addi %mul3A_2, %mul3A_1476 : i32
      %add3A_1478 = arith.constant 3 : i32
      %add3A_1479 = arith.addi %add3A_1477, %add3A_1478 : i32
      %dma_start3A_1480 = arith.constant 6 : i32
      %dma_start3A_1481 = arith.constant 0 : i32
      %dma_start3A_1482 = arith.constant 0 : i32
      %dma_start3A_1483 = tpu.memref_slice %arg6[%dma_start3A_1480, %dma_start3A_1481, %dma_start3A_1482] : memref<8x200x64xf32, #tpu.memory_space<vmem>> -> memref<1x50x64xf32, #tpu.memory_space<vmem>>
      %dma_start3A_1484 = tpu.memref_squeeze %dma_start3A_1483 : memref<1x50x64xf32, #tpu.memory_space<vmem>> -> memref<50x64xf32, #tpu.memory_space<vmem>>
      %dma_start3A_1485 = arith.constant 0 : i32
      %dma_start3A_1486 = arith.constant 0 : i32
      %dma_start3A_1487 = tpu.memref_slice %arg4[%add3A_1464, %dma_start3A_1485, %dma_start3A_1486] : memref<4096x56x128xf32, #tpu.memory_space<hbm>> -> memref<1x50x64xf32, #tpu.memory_space<hbm>>
      %dma_start3A_1488 = tpu.memref_squeeze %dma_start3A_1487 : memref<1x50x64xf32, #tpu.memory_space<hbm>> -> memref<50x64xf32, #tpu.memory_space<hbm>>
      %dma_start3A_1489 = arith.constant 0 : i32
      %dma_start3A_1490 = arith.constant 0 : i32
      %dma_start3A_1491 = tpu.memref_slice %arg4[%add3A_1464, %dma_start3A_1489, %dma_start3A_1490] : memref<4096x56x128xf32, #tpu.memory_space<hbm>> -> memref<1x50x64xf32, #tpu.memory_space<hbm>>
      %dma_start3A_1492 = tpu.memref_squeeze %dma_start3A_1491 : memref<1x50x64xf32, #tpu.memory_space<hbm>> -> memref<50x64xf32, #tpu.memory_space<hbm>>
      %dma_start3A_1493 = arith.constant 0 : i32
      %dma_start3A_1494 = arith.constant 0 : i32
      %dma_start3A_1495 = tpu.memref_slice %arg6[%dma_start3A_1480, %dma_start3A_1493, %dma_start3A_1494] : memref<8x200x64xf32, #tpu.memory_space<vmem>> -> memref<1x50x64xf32, #tpu.memory_space<vmem>>
      %dma_start3A_1496 = tpu.memref_squeeze %dma_start3A_1495 : memref<1x50x64xf32, #tpu.memory_space<vmem>> -> memref<50x64xf32, #tpu.memory_space<vmem>>
      tpu.enqueue_dma source(%dma_start3A_1496 : memref<50x64xf32, #tpu.memory_space<vmem>>) target(%dma_start3A_1492 : memref<50x64xf32, #tpu.memory_space<hbm>>) target_semaphore(%arg21 : memref<!tpu.dma_semaphore, #tpu.memory_space<semaphore_mem>>)
      %dma_start3A_1497 = arith.constant 6 : i32
      %dma_start3A_1498 = arith.constant 50 : i32
      %dma_start3A_1499 = arith.constant 0 : i32
      %dma_start3A_1500 = tpu.memref_slice %arg6[%dma_start3A_1497, %dma_start3A_1498, %dma_start3A_1499] : memref<8x200x64xf32, #tpu.memory_space<vmem>> -> memref<1x50x64xf32, #tpu.memory_space<vmem>>
      %dma_start3A_1501 = tpu.memref_squeeze %dma_start3A_1500 : memref<1x50x64xf32, #tpu.memory_space<vmem>> -> memref<50x64xf32, #tpu.memory_space<vmem>>
      %dma_start3A_1502 = arith.constant 0 : i32
      %dma_start3A_1503 = arith.constant 0 : i32
      %dma_start3A_1504 = tpu.memref_slice %arg4[%add3A_1469, %dma_start3A_1502, %dma_start3A_1503] : memref<4096x56x128xf32, #tpu.memory_space<hbm>> -> memref<1x50x64xf32, #tpu.memory_space<hbm>>
      %dma_start3A_1505 = tpu.memref_squeeze %dma_start3A_1504 : memref<1x50x64xf32, #tpu.memory_space<hbm>> -> memref<50x64xf32, #tpu.memory_space<hbm>>
      %dma_start3A_1506 = arith.constant 0 : i32
      %dma_start3A_1507 = arith.constant 0 : i32
      %dma_start3A_1508 = tpu.memref_slice %arg4[%add3A_1469, %dma_start3A_1506, %dma_start3A_1507] : memref<4096x56x128xf32, #tpu.memory_space<hbm>> -> memref<1x50x64xf32, #tpu.memory_space<hbm>>
      %dma_start3A_1509 = tpu.memref_squeeze %dma_start3A_1508 : memref<1x50x64xf32, #tpu.memory_space<hbm>> -> memref<50x64xf32, #tpu.memory_space<hbm>>
      %dma_start3A_1510 = arith.constant 50 : i32
      %dma_start3A_1511 = arith.constant 0 : i32
      %dma_start3A_1512 = tpu.memref_slice %arg6[%dma_start3A_1497, %dma_start3A_1510, %dma_start3A_1511] : memref<8x200x64xf32, #tpu.memory_space<vmem>> -> memref<1x50x64xf32, #tpu.memory_space<vmem>>
      %dma_start3A_1513 = tpu.memref_squeeze %dma_start3A_1512 : memref<1x50x64xf32, #tpu.memory_space<vmem>> -> memref<50x64xf32, #tpu.memory_space<vmem>>
      tpu.enqueue_dma source(%dma_start3A_1513 : memref<50x64xf32, #tpu.memory_space<vmem>>) target(%dma_start3A_1509 : memref<50x64xf32, #tpu.memory_space<hbm>>) target_semaphore(%arg21 : memref<!tpu.dma_semaphore, #tpu.memory_space<semaphore_mem>>)
      %dma_start3A_1514 = arith.constant 6 : i32
      %dma_start3A_1515 = arith.constant 100 : i32
      %dma_start3A_1516 = arith.constant 0 : i32
      %dma_start3A_1517 = tpu.memref_slice %arg6[%dma_start3A_1514, %dma_start3A_1515, %dma_start3A_1516] : memref<8x200x64xf32, #tpu.memory_space<vmem>> -> memref<1x50x64xf32, #tpu.memory_space<vmem>>
      %dma_start3A_1518 = tpu.memref_squeeze %dma_start3A_1517 : memref<1x50x64xf32, #tpu.memory_space<vmem>> -> memref<50x64xf32, #tpu.memory_space<vmem>>
      %dma_start3A_1519 = arith.constant 0 : i32
      %dma_start3A_1520 = arith.constant 0 : i32
      %dma_start3A_1521 = tpu.memref_slice %arg4[%add3A_1474, %dma_start3A_1519, %dma_start3A_1520] : memref<4096x56x128xf32, #tpu.memory_space<hbm>> -> memref<1x50x64xf32, #tpu.memory_space<hbm>>
      %dma_start3A_1522 = tpu.memref_squeeze %dma_start3A_1521 : memref<1x50x64xf32, #tpu.memory_space<hbm>> -> memref<50x64xf32, #tpu.memory_space<hbm>>
      %dma_start3A_1523 = arith.constant 0 : i32
      %dma_start3A_1524 = arith.constant 0 : i32
      %dma_start3A_1525 = tpu.memref_slice %arg4[%add3A_1474, %dma_start3A_1523, %dma_start3A_1524] : memref<4096x56x128xf32, #tpu.memory_space<hbm>> -> memref<1x50x64xf32, #tpu.memory_space<hbm>>
      %dma_start3A_1526 = tpu.memref_squeeze %dma_start3A_1525 : memref<1x50x64xf32, #tpu.memory_space<hbm>> -> memref<50x64xf32, #tpu.memory_space<hbm>>
      %dma_start3A_1527 = arith.constant 100 : i32
      %dma_start3A_1528 = arith.constant 0 : i32
      %dma_start3A_1529 = tpu.memref_slice %arg6[%dma_start3A_1514, %dma_start3A_1527, %dma_start3A_1528] : memref<8x200x64xf32, #tpu.memory_space<vmem>> -> memref<1x50x64xf32, #tpu.memory_space<vmem>>
      %dma_start3A_1530 = tpu.memref_squeeze %dma_start3A_1529 : memref<1x50x64xf32, #tpu.memory_space<vmem>> -> memref<50x64xf32, #tpu.memory_space<vmem>>
      tpu.enqueue_dma source(%dma_start3A_1530 : memref<50x64xf32, #tpu.memory_space<vmem>>) target(%dma_start3A_1526 : memref<50x64xf32, #tpu.memory_space<hbm>>) target_semaphore(%arg21 : memref<!tpu.dma_semaphore, #tpu.memory_space<semaphore_mem>>)
      %dma_start3A_1531 = arith.constant 6 : i32
      %dma_start3A_1532 = arith.constant 150 : i32
      %dma_start3A_1533 = arith.constant 0 : i32
      %dma_start3A_1534 = tpu.memref_slice %arg6[%dma_start3A_1531, %dma_start3A_1532, %dma_start3A_1533] : memref<8x200x64xf32, #tpu.memory_space<vmem>> -> memref<1x50x64xf32, #tpu.memory_space<vmem>>
      %dma_start3A_1535 = tpu.memref_squeeze %dma_start3A_1534 : memref<1x50x64xf32, #tpu.memory_space<vmem>> -> memref<50x64xf32, #tpu.memory_space<vmem>>
      %dma_start3A_1536 = arith.constant 0 : i32
      %dma_start3A_1537 = arith.constant 0 : i32
      %dma_start3A_1538 = tpu.memref_slice %arg4[%add3A_1479, %dma_start3A_1536, %dma_start3A_1537] : memref<4096x56x128xf32, #tpu.memory_space<hbm>> -> memref<1x50x64xf32, #tpu.memory_space<hbm>>
      %dma_start3A_1539 = tpu.memref_squeeze %dma_start3A_1538 : memref<1x50x64xf32, #tpu.memory_space<hbm>> -> memref<50x64xf32, #tpu.memory_space<hbm>>
      %dma_start3A_1540 = arith.constant 0 : i32
      %dma_start3A_1541 = arith.constant 0 : i32
      %dma_start3A_1542 = tpu.memref_slice %arg4[%add3A_1479, %dma_start3A_1540, %dma_start3A_1541] : memref<4096x56x128xf32, #tpu.memory_space<hbm>> -> memref<1x50x64xf32, #tpu.memory_space<hbm>>
      %dma_start3A_1543 = tpu.memref_squeeze %dma_start3A_1542 : memref<1x50x64xf32, #tpu.memory_space<hbm>> -> memref<50x64xf32, #tpu.memory_space<hbm>>
      %dma_start3A_1544 = arith.constant 150 : i32
      %dma_start3A_1545 = arith.constant 0 : i32
      %dma_start3A_1546 = tpu.memref_slice %arg6[%dma_start3A_1531, %dma_start3A_1544, %dma_start3A_1545] : memref<8x200x64xf32, #tpu.memory_space<vmem>> -> memref<1x50x64xf32, #tpu.memory_space<vmem>>
      %dma_start3A_1547 = tpu.memref_squeeze %dma_start3A_1546 : memref<1x50x64xf32, #tpu.memory_space<vmem>> -> memref<50x64xf32, #tpu.memory_space<vmem>>
      tpu.enqueue_dma source(%dma_start3A_1547 : memref<50x64xf32, #tpu.memory_space<vmem>>) target(%dma_start3A_1543 : memref<50x64xf32, #tpu.memory_space<hbm>>) target_semaphore(%arg21 : memref<!tpu.dma_semaphore, #tpu.memory_space<semaphore_mem>>)
      %ge3A_1548 = arith.constant 1 : i32
      %ge3A_1549 = arith.cmpi sge, %add3A_1448, %ge3A_1548 : i32
      %add3A_1550 = arith.constant 8 : i32
      %add3A_1551 = arith.addi %add3A_1448, %add3A_1550 : i32
      %sub3A_1552 = arith.constant 1 : i32
      %sub3A_1553 = arith.subi %add3A_1551, %sub3A_1552 : i32
      %lt3A_1554 = arith.constant 32 : i32
      %lt3A_1555 = arith.cmpi slt, %sub3A_1553, %lt3A_1554 : i32
      %and3A_1556 = arith.andi %ge3A_1549, %lt3A_1555 : i1
      %convert_element_type3A_1557 = arith.extui %and3A_1556 : i1 to i32
      %cond3A_1558 = arith.constant 0 : i32
      %cond3A_1559 = arith.cmpi ne, %convert_element_type3A_1557, %cond3A_1558 : i32
      scf.if %cond3A_1559 {
        %sub3A_1676 = arith.constant 1 : i32
        %sub3A_1677 = arith.subi %add3A_1448, %sub3A_1676 : i32
        %mul3A_1678 = arith.constant 4 : i32
        %mul3A_1679 = arith.muli %sub3A_1677, %mul3A_1678 : i32
        %add3A_1680 = arith.addi %mul3A_2, %mul3A_1679 : i32
        %add3A_1681 = arith.constant 0 : i32
        %add3A_1682 = arith.addi %add3A_1680, %add3A_1681 : i32
        %mul3A_1683 = arith.constant 4 : i32
        %mul3A_1684 = arith.muli %sub3A_1677, %mul3A_1683 : i32
        %add3A_1685 = arith.addi %mul3A_2, %mul3A_1684 : i32
        %add3A_1686 = arith.constant 1 : i32
        %add3A_1687 = arith.addi %add3A_1685, %add3A_1686 : i32
        %mul3A_1688 = arith.constant 4 : i32
        %mul3A_1689 = arith.muli %sub3A_1677, %mul3A_1688 : i32
        %add3A_1690 = arith.addi %mul3A_2, %mul3A_1689 : i32
        %add3A_1691 = arith.constant 2 : i32
        %add3A_1692 = arith.addi %add3A_1690, %add3A_1691 : i32
        %mul3A_1693 = arith.constant 4 : i32
        %mul3A_1694 = arith.muli %sub3A_1677, %mul3A_1693 : i32
        %add3A_1695 = arith.addi %mul3A_2, %mul3A_1694 : i32
        %add3A_1696 = arith.constant 3 : i32
        %add3A_1697 = arith.addi %add3A_1695, %add3A_1696 : i32
        %dma_wait3A_1698 = arith.constant 5 : i32
        %dma_wait3A_1699 = arith.constant 0 : i32
        %dma_wait3A_1700 = arith.constant 0 : i32
        %dma_wait3A_1701 = tpu.memref_slice %arg6[%dma_wait3A_1698, %dma_wait3A_1699, %dma_wait3A_1700] : memref<8x200x64xf32, #tpu.memory_space<vmem>> -> memref<1x50x64xf32, #tpu.memory_space<vmem>>
        %dma_wait3A_1702 = tpu.memref_squeeze %dma_wait3A_1701 : memref<1x50x64xf32, #tpu.memory_space<vmem>> -> memref<50x64xf32, #tpu.memory_space<vmem>>
        %dma_wait3A_1703 = arith.constant 0 : i32
        %dma_wait3A_1704 = arith.constant 0 : i32
        %dma_wait3A_1705 = tpu.memref_slice %arg4[%add3A_1682, %dma_wait3A_1703, %dma_wait3A_1704] : memref<4096x56x128xf32, #tpu.memory_space<hbm>> -> memref<1x50x64xf32, #tpu.memory_space<hbm>>
        %dma_wait3A_1706 = tpu.memref_squeeze %dma_wait3A_1705 : memref<1x50x64xf32, #tpu.memory_space<hbm>> -> memref<50x64xf32, #tpu.memory_space<hbm>>
        %dma_wait3A_1707 = arith.constant 0 : i32
        %dma_wait3A_1708 = arith.constant 0 : i32
        %dma_wait3A_1709 = tpu.memref_slice %arg4[%add3A_1682, %dma_wait3A_1707, %dma_wait3A_1708] : memref<4096x56x128xf32, #tpu.memory_space<hbm>> -> memref<1x50x64xf32, #tpu.memory_space<hbm>>
        %dma_wait3A_1710 = tpu.memref_squeeze %dma_wait3A_1709 : memref<1x50x64xf32, #tpu.memory_space<hbm>> -> memref<50x64xf32, #tpu.memory_space<hbm>>
        %dma_wait3A_1711 = arith.constant 0 : i32
        %dma_wait3A_1712 = arith.constant 0 : i32
        %dma_wait3A_1713 = tpu.memref_slice %arg6[%dma_wait3A_1698, %dma_wait3A_1711, %dma_wait3A_1712] : memref<8x200x64xf32, #tpu.memory_space<vmem>> -> memref<1x50x64xf32, #tpu.memory_space<vmem>>
        %dma_wait3A_1714 = tpu.memref_squeeze %dma_wait3A_1713 : memref<1x50x64xf32, #tpu.memory_space<vmem>> -> memref<50x64xf32, #tpu.memory_space<vmem>>
        tpu.wait_dma2 semaphore(%arg20 : memref<!tpu.dma_semaphore, #tpu.memory_space<semaphore_mem>>) src(%dma_wait3A_1714 : memref<50x64xf32, #tpu.memory_space<vmem>>) dst(%dma_wait3A_1710 : memref<50x64xf32, #tpu.memory_space<hbm>>)
        %dma_wait3A_1715 = arith.constant 5 : i32
        %dma_wait3A_1716 = arith.constant 50 : i32
        %dma_wait3A_1717 = arith.constant 0 : i32
        %dma_wait3A_1718 = tpu.memref_slice %arg6[%dma_wait3A_1715, %dma_wait3A_1716, %dma_wait3A_1717] : memref<8x200x64xf32, #tpu.memory_space<vmem>> -> memref<1x50x64xf32, #tpu.memory_space<vmem>>
        %dma_wait3A_1719 = tpu.memref_squeeze %dma_wait3A_1718 : memref<1x50x64xf32, #tpu.memory_space<vmem>> -> memref<50x64xf32, #tpu.memory_space<vmem>>
        %dma_wait3A_1720 = arith.constant 0 : i32
        %dma_wait3A_1721 = arith.constant 0 : i32
        %dma_wait3A_1722 = tpu.memref_slice %arg4[%add3A_1687, %dma_wait3A_1720, %dma_wait3A_1721] : memref<4096x56x128xf32, #tpu.memory_space<hbm>> -> memref<1x50x64xf32, #tpu.memory_space<hbm>>
        %dma_wait3A_1723 = tpu.memref_squeeze %dma_wait3A_1722 : memref<1x50x64xf32, #tpu.memory_space<hbm>> -> memref<50x64xf32, #tpu.memory_space<hbm>>
        %dma_wait3A_1724 = arith.constant 0 : i32
        %dma_wait3A_1725 = arith.constant 0 : i32
        %dma_wait3A_1726 = tpu.memref_slice %arg4[%add3A_1687, %dma_wait3A_1724, %dma_wait3A_1725] : memref<4096x56x128xf32, #tpu.memory_space<hbm>> -> memref<1x50x64xf32, #tpu.memory_space<hbm>>
        %dma_wait3A_1727 = tpu.memref_squeeze %dma_wait3A_1726 : memref<1x50x64xf32, #tpu.memory_space<hbm>> -> memref<50x64xf32, #tpu.memory_space<hbm>>
        %dma_wait3A_1728 = arith.constant 50 : i32
        %dma_wait3A_1729 = arith.constant 0 : i32
        %dma_wait3A_1730 = tpu.memref_slice %arg6[%dma_wait3A_1715, %dma_wait3A_1728, %dma_wait3A_1729] : memref<8x200x64xf32, #tpu.memory_space<vmem>> -> memref<1x50x64xf32, #tpu.memory_space<vmem>>
        %dma_wait3A_1731 = tpu.memref_squeeze %dma_wait3A_1730 : memref<1x50x64xf32, #tpu.memory_space<vmem>> -> memref<50x64xf32, #tpu.memory_space<vmem>>
        tpu.wait_dma2 semaphore(%arg20 : memref<!tpu.dma_semaphore, #tpu.memory_space<semaphore_mem>>) src(%dma_wait3A_1731 : memref<50x64xf32, #tpu.memory_space<vmem>>) dst(%dma_wait3A_1727 : memref<50x64xf32, #tpu.memory_space<hbm>>)
        %dma_wait3A_1732 = arith.constant 5 : i32
        %dma_wait3A_1733 = arith.constant 100 : i32
        %dma_wait3A_1734 = arith.constant 0 : i32
        %dma_wait3A_1735 = tpu.memref_slice %arg6[%dma_wait3A_1732, %dma_wait3A_1733, %dma_wait3A_1734] : memref<8x200x64xf32, #tpu.memory_space<vmem>> -> memref<1x50x64xf32, #tpu.memory_space<vmem>>
        %dma_wait3A_1736 = tpu.memref_squeeze %dma_wait3A_1735 : memref<1x50x64xf32, #tpu.memory_space<vmem>> -> memref<50x64xf32, #tpu.memory_space<vmem>>
        %dma_wait3A_1737 = arith.constant 0 : i32
        %dma_wait3A_1738 = arith.constant 0 : i32
        %dma_wait3A_1739 = tpu.memref_slice %arg4[%add3A_1692, %dma_wait3A_1737, %dma_wait3A_1738] : memref<4096x56x128xf32, #tpu.memory_space<hbm>> -> memref<1x50x64xf32, #tpu.memory_space<hbm>>
        %dma_wait3A_1740 = tpu.memref_squeeze %dma_wait3A_1739 : memref<1x50x64xf32, #tpu.memory_space<hbm>> -> memref<50x64xf32, #tpu.memory_space<hbm>>
        %dma_wait3A_1741 = arith.constant 0 : i32
        %dma_wait3A_1742 = arith.constant 0 : i32
        %dma_wait3A_1743 = tpu.memref_slice %arg4[%add3A_1692, %dma_wait3A_1741, %dma_wait3A_1742] : memref<4096x56x128xf32, #tpu.memory_space<hbm>> -> memref<1x50x64xf32, #tpu.memory_space<hbm>>
        %dma_wait3A_1744 = tpu.memref_squeeze %dma_wait3A_1743 : memref<1x50x64xf32, #tpu.memory_space<hbm>> -> memref<50x64xf32, #tpu.memory_space<hbm>>
        %dma_wait3A_1745 = arith.constant 100 : i32
        %dma_wait3A_1746 = arith.constant 0 : i32
        %dma_wait3A_1747 = tpu.memref_slice %arg6[%dma_wait3A_1732, %dma_wait3A_1745, %dma_wait3A_1746] : memref<8x200x64xf32, #tpu.memory_space<vmem>> -> memref<1x50x64xf32, #tpu.memory_space<vmem>>
        %dma_wait3A_1748 = tpu.memref_squeeze %dma_wait3A_1747 : memref<1x50x64xf32, #tpu.memory_space<vmem>> -> memref<50x64xf32, #tpu.memory_space<vmem>>
        tpu.wait_dma2 semaphore(%arg20 : memref<!tpu.dma_semaphore, #tpu.memory_space<semaphore_mem>>) src(%dma_wait3A_1748 : memref<50x64xf32, #tpu.memory_space<vmem>>) dst(%dma_wait3A_1744 : memref<50x64xf32, #tpu.memory_space<hbm>>)
        %dma_wait3A_1749 = arith.constant 5 : i32
        %dma_wait3A_1750 = arith.constant 150 : i32
        %dma_wait3A_1751 = arith.constant 0 : i32
        %dma_wait3A_1752 = tpu.memref_slice %arg6[%dma_wait3A_1749, %dma_wait3A_1750, %dma_wait3A_1751] : memref<8x200x64xf32, #tpu.memory_space<vmem>> -> memref<1x50x64xf32, #tpu.memory_space<vmem>>
        %dma_wait3A_1753 = tpu.memref_squeeze %dma_wait3A_1752 : memref<1x50x64xf32, #tpu.memory_space<vmem>> -> memref<50x64xf32, #tpu.memory_space<vmem>>
        %dma_wait3A_1754 = arith.constant 0 : i32
        %dma_wait3A_1755 = arith.constant 0 : i32
        %dma_wait3A_1756 = tpu.memref_slice %arg4[%add3A_1697, %dma_wait3A_1754, %dma_wait3A_1755] : memref<4096x56x128xf32, #tpu.memory_space<hbm>> -> memref<1x50x64xf32, #tpu.memory_space<hbm>>
        %dma_wait3A_1757 = tpu.memref_squeeze %dma_wait3A_1756 : memref<1x50x64xf32, #tpu.memory_space<hbm>> -> memref<50x64xf32, #tpu.memory_space<hbm>>
        %dma_wait3A_1758 = arith.constant 0 : i32
        %dma_wait3A_1759 = arith.constant 0 : i32
        %dma_wait3A_1760 = tpu.memref_slice %arg4[%add3A_1697, %dma_wait3A_1758, %dma_wait3A_1759] : memref<4096x56x128xf32, #tpu.memory_space<hbm>> -> memref<1x50x64xf32, #tpu.memory_space<hbm>>
        %dma_wait3A_1761 = tpu.memref_squeeze %dma_wait3A_1760 : memref<1x50x64xf32, #tpu.memory_space<hbm>> -> memref<50x64xf32, #tpu.memory_space<hbm>>
        %dma_wait3A_1762 = arith.constant 150 : i32
        %dma_wait3A_1763 = arith.constant 0 : i32
        %dma_wait3A_1764 = tpu.memref_slice %arg6[%dma_wait3A_1749, %dma_wait3A_1762, %dma_wait3A_1763] : memref<8x200x64xf32, #tpu.memory_space<vmem>> -> memref<1x50x64xf32, #tpu.memory_space<vmem>>
        %dma_wait3A_1765 = tpu.memref_squeeze %dma_wait3A_1764 : memref<1x50x64xf32, #tpu.memory_space<vmem>> -> memref<50x64xf32, #tpu.memory_space<vmem>>
        tpu.wait_dma2 semaphore(%arg20 : memref<!tpu.dma_semaphore, #tpu.memory_space<semaphore_mem>>) src(%dma_wait3A_1765 : memref<50x64xf32, #tpu.memory_space<vmem>>) dst(%dma_wait3A_1761 : memref<50x64xf32, #tpu.memory_space<hbm>>)
        %add3A_1766 = arith.constant 8 : i32
        %add3A_1767 = arith.addi %add3A_1448, %add3A_1766 : i32
        %sub3A_1768 = arith.constant 1 : i32
        %sub3A_1769 = arith.subi %add3A_1767, %sub3A_1768 : i32
        %mul3A_1770 = arith.constant 200 : i32
        %mul3A_1771 = arith.muli %sub3A_1769, %mul3A_1770 : i32
        %dma_start3A_1772 = arith.constant 5 : i32
        %dma_start3A_1773 = arith.constant 0 : i32
        %dma_start3A_1774 = arith.constant 0 : i32
        %dma_start3A_1775 = tpu.memref_slice %arg6[%dma_start3A_1772, %dma_start3A_1773, %dma_start3A_1774] : memref<8x200x64xf32, #tpu.memory_space<vmem>> -> memref<1x200x64xf32, #tpu.memory_space<vmem>>
        %dma_start3A_1776 = tpu.memref_squeeze %dma_start3A_1775 : memref<1x200x64xf32, #tpu.memory_space<vmem>> -> memref<200x64xf32, #tpu.memory_space<vmem>>
        %dma_start3A_1777 = tpu.memref_slice %arg5[%mul3A_1771] : memref<6400xi32, #tpu.memory_space<vmem>> -> memref<200xi32, #tpu.memory_space<vmem>>
        %dma_start3A_1778 = arith.constant 0 : i32
        %dma_start3A_1779 = arith.constant 0 : i32
        %dma_start3A_1780 = tpu.memref_slice %arg3[%dma_start3A_1778, %dma_start3A_1779] : memref<100000x64xf32, #tpu.memory_space<hbm>> -> memref<100000x64xf32, #tpu.memory_space<hbm>>
        tpu.enqueue_indirect_dma source(%dma_start3A_1780 : memref<100000x64xf32, #tpu.memory_space<hbm>>) target(%dma_start3A_1776 : memref<200x64xf32, #tpu.memory_space<vmem>>) offsets(%dma_start3A_1777 : memref<200xi32, #tpu.memory_space<vmem>>) semaphore(%arg12 : memref<!tpu.dma_semaphore, #tpu.memory_space<semaphore_mem>>)
      } else {
      }
      %mul3A_1560 = arith.constant 8 : i32
      %mul3A_1561 = arith.muli %scan3A_759, %mul3A_1560 : i32
      %add3A_1562 = arith.constant 7 : i32
      %add3A_1563 = arith.addi %mul3A_1561, %add3A_1562 : i32
      %mul3A_1564 = arith.constant 200 : i32
      %mul3A_1565 = arith.muli %add3A_1563, %mul3A_1564 : i32
      %dma_wait3A_1566 = arith.constant 7 : i32
      %dma_wait3A_1567 = arith.constant 0 : i32
      %dma_wait3A_1568 = arith.constant 0 : i32
      %dma_wait3A_1569 = tpu.memref_slice %arg6[%dma_wait3A_1566, %dma_wait3A_1567, %dma_wait3A_1568] : memref<8x200x64xf32, #tpu.memory_space<vmem>> -> memref<1x200x64xf32, #tpu.memory_space<vmem>>
      %dma_wait3A_1570 = tpu.memref_squeeze %dma_wait3A_1569 : memref<1x200x64xf32, #tpu.memory_space<vmem>> -> memref<200x64xf32, #tpu.memory_space<vmem>>
      %dma_wait3A_1571 = tpu.memref_slice %arg5[%mul3A_1565] : memref<6400xi32, #tpu.memory_space<vmem>> -> memref<200xi32, #tpu.memory_space<vmem>>
      %dma_wait3A_1572 = arith.constant 0 : i32
      %dma_wait3A_1573 = arith.constant 0 : i32
      %dma_wait3A_1574 = tpu.memref_slice %arg3[%dma_wait3A_1572, %dma_wait3A_1573] : memref<100000x64xf32, #tpu.memory_space<hbm>> -> memref<100000x64xf32, #tpu.memory_space<hbm>>
      tpu.wait_indirect_dma semaphore(%arg14 : memref<!tpu.dma_semaphore, #tpu.memory_space<semaphore_mem>>) src(%dma_wait3A_1574 : memref<100000x64xf32, #tpu.memory_space<hbm>>) dst(%dma_wait3A_1570 : memref<200x64xf32, #tpu.memory_space<vmem>>)
      %mul3A_1575 = arith.constant 4 : i32
      %mul3A_1576 = arith.muli %add3A_1563, %mul3A_1575 : i32
      %add3A_1577 = arith.addi %mul3A_2, %mul3A_1576 : i32
      %add3A_1578 = arith.constant 0 : i32
      %add3A_1579 = arith.addi %add3A_1577, %add3A_1578 : i32
      %mul3A_1580 = arith.constant 4 : i32
      %mul3A_1581 = arith.muli %add3A_1563, %mul3A_1580 : i32
      %add3A_1582 = arith.addi %mul3A_2, %mul3A_1581 : i32
      %add3A_1583 = arith.constant 1 : i32
      %add3A_1584 = arith.addi %add3A_1582, %add3A_1583 : i32
      %mul3A_1585 = arith.constant 4 : i32
      %mul3A_1586 = arith.muli %add3A_1563, %mul3A_1585 : i32
      %add3A_1587 = arith.addi %mul3A_2, %mul3A_1586 : i32
      %add3A_1588 = arith.constant 2 : i32
      %add3A_1589 = arith.addi %add3A_1587, %add3A_1588 : i32
      %mul3A_1590 = arith.constant 4 : i32
      %mul3A_1591 = arith.muli %add3A_1563, %mul3A_1590 : i32
      %add3A_1592 = arith.addi %mul3A_2, %mul3A_1591 : i32
      %add3A_1593 = arith.constant 3 : i32
      %add3A_1594 = arith.addi %add3A_1592, %add3A_1593 : i32
      %dma_start3A_1595 = arith.constant 7 : i32
      %dma_start3A_1596 = arith.constant 0 : i32
      %dma_start3A_1597 = arith.constant 0 : i32
      %dma_start3A_1598 = tpu.memref_slice %arg6[%dma_start3A_1595, %dma_start3A_1596, %dma_start3A_1597] : memref<8x200x64xf32, #tpu.memory_space<vmem>> -> memref<1x50x64xf32, #tpu.memory_space<vmem>>
      %dma_start3A_1599 = tpu.memref_squeeze %dma_start3A_1598 : memref<1x50x64xf32, #tpu.memory_space<vmem>> -> memref<50x64xf32, #tpu.memory_space<vmem>>
      %dma_start3A_1600 = arith.constant 0 : i32
      %dma_start3A_1601 = arith.constant 0 : i32
      %dma_start3A_1602 = tpu.memref_slice %arg4[%add3A_1579, %dma_start3A_1600, %dma_start3A_1601] : memref<4096x56x128xf32, #tpu.memory_space<hbm>> -> memref<1x50x64xf32, #tpu.memory_space<hbm>>
      %dma_start3A_1603 = tpu.memref_squeeze %dma_start3A_1602 : memref<1x50x64xf32, #tpu.memory_space<hbm>> -> memref<50x64xf32, #tpu.memory_space<hbm>>
      %dma_start3A_1604 = arith.constant 0 : i32
      %dma_start3A_1605 = arith.constant 0 : i32
      %dma_start3A_1606 = tpu.memref_slice %arg4[%add3A_1579, %dma_start3A_1604, %dma_start3A_1605] : memref<4096x56x128xf32, #tpu.memory_space<hbm>> -> memref<1x50x64xf32, #tpu.memory_space<hbm>>
      %dma_start3A_1607 = tpu.memref_squeeze %dma_start3A_1606 : memref<1x50x64xf32, #tpu.memory_space<hbm>> -> memref<50x64xf32, #tpu.memory_space<hbm>>
      %dma_start3A_1608 = arith.constant 0 : i32
      %dma_start3A_1609 = arith.constant 0 : i32
      %dma_start3A_1610 = tpu.memref_slice %arg6[%dma_start3A_1595, %dma_start3A_1608, %dma_start3A_1609] : memref<8x200x64xf32, #tpu.memory_space<vmem>> -> memref<1x50x64xf32, #tpu.memory_space<vmem>>
      %dma_start3A_1611 = tpu.memref_squeeze %dma_start3A_1610 : memref<1x50x64xf32, #tpu.memory_space<vmem>> -> memref<50x64xf32, #tpu.memory_space<vmem>>
      tpu.enqueue_dma source(%dma_start3A_1611 : memref<50x64xf32, #tpu.memory_space<vmem>>) target(%dma_start3A_1607 : memref<50x64xf32, #tpu.memory_space<hbm>>) target_semaphore(%arg22 : memref<!tpu.dma_semaphore, #tpu.memory_space<semaphore_mem>>)
      %dma_start3A_1612 = arith.constant 7 : i32
      %dma_start3A_1613 = arith.constant 50 : i32
      %dma_start3A_1614 = arith.constant 0 : i32
      %dma_start3A_1615 = tpu.memref_slice %arg6[%dma_start3A_1612, %dma_start3A_1613, %dma_start3A_1614] : memref<8x200x64xf32, #tpu.memory_space<vmem>> -> memref<1x50x64xf32, #tpu.memory_space<vmem>>
      %dma_start3A_1616 = tpu.memref_squeeze %dma_start3A_1615 : memref<1x50x64xf32, #tpu.memory_space<vmem>> -> memref<50x64xf32, #tpu.memory_space<vmem>>
      %dma_start3A_1617 = arith.constant 0 : i32
      %dma_start3A_1618 = arith.constant 0 : i32
      %dma_start3A_1619 = tpu.memref_slice %arg4[%add3A_1584, %dma_start3A_1617, %dma_start3A_1618] : memref<4096x56x128xf32, #tpu.memory_space<hbm>> -> memref<1x50x64xf32, #tpu.memory_space<hbm>>
      %dma_start3A_1620 = tpu.memref_squeeze %dma_start3A_1619 : memref<1x50x64xf32, #tpu.memory_space<hbm>> -> memref<50x64xf32, #tpu.memory_space<hbm>>
      %dma_start3A_1621 = arith.constant 0 : i32
      %dma_start3A_1622 = arith.constant 0 : i32
      %dma_start3A_1623 = tpu.memref_slice %arg4[%add3A_1584, %dma_start3A_1621, %dma_start3A_1622] : memref<4096x56x128xf32, #tpu.memory_space<hbm>> -> memref<1x50x64xf32, #tpu.memory_space<hbm>>
      %dma_start3A_1624 = tpu.memref_squeeze %dma_start3A_1623 : memref<1x50x64xf32, #tpu.memory_space<hbm>> -> memref<50x64xf32, #tpu.memory_space<hbm>>
      %dma_start3A_1625 = arith.constant 50 : i32
      %dma_start3A_1626 = arith.constant 0 : i32
      %dma_start3A_1627 = tpu.memref_slice %arg6[%dma_start3A_1612, %dma_start3A_1625, %dma_start3A_1626] : memref<8x200x64xf32, #tpu.memory_space<vmem>> -> memref<1x50x64xf32, #tpu.memory_space<vmem>>
      %dma_start3A_1628 = tpu.memref_squeeze %dma_start3A_1627 : memref<1x50x64xf32, #tpu.memory_space<vmem>> -> memref<50x64xf32, #tpu.memory_space<vmem>>
      tpu.enqueue_dma source(%dma_start3A_1628 : memref<50x64xf32, #tpu.memory_space<vmem>>) target(%dma_start3A_1624 : memref<50x64xf32, #tpu.memory_space<hbm>>) target_semaphore(%arg22 : memref<!tpu.dma_semaphore, #tpu.memory_space<semaphore_mem>>)
      %dma_start3A_1629 = arith.constant 7 : i32
      %dma_start3A_1630 = arith.constant 100 : i32
      %dma_start3A_1631 = arith.constant 0 : i32
      %dma_start3A_1632 = tpu.memref_slice %arg6[%dma_start3A_1629, %dma_start3A_1630, %dma_start3A_1631] : memref<8x200x64xf32, #tpu.memory_space<vmem>> -> memref<1x50x64xf32, #tpu.memory_space<vmem>>
      %dma_start3A_1633 = tpu.memref_squeeze %dma_start3A_1632 : memref<1x50x64xf32, #tpu.memory_space<vmem>> -> memref<50x64xf32, #tpu.memory_space<vmem>>
      %dma_start3A_1634 = arith.constant 0 : i32
      %dma_start3A_1635 = arith.constant 0 : i32
      %dma_start3A_1636 = tpu.memref_slice %arg4[%add3A_1589, %dma_start3A_1634, %dma_start3A_1635] : memref<4096x56x128xf32, #tpu.memory_space<hbm>> -> memref<1x50x64xf32, #tpu.memory_space<hbm>>
      %dma_start3A_1637 = tpu.memref_squeeze %dma_start3A_1636 : memref<1x50x64xf32, #tpu.memory_space<hbm>> -> memref<50x64xf32, #tpu.memory_space<hbm>>
      %dma_start3A_1638 = arith.constant 0 : i32
      %dma_start3A_1639 = arith.constant 0 : i32
      %dma_start3A_1640 = tpu.memref_slice %arg4[%add3A_1589, %dma_start3A_1638, %dma_start3A_1639] : memref<4096x56x128xf32, #tpu.memory_space<hbm>> -> memref<1x50x64xf32, #tpu.memory_space<hbm>>
      %dma_start3A_1641 = tpu.memref_squeeze %dma_start3A_1640 : memref<1x50x64xf32, #tpu.memory_space<hbm>> -> memref<50x64xf32, #tpu.memory_space<hbm>>
      %dma_start3A_1642 = arith.constant 100 : i32
      %dma_start3A_1643 = arith.constant 0 : i32
      %dma_start3A_1644 = tpu.memref_slice %arg6[%dma_start3A_1629, %dma_start3A_1642, %dma_start3A_1643] : memref<8x200x64xf32, #tpu.memory_space<vmem>> -> memref<1x50x64xf32, #tpu.memory_space<vmem>>
      %dma_start3A_1645 = tpu.memref_squeeze %dma_start3A_1644 : memref<1x50x64xf32, #tpu.memory_space<vmem>> -> memref<50x64xf32, #tpu.memory_space<vmem>>
      tpu.enqueue_dma source(%dma_start3A_1645 : memref<50x64xf32, #tpu.memory_space<vmem>>) target(%dma_start3A_1641 : memref<50x64xf32, #tpu.memory_space<hbm>>) target_semaphore(%arg22 : memref<!tpu.dma_semaphore, #tpu.memory_space<semaphore_mem>>)
      %dma_start3A_1646 = arith.constant 7 : i32
      %dma_start3A_1647 = arith.constant 150 : i32
      %dma_start3A_1648 = arith.constant 0 : i32
      %dma_start3A_1649 = tpu.memref_slice %arg6[%dma_start3A_1646, %dma_start3A_1647, %dma_start3A_1648] : memref<8x200x64xf32, #tpu.memory_space<vmem>> -> memref<1x50x64xf32, #tpu.memory_space<vmem>>
      %dma_start3A_1650 = tpu.memref_squeeze %dma_start3A_1649 : memref<1x50x64xf32, #tpu.memory_space<vmem>> -> memref<50x64xf32, #tpu.memory_space<vmem>>
      %dma_start3A_1651 = arith.constant 0 : i32
      %dma_start3A_1652 = arith.constant 0 : i32
      %dma_start3A_1653 = tpu.memref_slice %arg4[%add3A_1594, %dma_start3A_1651, %dma_start3A_1652] : memref<4096x56x128xf32, #tpu.memory_space<hbm>> -> memref<1x50x64xf32, #tpu.memory_space<hbm>>
      %dma_start3A_1654 = tpu.memref_squeeze %dma_start3A_1653 : memref<1x50x64xf32, #tpu.memory_space<hbm>> -> memref<50x64xf32, #tpu.memory_space<hbm>>
      %dma_start3A_1655 = arith.constant 0 : i32
      %dma_start3A_1656 = arith.constant 0 : i32
      %dma_start3A_1657 = tpu.memref_slice %arg4[%add3A_1594, %dma_start3A_1655, %dma_start3A_1656] : memref<4096x56x128xf32, #tpu.memory_space<hbm>> -> memref<1x50x64xf32, #tpu.memory_space<hbm>>
      %dma_start3A_1658 = tpu.memref_squeeze %dma_start3A_1657 : memref<1x50x64xf32, #tpu.memory_space<hbm>> -> memref<50x64xf32, #tpu.memory_space<hbm>>
      %dma_start3A_1659 = arith.constant 150 : i32
      %dma_start3A_1660 = arith.constant 0 : i32
      %dma_start3A_1661 = tpu.memref_slice %arg6[%dma_start3A_1646, %dma_start3A_1659, %dma_start3A_1660] : memref<8x200x64xf32, #tpu.memory_space<vmem>> -> memref<1x50x64xf32, #tpu.memory_space<vmem>>
      %dma_start3A_1662 = tpu.memref_squeeze %dma_start3A_1661 : memref<1x50x64xf32, #tpu.memory_space<vmem>> -> memref<50x64xf32, #tpu.memory_space<vmem>>
      tpu.enqueue_dma source(%dma_start3A_1662 : memref<50x64xf32, #tpu.memory_space<vmem>>) target(%dma_start3A_1658 : memref<50x64xf32, #tpu.memory_space<hbm>>) target_semaphore(%arg22 : memref<!tpu.dma_semaphore, #tpu.memory_space<semaphore_mem>>)
      %ge3A_1663 = arith.constant 1 : i32
      %ge3A_1664 = arith.cmpi sge, %add3A_1563, %ge3A_1663 : i32
      %add3A_1665 = arith.constant 8 : i32
      %add3A_1666 = arith.addi %add3A_1563, %add3A_1665 : i32
      %sub3A_1667 = arith.constant 1 : i32
      %sub3A_1668 = arith.subi %add3A_1666, %sub3A_1667 : i32
      %lt3A_1669 = arith.constant 32 : i32
      %lt3A_1670 = arith.cmpi slt, %sub3A_1668, %lt3A_1669 : i32
      %and3A_1671 = arith.andi %ge3A_1664, %lt3A_1670 : i1
      %convert_element_type3A_1672 = arith.extui %and3A_1671 : i1 to i32
      %cond3A_1673 = arith.constant 0 : i32
      %cond3A_1674 = arith.cmpi ne, %convert_element_type3A_1672, %cond3A_1673 : i32
      scf.if %cond3A_1674 {
        %sub3A_1676 = arith.constant 1 : i32
        %sub3A_1677 = arith.subi %add3A_1563, %sub3A_1676 : i32
        %mul3A_1678 = arith.constant 4 : i32
        %mul3A_1679 = arith.muli %sub3A_1677, %mul3A_1678 : i32
        %add3A_1680 = arith.addi %mul3A_2, %mul3A_1679 : i32
        %add3A_1681 = arith.constant 0 : i32
        %add3A_1682 = arith.addi %add3A_1680, %add3A_1681 : i32
        %mul3A_1683 = arith.constant 4 : i32
        %mul3A_1684 = arith.muli %sub3A_1677, %mul3A_1683 : i32
        %add3A_1685 = arith.addi %mul3A_2, %mul3A_1684 : i32
        %add3A_1686 = arith.constant 1 : i32
        %add3A_1687 = arith.addi %add3A_1685, %add3A_1686 : i32
        %mul3A_1688 = arith.constant 4 : i32
        %mul3A_1689 = arith.muli %sub3A_1677, %mul3A_1688 : i32
        %add3A_1690 = arith.addi %mul3A_2, %mul3A_1689 : i32
        %add3A_1691 = arith.constant 2 : i32
        %add3A_1692 = arith.addi %add3A_1690, %add3A_1691 : i32
        %mul3A_1693 = arith.constant 4 : i32
        %mul3A_1694 = arith.muli %sub3A_1677, %mul3A_1693 : i32
        %add3A_1695 = arith.addi %mul3A_2, %mul3A_1694 : i32
        %add3A_1696 = arith.constant 3 : i32
        %add3A_1697 = arith.addi %add3A_1695, %add3A_1696 : i32
        %dma_wait3A_1698 = arith.constant 6 : i32
        %dma_wait3A_1699 = arith.constant 0 : i32
        %dma_wait3A_1700 = arith.constant 0 : i32
        %dma_wait3A_1701 = tpu.memref_slice %arg6[%dma_wait3A_1698, %dma_wait3A_1699, %dma_wait3A_1700] : memref<8x200x64xf32, #tpu.memory_space<vmem>> -> memref<1x50x64xf32, #tpu.memory_space<vmem>>
        %dma_wait3A_1702 = tpu.memref_squeeze %dma_wait3A_1701 : memref<1x50x64xf32, #tpu.memory_space<vmem>> -> memref<50x64xf32, #tpu.memory_space<vmem>>
        %dma_wait3A_1703 = arith.constant 0 : i32
        %dma_wait3A_1704 = arith.constant 0 : i32
        %dma_wait3A_1705 = tpu.memref_slice %arg4[%add3A_1682, %dma_wait3A_1703, %dma_wait3A_1704] : memref<4096x56x128xf32, #tpu.memory_space<hbm>> -> memref<1x50x64xf32, #tpu.memory_space<hbm>>
        %dma_wait3A_1706 = tpu.memref_squeeze %dma_wait3A_1705 : memref<1x50x64xf32, #tpu.memory_space<hbm>> -> memref<50x64xf32, #tpu.memory_space<hbm>>
        %dma_wait3A_1707 = arith.constant 0 : i32
        %dma_wait3A_1708 = arith.constant 0 : i32
        %dma_wait3A_1709 = tpu.memref_slice %arg4[%add3A_1682, %dma_wait3A_1707, %dma_wait3A_1708] : memref<4096x56x128xf32, #tpu.memory_space<hbm>> -> memref<1x50x64xf32, #tpu.memory_space<hbm>>
        %dma_wait3A_1710 = tpu.memref_squeeze %dma_wait3A_1709 : memref<1x50x64xf32, #tpu.memory_space<hbm>> -> memref<50x64xf32, #tpu.memory_space<hbm>>
        %dma_wait3A_1711 = arith.constant 0 : i32
        %dma_wait3A_1712 = arith.constant 0 : i32
        %dma_wait3A_1713 = tpu.memref_slice %arg6[%dma_wait3A_1698, %dma_wait3A_1711, %dma_wait3A_1712] : memref<8x200x64xf32, #tpu.memory_space<vmem>> -> memref<1x50x64xf32, #tpu.memory_space<vmem>>
        %dma_wait3A_1714 = tpu.memref_squeeze %dma_wait3A_1713 : memref<1x50x64xf32, #tpu.memory_space<vmem>> -> memref<50x64xf32, #tpu.memory_space<vmem>>
        tpu.wait_dma2 semaphore(%arg21 : memref<!tpu.dma_semaphore, #tpu.memory_space<semaphore_mem>>) src(%dma_wait3A_1714 : memref<50x64xf32, #tpu.memory_space<vmem>>) dst(%dma_wait3A_1710 : memref<50x64xf32, #tpu.memory_space<hbm>>)
        %dma_wait3A_1715 = arith.constant 6 : i32
        %dma_wait3A_1716 = arith.constant 50 : i32
        %dma_wait3A_1717 = arith.constant 0 : i32
        %dma_wait3A_1718 = tpu.memref_slice %arg6[%dma_wait3A_1715, %dma_wait3A_1716, %dma_wait3A_1717] : memref<8x200x64xf32, #tpu.memory_space<vmem>> -> memref<1x50x64xf32, #tpu.memory_space<vmem>>
        %dma_wait3A_1719 = tpu.memref_squeeze %dma_wait3A_1718 : memref<1x50x64xf32, #tpu.memory_space<vmem>> -> memref<50x64xf32, #tpu.memory_space<vmem>>
        %dma_wait3A_1720 = arith.constant 0 : i32
        %dma_wait3A_1721 = arith.constant 0 : i32
        %dma_wait3A_1722 = tpu.memref_slice %arg4[%add3A_1687, %dma_wait3A_1720, %dma_wait3A_1721] : memref<4096x56x128xf32, #tpu.memory_space<hbm>> -> memref<1x50x64xf32, #tpu.memory_space<hbm>>
        %dma_wait3A_1723 = tpu.memref_squeeze %dma_wait3A_1722 : memref<1x50x64xf32, #tpu.memory_space<hbm>> -> memref<50x64xf32, #tpu.memory_space<hbm>>
        %dma_wait3A_1724 = arith.constant 0 : i32
        %dma_wait3A_1725 = arith.constant 0 : i32
        %dma_wait3A_1726 = tpu.memref_slice %arg4[%add3A_1687, %dma_wait3A_1724, %dma_wait3A_1725] : memref<4096x56x128xf32, #tpu.memory_space<hbm>> -> memref<1x50x64xf32, #tpu.memory_space<hbm>>
        %dma_wait3A_1727 = tpu.memref_squeeze %dma_wait3A_1726 : memref<1x50x64xf32, #tpu.memory_space<hbm>> -> memref<50x64xf32, #tpu.memory_space<hbm>>
        %dma_wait3A_1728 = arith.constant 50 : i32
        %dma_wait3A_1729 = arith.constant 0 : i32
        %dma_wait3A_1730 = tpu.memref_slice %arg6[%dma_wait3A_1715, %dma_wait3A_1728, %dma_wait3A_1729] : memref<8x200x64xf32, #tpu.memory_space<vmem>> -> memref<1x50x64xf32, #tpu.memory_space<vmem>>
        %dma_wait3A_1731 = tpu.memref_squeeze %dma_wait3A_1730 : memref<1x50x64xf32, #tpu.memory_space<vmem>> -> memref<50x64xf32, #tpu.memory_space<vmem>>
        tpu.wait_dma2 semaphore(%arg21 : memref<!tpu.dma_semaphore, #tpu.memory_space<semaphore_mem>>) src(%dma_wait3A_1731 : memref<50x64xf32, #tpu.memory_space<vmem>>) dst(%dma_wait3A_1727 : memref<50x64xf32, #tpu.memory_space<hbm>>)
        %dma_wait3A_1732 = arith.constant 6 : i32
        %dma_wait3A_1733 = arith.constant 100 : i32
        %dma_wait3A_1734 = arith.constant 0 : i32
        %dma_wait3A_1735 = tpu.memref_slice %arg6[%dma_wait3A_1732, %dma_wait3A_1733, %dma_wait3A_1734] : memref<8x200x64xf32, #tpu.memory_space<vmem>> -> memref<1x50x64xf32, #tpu.memory_space<vmem>>
        %dma_wait3A_1736 = tpu.memref_squeeze %dma_wait3A_1735 : memref<1x50x64xf32, #tpu.memory_space<vmem>> -> memref<50x64xf32, #tpu.memory_space<vmem>>
        %dma_wait3A_1737 = arith.constant 0 : i32
        %dma_wait3A_1738 = arith.constant 0 : i32
        %dma_wait3A_1739 = tpu.memref_slice %arg4[%add3A_1692, %dma_wait3A_1737, %dma_wait3A_1738] : memref<4096x56x128xf32, #tpu.memory_space<hbm>> -> memref<1x50x64xf32, #tpu.memory_space<hbm>>
        %dma_wait3A_1740 = tpu.memref_squeeze %dma_wait3A_1739 : memref<1x50x64xf32, #tpu.memory_space<hbm>> -> memref<50x64xf32, #tpu.memory_space<hbm>>
        %dma_wait3A_1741 = arith.constant 0 : i32
        %dma_wait3A_1742 = arith.constant 0 : i32
        %dma_wait3A_1743 = tpu.memref_slice %arg4[%add3A_1692, %dma_wait3A_1741, %dma_wait3A_1742] : memref<4096x56x128xf32, #tpu.memory_space<hbm>> -> memref<1x50x64xf32, #tpu.memory_space<hbm>>
        %dma_wait3A_1744 = tpu.memref_squeeze %dma_wait3A_1743 : memref<1x50x64xf32, #tpu.memory_space<hbm>> -> memref<50x64xf32, #tpu.memory_space<hbm>>
        %dma_wait3A_1745 = arith.constant 100 : i32
        %dma_wait3A_1746 = arith.constant 0 : i32
        %dma_wait3A_1747 = tpu.memref_slice %arg6[%dma_wait3A_1732, %dma_wait3A_1745, %dma_wait3A_1746] : memref<8x200x64xf32, #tpu.memory_space<vmem>> -> memref<1x50x64xf32, #tpu.memory_space<vmem>>
        %dma_wait3A_1748 = tpu.memref_squeeze %dma_wait3A_1747 : memref<1x50x64xf32, #tpu.memory_space<vmem>> -> memref<50x64xf32, #tpu.memory_space<vmem>>
        tpu.wait_dma2 semaphore(%arg21 : memref<!tpu.dma_semaphore, #tpu.memory_space<semaphore_mem>>) src(%dma_wait3A_1748 : memref<50x64xf32, #tpu.memory_space<vmem>>) dst(%dma_wait3A_1744 : memref<50x64xf32, #tpu.memory_space<hbm>>)
        %dma_wait3A_1749 = arith.constant 6 : i32
        %dma_wait3A_1750 = arith.constant 150 : i32
        %dma_wait3A_1751 = arith.constant 0 : i32
        %dma_wait3A_1752 = tpu.memref_slice %arg6[%dma_wait3A_1749, %dma_wait3A_1750, %dma_wait3A_1751] : memref<8x200x64xf32, #tpu.memory_space<vmem>> -> memref<1x50x64xf32, #tpu.memory_space<vmem>>
        %dma_wait3A_1753 = tpu.memref_squeeze %dma_wait3A_1752 : memref<1x50x64xf32, #tpu.memory_space<vmem>> -> memref<50x64xf32, #tpu.memory_space<vmem>>
        %dma_wait3A_1754 = arith.constant 0 : i32
        %dma_wait3A_1755 = arith.constant 0 : i32
        %dma_wait3A_1756 = tpu.memref_slice %arg4[%add3A_1697, %dma_wait3A_1754, %dma_wait3A_1755] : memref<4096x56x128xf32, #tpu.memory_space<hbm>> -> memref<1x50x64xf32, #tpu.memory_space<hbm>>
        %dma_wait3A_1757 = tpu.memref_squeeze %dma_wait3A_1756 : memref<1x50x64xf32, #tpu.memory_space<hbm>> -> memref<50x64xf32, #tpu.memory_space<hbm>>
        %dma_wait3A_1758 = arith.constant 0 : i32
        %dma_wait3A_1759 = arith.constant 0 : i32
        %dma_wait3A_1760 = tpu.memref_slice %arg4[%add3A_1697, %dma_wait3A_1758, %dma_wait3A_1759] : memref<4096x56x128xf32, #tpu.memory_space<hbm>> -> memref<1x50x64xf32, #tpu.memory_space<hbm>>
        %dma_wait3A_1761 = tpu.memref_squeeze %dma_wait3A_1760 : memref<1x50x64xf32, #tpu.memory_space<hbm>> -> memref<50x64xf32, #tpu.memory_space<hbm>>
        %dma_wait3A_1762 = arith.constant 150 : i32
        %dma_wait3A_1763 = arith.constant 0 : i32
        %dma_wait3A_1764 = tpu.memref_slice %arg6[%dma_wait3A_1749, %dma_wait3A_1762, %dma_wait3A_1763] : memref<8x200x64xf32, #tpu.memory_space<vmem>> -> memref<1x50x64xf32, #tpu.memory_space<vmem>>
        %dma_wait3A_1765 = tpu.memref_squeeze %dma_wait3A_1764 : memref<1x50x64xf32, #tpu.memory_space<vmem>> -> memref<50x64xf32, #tpu.memory_space<vmem>>
        tpu.wait_dma2 semaphore(%arg21 : memref<!tpu.dma_semaphore, #tpu.memory_space<semaphore_mem>>) src(%dma_wait3A_1765 : memref<50x64xf32, #tpu.memory_space<vmem>>) dst(%dma_wait3A_1761 : memref<50x64xf32, #tpu.memory_space<hbm>>)
        %add3A_1766 = arith.constant 8 : i32
        %add3A_1767 = arith.addi %add3A_1563, %add3A_1766 : i32
        %sub3A_1768 = arith.constant 1 : i32
        %sub3A_1769 = arith.subi %add3A_1767, %sub3A_1768 : i32
        %mul3A_1770 = arith.constant 200 : i32
        %mul3A_1771 = arith.muli %sub3A_1769, %mul3A_1770 : i32
        %dma_start3A_1772 = arith.constant 6 : i32
        %dma_start3A_1773 = arith.constant 0 : i32
        %dma_start3A_1774 = arith.constant 0 : i32
        %dma_start3A_1775 = tpu.memref_slice %arg6[%dma_start3A_1772, %dma_start3A_1773, %dma_start3A_1774] : memref<8x200x64xf32, #tpu.memory_space<vmem>> -> memref<1x200x64xf32, #tpu.memory_space<vmem>>
        %dma_start3A_1776 = tpu.memref_squeeze %dma_start3A_1775 : memref<1x200x64xf32, #tpu.memory_space<vmem>> -> memref<200x64xf32, #tpu.memory_space<vmem>>
        %dma_start3A_1777 = tpu.memref_slice %arg5[%mul3A_1771] : memref<6400xi32, #tpu.memory_space<vmem>> -> memref<200xi32, #tpu.memory_space<vmem>>
        %dma_start3A_1778 = arith.constant 0 : i32
        %dma_start3A_1779 = arith.constant 0 : i32
        %dma_start3A_1780 = tpu.memref_slice %arg3[%dma_start3A_1778, %dma_start3A_1779] : memref<100000x64xf32, #tpu.memory_space<hbm>> -> memref<100000x64xf32, #tpu.memory_space<hbm>>
        tpu.enqueue_indirect_dma source(%dma_start3A_1780 : memref<100000x64xf32, #tpu.memory_space<hbm>>) target(%dma_start3A_1776 : memref<200x64xf32, #tpu.memory_space<vmem>>) offsets(%dma_start3A_1777 : memref<200xi32, #tpu.memory_space<vmem>>) semaphore(%arg13 : memref<!tpu.dma_semaphore, #tpu.memory_space<semaphore_mem>>)
      } else {
      }
      %scan3A_1675 = arith.constant 0 : i32
      scf.yield %scan3A_1675 : i32
    }
    %scan3A_87 = arith.constant 4 : i32
    %add3A_88 = arith.constant 96 : i32
    %add3A_89 = arith.addi %mul3A_2, %add3A_88 : i32
    %add3A_90 = arith.constant 0 : i32
    %add3A_91 = arith.addi %add3A_89, %add3A_90 : i32
    %add3A_92 = arith.constant 96 : i32
    %add3A_93 = arith.addi %mul3A_2, %add3A_92 : i32
    %add3A_94 = arith.constant 1 : i32
    %add3A_95 = arith.addi %add3A_93, %add3A_94 : i32
    %add3A_96 = arith.constant 96 : i32
    %add3A_97 = arith.addi %mul3A_2, %add3A_96 : i32
    %add3A_98 = arith.constant 2 : i32
    %add3A_99 = arith.addi %add3A_97, %add3A_98 : i32
    %add3A_100 = arith.constant 96 : i32
    %add3A_101 = arith.addi %mul3A_2, %add3A_100 : i32
    %add3A_102 = arith.constant 3 : i32
    %add3A_103 = arith.addi %add3A_101, %add3A_102 : i32
    %dma_wait3A = arith.constant 0 : i32
    %dma_wait3A_104 = arith.constant 0 : i32
    %dma_wait3A_105 = arith.constant 0 : i32
    %dma_wait3A_106 = tpu.memref_slice %arg6[%dma_wait3A, %dma_wait3A_104, %dma_wait3A_105] : memref<8x200x64xf32, #tpu.memory_space<vmem>> -> memref<1x50x64xf32, #tpu.memory_space<vmem>>
    %dma_wait3A_107 = tpu.memref_squeeze %dma_wait3A_106 : memref<1x50x64xf32, #tpu.memory_space<vmem>> -> memref<50x64xf32, #tpu.memory_space<vmem>>
    %dma_wait3A_108 = arith.constant 0 : i32
    %dma_wait3A_109 = arith.constant 0 : i32
    %dma_wait3A_110 = tpu.memref_slice %arg4[%add3A_91, %dma_wait3A_108, %dma_wait3A_109] : memref<4096x56x128xf32, #tpu.memory_space<hbm>> -> memref<1x50x64xf32, #tpu.memory_space<hbm>>
    %dma_wait3A_111 = tpu.memref_squeeze %dma_wait3A_110 : memref<1x50x64xf32, #tpu.memory_space<hbm>> -> memref<50x64xf32, #tpu.memory_space<hbm>>
    %dma_wait3A_112 = arith.constant 0 : i32
    %dma_wait3A_113 = arith.constant 0 : i32
    %dma_wait3A_114 = tpu.memref_slice %arg4[%add3A_91, %dma_wait3A_112, %dma_wait3A_113] : memref<4096x56x128xf32, #tpu.memory_space<hbm>> -> memref<1x50x64xf32, #tpu.memory_space<hbm>>
    %dma_wait3A_115 = tpu.memref_squeeze %dma_wait3A_114 : memref<1x50x64xf32, #tpu.memory_space<hbm>> -> memref<50x64xf32, #tpu.memory_space<hbm>>
    %dma_wait3A_116 = arith.constant 0 : i32
    %dma_wait3A_117 = arith.constant 0 : i32
    %dma_wait3A_118 = tpu.memref_slice %arg6[%dma_wait3A, %dma_wait3A_116, %dma_wait3A_117] : memref<8x200x64xf32, #tpu.memory_space<vmem>> -> memref<1x50x64xf32, #tpu.memory_space<vmem>>
    %dma_wait3A_119 = tpu.memref_squeeze %dma_wait3A_118 : memref<1x50x64xf32, #tpu.memory_space<vmem>> -> memref<50x64xf32, #tpu.memory_space<vmem>>
    tpu.wait_dma2 semaphore(%arg15 : memref<!tpu.dma_semaphore, #tpu.memory_space<semaphore_mem>>) src(%dma_wait3A_119 : memref<50x64xf32, #tpu.memory_space<vmem>>) dst(%dma_wait3A_115 : memref<50x64xf32, #tpu.memory_space<hbm>>)
    %dma_wait3A_120 = arith.constant 0 : i32
    %dma_wait3A_121 = arith.constant 50 : i32
    %dma_wait3A_122 = arith.constant 0 : i32
    %dma_wait3A_123 = tpu.memref_slice %arg6[%dma_wait3A_120, %dma_wait3A_121, %dma_wait3A_122] : memref<8x200x64xf32, #tpu.memory_space<vmem>> -> memref<1x50x64xf32, #tpu.memory_space<vmem>>
    %dma_wait3A_124 = tpu.memref_squeeze %dma_wait3A_123 : memref<1x50x64xf32, #tpu.memory_space<vmem>> -> memref<50x64xf32, #tpu.memory_space<vmem>>
    %dma_wait3A_125 = arith.constant 0 : i32
    %dma_wait3A_126 = arith.constant 0 : i32
    %dma_wait3A_127 = tpu.memref_slice %arg4[%add3A_95, %dma_wait3A_125, %dma_wait3A_126] : memref<4096x56x128xf32, #tpu.memory_space<hbm>> -> memref<1x50x64xf32, #tpu.memory_space<hbm>>
    %dma_wait3A_128 = tpu.memref_squeeze %dma_wait3A_127 : memref<1x50x64xf32, #tpu.memory_space<hbm>> -> memref<50x64xf32, #tpu.memory_space<hbm>>
    %dma_wait3A_129 = arith.constant 0 : i32
    %dma_wait3A_130 = arith.constant 0 : i32
    %dma_wait3A_131 = tpu.memref_slice %arg4[%add3A_95, %dma_wait3A_129, %dma_wait3A_130] : memref<4096x56x128xf32, #tpu.memory_space<hbm>> -> memref<1x50x64xf32, #tpu.memory_space<hbm>>
    %dma_wait3A_132 = tpu.memref_squeeze %dma_wait3A_131 : memref<1x50x64xf32, #tpu.memory_space<hbm>> -> memref<50x64xf32, #tpu.memory_space<hbm>>
    %dma_wait3A_133 = arith.constant 50 : i32
    %dma_wait3A_134 = arith.constant 0 : i32
    %dma_wait3A_135 = tpu.memref_slice %arg6[%dma_wait3A_120, %dma_wait3A_133, %dma_wait3A_134] : memref<8x200x64xf32, #tpu.memory_space<vmem>> -> memref<1x50x64xf32, #tpu.memory_space<vmem>>
    %dma_wait3A_136 = tpu.memref_squeeze %dma_wait3A_135 : memref<1x50x64xf32, #tpu.memory_space<vmem>> -> memref<50x64xf32, #tpu.memory_space<vmem>>
    tpu.wait_dma2 semaphore(%arg15 : memref<!tpu.dma_semaphore, #tpu.memory_space<semaphore_mem>>) src(%dma_wait3A_136 : memref<50x64xf32, #tpu.memory_space<vmem>>) dst(%dma_wait3A_132 : memref<50x64xf32, #tpu.memory_space<hbm>>)
    %dma_wait3A_137 = arith.constant 0 : i32
    %dma_wait3A_138 = arith.constant 100 : i32
    %dma_wait3A_139 = arith.constant 0 : i32
    %dma_wait3A_140 = tpu.memref_slice %arg6[%dma_wait3A_137, %dma_wait3A_138, %dma_wait3A_139] : memref<8x200x64xf32, #tpu.memory_space<vmem>> -> memref<1x50x64xf32, #tpu.memory_space<vmem>>
    %dma_wait3A_141 = tpu.memref_squeeze %dma_wait3A_140 : memref<1x50x64xf32, #tpu.memory_space<vmem>> -> memref<50x64xf32, #tpu.memory_space<vmem>>
    %dma_wait3A_142 = arith.constant 0 : i32
    %dma_wait3A_143 = arith.constant 0 : i32
    %dma_wait3A_144 = tpu.memref_slice %arg4[%add3A_99, %dma_wait3A_142, %dma_wait3A_143] : memref<4096x56x128xf32, #tpu.memory_space<hbm>> -> memref<1x50x64xf32, #tpu.memory_space<hbm>>
    %dma_wait3A_145 = tpu.memref_squeeze %dma_wait3A_144 : memref<1x50x64xf32, #tpu.memory_space<hbm>> -> memref<50x64xf32, #tpu.memory_space<hbm>>
    %dma_wait3A_146 = arith.constant 0 : i32
    %dma_wait3A_147 = arith.constant 0 : i32
    %dma_wait3A_148 = tpu.memref_slice %arg4[%add3A_99, %dma_wait3A_146, %dma_wait3A_147] : memref<4096x56x128xf32, #tpu.memory_space<hbm>> -> memref<1x50x64xf32, #tpu.memory_space<hbm>>
    %dma_wait3A_149 = tpu.memref_squeeze %dma_wait3A_148 : memref<1x50x64xf32, #tpu.memory_space<hbm>> -> memref<50x64xf32, #tpu.memory_space<hbm>>
    %dma_wait3A_150 = arith.constant 100 : i32
    %dma_wait3A_151 = arith.constant 0 : i32
    %dma_wait3A_152 = tpu.memref_slice %arg6[%dma_wait3A_137, %dma_wait3A_150, %dma_wait3A_151] : memref<8x200x64xf32, #tpu.memory_space<vmem>> -> memref<1x50x64xf32, #tpu.memory_space<vmem>>
    %dma_wait3A_153 = tpu.memref_squeeze %dma_wait3A_152 : memref<1x50x64xf32, #tpu.memory_space<vmem>> -> memref<50x64xf32, #tpu.memory_space<vmem>>
    tpu.wait_dma2 semaphore(%arg15 : memref<!tpu.dma_semaphore, #tpu.memory_space<semaphore_mem>>) src(%dma_wait3A_153 : memref<50x64xf32, #tpu.memory_space<vmem>>) dst(%dma_wait3A_149 : memref<50x64xf32, #tpu.memory_space<hbm>>)
    %dma_wait3A_154 = arith.constant 0 : i32
    %dma_wait3A_155 = arith.constant 150 : i32
    %dma_wait3A_156 = arith.constant 0 : i32
    %dma_wait3A_157 = tpu.memref_slice %arg6[%dma_wait3A_154, %dma_wait3A_155, %dma_wait3A_156] : memref<8x200x64xf32, #tpu.memory_space<vmem>> -> memref<1x50x64xf32, #tpu.memory_space<vmem>>
    %dma_wait3A_158 = tpu.memref_squeeze %dma_wait3A_157 : memref<1x50x64xf32, #tpu.memory_space<vmem>> -> memref<50x64xf32, #tpu.memory_space<vmem>>
    %dma_wait3A_159 = arith.constant 0 : i32
    %dma_wait3A_160 = arith.constant 0 : i32
    %dma_wait3A_161 = tpu.memref_slice %arg4[%add3A_103, %dma_wait3A_159, %dma_wait3A_160] : memref<4096x56x128xf32, #tpu.memory_space<hbm>> -> memref<1x50x64xf32, #tpu.memory_space<hbm>>
    %dma_wait3A_162 = tpu.memref_squeeze %dma_wait3A_161 : memref<1x50x64xf32, #tpu.memory_space<hbm>> -> memref<50x64xf32, #tpu.memory_space<hbm>>
    %dma_wait3A_163 = arith.constant 0 : i32
    %dma_wait3A_164 = arith.constant 0 : i32
    %dma_wait3A_165 = tpu.memref_slice %arg4[%add3A_103, %dma_wait3A_163, %dma_wait3A_164] : memref<4096x56x128xf32, #tpu.memory_space<hbm>> -> memref<1x50x64xf32, #tpu.memory_space<hbm>>
    %dma_wait3A_166 = tpu.memref_squeeze %dma_wait3A_165 : memref<1x50x64xf32, #tpu.memory_space<hbm>> -> memref<50x64xf32, #tpu.memory_space<hbm>>
    %dma_wait3A_167 = arith.constant 150 : i32
    %dma_wait3A_168 = arith.constant 0 : i32
    %dma_wait3A_169 = tpu.memref_slice %arg6[%dma_wait3A_154, %dma_wait3A_167, %dma_wait3A_168] : memref<8x200x64xf32, #tpu.memory_space<vmem>> -> memref<1x50x64xf32, #tpu.memory_space<vmem>>
    %dma_wait3A_170 = tpu.memref_squeeze %dma_wait3A_169 : memref<1x50x64xf32, #tpu.memory_space<vmem>> -> memref<50x64xf32, #tpu.memory_space<vmem>>
    tpu.wait_dma2 semaphore(%arg15 : memref<!tpu.dma_semaphore, #tpu.memory_space<semaphore_mem>>) src(%dma_wait3A_170 : memref<50x64xf32, #tpu.memory_space<vmem>>) dst(%dma_wait3A_166 : memref<50x64xf32, #tpu.memory_space<hbm>>)
    %add3A_171 = arith.constant 100 : i32
    %add3A_172 = arith.addi %mul3A_2, %add3A_171 : i32
    %add3A_173 = arith.constant 0 : i32
    %add3A_174 = arith.addi %add3A_172, %add3A_173 : i32
    %add3A_175 = arith.constant 100 : i32
    %add3A_176 = arith.addi %mul3A_2, %add3A_175 : i32
    %add3A_177 = arith.constant 1 : i32
    %add3A_178 = arith.addi %add3A_176, %add3A_177 : i32
    %add3A_179 = arith.constant 100 : i32
    %add3A_180 = arith.addi %mul3A_2, %add3A_179 : i32
    %add3A_181 = arith.constant 2 : i32
    %add3A_182 = arith.addi %add3A_180, %add3A_181 : i32
    %add3A_183 = arith.constant 100 : i32
    %add3A_184 = arith.addi %mul3A_2, %add3A_183 : i32
    %add3A_185 = arith.constant 3 : i32
    %add3A_186 = arith.addi %add3A_184, %add3A_185 : i32
    %dma_wait3A_187 = arith.constant 1 : i32
    %dma_wait3A_188 = arith.constant 0 : i32
    %dma_wait3A_189 = arith.constant 0 : i32
    %dma_wait3A_190 = tpu.memref_slice %arg6[%dma_wait3A_187, %dma_wait3A_188, %dma_wait3A_189] : memref<8x200x64xf32, #tpu.memory_space<vmem>> -> memref<1x50x64xf32, #tpu.memory_space<vmem>>
    %dma_wait3A_191 = tpu.memref_squeeze %dma_wait3A_190 : memref<1x50x64xf32, #tpu.memory_space<vmem>> -> memref<50x64xf32, #tpu.memory_space<vmem>>
    %dma_wait3A_192 = arith.constant 0 : i32
    %dma_wait3A_193 = arith.constant 0 : i32
    %dma_wait3A_194 = tpu.memref_slice %arg4[%add3A_174, %dma_wait3A_192, %dma_wait3A_193] : memref<4096x56x128xf32, #tpu.memory_space<hbm>> -> memref<1x50x64xf32, #tpu.memory_space<hbm>>
    %dma_wait3A_195 = tpu.memref_squeeze %dma_wait3A_194 : memref<1x50x64xf32, #tpu.memory_space<hbm>> -> memref<50x64xf32, #tpu.memory_space<hbm>>
    %dma_wait3A_196 = arith.constant 0 : i32
    %dma_wait3A_197 = arith.constant 0 : i32
    %dma_wait3A_198 = tpu.memref_slice %arg4[%add3A_174, %dma_wait3A_196, %dma_wait3A_197] : memref<4096x56x128xf32, #tpu.memory_space<hbm>> -> memref<1x50x64xf32, #tpu.memory_space<hbm>>
    %dma_wait3A_199 = tpu.memref_squeeze %dma_wait3A_198 : memref<1x50x64xf32, #tpu.memory_space<hbm>> -> memref<50x64xf32, #tpu.memory_space<hbm>>
    %dma_wait3A_200 = arith.constant 0 : i32
    %dma_wait3A_201 = arith.constant 0 : i32
    %dma_wait3A_202 = tpu.memref_slice %arg6[%dma_wait3A_187, %dma_wait3A_200, %dma_wait3A_201] : memref<8x200x64xf32, #tpu.memory_space<vmem>> -> memref<1x50x64xf32, #tpu.memory_space<vmem>>
    %dma_wait3A_203 = tpu.memref_squeeze %dma_wait3A_202 : memref<1x50x64xf32, #tpu.memory_space<vmem>> -> memref<50x64xf32, #tpu.memory_space<vmem>>
    tpu.wait_dma2 semaphore(%arg16 : memref<!tpu.dma_semaphore, #tpu.memory_space<semaphore_mem>>) src(%dma_wait3A_203 : memref<50x64xf32, #tpu.memory_space<vmem>>) dst(%dma_wait3A_199 : memref<50x64xf32, #tpu.memory_space<hbm>>)
    %dma_wait3A_204 = arith.constant 1 : i32
    %dma_wait3A_205 = arith.constant 50 : i32
    %dma_wait3A_206 = arith.constant 0 : i32
    %dma_wait3A_207 = tpu.memref_slice %arg6[%dma_wait3A_204, %dma_wait3A_205, %dma_wait3A_206] : memref<8x200x64xf32, #tpu.memory_space<vmem>> -> memref<1x50x64xf32, #tpu.memory_space<vmem>>
    %dma_wait3A_208 = tpu.memref_squeeze %dma_wait3A_207 : memref<1x50x64xf32, #tpu.memory_space<vmem>> -> memref<50x64xf32, #tpu.memory_space<vmem>>
    %dma_wait3A_209 = arith.constant 0 : i32
    %dma_wait3A_210 = arith.constant 0 : i32
    %dma_wait3A_211 = tpu.memref_slice %arg4[%add3A_178, %dma_wait3A_209, %dma_wait3A_210] : memref<4096x56x128xf32, #tpu.memory_space<hbm>> -> memref<1x50x64xf32, #tpu.memory_space<hbm>>
    %dma_wait3A_212 = tpu.memref_squeeze %dma_wait3A_211 : memref<1x50x64xf32, #tpu.memory_space<hbm>> -> memref<50x64xf32, #tpu.memory_space<hbm>>
    %dma_wait3A_213 = arith.constant 0 : i32
    %dma_wait3A_214 = arith.constant 0 : i32
    %dma_wait3A_215 = tpu.memref_slice %arg4[%add3A_178, %dma_wait3A_213, %dma_wait3A_214] : memref<4096x56x128xf32, #tpu.memory_space<hbm>> -> memref<1x50x64xf32, #tpu.memory_space<hbm>>
    %dma_wait3A_216 = tpu.memref_squeeze %dma_wait3A_215 : memref<1x50x64xf32, #tpu.memory_space<hbm>> -> memref<50x64xf32, #tpu.memory_space<hbm>>
    %dma_wait3A_217 = arith.constant 50 : i32
    %dma_wait3A_218 = arith.constant 0 : i32
    %dma_wait3A_219 = tpu.memref_slice %arg6[%dma_wait3A_204, %dma_wait3A_217, %dma_wait3A_218] : memref<8x200x64xf32, #tpu.memory_space<vmem>> -> memref<1x50x64xf32, #tpu.memory_space<vmem>>
    %dma_wait3A_220 = tpu.memref_squeeze %dma_wait3A_219 : memref<1x50x64xf32, #tpu.memory_space<vmem>> -> memref<50x64xf32, #tpu.memory_space<vmem>>
    tpu.wait_dma2 semaphore(%arg16 : memref<!tpu.dma_semaphore, #tpu.memory_space<semaphore_mem>>) src(%dma_wait3A_220 : memref<50x64xf32, #tpu.memory_space<vmem>>) dst(%dma_wait3A_216 : memref<50x64xf32, #tpu.memory_space<hbm>>)
    %dma_wait3A_221 = arith.constant 1 : i32
    %dma_wait3A_222 = arith.constant 100 : i32
    %dma_wait3A_223 = arith.constant 0 : i32
    %dma_wait3A_224 = tpu.memref_slice %arg6[%dma_wait3A_221, %dma_wait3A_222, %dma_wait3A_223] : memref<8x200x64xf32, #tpu.memory_space<vmem>> -> memref<1x50x64xf32, #tpu.memory_space<vmem>>
    %dma_wait3A_225 = tpu.memref_squeeze %dma_wait3A_224 : memref<1x50x64xf32, #tpu.memory_space<vmem>> -> memref<50x64xf32, #tpu.memory_space<vmem>>
    %dma_wait3A_226 = arith.constant 0 : i32
    %dma_wait3A_227 = arith.constant 0 : i32
    %dma_wait3A_228 = tpu.memref_slice %arg4[%add3A_182, %dma_wait3A_226, %dma_wait3A_227] : memref<4096x56x128xf32, #tpu.memory_space<hbm>> -> memref<1x50x64xf32, #tpu.memory_space<hbm>>
    %dma_wait3A_229 = tpu.memref_squeeze %dma_wait3A_228 : memref<1x50x64xf32, #tpu.memory_space<hbm>> -> memref<50x64xf32, #tpu.memory_space<hbm>>
    %dma_wait3A_230 = arith.constant 0 : i32
    %dma_wait3A_231 = arith.constant 0 : i32
    %dma_wait3A_232 = tpu.memref_slice %arg4[%add3A_182, %dma_wait3A_230, %dma_wait3A_231] : memref<4096x56x128xf32, #tpu.memory_space<hbm>> -> memref<1x50x64xf32, #tpu.memory_space<hbm>>
    %dma_wait3A_233 = tpu.memref_squeeze %dma_wait3A_232 : memref<1x50x64xf32, #tpu.memory_space<hbm>> -> memref<50x64xf32, #tpu.memory_space<hbm>>
    %dma_wait3A_234 = arith.constant 100 : i32
    %dma_wait3A_235 = arith.constant 0 : i32
    %dma_wait3A_236 = tpu.memref_slice %arg6[%dma_wait3A_221, %dma_wait3A_234, %dma_wait3A_235] : memref<8x200x64xf32, #tpu.memory_space<vmem>> -> memref<1x50x64xf32, #tpu.memory_space<vmem>>
    %dma_wait3A_237 = tpu.memref_squeeze %dma_wait3A_236 : memref<1x50x64xf32, #tpu.memory_space<vmem>> -> memref<50x64xf32, #tpu.memory_space<vmem>>
    tpu.wait_dma2 semaphore(%arg16 : memref<!tpu.dma_semaphore, #tpu.memory_space<semaphore_mem>>) src(%dma_wait3A_237 : memref<50x64xf32, #tpu.memory_space<vmem>>) dst(%dma_wait3A_233 : memref<50x64xf32, #tpu.memory_space<hbm>>)
    %dma_wait3A_238 = arith.constant 1 : i32
    %dma_wait3A_239 = arith.constant 150 : i32
    %dma_wait3A_240 = arith.constant 0 : i32
    %dma_wait3A_241 = tpu.memref_slice %arg6[%dma_wait3A_238, %dma_wait3A_239, %dma_wait3A_240] : memref<8x200x64xf32, #tpu.memory_space<vmem>> -> memref<1x50x64xf32, #tpu.memory_space<vmem>>
    %dma_wait3A_242 = tpu.memref_squeeze %dma_wait3A_241 : memref<1x50x64xf32, #tpu.memory_space<vmem>> -> memref<50x64xf32, #tpu.memory_space<vmem>>
    %dma_wait3A_243 = arith.constant 0 : i32
    %dma_wait3A_244 = arith.constant 0 : i32
    %dma_wait3A_245 = tpu.memref_slice %arg4[%add3A_186, %dma_wait3A_243, %dma_wait3A_244] : memref<4096x56x128xf32, #tpu.memory_space<hbm>> -> memref<1x50x64xf32, #tpu.memory_space<hbm>>
    %dma_wait3A_246 = tpu.memref_squeeze %dma_wait3A_245 : memref<1x50x64xf32, #tpu.memory_space<hbm>> -> memref<50x64xf32, #tpu.memory_space<hbm>>
    %dma_wait3A_247 = arith.constant 0 : i32
    %dma_wait3A_248 = arith.constant 0 : i32
    %dma_wait3A_249 = tpu.memref_slice %arg4[%add3A_186, %dma_wait3A_247, %dma_wait3A_248] : memref<4096x56x128xf32, #tpu.memory_space<hbm>> -> memref<1x50x64xf32, #tpu.memory_space<hbm>>
    %dma_wait3A_250 = tpu.memref_squeeze %dma_wait3A_249 : memref<1x50x64xf32, #tpu.memory_space<hbm>> -> memref<50x64xf32, #tpu.memory_space<hbm>>
    %dma_wait3A_251 = arith.constant 150 : i32
    %dma_wait3A_252 = arith.constant 0 : i32
    %dma_wait3A_253 = tpu.memref_slice %arg6[%dma_wait3A_238, %dma_wait3A_251, %dma_wait3A_252] : memref<8x200x64xf32, #tpu.memory_space<vmem>> -> memref<1x50x64xf32, #tpu.memory_space<vmem>>
    %dma_wait3A_254 = tpu.memref_squeeze %dma_wait3A_253 : memref<1x50x64xf32, #tpu.memory_space<vmem>> -> memref<50x64xf32, #tpu.memory_space<vmem>>
    tpu.wait_dma2 semaphore(%arg16 : memref<!tpu.dma_semaphore, #tpu.memory_space<semaphore_mem>>) src(%dma_wait3A_254 : memref<50x64xf32, #tpu.memory_space<vmem>>) dst(%dma_wait3A_250 : memref<50x64xf32, #tpu.memory_space<hbm>>)
    %add3A_255 = arith.constant 104 : i32
    %add3A_256 = arith.addi %mul3A_2, %add3A_255 : i32
    %add3A_257 = arith.constant 0 : i32
    %add3A_258 = arith.addi %add3A_256, %add3A_257 : i32
    %add3A_259 = arith.constant 104 : i32
    %add3A_260 = arith.addi %mul3A_2, %add3A_259 : i32
    %add3A_261 = arith.constant 1 : i32
    %add3A_262 = arith.addi %add3A_260, %add3A_261 : i32
    %add3A_263 = arith.constant 104 : i32
    %add3A_264 = arith.addi %mul3A_2, %add3A_263 : i32
    %add3A_265 = arith.constant 2 : i32
    %add3A_266 = arith.addi %add3A_264, %add3A_265 : i32
    %add3A_267 = arith.constant 104 : i32
    %add3A_268 = arith.addi %mul3A_2, %add3A_267 : i32
    %add3A_269 = arith.constant 3 : i32
    %add3A_270 = arith.addi %add3A_268, %add3A_269 : i32
    %dma_wait3A_271 = arith.constant 2 : i32
    %dma_wait3A_272 = arith.constant 0 : i32
    %dma_wait3A_273 = arith.constant 0 : i32
    %dma_wait3A_274 = tpu.memref_slice %arg6[%dma_wait3A_271, %dma_wait3A_272, %dma_wait3A_273] : memref<8x200x64xf32, #tpu.memory_space<vmem>> -> memref<1x50x64xf32, #tpu.memory_space<vmem>>
    %dma_wait3A_275 = tpu.memref_squeeze %dma_wait3A_274 : memref<1x50x64xf32, #tpu.memory_space<vmem>> -> memref<50x64xf32, #tpu.memory_space<vmem>>
    %dma_wait3A_276 = arith.constant 0 : i32
    %dma_wait3A_277 = arith.constant 0 : i32
    %dma_wait3A_278 = tpu.memref_slice %arg4[%add3A_258, %dma_wait3A_276, %dma_wait3A_277] : memref<4096x56x128xf32, #tpu.memory_space<hbm>> -> memref<1x50x64xf32, #tpu.memory_space<hbm>>
    %dma_wait3A_279 = tpu.memref_squeeze %dma_wait3A_278 : memref<1x50x64xf32, #tpu.memory_space<hbm>> -> memref<50x64xf32, #tpu.memory_space<hbm>>
    %dma_wait3A_280 = arith.constant 0 : i32
    %dma_wait3A_281 = arith.constant 0 : i32
    %dma_wait3A_282 = tpu.memref_slice %arg4[%add3A_258, %dma_wait3A_280, %dma_wait3A_281] : memref<4096x56x128xf32, #tpu.memory_space<hbm>> -> memref<1x50x64xf32, #tpu.memory_space<hbm>>
    %dma_wait3A_283 = tpu.memref_squeeze %dma_wait3A_282 : memref<1x50x64xf32, #tpu.memory_space<hbm>> -> memref<50x64xf32, #tpu.memory_space<hbm>>
    %dma_wait3A_284 = arith.constant 0 : i32
    %dma_wait3A_285 = arith.constant 0 : i32
    %dma_wait3A_286 = tpu.memref_slice %arg6[%dma_wait3A_271, %dma_wait3A_284, %dma_wait3A_285] : memref<8x200x64xf32, #tpu.memory_space<vmem>> -> memref<1x50x64xf32, #tpu.memory_space<vmem>>
    %dma_wait3A_287 = tpu.memref_squeeze %dma_wait3A_286 : memref<1x50x64xf32, #tpu.memory_space<vmem>> -> memref<50x64xf32, #tpu.memory_space<vmem>>
    tpu.wait_dma2 semaphore(%arg17 : memref<!tpu.dma_semaphore, #tpu.memory_space<semaphore_mem>>) src(%dma_wait3A_287 : memref<50x64xf32, #tpu.memory_space<vmem>>) dst(%dma_wait3A_283 : memref<50x64xf32, #tpu.memory_space<hbm>>)
    %dma_wait3A_288 = arith.constant 2 : i32
    %dma_wait3A_289 = arith.constant 50 : i32
    %dma_wait3A_290 = arith.constant 0 : i32
    %dma_wait3A_291 = tpu.memref_slice %arg6[%dma_wait3A_288, %dma_wait3A_289, %dma_wait3A_290] : memref<8x200x64xf32, #tpu.memory_space<vmem>> -> memref<1x50x64xf32, #tpu.memory_space<vmem>>
    %dma_wait3A_292 = tpu.memref_squeeze %dma_wait3A_291 : memref<1x50x64xf32, #tpu.memory_space<vmem>> -> memref<50x64xf32, #tpu.memory_space<vmem>>
    %dma_wait3A_293 = arith.constant 0 : i32
    %dma_wait3A_294 = arith.constant 0 : i32
    %dma_wait3A_295 = tpu.memref_slice %arg4[%add3A_262, %dma_wait3A_293, %dma_wait3A_294] : memref<4096x56x128xf32, #tpu.memory_space<hbm>> -> memref<1x50x64xf32, #tpu.memory_space<hbm>>
    %dma_wait3A_296 = tpu.memref_squeeze %dma_wait3A_295 : memref<1x50x64xf32, #tpu.memory_space<hbm>> -> memref<50x64xf32, #tpu.memory_space<hbm>>
    %dma_wait3A_297 = arith.constant 0 : i32
    %dma_wait3A_298 = arith.constant 0 : i32
    %dma_wait3A_299 = tpu.memref_slice %arg4[%add3A_262, %dma_wait3A_297, %dma_wait3A_298] : memref<4096x56x128xf32, #tpu.memory_space<hbm>> -> memref<1x50x64xf32, #tpu.memory_space<hbm>>
    %dma_wait3A_300 = tpu.memref_squeeze %dma_wait3A_299 : memref<1x50x64xf32, #tpu.memory_space<hbm>> -> memref<50x64xf32, #tpu.memory_space<hbm>>
    %dma_wait3A_301 = arith.constant 50 : i32
    %dma_wait3A_302 = arith.constant 0 : i32
    %dma_wait3A_303 = tpu.memref_slice %arg6[%dma_wait3A_288, %dma_wait3A_301, %dma_wait3A_302] : memref<8x200x64xf32, #tpu.memory_space<vmem>> -> memref<1x50x64xf32, #tpu.memory_space<vmem>>
    %dma_wait3A_304 = tpu.memref_squeeze %dma_wait3A_303 : memref<1x50x64xf32, #tpu.memory_space<vmem>> -> memref<50x64xf32, #tpu.memory_space<vmem>>
    tpu.wait_dma2 semaphore(%arg17 : memref<!tpu.dma_semaphore, #tpu.memory_space<semaphore_mem>>) src(%dma_wait3A_304 : memref<50x64xf32, #tpu.memory_space<vmem>>) dst(%dma_wait3A_300 : memref<50x64xf32, #tpu.memory_space<hbm>>)
    %dma_wait3A_305 = arith.constant 2 : i32
    %dma_wait3A_306 = arith.constant 100 : i32
    %dma_wait3A_307 = arith.constant 0 : i32
    %dma_wait3A_308 = tpu.memref_slice %arg6[%dma_wait3A_305, %dma_wait3A_306, %dma_wait3A_307] : memref<8x200x64xf32, #tpu.memory_space<vmem>> -> memref<1x50x64xf32, #tpu.memory_space<vmem>>
    %dma_wait3A_309 = tpu.memref_squeeze %dma_wait3A_308 : memref<1x50x64xf32, #tpu.memory_space<vmem>> -> memref<50x64xf32, #tpu.memory_space<vmem>>
    %dma_wait3A_310 = arith.constant 0 : i32
    %dma_wait3A_311 = arith.constant 0 : i32
    %dma_wait3A_312 = tpu.memref_slice %arg4[%add3A_266, %dma_wait3A_310, %dma_wait3A_311] : memref<4096x56x128xf32, #tpu.memory_space<hbm>> -> memref<1x50x64xf32, #tpu.memory_space<hbm>>
    %dma_wait3A_313 = tpu.memref_squeeze %dma_wait3A_312 : memref<1x50x64xf32, #tpu.memory_space<hbm>> -> memref<50x64xf32, #tpu.memory_space<hbm>>
    %dma_wait3A_314 = arith.constant 0 : i32
    %dma_wait3A_315 = arith.constant 0 : i32
    %dma_wait3A_316 = tpu.memref_slice %arg4[%add3A_266, %dma_wait3A_314, %dma_wait3A_315] : memref<4096x56x128xf32, #tpu.memory_space<hbm>> -> memref<1x50x64xf32, #tpu.memory_space<hbm>>
    %dma_wait3A_317 = tpu.memref_squeeze %dma_wait3A_316 : memref<1x50x64xf32, #tpu.memory_space<hbm>> -> memref<50x64xf32, #tpu.memory_space<hbm>>
    %dma_wait3A_318 = arith.constant 100 : i32
    %dma_wait3A_319 = arith.constant 0 : i32
    %dma_wait3A_320 = tpu.memref_slice %arg6[%dma_wait3A_305, %dma_wait3A_318, %dma_wait3A_319] : memref<8x200x64xf32, #tpu.memory_space<vmem>> -> memref<1x50x64xf32, #tpu.memory_space<vmem>>
    %dma_wait3A_321 = tpu.memref_squeeze %dma_wait3A_320 : memref<1x50x64xf32, #tpu.memory_space<vmem>> -> memref<50x64xf32, #tpu.memory_space<vmem>>
    tpu.wait_dma2 semaphore(%arg17 : memref<!tpu.dma_semaphore, #tpu.memory_space<semaphore_mem>>) src(%dma_wait3A_321 : memref<50x64xf32, #tpu.memory_space<vmem>>) dst(%dma_wait3A_317 : memref<50x64xf32, #tpu.memory_space<hbm>>)
    %dma_wait3A_322 = arith.constant 2 : i32
    %dma_wait3A_323 = arith.constant 150 : i32
    %dma_wait3A_324 = arith.constant 0 : i32
    %dma_wait3A_325 = tpu.memref_slice %arg6[%dma_wait3A_322, %dma_wait3A_323, %dma_wait3A_324] : memref<8x200x64xf32, #tpu.memory_space<vmem>> -> memref<1x50x64xf32, #tpu.memory_space<vmem>>
    %dma_wait3A_326 = tpu.memref_squeeze %dma_wait3A_325 : memref<1x50x64xf32, #tpu.memory_space<vmem>> -> memref<50x64xf32, #tpu.memory_space<vmem>>
    %dma_wait3A_327 = arith.constant 0 : i32
    %dma_wait3A_328 = arith.constant 0 : i32
    %dma_wait3A_329 = tpu.memref_slice %arg4[%add3A_270, %dma_wait3A_327, %dma_wait3A_328] : memref<4096x56x128xf32, #tpu.memory_space<hbm>> -> memref<1x50x64xf32, #tpu.memory_space<hbm>>
    %dma_wait3A_330 = tpu.memref_squeeze %dma_wait3A_329 : memref<1x50x64xf32, #tpu.memory_space<hbm>> -> memref<50x64xf32, #tpu.memory_space<hbm>>
    %dma_wait3A_331 = arith.constant 0 : i32
    %dma_wait3A_332 = arith.constant 0 : i32
    %dma_wait3A_333 = tpu.memref_slice %arg4[%add3A_270, %dma_wait3A_331, %dma_wait3A_332] : memref<4096x56x128xf32, #tpu.memory_space<hbm>> -> memref<1x50x64xf32, #tpu.memory_space<hbm>>
    %dma_wait3A_334 = tpu.memref_squeeze %dma_wait3A_333 : memref<1x50x64xf32, #tpu.memory_space<hbm>> -> memref<50x64xf32, #tpu.memory_space<hbm>>
    %dma_wait3A_335 = arith.constant 150 : i32
    %dma_wait3A_336 = arith.constant 0 : i32
    %dma_wait3A_337 = tpu.memref_slice %arg6[%dma_wait3A_322, %dma_wait3A_335, %dma_wait3A_336] : memref<8x200x64xf32, #tpu.memory_space<vmem>> -> memref<1x50x64xf32, #tpu.memory_space<vmem>>
    %dma_wait3A_338 = tpu.memref_squeeze %dma_wait3A_337 : memref<1x50x64xf32, #tpu.memory_space<vmem>> -> memref<50x64xf32, #tpu.memory_space<vmem>>
    tpu.wait_dma2 semaphore(%arg17 : memref<!tpu.dma_semaphore, #tpu.memory_space<semaphore_mem>>) src(%dma_wait3A_338 : memref<50x64xf32, #tpu.memory_space<vmem>>) dst(%dma_wait3A_334 : memref<50x64xf32, #tpu.memory_space<hbm>>)
    %add3A_339 = arith.constant 108 : i32
    %add3A_340 = arith.addi %mul3A_2, %add3A_339 : i32
    %add3A_341 = arith.constant 0 : i32
    %add3A_342 = arith.addi %add3A_340, %add3A_341 : i32
    %add3A_343 = arith.constant 108 : i32
    %add3A_344 = arith.addi %mul3A_2, %add3A_343 : i32
    %add3A_345 = arith.constant 1 : i32
    %add3A_346 = arith.addi %add3A_344, %add3A_345 : i32
    %add3A_347 = arith.constant 108 : i32
    %add3A_348 = arith.addi %mul3A_2, %add3A_347 : i32
    %add3A_349 = arith.constant 2 : i32
    %add3A_350 = arith.addi %add3A_348, %add3A_349 : i32
    %add3A_351 = arith.constant 108 : i32
    %add3A_352 = arith.addi %mul3A_2, %add3A_351 : i32
    %add3A_353 = arith.constant 3 : i32
    %add3A_354 = arith.addi %add3A_352, %add3A_353 : i32
    %dma_wait3A_355 = arith.constant 3 : i32
    %dma_wait3A_356 = arith.constant 0 : i32
    %dma_wait3A_357 = arith.constant 0 : i32
    %dma_wait3A_358 = tpu.memref_slice %arg6[%dma_wait3A_355, %dma_wait3A_356, %dma_wait3A_357] : memref<8x200x64xf32, #tpu.memory_space<vmem>> -> memref<1x50x64xf32, #tpu.memory_space<vmem>>
    %dma_wait3A_359 = tpu.memref_squeeze %dma_wait3A_358 : memref<1x50x64xf32, #tpu.memory_space<vmem>> -> memref<50x64xf32, #tpu.memory_space<vmem>>
    %dma_wait3A_360 = arith.constant 0 : i32
    %dma_wait3A_361 = arith.constant 0 : i32
    %dma_wait3A_362 = tpu.memref_slice %arg4[%add3A_342, %dma_wait3A_360, %dma_wait3A_361] : memref<4096x56x128xf32, #tpu.memory_space<hbm>> -> memref<1x50x64xf32, #tpu.memory_space<hbm>>
    %dma_wait3A_363 = tpu.memref_squeeze %dma_wait3A_362 : memref<1x50x64xf32, #tpu.memory_space<hbm>> -> memref<50x64xf32, #tpu.memory_space<hbm>>
    %dma_wait3A_364 = arith.constant 0 : i32
    %dma_wait3A_365 = arith.constant 0 : i32
    %dma_wait3A_366 = tpu.memref_slice %arg4[%add3A_342, %dma_wait3A_364, %dma_wait3A_365] : memref<4096x56x128xf32, #tpu.memory_space<hbm>> -> memref<1x50x64xf32, #tpu.memory_space<hbm>>
    %dma_wait3A_367 = tpu.memref_squeeze %dma_wait3A_366 : memref<1x50x64xf32, #tpu.memory_space<hbm>> -> memref<50x64xf32, #tpu.memory_space<hbm>>
    %dma_wait3A_368 = arith.constant 0 : i32
    %dma_wait3A_369 = arith.constant 0 : i32
    %dma_wait3A_370 = tpu.memref_slice %arg6[%dma_wait3A_355, %dma_wait3A_368, %dma_wait3A_369] : memref<8x200x64xf32, #tpu.memory_space<vmem>> -> memref<1x50x64xf32, #tpu.memory_space<vmem>>
    %dma_wait3A_371 = tpu.memref_squeeze %dma_wait3A_370 : memref<1x50x64xf32, #tpu.memory_space<vmem>> -> memref<50x64xf32, #tpu.memory_space<vmem>>
    tpu.wait_dma2 semaphore(%arg18 : memref<!tpu.dma_semaphore, #tpu.memory_space<semaphore_mem>>) src(%dma_wait3A_371 : memref<50x64xf32, #tpu.memory_space<vmem>>) dst(%dma_wait3A_367 : memref<50x64xf32, #tpu.memory_space<hbm>>)
    %dma_wait3A_372 = arith.constant 3 : i32
    %dma_wait3A_373 = arith.constant 50 : i32
    %dma_wait3A_374 = arith.constant 0 : i32
    %dma_wait3A_375 = tpu.memref_slice %arg6[%dma_wait3A_372, %dma_wait3A_373, %dma_wait3A_374] : memref<8x200x64xf32, #tpu.memory_space<vmem>> -> memref<1x50x64xf32, #tpu.memory_space<vmem>>
    %dma_wait3A_376 = tpu.memref_squeeze %dma_wait3A_375 : memref<1x50x64xf32, #tpu.memory_space<vmem>> -> memref<50x64xf32, #tpu.memory_space<vmem>>
    %dma_wait3A_377 = arith.constant 0 : i32
    %dma_wait3A_378 = arith.constant 0 : i32
    %dma_wait3A_379 = tpu.memref_slice %arg4[%add3A_346, %dma_wait3A_377, %dma_wait3A_378] : memref<4096x56x128xf32, #tpu.memory_space<hbm>> -> memref<1x50x64xf32, #tpu.memory_space<hbm>>
    %dma_wait3A_380 = tpu.memref_squeeze %dma_wait3A_379 : memref<1x50x64xf32, #tpu.memory_space<hbm>> -> memref<50x64xf32, #tpu.memory_space<hbm>>
    %dma_wait3A_381 = arith.constant 0 : i32
    %dma_wait3A_382 = arith.constant 0 : i32
    %dma_wait3A_383 = tpu.memref_slice %arg4[%add3A_346, %dma_wait3A_381, %dma_wait3A_382] : memref<4096x56x128xf32, #tpu.memory_space<hbm>> -> memref<1x50x64xf32, #tpu.memory_space<hbm>>
    %dma_wait3A_384 = tpu.memref_squeeze %dma_wait3A_383 : memref<1x50x64xf32, #tpu.memory_space<hbm>> -> memref<50x64xf32, #tpu.memory_space<hbm>>
    %dma_wait3A_385 = arith.constant 50 : i32
    %dma_wait3A_386 = arith.constant 0 : i32
    %dma_wait3A_387 = tpu.memref_slice %arg6[%dma_wait3A_372, %dma_wait3A_385, %dma_wait3A_386] : memref<8x200x64xf32, #tpu.memory_space<vmem>> -> memref<1x50x64xf32, #tpu.memory_space<vmem>>
    %dma_wait3A_388 = tpu.memref_squeeze %dma_wait3A_387 : memref<1x50x64xf32, #tpu.memory_space<vmem>> -> memref<50x64xf32, #tpu.memory_space<vmem>>
    tpu.wait_dma2 semaphore(%arg18 : memref<!tpu.dma_semaphore, #tpu.memory_space<semaphore_mem>>) src(%dma_wait3A_388 : memref<50x64xf32, #tpu.memory_space<vmem>>) dst(%dma_wait3A_384 : memref<50x64xf32, #tpu.memory_space<hbm>>)
    %dma_wait3A_389 = arith.constant 3 : i32
    %dma_wait3A_390 = arith.constant 100 : i32
    %dma_wait3A_391 = arith.constant 0 : i32
    %dma_wait3A_392 = tpu.memref_slice %arg6[%dma_wait3A_389, %dma_wait3A_390, %dma_wait3A_391] : memref<8x200x64xf32, #tpu.memory_space<vmem>> -> memref<1x50x64xf32, #tpu.memory_space<vmem>>
    %dma_wait3A_393 = tpu.memref_squeeze %dma_wait3A_392 : memref<1x50x64xf32, #tpu.memory_space<vmem>> -> memref<50x64xf32, #tpu.memory_space<vmem>>
    %dma_wait3A_394 = arith.constant 0 : i32
    %dma_wait3A_395 = arith.constant 0 : i32
    %dma_wait3A_396 = tpu.memref_slice %arg4[%add3A_350, %dma_wait3A_394, %dma_wait3A_395] : memref<4096x56x128xf32, #tpu.memory_space<hbm>> -> memref<1x50x64xf32, #tpu.memory_space<hbm>>
    %dma_wait3A_397 = tpu.memref_squeeze %dma_wait3A_396 : memref<1x50x64xf32, #tpu.memory_space<hbm>> -> memref<50x64xf32, #tpu.memory_space<hbm>>
    %dma_wait3A_398 = arith.constant 0 : i32
    %dma_wait3A_399 = arith.constant 0 : i32
    %dma_wait3A_400 = tpu.memref_slice %arg4[%add3A_350, %dma_wait3A_398, %dma_wait3A_399] : memref<4096x56x128xf32, #tpu.memory_space<hbm>> -> memref<1x50x64xf32, #tpu.memory_space<hbm>>
    %dma_wait3A_401 = tpu.memref_squeeze %dma_wait3A_400 : memref<1x50x64xf32, #tpu.memory_space<hbm>> -> memref<50x64xf32, #tpu.memory_space<hbm>>
    %dma_wait3A_402 = arith.constant 100 : i32
    %dma_wait3A_403 = arith.constant 0 : i32
    %dma_wait3A_404 = tpu.memref_slice %arg6[%dma_wait3A_389, %dma_wait3A_402, %dma_wait3A_403] : memref<8x200x64xf32, #tpu.memory_space<vmem>> -> memref<1x50x64xf32, #tpu.memory_space<vmem>>
    %dma_wait3A_405 = tpu.memref_squeeze %dma_wait3A_404 : memref<1x50x64xf32, #tpu.memory_space<vmem>> -> memref<50x64xf32, #tpu.memory_space<vmem>>
    tpu.wait_dma2 semaphore(%arg18 : memref<!tpu.dma_semaphore, #tpu.memory_space<semaphore_mem>>) src(%dma_wait3A_405 : memref<50x64xf32, #tpu.memory_space<vmem>>) dst(%dma_wait3A_401 : memref<50x64xf32, #tpu.memory_space<hbm>>)
    %dma_wait3A_406 = arith.constant 3 : i32
    %dma_wait3A_407 = arith.constant 150 : i32
    %dma_wait3A_408 = arith.constant 0 : i32
    %dma_wait3A_409 = tpu.memref_slice %arg6[%dma_wait3A_406, %dma_wait3A_407, %dma_wait3A_408] : memref<8x200x64xf32, #tpu.memory_space<vmem>> -> memref<1x50x64xf32, #tpu.memory_space<vmem>>
    %dma_wait3A_410 = tpu.memref_squeeze %dma_wait3A_409 : memref<1x50x64xf32, #tpu.memory_space<vmem>> -> memref<50x64xf32, #tpu.memory_space<vmem>>
    %dma_wait3A_411 = arith.constant 0 : i32
    %dma_wait3A_412 = arith.constant 0 : i32
    %dma_wait3A_413 = tpu.memref_slice %arg4[%add3A_354, %dma_wait3A_411, %dma_wait3A_412] : memref<4096x56x128xf32, #tpu.memory_space<hbm>> -> memref<1x50x64xf32, #tpu.memory_space<hbm>>
    %dma_wait3A_414 = tpu.memref_squeeze %dma_wait3A_413 : memref<1x50x64xf32, #tpu.memory_space<hbm>> -> memref<50x64xf32, #tpu.memory_space<hbm>>
    %dma_wait3A_415 = arith.constant 0 : i32
    %dma_wait3A_416 = arith.constant 0 : i32
    %dma_wait3A_417 = tpu.memref_slice %arg4[%add3A_354, %dma_wait3A_415, %dma_wait3A_416] : memref<4096x56x128xf32, #tpu.memory_space<hbm>> -> memref<1x50x64xf32, #tpu.memory_space<hbm>>
    %dma_wait3A_418 = tpu.memref_squeeze %dma_wait3A_417 : memref<1x50x64xf32, #tpu.memory_space<hbm>> -> memref<50x64xf32, #tpu.memory_space<hbm>>
    %dma_wait3A_419 = arith.constant 150 : i32
    %dma_wait3A_420 = arith.constant 0 : i32
    %dma_wait3A_421 = tpu.memref_slice %arg6[%dma_wait3A_406, %dma_wait3A_419, %dma_wait3A_420] : memref<8x200x64xf32, #tpu.memory_space<vmem>> -> memref<1x50x64xf32, #tpu.memory_space<vmem>>
    %dma_wait3A_422 = tpu.memref_squeeze %dma_wait3A_421 : memref<1x50x64xf32, #tpu.memory_space<vmem>> -> memref<50x64xf32, #tpu.memory_space<vmem>>
    tpu.wait_dma2 semaphore(%arg18 : memref<!tpu.dma_semaphore, #tpu.memory_space<semaphore_mem>>) src(%dma_wait3A_422 : memref<50x64xf32, #tpu.memory_space<vmem>>) dst(%dma_wait3A_418 : memref<50x64xf32, #tpu.memory_space<hbm>>)
    %add3A_423 = arith.constant 112 : i32
    %add3A_424 = arith.addi %mul3A_2, %add3A_423 : i32
    %add3A_425 = arith.constant 0 : i32
    %add3A_426 = arith.addi %add3A_424, %add3A_425 : i32
    %add3A_427 = arith.constant 112 : i32
    %add3A_428 = arith.addi %mul3A_2, %add3A_427 : i32
    %add3A_429 = arith.constant 1 : i32
    %add3A_430 = arith.addi %add3A_428, %add3A_429 : i32
    %add3A_431 = arith.constant 112 : i32
    %add3A_432 = arith.addi %mul3A_2, %add3A_431 : i32
    %add3A_433 = arith.constant 2 : i32
    %add3A_434 = arith.addi %add3A_432, %add3A_433 : i32
    %add3A_435 = arith.constant 112 : i32
    %add3A_436 = arith.addi %mul3A_2, %add3A_435 : i32
    %add3A_437 = arith.constant 3 : i32
    %add3A_438 = arith.addi %add3A_436, %add3A_437 : i32
    %dma_wait3A_439 = arith.constant 4 : i32
    %dma_wait3A_440 = arith.constant 0 : i32
    %dma_wait3A_441 = arith.constant 0 : i32
    %dma_wait3A_442 = tpu.memref_slice %arg6[%dma_wait3A_439, %dma_wait3A_440, %dma_wait3A_441] : memref<8x200x64xf32, #tpu.memory_space<vmem>> -> memref<1x50x64xf32, #tpu.memory_space<vmem>>
    %dma_wait3A_443 = tpu.memref_squeeze %dma_wait3A_442 : memref<1x50x64xf32, #tpu.memory_space<vmem>> -> memref<50x64xf32, #tpu.memory_space<vmem>>
    %dma_wait3A_444 = arith.constant 0 : i32
    %dma_wait3A_445 = arith.constant 0 : i32
    %dma_wait3A_446 = tpu.memref_slice %arg4[%add3A_426, %dma_wait3A_444, %dma_wait3A_445] : memref<4096x56x128xf32, #tpu.memory_space<hbm>> -> memref<1x50x64xf32, #tpu.memory_space<hbm>>
    %dma_wait3A_447 = tpu.memref_squeeze %dma_wait3A_446 : memref<1x50x64xf32, #tpu.memory_space<hbm>> -> memref<50x64xf32, #tpu.memory_space<hbm>>
    %dma_wait3A_448 = arith.constant 0 : i32
    %dma_wait3A_449 = arith.constant 0 : i32
    %dma_wait3A_450 = tpu.memref_slice %arg4[%add3A_426, %dma_wait3A_448, %dma_wait3A_449] : memref<4096x56x128xf32, #tpu.memory_space<hbm>> -> memref<1x50x64xf32, #tpu.memory_space<hbm>>
    %dma_wait3A_451 = tpu.memref_squeeze %dma_wait3A_450 : memref<1x50x64xf32, #tpu.memory_space<hbm>> -> memref<50x64xf32, #tpu.memory_space<hbm>>
    %dma_wait3A_452 = arith.constant 0 : i32
    %dma_wait3A_453 = arith.constant 0 : i32
    %dma_wait3A_454 = tpu.memref_slice %arg6[%dma_wait3A_439, %dma_wait3A_452, %dma_wait3A_453] : memref<8x200x64xf32, #tpu.memory_space<vmem>> -> memref<1x50x64xf32, #tpu.memory_space<vmem>>
    %dma_wait3A_455 = tpu.memref_squeeze %dma_wait3A_454 : memref<1x50x64xf32, #tpu.memory_space<vmem>> -> memref<50x64xf32, #tpu.memory_space<vmem>>
    tpu.wait_dma2 semaphore(%arg19 : memref<!tpu.dma_semaphore, #tpu.memory_space<semaphore_mem>>) src(%dma_wait3A_455 : memref<50x64xf32, #tpu.memory_space<vmem>>) dst(%dma_wait3A_451 : memref<50x64xf32, #tpu.memory_space<hbm>>)
    %dma_wait3A_456 = arith.constant 4 : i32
    %dma_wait3A_457 = arith.constant 50 : i32
    %dma_wait3A_458 = arith.constant 0 : i32
    %dma_wait3A_459 = tpu.memref_slice %arg6[%dma_wait3A_456, %dma_wait3A_457, %dma_wait3A_458] : memref<8x200x64xf32, #tpu.memory_space<vmem>> -> memref<1x50x64xf32, #tpu.memory_space<vmem>>
    %dma_wait3A_460 = tpu.memref_squeeze %dma_wait3A_459 : memref<1x50x64xf32, #tpu.memory_space<vmem>> -> memref<50x64xf32, #tpu.memory_space<vmem>>
    %dma_wait3A_461 = arith.constant 0 : i32
    %dma_wait3A_462 = arith.constant 0 : i32
    %dma_wait3A_463 = tpu.memref_slice %arg4[%add3A_430, %dma_wait3A_461, %dma_wait3A_462] : memref<4096x56x128xf32, #tpu.memory_space<hbm>> -> memref<1x50x64xf32, #tpu.memory_space<hbm>>
    %dma_wait3A_464 = tpu.memref_squeeze %dma_wait3A_463 : memref<1x50x64xf32, #tpu.memory_space<hbm>> -> memref<50x64xf32, #tpu.memory_space<hbm>>
    %dma_wait3A_465 = arith.constant 0 : i32
    %dma_wait3A_466 = arith.constant 0 : i32
    %dma_wait3A_467 = tpu.memref_slice %arg4[%add3A_430, %dma_wait3A_465, %dma_wait3A_466] : memref<4096x56x128xf32, #tpu.memory_space<hbm>> -> memref<1x50x64xf32, #tpu.memory_space<hbm>>
    %dma_wait3A_468 = tpu.memref_squeeze %dma_wait3A_467 : memref<1x50x64xf32, #tpu.memory_space<hbm>> -> memref<50x64xf32, #tpu.memory_space<hbm>>
    %dma_wait3A_469 = arith.constant 50 : i32
    %dma_wait3A_470 = arith.constant 0 : i32
    %dma_wait3A_471 = tpu.memref_slice %arg6[%dma_wait3A_456, %dma_wait3A_469, %dma_wait3A_470] : memref<8x200x64xf32, #tpu.memory_space<vmem>> -> memref<1x50x64xf32, #tpu.memory_space<vmem>>
    %dma_wait3A_472 = tpu.memref_squeeze %dma_wait3A_471 : memref<1x50x64xf32, #tpu.memory_space<vmem>> -> memref<50x64xf32, #tpu.memory_space<vmem>>
    tpu.wait_dma2 semaphore(%arg19 : memref<!tpu.dma_semaphore, #tpu.memory_space<semaphore_mem>>) src(%dma_wait3A_472 : memref<50x64xf32, #tpu.memory_space<vmem>>) dst(%dma_wait3A_468 : memref<50x64xf32, #tpu.memory_space<hbm>>)
    %dma_wait3A_473 = arith.constant 4 : i32
    %dma_wait3A_474 = arith.constant 100 : i32
    %dma_wait3A_475 = arith.constant 0 : i32
    %dma_wait3A_476 = tpu.memref_slice %arg6[%dma_wait3A_473, %dma_wait3A_474, %dma_wait3A_475] : memref<8x200x64xf32, #tpu.memory_space<vmem>> -> memref<1x50x64xf32, #tpu.memory_space<vmem>>
    %dma_wait3A_477 = tpu.memref_squeeze %dma_wait3A_476 : memref<1x50x64xf32, #tpu.memory_space<vmem>> -> memref<50x64xf32, #tpu.memory_space<vmem>>
    %dma_wait3A_478 = arith.constant 0 : i32
    %dma_wait3A_479 = arith.constant 0 : i32
    %dma_wait3A_480 = tpu.memref_slice %arg4[%add3A_434, %dma_wait3A_478, %dma_wait3A_479] : memref<4096x56x128xf32, #tpu.memory_space<hbm>> -> memref<1x50x64xf32, #tpu.memory_space<hbm>>
    %dma_wait3A_481 = tpu.memref_squeeze %dma_wait3A_480 : memref<1x50x64xf32, #tpu.memory_space<hbm>> -> memref<50x64xf32, #tpu.memory_space<hbm>>
    %dma_wait3A_482 = arith.constant 0 : i32
    %dma_wait3A_483 = arith.constant 0 : i32
    %dma_wait3A_484 = tpu.memref_slice %arg4[%add3A_434, %dma_wait3A_482, %dma_wait3A_483] : memref<4096x56x128xf32, #tpu.memory_space<hbm>> -> memref<1x50x64xf32, #tpu.memory_space<hbm>>
    %dma_wait3A_485 = tpu.memref_squeeze %dma_wait3A_484 : memref<1x50x64xf32, #tpu.memory_space<hbm>> -> memref<50x64xf32, #tpu.memory_space<hbm>>
    %dma_wait3A_486 = arith.constant 100 : i32
    %dma_wait3A_487 = arith.constant 0 : i32
    %dma_wait3A_488 = tpu.memref_slice %arg6[%dma_wait3A_473, %dma_wait3A_486, %dma_wait3A_487] : memref<8x200x64xf32, #tpu.memory_space<vmem>> -> memref<1x50x64xf32, #tpu.memory_space<vmem>>
    %dma_wait3A_489 = tpu.memref_squeeze %dma_wait3A_488 : memref<1x50x64xf32, #tpu.memory_space<vmem>> -> memref<50x64xf32, #tpu.memory_space<vmem>>
    tpu.wait_dma2 semaphore(%arg19 : memref<!tpu.dma_semaphore, #tpu.memory_space<semaphore_mem>>) src(%dma_wait3A_489 : memref<50x64xf32, #tpu.memory_space<vmem>>) dst(%dma_wait3A_485 : memref<50x64xf32, #tpu.memory_space<hbm>>)
    %dma_wait3A_490 = arith.constant 4 : i32
    %dma_wait3A_491 = arith.constant 150 : i32
    %dma_wait3A_492 = arith.constant 0 : i32
    %dma_wait3A_493 = tpu.memref_slice %arg6[%dma_wait3A_490, %dma_wait3A_491, %dma_wait3A_492] : memref<8x200x64xf32, #tpu.memory_space<vmem>> -> memref<1x50x64xf32, #tpu.memory_space<vmem>>
    %dma_wait3A_494 = tpu.memref_squeeze %dma_wait3A_493 : memref<1x50x64xf32, #tpu.memory_space<vmem>> -> memref<50x64xf32, #tpu.memory_space<vmem>>
    %dma_wait3A_495 = arith.constant 0 : i32
    %dma_wait3A_496 = arith.constant 0 : i32
    %dma_wait3A_497 = tpu.memref_slice %arg4[%add3A_438, %dma_wait3A_495, %dma_wait3A_496] : memref<4096x56x128xf32, #tpu.memory_space<hbm>> -> memref<1x50x64xf32, #tpu.memory_space<hbm>>
    %dma_wait3A_498 = tpu.memref_squeeze %dma_wait3A_497 : memref<1x50x64xf32, #tpu.memory_space<hbm>> -> memref<50x64xf32, #tpu.memory_space<hbm>>
    %dma_wait3A_499 = arith.constant 0 : i32
    %dma_wait3A_500 = arith.constant 0 : i32
    %dma_wait3A_501 = tpu.memref_slice %arg4[%add3A_438, %dma_wait3A_499, %dma_wait3A_500] : memref<4096x56x128xf32, #tpu.memory_space<hbm>> -> memref<1x50x64xf32, #tpu.memory_space<hbm>>
    %dma_wait3A_502 = tpu.memref_squeeze %dma_wait3A_501 : memref<1x50x64xf32, #tpu.memory_space<hbm>> -> memref<50x64xf32, #tpu.memory_space<hbm>>
    %dma_wait3A_503 = arith.constant 150 : i32
    %dma_wait3A_504 = arith.constant 0 : i32
    %dma_wait3A_505 = tpu.memref_slice %arg6[%dma_wait3A_490, %dma_wait3A_503, %dma_wait3A_504] : memref<8x200x64xf32, #tpu.memory_space<vmem>> -> memref<1x50x64xf32, #tpu.memory_space<vmem>>
    %dma_wait3A_506 = tpu.memref_squeeze %dma_wait3A_505 : memref<1x50x64xf32, #tpu.memory_space<vmem>> -> memref<50x64xf32, #tpu.memory_space<vmem>>
    tpu.wait_dma2 semaphore(%arg19 : memref<!tpu.dma_semaphore, #tpu.memory_space<semaphore_mem>>) src(%dma_wait3A_506 : memref<50x64xf32, #tpu.memory_space<vmem>>) dst(%dma_wait3A_502 : memref<50x64xf32, #tpu.memory_space<hbm>>)
    %add3A_507 = arith.constant 116 : i32
    %add3A_508 = arith.addi %mul3A_2, %add3A_507 : i32
    %add3A_509 = arith.constant 0 : i32
    %add3A_510 = arith.addi %add3A_508, %add3A_509 : i32
    %add3A_511 = arith.constant 116 : i32
    %add3A_512 = arith.addi %mul3A_2, %add3A_511 : i32
    %add3A_513 = arith.constant 1 : i32
    %add3A_514 = arith.addi %add3A_512, %add3A_513 : i32
    %add3A_515 = arith.constant 116 : i32
    %add3A_516 = arith.addi %mul3A_2, %add3A_515 : i32
    %add3A_517 = arith.constant 2 : i32
    %add3A_518 = arith.addi %add3A_516, %add3A_517 : i32
    %add3A_519 = arith.constant 116 : i32
    %add3A_520 = arith.addi %mul3A_2, %add3A_519 : i32
    %add3A_521 = arith.constant 3 : i32
    %add3A_522 = arith.addi %add3A_520, %add3A_521 : i32
    %dma_wait3A_523 = arith.constant 5 : i32
    %dma_wait3A_524 = arith.constant 0 : i32
    %dma_wait3A_525 = arith.constant 0 : i32
    %dma_wait3A_526 = tpu.memref_slice %arg6[%dma_wait3A_523, %dma_wait3A_524, %dma_wait3A_525] : memref<8x200x64xf32, #tpu.memory_space<vmem>> -> memref<1x50x64xf32, #tpu.memory_space<vmem>>
    %dma_wait3A_527 = tpu.memref_squeeze %dma_wait3A_526 : memref<1x50x64xf32, #tpu.memory_space<vmem>> -> memref<50x64xf32, #tpu.memory_space<vmem>>
    %dma_wait3A_528 = arith.constant 0 : i32
    %dma_wait3A_529 = arith.constant 0 : i32
    %dma_wait3A_530 = tpu.memref_slice %arg4[%add3A_510, %dma_wait3A_528, %dma_wait3A_529] : memref<4096x56x128xf32, #tpu.memory_space<hbm>> -> memref<1x50x64xf32, #tpu.memory_space<hbm>>
    %dma_wait3A_531 = tpu.memref_squeeze %dma_wait3A_530 : memref<1x50x64xf32, #tpu.memory_space<hbm>> -> memref<50x64xf32, #tpu.memory_space<hbm>>
    %dma_wait3A_532 = arith.constant 0 : i32
    %dma_wait3A_533 = arith.constant 0 : i32
    %dma_wait3A_534 = tpu.memref_slice %arg4[%add3A_510, %dma_wait3A_532, %dma_wait3A_533] : memref<4096x56x128xf32, #tpu.memory_space<hbm>> -> memref<1x50x64xf32, #tpu.memory_space<hbm>>
    %dma_wait3A_535 = tpu.memref_squeeze %dma_wait3A_534 : memref<1x50x64xf32, #tpu.memory_space<hbm>> -> memref<50x64xf32, #tpu.memory_space<hbm>>
    %dma_wait3A_536 = arith.constant 0 : i32
    %dma_wait3A_537 = arith.constant 0 : i32
    %dma_wait3A_538 = tpu.memref_slice %arg6[%dma_wait3A_523, %dma_wait3A_536, %dma_wait3A_537] : memref<8x200x64xf32, #tpu.memory_space<vmem>> -> memref<1x50x64xf32, #tpu.memory_space<vmem>>
    %dma_wait3A_539 = tpu.memref_squeeze %dma_wait3A_538 : memref<1x50x64xf32, #tpu.memory_space<vmem>> -> memref<50x64xf32, #tpu.memory_space<vmem>>
    tpu.wait_dma2 semaphore(%arg20 : memref<!tpu.dma_semaphore, #tpu.memory_space<semaphore_mem>>) src(%dma_wait3A_539 : memref<50x64xf32, #tpu.memory_space<vmem>>) dst(%dma_wait3A_535 : memref<50x64xf32, #tpu.memory_space<hbm>>)
    %dma_wait3A_540 = arith.constant 5 : i32
    %dma_wait3A_541 = arith.constant 50 : i32
    %dma_wait3A_542 = arith.constant 0 : i32
    %dma_wait3A_543 = tpu.memref_slice %arg6[%dma_wait3A_540, %dma_wait3A_541, %dma_wait3A_542] : memref<8x200x64xf32, #tpu.memory_space<vmem>> -> memref<1x50x64xf32, #tpu.memory_space<vmem>>
    %dma_wait3A_544 = tpu.memref_squeeze %dma_wait3A_543 : memref<1x50x64xf32, #tpu.memory_space<vmem>> -> memref<50x64xf32, #tpu.memory_space<vmem>>
    %dma_wait3A_545 = arith.constant 0 : i32
    %dma_wait3A_546 = arith.constant 0 : i32
    %dma_wait3A_547 = tpu.memref_slice %arg4[%add3A_514, %dma_wait3A_545, %dma_wait3A_546] : memref<4096x56x128xf32, #tpu.memory_space<hbm>> -> memref<1x50x64xf32, #tpu.memory_space<hbm>>
    %dma_wait3A_548 = tpu.memref_squeeze %dma_wait3A_547 : memref<1x50x64xf32, #tpu.memory_space<hbm>> -> memref<50x64xf32, #tpu.memory_space<hbm>>
    %dma_wait3A_549 = arith.constant 0 : i32
    %dma_wait3A_550 = arith.constant 0 : i32
    %dma_wait3A_551 = tpu.memref_slice %arg4[%add3A_514, %dma_wait3A_549, %dma_wait3A_550] : memref<4096x56x128xf32, #tpu.memory_space<hbm>> -> memref<1x50x64xf32, #tpu.memory_space<hbm>>
    %dma_wait3A_552 = tpu.memref_squeeze %dma_wait3A_551 : memref<1x50x64xf32, #tpu.memory_space<hbm>> -> memref<50x64xf32, #tpu.memory_space<hbm>>
    %dma_wait3A_553 = arith.constant 50 : i32
    %dma_wait3A_554 = arith.constant 0 : i32
    %dma_wait3A_555 = tpu.memref_slice %arg6[%dma_wait3A_540, %dma_wait3A_553, %dma_wait3A_554] : memref<8x200x64xf32, #tpu.memory_space<vmem>> -> memref<1x50x64xf32, #tpu.memory_space<vmem>>
    %dma_wait3A_556 = tpu.memref_squeeze %dma_wait3A_555 : memref<1x50x64xf32, #tpu.memory_space<vmem>> -> memref<50x64xf32, #tpu.memory_space<vmem>>
    tpu.wait_dma2 semaphore(%arg20 : memref<!tpu.dma_semaphore, #tpu.memory_space<semaphore_mem>>) src(%dma_wait3A_556 : memref<50x64xf32, #tpu.memory_space<vmem>>) dst(%dma_wait3A_552 : memref<50x64xf32, #tpu.memory_space<hbm>>)
    %dma_wait3A_557 = arith.constant 5 : i32
    %dma_wait3A_558 = arith.constant 100 : i32
    %dma_wait3A_559 = arith.constant 0 : i32
    %dma_wait3A_560 = tpu.memref_slice %arg6[%dma_wait3A_557, %dma_wait3A_558, %dma_wait3A_559] : memref<8x200x64xf32, #tpu.memory_space<vmem>> -> memref<1x50x64xf32, #tpu.memory_space<vmem>>
    %dma_wait3A_561 = tpu.memref_squeeze %dma_wait3A_560 : memref<1x50x64xf32, #tpu.memory_space<vmem>> -> memref<50x64xf32, #tpu.memory_space<vmem>>
    %dma_wait3A_562 = arith.constant 0 : i32
    %dma_wait3A_563 = arith.constant 0 : i32
    %dma_wait3A_564 = tpu.memref_slice %arg4[%add3A_518, %dma_wait3A_562, %dma_wait3A_563] : memref<4096x56x128xf32, #tpu.memory_space<hbm>> -> memref<1x50x64xf32, #tpu.memory_space<hbm>>
    %dma_wait3A_565 = tpu.memref_squeeze %dma_wait3A_564 : memref<1x50x64xf32, #tpu.memory_space<hbm>> -> memref<50x64xf32, #tpu.memory_space<hbm>>
    %dma_wait3A_566 = arith.constant 0 : i32
    %dma_wait3A_567 = arith.constant 0 : i32
    %dma_wait3A_568 = tpu.memref_slice %arg4[%add3A_518, %dma_wait3A_566, %dma_wait3A_567] : memref<4096x56x128xf32, #tpu.memory_space<hbm>> -> memref<1x50x64xf32, #tpu.memory_space<hbm>>
    %dma_wait3A_569 = tpu.memref_squeeze %dma_wait3A_568 : memref<1x50x64xf32, #tpu.memory_space<hbm>> -> memref<50x64xf32, #tpu.memory_space<hbm>>
    %dma_wait3A_570 = arith.constant 100 : i32
    %dma_wait3A_571 = arith.constant 0 : i32
    %dma_wait3A_572 = tpu.memref_slice %arg6[%dma_wait3A_557, %dma_wait3A_570, %dma_wait3A_571] : memref<8x200x64xf32, #tpu.memory_space<vmem>> -> memref<1x50x64xf32, #tpu.memory_space<vmem>>
    %dma_wait3A_573 = tpu.memref_squeeze %dma_wait3A_572 : memref<1x50x64xf32, #tpu.memory_space<vmem>> -> memref<50x64xf32, #tpu.memory_space<vmem>>
    tpu.wait_dma2 semaphore(%arg20 : memref<!tpu.dma_semaphore, #tpu.memory_space<semaphore_mem>>) src(%dma_wait3A_573 : memref<50x64xf32, #tpu.memory_space<vmem>>) dst(%dma_wait3A_569 : memref<50x64xf32, #tpu.memory_space<hbm>>)
    %dma_wait3A_574 = arith.constant 5 : i32
    %dma_wait3A_575 = arith.constant 150 : i32
    %dma_wait3A_576 = arith.constant 0 : i32
    %dma_wait3A_577 = tpu.memref_slice %arg6[%dma_wait3A_574, %dma_wait3A_575, %dma_wait3A_576] : memref<8x200x64xf32, #tpu.memory_space<vmem>> -> memref<1x50x64xf32, #tpu.memory_space<vmem>>
    %dma_wait3A_578 = tpu.memref_squeeze %dma_wait3A_577 : memref<1x50x64xf32, #tpu.memory_space<vmem>> -> memref<50x64xf32, #tpu.memory_space<vmem>>
    %dma_wait3A_579 = arith.constant 0 : i32
    %dma_wait3A_580 = arith.constant 0 : i32
    %dma_wait3A_581 = tpu.memref_slice %arg4[%add3A_522, %dma_wait3A_579, %dma_wait3A_580] : memref<4096x56x128xf32, #tpu.memory_space<hbm>> -> memref<1x50x64xf32, #tpu.memory_space<hbm>>
    %dma_wait3A_582 = tpu.memref_squeeze %dma_wait3A_581 : memref<1x50x64xf32, #tpu.memory_space<hbm>> -> memref<50x64xf32, #tpu.memory_space<hbm>>
    %dma_wait3A_583 = arith.constant 0 : i32
    %dma_wait3A_584 = arith.constant 0 : i32
    %dma_wait3A_585 = tpu.memref_slice %arg4[%add3A_522, %dma_wait3A_583, %dma_wait3A_584] : memref<4096x56x128xf32, #tpu.memory_space<hbm>> -> memref<1x50x64xf32, #tpu.memory_space<hbm>>
    %dma_wait3A_586 = tpu.memref_squeeze %dma_wait3A_585 : memref<1x50x64xf32, #tpu.memory_space<hbm>> -> memref<50x64xf32, #tpu.memory_space<hbm>>
    %dma_wait3A_587 = arith.constant 150 : i32
    %dma_wait3A_588 = arith.constant 0 : i32
    %dma_wait3A_589 = tpu.memref_slice %arg6[%dma_wait3A_574, %dma_wait3A_587, %dma_wait3A_588] : memref<8x200x64xf32, #tpu.memory_space<vmem>> -> memref<1x50x64xf32, #tpu.memory_space<vmem>>
    %dma_wait3A_590 = tpu.memref_squeeze %dma_wait3A_589 : memref<1x50x64xf32, #tpu.memory_space<vmem>> -> memref<50x64xf32, #tpu.memory_space<vmem>>
    tpu.wait_dma2 semaphore(%arg20 : memref<!tpu.dma_semaphore, #tpu.memory_space<semaphore_mem>>) src(%dma_wait3A_590 : memref<50x64xf32, #tpu.memory_space<vmem>>) dst(%dma_wait3A_586 : memref<50x64xf32, #tpu.memory_space<hbm>>)
    %add3A_591 = arith.constant 120 : i32
    %add3A_592 = arith.addi %mul3A_2, %add3A_591 : i32
    %add3A_593 = arith.constant 0 : i32
    %add3A_594 = arith.addi %add3A_592, %add3A_593 : i32
    %add3A_595 = arith.constant 120 : i32
    %add3A_596 = arith.addi %mul3A_2, %add3A_595 : i32
    %add3A_597 = arith.constant 1 : i32
    %add3A_598 = arith.addi %add3A_596, %add3A_597 : i32
    %add3A_599 = arith.constant 120 : i32
    %add3A_600 = arith.addi %mul3A_2, %add3A_599 : i32
    %add3A_601 = arith.constant 2 : i32
    %add3A_602 = arith.addi %add3A_600, %add3A_601 : i32
    %add3A_603 = arith.constant 120 : i32
    %add3A_604 = arith.addi %mul3A_2, %add3A_603 : i32
    %add3A_605 = arith.constant 3 : i32
    %add3A_606 = arith.addi %add3A_604, %add3A_605 : i32
    %dma_wait3A_607 = arith.constant 6 : i32
    %dma_wait3A_608 = arith.constant 0 : i32
    %dma_wait3A_609 = arith.constant 0 : i32
    %dma_wait3A_610 = tpu.memref_slice %arg6[%dma_wait3A_607, %dma_wait3A_608, %dma_wait3A_609] : memref<8x200x64xf32, #tpu.memory_space<vmem>> -> memref<1x50x64xf32, #tpu.memory_space<vmem>>
    %dma_wait3A_611 = tpu.memref_squeeze %dma_wait3A_610 : memref<1x50x64xf32, #tpu.memory_space<vmem>> -> memref<50x64xf32, #tpu.memory_space<vmem>>
    %dma_wait3A_612 = arith.constant 0 : i32
    %dma_wait3A_613 = arith.constant 0 : i32
    %dma_wait3A_614 = tpu.memref_slice %arg4[%add3A_594, %dma_wait3A_612, %dma_wait3A_613] : memref<4096x56x128xf32, #tpu.memory_space<hbm>> -> memref<1x50x64xf32, #tpu.memory_space<hbm>>
    %dma_wait3A_615 = tpu.memref_squeeze %dma_wait3A_614 : memref<1x50x64xf32, #tpu.memory_space<hbm>> -> memref<50x64xf32, #tpu.memory_space<hbm>>
    %dma_wait3A_616 = arith.constant 0 : i32
    %dma_wait3A_617 = arith.constant 0 : i32
    %dma_wait3A_618 = tpu.memref_slice %arg4[%add3A_594, %dma_wait3A_616, %dma_wait3A_617] : memref<4096x56x128xf32, #tpu.memory_space<hbm>> -> memref<1x50x64xf32, #tpu.memory_space<hbm>>
    %dma_wait3A_619 = tpu.memref_squeeze %dma_wait3A_618 : memref<1x50x64xf32, #tpu.memory_space<hbm>> -> memref<50x64xf32, #tpu.memory_space<hbm>>
    %dma_wait3A_620 = arith.constant 0 : i32
    %dma_wait3A_621 = arith.constant 0 : i32
    %dma_wait3A_622 = tpu.memref_slice %arg6[%dma_wait3A_607, %dma_wait3A_620, %dma_wait3A_621] : memref<8x200x64xf32, #tpu.memory_space<vmem>> -> memref<1x50x64xf32, #tpu.memory_space<vmem>>
    %dma_wait3A_623 = tpu.memref_squeeze %dma_wait3A_622 : memref<1x50x64xf32, #tpu.memory_space<vmem>> -> memref<50x64xf32, #tpu.memory_space<vmem>>
    tpu.wait_dma2 semaphore(%arg21 : memref<!tpu.dma_semaphore, #tpu.memory_space<semaphore_mem>>) src(%dma_wait3A_623 : memref<50x64xf32, #tpu.memory_space<vmem>>) dst(%dma_wait3A_619 : memref<50x64xf32, #tpu.memory_space<hbm>>)
    %dma_wait3A_624 = arith.constant 6 : i32
    %dma_wait3A_625 = arith.constant 50 : i32
    %dma_wait3A_626 = arith.constant 0 : i32
    %dma_wait3A_627 = tpu.memref_slice %arg6[%dma_wait3A_624, %dma_wait3A_625, %dma_wait3A_626] : memref<8x200x64xf32, #tpu.memory_space<vmem>> -> memref<1x50x64xf32, #tpu.memory_space<vmem>>
    %dma_wait3A_628 = tpu.memref_squeeze %dma_wait3A_627 : memref<1x50x64xf32, #tpu.memory_space<vmem>> -> memref<50x64xf32, #tpu.memory_space<vmem>>
    %dma_wait3A_629 = arith.constant 0 : i32
    %dma_wait3A_630 = arith.constant 0 : i32
    %dma_wait3A_631 = tpu.memref_slice %arg4[%add3A_598, %dma_wait3A_629, %dma_wait3A_630] : memref<4096x56x128xf32, #tpu.memory_space<hbm>> -> memref<1x50x64xf32, #tpu.memory_space<hbm>>
    %dma_wait3A_632 = tpu.memref_squeeze %dma_wait3A_631 : memref<1x50x64xf32, #tpu.memory_space<hbm>> -> memref<50x64xf32, #tpu.memory_space<hbm>>
    %dma_wait3A_633 = arith.constant 0 : i32
    %dma_wait3A_634 = arith.constant 0 : i32
    %dma_wait3A_635 = tpu.memref_slice %arg4[%add3A_598, %dma_wait3A_633, %dma_wait3A_634] : memref<4096x56x128xf32, #tpu.memory_space<hbm>> -> memref<1x50x64xf32, #tpu.memory_space<hbm>>
    %dma_wait3A_636 = tpu.memref_squeeze %dma_wait3A_635 : memref<1x50x64xf32, #tpu.memory_space<hbm>> -> memref<50x64xf32, #tpu.memory_space<hbm>>
    %dma_wait3A_637 = arith.constant 50 : i32
    %dma_wait3A_638 = arith.constant 0 : i32
    %dma_wait3A_639 = tpu.memref_slice %arg6[%dma_wait3A_624, %dma_wait3A_637, %dma_wait3A_638] : memref<8x200x64xf32, #tpu.memory_space<vmem>> -> memref<1x50x64xf32, #tpu.memory_space<vmem>>
    %dma_wait3A_640 = tpu.memref_squeeze %dma_wait3A_639 : memref<1x50x64xf32, #tpu.memory_space<vmem>> -> memref<50x64xf32, #tpu.memory_space<vmem>>
    tpu.wait_dma2 semaphore(%arg21 : memref<!tpu.dma_semaphore, #tpu.memory_space<semaphore_mem>>) src(%dma_wait3A_640 : memref<50x64xf32, #tpu.memory_space<vmem>>) dst(%dma_wait3A_636 : memref<50x64xf32, #tpu.memory_space<hbm>>)
    %dma_wait3A_641 = arith.constant 6 : i32
    %dma_wait3A_642 = arith.constant 100 : i32
    %dma_wait3A_643 = arith.constant 0 : i32
    %dma_wait3A_644 = tpu.memref_slice %arg6[%dma_wait3A_641, %dma_wait3A_642, %dma_wait3A_643] : memref<8x200x64xf32, #tpu.memory_space<vmem>> -> memref<1x50x64xf32, #tpu.memory_space<vmem>>
    %dma_wait3A_645 = tpu.memref_squeeze %dma_wait3A_644 : memref<1x50x64xf32, #tpu.memory_space<vmem>> -> memref<50x64xf32, #tpu.memory_space<vmem>>
    %dma_wait3A_646 = arith.constant 0 : i32
    %dma_wait3A_647 = arith.constant 0 : i32
    %dma_wait3A_648 = tpu.memref_slice %arg4[%add3A_602, %dma_wait3A_646, %dma_wait3A_647] : memref<4096x56x128xf32, #tpu.memory_space<hbm>> -> memref<1x50x64xf32, #tpu.memory_space<hbm>>
    %dma_wait3A_649 = tpu.memref_squeeze %dma_wait3A_648 : memref<1x50x64xf32, #tpu.memory_space<hbm>> -> memref<50x64xf32, #tpu.memory_space<hbm>>
    %dma_wait3A_650 = arith.constant 0 : i32
    %dma_wait3A_651 = arith.constant 0 : i32
    %dma_wait3A_652 = tpu.memref_slice %arg4[%add3A_602, %dma_wait3A_650, %dma_wait3A_651] : memref<4096x56x128xf32, #tpu.memory_space<hbm>> -> memref<1x50x64xf32, #tpu.memory_space<hbm>>
    %dma_wait3A_653 = tpu.memref_squeeze %dma_wait3A_652 : memref<1x50x64xf32, #tpu.memory_space<hbm>> -> memref<50x64xf32, #tpu.memory_space<hbm>>
    %dma_wait3A_654 = arith.constant 100 : i32
    %dma_wait3A_655 = arith.constant 0 : i32
    %dma_wait3A_656 = tpu.memref_slice %arg6[%dma_wait3A_641, %dma_wait3A_654, %dma_wait3A_655] : memref<8x200x64xf32, #tpu.memory_space<vmem>> -> memref<1x50x64xf32, #tpu.memory_space<vmem>>
    %dma_wait3A_657 = tpu.memref_squeeze %dma_wait3A_656 : memref<1x50x64xf32, #tpu.memory_space<vmem>> -> memref<50x64xf32, #tpu.memory_space<vmem>>
    tpu.wait_dma2 semaphore(%arg21 : memref<!tpu.dma_semaphore, #tpu.memory_space<semaphore_mem>>) src(%dma_wait3A_657 : memref<50x64xf32, #tpu.memory_space<vmem>>) dst(%dma_wait3A_653 : memref<50x64xf32, #tpu.memory_space<hbm>>)
    %dma_wait3A_658 = arith.constant 6 : i32
    %dma_wait3A_659 = arith.constant 150 : i32
    %dma_wait3A_660 = arith.constant 0 : i32
    %dma_wait3A_661 = tpu.memref_slice %arg6[%dma_wait3A_658, %dma_wait3A_659, %dma_wait3A_660] : memref<8x200x64xf32, #tpu.memory_space<vmem>> -> memref<1x50x64xf32, #tpu.memory_space<vmem>>
    %dma_wait3A_662 = tpu.memref_squeeze %dma_wait3A_661 : memref<1x50x64xf32, #tpu.memory_space<vmem>> -> memref<50x64xf32, #tpu.memory_space<vmem>>
    %dma_wait3A_663 = arith.constant 0 : i32
    %dma_wait3A_664 = arith.constant 0 : i32
    %dma_wait3A_665 = tpu.memref_slice %arg4[%add3A_606, %dma_wait3A_663, %dma_wait3A_664] : memref<4096x56x128xf32, #tpu.memory_space<hbm>> -> memref<1x50x64xf32, #tpu.memory_space<hbm>>
    %dma_wait3A_666 = tpu.memref_squeeze %dma_wait3A_665 : memref<1x50x64xf32, #tpu.memory_space<hbm>> -> memref<50x64xf32, #tpu.memory_space<hbm>>
    %dma_wait3A_667 = arith.constant 0 : i32
    %dma_wait3A_668 = arith.constant 0 : i32
    %dma_wait3A_669 = tpu.memref_slice %arg4[%add3A_606, %dma_wait3A_667, %dma_wait3A_668] : memref<4096x56x128xf32, #tpu.memory_space<hbm>> -> memref<1x50x64xf32, #tpu.memory_space<hbm>>
    %dma_wait3A_670 = tpu.memref_squeeze %dma_wait3A_669 : memref<1x50x64xf32, #tpu.memory_space<hbm>> -> memref<50x64xf32, #tpu.memory_space<hbm>>
    %dma_wait3A_671 = arith.constant 150 : i32
    %dma_wait3A_672 = arith.constant 0 : i32
    %dma_wait3A_673 = tpu.memref_slice %arg6[%dma_wait3A_658, %dma_wait3A_671, %dma_wait3A_672] : memref<8x200x64xf32, #tpu.memory_space<vmem>> -> memref<1x50x64xf32, #tpu.memory_space<vmem>>
    %dma_wait3A_674 = tpu.memref_squeeze %dma_wait3A_673 : memref<1x50x64xf32, #tpu.memory_space<vmem>> -> memref<50x64xf32, #tpu.memory_space<vmem>>
    tpu.wait_dma2 semaphore(%arg21 : memref<!tpu.dma_semaphore, #tpu.memory_space<semaphore_mem>>) src(%dma_wait3A_674 : memref<50x64xf32, #tpu.memory_space<vmem>>) dst(%dma_wait3A_670 : memref<50x64xf32, #tpu.memory_space<hbm>>)
    %add3A_675 = arith.constant 124 : i32
    %add3A_676 = arith.addi %mul3A_2, %add3A_675 : i32
    %add3A_677 = arith.constant 0 : i32
    %add3A_678 = arith.addi %add3A_676, %add3A_677 : i32
    %add3A_679 = arith.constant 124 : i32
    %add3A_680 = arith.addi %mul3A_2, %add3A_679 : i32
    %add3A_681 = arith.constant 1 : i32
    %add3A_682 = arith.addi %add3A_680, %add3A_681 : i32
    %add3A_683 = arith.constant 124 : i32
    %add3A_684 = arith.addi %mul3A_2, %add3A_683 : i32
    %add3A_685 = arith.constant 2 : i32
    %add3A_686 = arith.addi %add3A_684, %add3A_685 : i32
    %add3A_687 = arith.constant 124 : i32
    %add3A_688 = arith.addi %mul3A_2, %add3A_687 : i32
    %add3A_689 = arith.constant 3 : i32
    %add3A_690 = arith.addi %add3A_688, %add3A_689 : i32
    %dma_wait3A_691 = arith.constant 7 : i32
    %dma_wait3A_692 = arith.constant 0 : i32
    %dma_wait3A_693 = arith.constant 0 : i32
    %dma_wait3A_694 = tpu.memref_slice %arg6[%dma_wait3A_691, %dma_wait3A_692, %dma_wait3A_693] : memref<8x200x64xf32, #tpu.memory_space<vmem>> -> memref<1x50x64xf32, #tpu.memory_space<vmem>>
    %dma_wait3A_695 = tpu.memref_squeeze %dma_wait3A_694 : memref<1x50x64xf32, #tpu.memory_space<vmem>> -> memref<50x64xf32, #tpu.memory_space<vmem>>
    %dma_wait3A_696 = arith.constant 0 : i32
    %dma_wait3A_697 = arith.constant 0 : i32
    %dma_wait3A_698 = tpu.memref_slice %arg4[%add3A_678, %dma_wait3A_696, %dma_wait3A_697] : memref<4096x56x128xf32, #tpu.memory_space<hbm>> -> memref<1x50x64xf32, #tpu.memory_space<hbm>>
    %dma_wait3A_699 = tpu.memref_squeeze %dma_wait3A_698 : memref<1x50x64xf32, #tpu.memory_space<hbm>> -> memref<50x64xf32, #tpu.memory_space<hbm>>
    %dma_wait3A_700 = arith.constant 0 : i32
    %dma_wait3A_701 = arith.constant 0 : i32
    %dma_wait3A_702 = tpu.memref_slice %arg4[%add3A_678, %dma_wait3A_700, %dma_wait3A_701] : memref<4096x56x128xf32, #tpu.memory_space<hbm>> -> memref<1x50x64xf32, #tpu.memory_space<hbm>>
    %dma_wait3A_703 = tpu.memref_squeeze %dma_wait3A_702 : memref<1x50x64xf32, #tpu.memory_space<hbm>> -> memref<50x64xf32, #tpu.memory_space<hbm>>
    %dma_wait3A_704 = arith.constant 0 : i32
    %dma_wait3A_705 = arith.constant 0 : i32
    %dma_wait3A_706 = tpu.memref_slice %arg6[%dma_wait3A_691, %dma_wait3A_704, %dma_wait3A_705] : memref<8x200x64xf32, #tpu.memory_space<vmem>> -> memref<1x50x64xf32, #tpu.memory_space<vmem>>
    %dma_wait3A_707 = tpu.memref_squeeze %dma_wait3A_706 : memref<1x50x64xf32, #tpu.memory_space<vmem>> -> memref<50x64xf32, #tpu.memory_space<vmem>>
    tpu.wait_dma2 semaphore(%arg22 : memref<!tpu.dma_semaphore, #tpu.memory_space<semaphore_mem>>) src(%dma_wait3A_707 : memref<50x64xf32, #tpu.memory_space<vmem>>) dst(%dma_wait3A_703 : memref<50x64xf32, #tpu.memory_space<hbm>>)
    %dma_wait3A_708 = arith.constant 7 : i32
    %dma_wait3A_709 = arith.constant 50 : i32
    %dma_wait3A_710 = arith.constant 0 : i32
    %dma_wait3A_711 = tpu.memref_slice %arg6[%dma_wait3A_708, %dma_wait3A_709, %dma_wait3A_710] : memref<8x200x64xf32, #tpu.memory_space<vmem>> -> memref<1x50x64xf32, #tpu.memory_space<vmem>>
    %dma_wait3A_712 = tpu.memref_squeeze %dma_wait3A_711 : memref<1x50x64xf32, #tpu.memory_space<vmem>> -> memref<50x64xf32, #tpu.memory_space<vmem>>
    %dma_wait3A_713 = arith.constant 0 : i32
    %dma_wait3A_714 = arith.constant 0 : i32
    %dma_wait3A_715 = tpu.memref_slice %arg4[%add3A_682, %dma_wait3A_713, %dma_wait3A_714] : memref<4096x56x128xf32, #tpu.memory_space<hbm>> -> memref<1x50x64xf32, #tpu.memory_space<hbm>>
    %dma_wait3A_716 = tpu.memref_squeeze %dma_wait3A_715 : memref<1x50x64xf32, #tpu.memory_space<hbm>> -> memref<50x64xf32, #tpu.memory_space<hbm>>
    %dma_wait3A_717 = arith.constant 0 : i32
    %dma_wait3A_718 = arith.constant 0 : i32
    %dma_wait3A_719 = tpu.memref_slice %arg4[%add3A_682, %dma_wait3A_717, %dma_wait3A_718] : memref<4096x56x128xf32, #tpu.memory_space<hbm>> -> memref<1x50x64xf32, #tpu.memory_space<hbm>>
    %dma_wait3A_720 = tpu.memref_squeeze %dma_wait3A_719 : memref<1x50x64xf32, #tpu.memory_space<hbm>> -> memref<50x64xf32, #tpu.memory_space<hbm>>
    %dma_wait3A_721 = arith.constant 50 : i32
    %dma_wait3A_722 = arith.constant 0 : i32
    %dma_wait3A_723 = tpu.memref_slice %arg6[%dma_wait3A_708, %dma_wait3A_721, %dma_wait3A_722] : memref<8x200x64xf32, #tpu.memory_space<vmem>> -> memref<1x50x64xf32, #tpu.memory_space<vmem>>
    %dma_wait3A_724 = tpu.memref_squeeze %dma_wait3A_723 : memref<1x50x64xf32, #tpu.memory_space<vmem>> -> memref<50x64xf32, #tpu.memory_space<vmem>>
    tpu.wait_dma2 semaphore(%arg22 : memref<!tpu.dma_semaphore, #tpu.memory_space<semaphore_mem>>) src(%dma_wait3A_724 : memref<50x64xf32, #tpu.memory_space<vmem>>) dst(%dma_wait3A_720 : memref<50x64xf32, #tpu.memory_space<hbm>>)
    %dma_wait3A_725 = arith.constant 7 : i32
    %dma_wait3A_726 = arith.constant 100 : i32
    %dma_wait3A_727 = arith.constant 0 : i32
    %dma_wait3A_728 = tpu.memref_slice %arg6[%dma_wait3A_725, %dma_wait3A_726, %dma_wait3A_727] : memref<8x200x64xf32, #tpu.memory_space<vmem>> -> memref<1x50x64xf32, #tpu.memory_space<vmem>>
    %dma_wait3A_729 = tpu.memref_squeeze %dma_wait3A_728 : memref<1x50x64xf32, #tpu.memory_space<vmem>> -> memref<50x64xf32, #tpu.memory_space<vmem>>
    %dma_wait3A_730 = arith.constant 0 : i32
    %dma_wait3A_731 = arith.constant 0 : i32
    %dma_wait3A_732 = tpu.memref_slice %arg4[%add3A_686, %dma_wait3A_730, %dma_wait3A_731] : memref<4096x56x128xf32, #tpu.memory_space<hbm>> -> memref<1x50x64xf32, #tpu.memory_space<hbm>>
    %dma_wait3A_733 = tpu.memref_squeeze %dma_wait3A_732 : memref<1x50x64xf32, #tpu.memory_space<hbm>> -> memref<50x64xf32, #tpu.memory_space<hbm>>
    %dma_wait3A_734 = arith.constant 0 : i32
    %dma_wait3A_735 = arith.constant 0 : i32
    %dma_wait3A_736 = tpu.memref_slice %arg4[%add3A_686, %dma_wait3A_734, %dma_wait3A_735] : memref<4096x56x128xf32, #tpu.memory_space<hbm>> -> memref<1x50x64xf32, #tpu.memory_space<hbm>>
    %dma_wait3A_737 = tpu.memref_squeeze %dma_wait3A_736 : memref<1x50x64xf32, #tpu.memory_space<hbm>> -> memref<50x64xf32, #tpu.memory_space<hbm>>
    %dma_wait3A_738 = arith.constant 100 : i32
    %dma_wait3A_739 = arith.constant 0 : i32
    %dma_wait3A_740 = tpu.memref_slice %arg6[%dma_wait3A_725, %dma_wait3A_738, %dma_wait3A_739] : memref<8x200x64xf32, #tpu.memory_space<vmem>> -> memref<1x50x64xf32, #tpu.memory_space<vmem>>
    %dma_wait3A_741 = tpu.memref_squeeze %dma_wait3A_740 : memref<1x50x64xf32, #tpu.memory_space<vmem>> -> memref<50x64xf32, #tpu.memory_space<vmem>>
    tpu.wait_dma2 semaphore(%arg22 : memref<!tpu.dma_semaphore, #tpu.memory_space<semaphore_mem>>) src(%dma_wait3A_741 : memref<50x64xf32, #tpu.memory_space<vmem>>) dst(%dma_wait3A_737 : memref<50x64xf32, #tpu.memory_space<hbm>>)
    %dma_wait3A_742 = arith.constant 7 : i32
    %dma_wait3A_743 = arith.constant 150 : i32
    %dma_wait3A_744 = arith.constant 0 : i32
    %dma_wait3A_745 = tpu.memref_slice %arg6[%dma_wait3A_742, %dma_wait3A_743, %dma_wait3A_744] : memref<8x200x64xf32, #tpu.memory_space<vmem>> -> memref<1x50x64xf32, #tpu.memory_space<vmem>>
    %dma_wait3A_746 = tpu.memref_squeeze %dma_wait3A_745 : memref<1x50x64xf32, #tpu.memory_space<vmem>> -> memref<50x64xf32, #tpu.memory_space<vmem>>
    %dma_wait3A_747 = arith.constant 0 : i32
    %dma_wait3A_748 = arith.constant 0 : i32
    %dma_wait3A_749 = tpu.memref_slice %arg4[%add3A_690, %dma_wait3A_747, %dma_wait3A_748] : memref<4096x56x128xf32, #tpu.memory_space<hbm>> -> memref<1x50x64xf32, #tpu.memory_space<hbm>>
    %dma_wait3A_750 = tpu.memref_squeeze %dma_wait3A_749 : memref<1x50x64xf32, #tpu.memory_space<hbm>> -> memref<50x64xf32, #tpu.memory_space<hbm>>
    %dma_wait3A_751 = arith.constant 0 : i32
    %dma_wait3A_752 = arith.constant 0 : i32
    %dma_wait3A_753 = tpu.memref_slice %arg4[%add3A_690, %dma_wait3A_751, %dma_wait3A_752] : memref<4096x56x128xf32, #tpu.memory_space<hbm>> -> memref<1x50x64xf32, #tpu.memory_space<hbm>>
    %dma_wait3A_754 = tpu.memref_squeeze %dma_wait3A_753 : memref<1x50x64xf32, #tpu.memory_space<hbm>> -> memref<50x64xf32, #tpu.memory_space<hbm>>
    %dma_wait3A_755 = arith.constant 150 : i32
    %dma_wait3A_756 = arith.constant 0 : i32
    %dma_wait3A_757 = tpu.memref_slice %arg6[%dma_wait3A_742, %dma_wait3A_755, %dma_wait3A_756] : memref<8x200x64xf32, #tpu.memory_space<vmem>> -> memref<1x50x64xf32, #tpu.memory_space<vmem>>
    %dma_wait3A_758 = tpu.memref_squeeze %dma_wait3A_757 : memref<1x50x64xf32, #tpu.memory_space<vmem>> -> memref<50x64xf32, #tpu.memory_space<vmem>>
    tpu.wait_dma2 semaphore(%arg22 : memref<!tpu.dma_semaphore, #tpu.memory_space<semaphore_mem>>) src(%dma_wait3A_758 : memref<50x64xf32, #tpu.memory_space<vmem>>) dst(%dma_wait3A_754 : memref<50x64xf32, #tpu.memory_space<hbm>>)
    return
  }
}

</mosaic_0001>

<sc_bundles>
// kernel: kernel.3.cloned.1.call-start
scs
__scs_entry_jumppad:
0x0: {  	(pc) =	sbr.rel $0x88, $3  }
0x1: {  	(tag) =	ssettag $0x0;
	lr =	simm.s32 $0x1  }
0x2: {  	[smem:$0x3F9F] =	sst lr;
	_ =	strace $0xD0000000  }
0x3: {  	_ = 	snop  }
0x4: {  	_ = 	snop  }
0x5: {  	_ = 	snop  }
0x6: {  	_ = 	snop  }
0x7: {  	_ = 	snop  }
__scs_overlays_trampoline_lowered:
0x8: {  	[smem:$0x3FAE] =	sst s0  }
0x9: {  	[smem:$0x3FAF] =	sst s1  }
0xa: {  	[smem:$0x3FB0] =	sst s2  }
0xb: {  	[smem:$0x3FB1] =	sst s3  }
0xc: {  	[smem:$0x3FB2] =	sst s4  }
0xd: {  	[smem:$0x3FB3] =	sst s5  }
0xe: {  	[smem:$0x3FB4] =	sst s6  }
0xf: {  	[smem:$0x3FB5] =	sst s7  }
0x10: {  	[smem:$0x3FB6] =	sst s8  }
0x11: {  	[smem:$0x3FB7] =	sst s9;
	s0 =	simm.s32 @!p0 $0x0  }
0x12: {  	s1 =	sld [smem:$0x3F9D];
	s0 =	simm.s32 @p0 $0x1  }
0x13: {  	[smem:$0x3FB8] =	sst s0;
	s0 =	simm.s32 @!p1 $0x0  }
0x14: {  	s2 =	sld [smem:$0x3F9C];
	s0 =	simm.s32 @p1 $0x1  }
0x15: {  	[smem:$0x3FB9] =	sst s0;
	s0 =	simm.s32 @!p2 $0x0  }
0x16: {  	s3 =	sld [smem:$0x3FDB];
	s0 =	simm.s32 @p2 $0x1  }
0x17: {  	s4 =	simm.s32 $0x1BF5;
	[smem:$0x3FBB] =	sst s0  }
0x18: {  	s0 =	sld [smem:$0x3F9E];
	_ =	swait.ge [sflag:s4], $0x0  }
0x19: {  	s7 =	sld [smem:$0x3F9F]  }
0x1a: {  	s8 =	sadd.s32 $0xFFFFE003, lr  }
0x1b: {  	s9 =	sadd.s32 $0xFFFFFEF7, lr;
	s5 =	simm.s32 $0xFFFFFFFF;
	p2 =	slt.u32 s8, $0xFFFFF086  }
0x1c: {  	p1 =	slt.u32 s9, $0xF7A;
	s5 =	simm.s32 @!p2 $0x0  }
0x1d: {  	s5 =	simm.s32 @p1 $0x1;
	p0 =	seq.s32 s7, s2  }
0x1e: {  	s7 =	smul.u32 @!p0 $0xF7A, s2;
	p2 =	seq.s32 @!p0 s5, $0x0  }
0x1f: {  	s9 =	smul.u32 $0xF7A, s1;
	s8 =	simm.s32 @!p0 $0x1BF5;
	p2 =	por !p2, p0  }
0x20: {  	[sflag:s8] =	ssyncset.s32 @!p0 $0xFFFFF086;
	s6 =	sadd.s32 @!p0 s3, s7;
	s7 =	simm.s32 @!p0 $0x108  }
0x21: {  	s3 =	sadd.s32 s3, s9;
	s6 =	sadd.s32 @!p0 $0x88, s6;
	s7 =	simm.s32 @p2 $0x1082  }
0x22: {  	[simem:s7], [sflag:s8] =	dma.local @!p0 [hbm:s6], $0xF7A  }
0x23: {  	s9 =	sor.u32 $0xD0000000, s2;
	s6 =	simm.s32 $0x108;
	_ =	swait.ge @!p0 [sflag:s8], $0x0  }
0x24: {  	s3 =	sadd.s32 $0x88, s3;
	s6 =	simm.s32 @!p1 $0x1082;
	[sflag:s4] =	ssyncset.s32 $0xFFFFF086  }
0x25: {  	[simem:s6], [sflag:s4] =	dma.local [hbm:s3], $0xF7A  }
0x26: {  	[smem:$0x3F9F] =	sst s1;
	(tag) =	ssettag s2;
	_ =	strace s9  }
0x27: {  	s1 =	sld [smem:$0x3FAF]  }
0x28: {  	s2 =	sld [smem:$0x3FB0]  }
0x29: {  	s4 =	sld [smem:$0x3FB2]  }
0x2a: {  	p0 =	seq.s32 s5, $0x0;
	s5 =	sld [smem:$0x3FB3]  }
0x2b: {  	s6 =	sld [smem:$0x3FB4]  }
0x2c: {  	s7 =	sld [smem:$0x3FB5]  }
0x2d: {  	s3 =	simm.s32 $0x108;
	s8 =	sld [smem:$0x3FB6]  }
0x2e: {  	s3 =	simm.s32 @!p0 $0x1082;
	s9 =	sld [smem:$0x3FB7]  }
0x2f: {  	lr =	sadd.s32 s0, s3;
	s0 =	sld [smem:$0x3FAE]  }
0x30: {  	s3 =	sld [smem:$0x3FB1]  }
0x31: {  	[smem:$0x3FBA] =	sst s10  }
0x32: {  	s10 =	sld [smem:$0x3FB8];
	_ =	sdelay $0x3  }
0x33: {  	p0 =	seq.s32 s10, $0x1;
	s10 =	sld [smem:$0x3FBA];
	_ =	sdelay $0x3  }
0x34: {  	[smem:$0x3FBA] =	sst s10  }
0x35: {  	s10 =	sld [smem:$0x3FB9];
	_ =	sdelay $0x3  }
0x36: {  	p1 =	seq.s32 s10, $0x1;
	s10 =	sld [smem:$0x3FBA];
	_ =	sdelay $0x3  }
0x37: {  	[smem:$0x3FBA] =	sst s10  }
0x38: {  	s10 =	sld [smem:$0x3FBB]  }
0x39: {  	_ = 	snop;
	(pc) =	sbr.ind lr, $3  }
0x3a: {  	_ = 	snop  }
0x3b: {  	_ = 	snop  }
0x3c: {  	p2 =	seq.s32 s10, $0x1;
	s10 =	sld [smem:$0x3FBA]  }
0x3d: {  	_ =	shalt  }
0x3e: {  	_ =	shalt  }
0x3f: {  	_ =	shalt  }
0x40: {  	_ =	shalt  }
0x41: {  	_ =	shalt  }
0x42: {  	_ =	shalt  }
0x43: {  	_ =	shalt  }
0x44: {  	_ =	shalt  }
0x45: {  	_ =	shalt  }
0x46: {  	_ =	shalt  }
0x47: {  	_ =	shalt  }
0x48: {  	_ =	shalt  }
0x49: {  	_ =	shalt  }
0x4a: {  	_ =	shalt  }
0x4b: {  	_ =	shalt  }
0x4c: {  	_ =	shalt  }
0x4d: {  	_ =	shalt  }
0x4e: {  	_ =	shalt  }
0x4f: {  	_ =	shalt  }
0x50: {  	_ =	shalt  }
0x51: {  	_ =	shalt  }
0x52: {  	_ =	shalt  }
0x53: {  	_ =	shalt  }
0x54: {  	_ =	shalt  }
0x55: {  	_ =	shalt  }
0x56: {  	_ =	shalt  }
0x57: {  	_ =	shalt  }
0x58: {  	_ =	shalt  }
0x59: {  	_ =	shalt  }
0x5a: {  	_ =	shalt  }
0x5b: {  	_ =	shalt  }
0x5c: {  	_ =	shalt  }
0x5d: {  	_ =	shalt  }
0x5e: {  	_ =	shalt  }
0x5f: {  	_ =	shalt  }
0x60: {  	_ =	shalt  }
0x61: {  	_ =	shalt  }
0x62: {  	_ =	shalt  }
0x63: {  	_ =	shalt  }
0x64: {  	_ =	shalt  }
0x65: {  	_ =	shalt  }
0x66: {  	_ =	shalt  }
0x67: {  	_ =	shalt  }
0x68: {  	_ =	shalt  }
0x69: {  	_ =	shalt  }
0x6a: {  	_ =	shalt  }
0x6b: {  	_ =	shalt  }
0x6c: {  	_ =	shalt  }
0x6d: {  	_ =	shalt  }
0x6e: {  	_ =	shalt  }
0x6f: {  	_ =	shalt  }
0x70: {  	_ =	shalt  }
0x71: {  	_ =	shalt  }
0x72: {  	_ =	shalt  }
0x73: {  	_ =	shalt  }
0x74: {  	_ =	shalt  }
0x75: {  	_ =	shalt  }
0x76: {  	_ =	shalt  }
0x77: {  	_ =	shalt  }
0x78: {  	_ =	shalt  }
0x79: {  	_ =	shalt  }
0x7a: {  	_ =	shalt  }
0x7b: {  	_ =	shalt  }
0x7c: {  	_ =	shalt  }
0x7d: {  	_ =	shalt  }
0x7e: {  	_ =	shalt  }
0x7f: {  	_ =	shalt  }
0x80: {  	_ =	shalt  }
0x81: {  	_ =	shalt  }
0x82: {  	_ =	shalt  }
0x83: {  	_ =	shalt  }
0x84: {  	_ =	shalt  }
0x85: {  	_ =	shalt  }
0x86: {  	_ =	shalt  }
0x87: {  	_ =	shalt  }
.Lfunc_end0:
.L_simem_size_0:
called_computation.1_lowered:
.L_overlay_start_0:
0x88: {  	s2 =	sld [smem:$0x3FD9]  }
0x89: {  	s3 =	sld [smem:$0x3FFE];
	_ =	sdelay $0x1  }
0x8a: {  	s1 =	srdreg.scid  }
0x8b: {  	s0 =	sand.u32 $0x1, s1  }
0x8c: {  	s16 =	sshll.u32 s0, $0xA;
	s2 =	sadd.s32 s3, s2  }
0x8d: {  	s2 =	sadd.s32 s2, s16  }
0x8e: {  	[smem:$0x3FC6] =	sst s2  }
0x8f: {  	_ = 	snop  }
0x90: {  	(tm) =	ssettm $0x1  }
0x91: {  	s17 =	sld [smem:$0x3FFB];
	_ =	sdelay $0x3  }
0x92: {  	_ =	strace s17  }
0x93: {  	s2 =	sld [smem:$0x3FFC];
	_ =	sdelay $0x3  }
0x94: {  	_ =	strace s2  }
0x95: {  	s2 =	sld [smem:$0x3FFD];
	_ =	sdelay $0x3  }
0x96: {  	_ =	strace s2  }
0x97: {  	_ =	strace $0x8FFFFFFF  }
0x98: {  	s18 =	sld [smem:$0x3FDB];
	_ =	sdelay $0x1  }
0x99: {  	s19 =	simm.s32 $_scs_section_size  }
0x9a: {  	s4 =	simm.s32 $_size__tile_overlayer_lowered;
	s5 =	simm.s32 $_tile_overlayer_lowered  }
0x9b: {  	s22 =	simm.s32 $0x1BFF;
	s21 =	sshll.u32 s5, $0x1;
	s2 =	sadd.s32 s19, s18  }
0x9c: {  	s6 =	simm.s32 $0x0;
	s20 =	sshll.u32 s4, $0x1;
	s4 =	sadd.s32 s21, s2  }
0x9d: {  	[timem:s6], [sflag:s22] =	dma.local [hbm:s4], s20  }
0x9e: {  	_ =	swait.ge [sflag:s22], s20  }
0x9f: {  	s3 =	ssub.s32 $0x0, s20;
	[sflag:s22] =	ssyncset.done $0x0  }
0xa0: {  	[sflag:s22] =	ssyncadd.s32 s3;
	_ =	sdelay $0x1  }
0xa1: {  	s23 =	simm.s32 $0x1B8B  }
0xa2: {  	_ =	swait.ge [sflag:s23], $0x1  }
0xa3: {  	[sflag:s23] =	ssyncset.done $0x0  }
0xa4: {  	s25 =	simm.s32 $0x1B8E;
	s24 =	sld [smem:$0x3FFE];
	[sflag:s23] =	ssyncadd.s32 $0xFFFFFFFF  }
0xa5: {  	s26 =	simm.s32 $execute0_lowered;
	[smem:$0x3FD2] =	sst s25  }
0xa6: {  	s4 =	sshll.u32 s26, $0x1;
	_ =	strace $0x80000046;
	[dreg:$0x1] =	wrdreg $0xFFFFFFFF  }
0xa7: {  	s28 =	simm.s32 $_size_execute0_lowered;
	s2 =	sadd.s32 s2, s4;
	[dreg:$0x0] =	wrdreg $0x0  }
0xa8: {  	s4 =	sshll.u32 s28, $0x1;
	[dreg:$0x2] =	wrdreg s2  }
0xa9: {  	[dreg:$0x3] =	wrdreg s4  }
0xaa: {  	[dreg:$0x4] =	wrdreg $0xC0  }
0xab: {  	_ =	task [dreg:s6], $0x5FFFF  }
0xac: {  	[dreg:$0x1] =	wrdreg $0xFFFFFFFF  }
0xad: {  	[dreg:$0x0] =	wrdreg $0x60  }
0xae: {  	[dreg:$0x2] =	wrdreg s24  }
0xaf: {  	[dreg:$0x3] =	wrdreg $0x9  }
0xb0: {  	_ =	task.clear_ibuf [dreg:s6], $0x4FFFF;
	_ =	strace $0x90000046  }
0xb1: {  	s29 =	simm.s32 $0x9;
	_ =	strace $0x80000048  }
0xb2: {  	_ =	swait.ge [sflag:s29], $0x1  }
0xb3: {  	[sflag:s29] =	ssyncadd.s32 $0xFFFFFFFF  }
0xb4: {  	_ =	strace $0x90000048  }
0xb5: {  	_ =	sfence  }
0xb6: {  	s30 =	sld [smem:$0x0];
	_ =	sdelay $0x2  }
0xb7: {  	s31 =	sshll.u32 s1, $0xD;
	s1 =	sshrl.u32 s1, $0x2  }
0xb8: {  	s3 =	sand.u32 $0x4000, s31;
	s1 =	sadd.s32 s1, s30  }
0xb9: {  	s0 =	sor.u32 s3, s0;
	s1 =	sshll.u32 s1, $0x11  }
0xba: {  	s0 =	sor.u32 s1, s0  }
0xbb: {  	s0 =	sadd.s32 $0x8F2B, s0  }
0xbc: {  	[sflag:s0] =	ssyncadd.remote.s32 $0x1  }
0xbd: {  	_ =	sfence.sel $0xFFFF  }
0xbe: {  	[dreg:$0x0] =	wrdreg $0xFFFFFFFF;
	(pc) =	sbr.abs _section_cstart, $3  }
0xbf: {  	[dreg:$0x1] =	wrdreg $0xFFFFFFFF  }
0xc0: {  	_ =	task.clear_ibuf [dreg:s6], $0x2FFFF;
	_ =	strace $0x9FFFFFFF  }
0xc1: {  	(tm) =	ssettm $0x7FFFFFFF  }
tec
execute0_lowered:
.L_overlay_start_1:
0x0: {  	(tag) =	ssettag $0x1  }
0x1: {  	s0 =	srdreg.scid  }
0x2: {  	s8 =	stileid.u32;
	s2 =	rddreg [dreg:$0x0];
	s3 =	simm.s32 $0x0  }
0x3: {  	s28 =	simm.s32 $0x14500;
	s29 =	simm.s32 $0x2;
	s31 =	simm.s32 $0x4  }
0x4: {  	s30 =	simm.s32 $0x7;
	s0 =	sand.u32 $0x1, s0;
	s4 =	smul.u32 $0x1C0000, s8  }
0x5: {  	s1 =	sshll.u32 s8, $0x1;
	[smem:$0x7FF] =	sst s3;
	s25 =	smul.u32 $0x38000, s8  }
0x6: {  	s3 =	sadd.s32 $0x6C00, s2;
	s1 =	sor.u32 s0, s1;
	s5 =	smul.u32 $0xE0000, s0  }
0x7: {  	_ =	strace $0x80000047;
	s6 =	ssub.s32 $0x2, s0;
	s1 =	smul.u32 $0x320, s1  }
0x8: {  	s0 =	smul.u32 $0x1C000, s0;
	s7 =	sshrl.u32 s6, $0x1;
	s4 =	sadd.s32 s5, s4  }
0x9: {  	s23 =	ssub.s32 s6, s7;
	s1 =	sadd.s32 s1, s2;
	s2 =	sadd.s32 $0xCA200, s2  }
0xa: {  	s24 =	sadd.s32 $0x2D800, s4;
	s5 =	smax.u32 s23, $0x1;
	s7 =	sadd.s32 $0x28400, s4  }
0xb: {  	s8 =	sadd.s32 $0x26800, s4;
	s9 =	sadd.s32 $0x24C00, s4;
	s12 =	sadd.s32 $0x21400, s4  }
0xc: {  	s13 =	sor.u32 $0x1A400, s4;
	s14 =	sor.u32 $0x18800, s4;
	s16 =	sor.u32 $0x16C00, s4  }
0xd: {  	s17 =	sor.u32 $0x13400, s4;
	s18 =	sor.u32 $0x11800, s4;
	s20 =	sor.u32 $0xC400, s4  }
0xe: {  	s21 =	sor.u32 $0xA800, s4;
	s22 =	sor.u32 $0x8C00, s4;
	s1 =	sadd.s32 $0x800, s1  }
0xf: {  	s26 =	sshrl.u32 s24, $0x3;
	[dreg:$0x3] =	wrdreg s5;
	s6 =	sadd.s32 s25, s2  }
0x10: {  	s11 =	sshrl.u32 s9, $0x3;
	s15 =	sshrl.u32 s14, $0x3;
	s19 =	sshrl.u32 s18, $0x3  }
0x11: {  	s23 =	sshrl.u32 s22, $0x3;
	s24 =	sadd.s32 $0x36400, s4;
	s25 =	sadd.s32 $0x34800, s4  }
0x12: {  	s4 =	sadd.s32 $0x32C00, s4;
	[dreg:$0x2] =	wrdreg s1;
	s1 =	sadd.s32 s26, s2  }
0x13: {  	s5 =	simm.s32 $0x80;
	s0 =	sadd.s32 s0, s6;
	[dreg:$0x4] =	wrdreg s1  }
0x14: {  	s26 =	sshrl.u32 s4, $0x3;
	s4 =	simm.s32 $0x40;
	[dreg:$0x5] =	wrdreg s0  }
0x15: {  	s0 =	sshrl.u32 s7, $0x3;
	s1 =	sshrl.u32 s8, $0x3;
	s22 =	sadd.s32 s26, s2  }
0x16: {  	s26 =	simm.s32 $0x3;
	s8 =	simm.s32 $0x0;
	s0 =	sadd.s32 s0, s2  }
0x17: {  	s10 =	sadd.s32 s1, s2;
	s1 =	sshrl.u32 s13, $0x3;
	[dreg:$0x6] =	wrdreg s0  }
0x18: {  	s13 =	sadd.s32 s15, s2;
	[dreg:$0x7] =	wrdreg s10;
	s0 =	sadd.s32 s11, s2  }
0x19: {  	[dreg:$0x8] =	wrdreg s0;
	s0 =	sshrl.u32 s12, $0x3;
	s12 =	sadd.s32 s1, s2  }
0x1a: {  	s1 =	sshrl.u32 s17, $0x3;
	s11 =	sadd.s32 s0, s2;
	s0 =	sshrl.u32 s16, $0x3  }
0x1b: {  	s15 =	sadd.s32 s1, s2;
	s16 =	sadd.s32 s19, s2;
	s1 =	sshrl.u32 s21, $0x3  }
.Ltmp0:
0x1c: {  	s19 =	sadd.s32 s23, s2;
	s23 =	simm.s32 $0x5;
	(pc) =	sbr.rel .LBB2_1-.Ltmp0, $4  }
0x1d: {  	s14 =	sadd.s32 s0, s2;
	s0 =	sshrl.u32 s20, $0x3;
	s18 =	sadd.s32 s1, s2  }
0x1e: {  	s1 =	sshrl.u32 s25, $0x3;
	s25 =	simm.s32 $0xF;
	s17 =	sadd.s32 s0, s2  }
0x1f: {  	s0 =	sshrl.u32 s24, $0x3;
	s21 =	sadd.s32 s1, s2;
	s1 =	simm.s32 $0x6  }
0x20: {  	s20 =	sadd.s32 s0, s2;
	s2 =	simm.s32 $0x1;
	s0 =	simm.s32 $0x8  }
.LBB2_4:
0x21: {  	s6 =	simm.s32 $0x9  }
0x22: {  	_ =	swait.ge [sflag:s6], $0xC80  }
0x23: {  	[sflag:s6] =	ssyncset.done $0x0  }
0x24: {  	[sflag:s6] =	ssyncadd.s32 $0xFFFFF380  }
0x25: {  	_ =	swait.ge [sflag:s6], $0xC80  }
0x26: {  	[sflag:s6] =	ssyncset.done $0x0  }
0x27: {  	[sflag:s6] =	ssyncadd.s32 $0xFFFFF380  }
0x28: {  	_ =	swait.ge [sflag:s6], $0xC80  }
0x29: {  	[sflag:s6] =	ssyncset.done $0x0  }
0x2a: {  	[sflag:s6] =	ssyncadd.s32 $0xFFFFF380  }
0x2b: {  	_ =	swait.ge [sflag:s6], $0xC80  }
0x2c: {  	[sflag:s6] =	ssyncset.done $0x0  }
0x2d: {  	s24 =	simm.s32 $0xA;
	[sflag:s6] =	ssyncadd.s32 $0xFFFFF380  }
0x2e: {  	_ =	swait.ge [sflag:s24], $0xC80  }
0x2f: {  	[sflag:s24] =	ssyncset.done $0x0  }
0x30: {  	[sflag:s24] =	ssyncadd.s32 $0xFFFFF380  }
0x31: {  	_ =	swait.ge [sflag:s24], $0xC80  }
0x32: {  	[sflag:s24] =	ssyncset.done $0x0  }
0x33: {  	[sflag:s24] =	ssyncadd.s32 $0xFFFFF380  }
0x34: {  	_ =	swait.ge [sflag:s24], $0xC80  }
0x35: {  	[sflag:s24] =	ssyncset.done $0x0  }
0x36: {  	[sflag:s24] =	ssyncadd.s32 $0xFFFFF380  }
0x37: {  	_ =	swait.ge [sflag:s24], $0xC80  }
0x38: {  	[sflag:s24] =	ssyncset.done $0x0  }
0x39: {  	s7 =	simm.s32 $0xB;
	[sflag:s24] =	ssyncadd.s32 $0xFFFFF380  }
0x3a: {  	_ =	swait.ge [sflag:s7], $0xC80  }
0x3b: {  	[sflag:s7] =	ssyncset.done $0x0  }
0x3c: {  	[sflag:s7] =	ssyncadd.s32 $0xFFFFF380  }
0x3d: {  	_ =	swait.ge [sflag:s7], $0xC80  }
0x3e: {  	[sflag:s7] =	ssyncset.done $0x0  }
0x3f: {  	[sflag:s7] =	ssyncadd.s32 $0xFFFFF380  }
0x40: {  	_ =	swait.ge [sflag:s7], $0xC80  }
0x41: {  	[sflag:s7] =	ssyncset.done $0x0  }
0x42: {  	[sflag:s7] =	ssyncadd.s32 $0xFFFFF380  }
0x43: {  	_ =	swait.ge [sflag:s7], $0xC80  }
0x44: {  	[sflag:s7] =	ssyncset.done $0x0  }
0x45: {  	s8 =	simm.s32 $0xC;
	[sflag:s7] =	ssyncadd.s32 $0xFFFFF380  }
0x46: {  	_ =	swait.ge [sflag:s8], $0xC80  }
0x47: {  	[sflag:s8] =	ssyncset.done $0x0  }
0x48: {  	[sflag:s8] =	ssyncadd.s32 $0xFFFFF380  }
0x49: {  	_ =	swait.ge [sflag:s8], $0xC80  }
0x4a: {  	[sflag:s8] =	ssyncset.done $0x0  }
0x4b: {  	[sflag:s8] =	ssyncadd.s32 $0xFFFFF380  }
0x4c: {  	_ =	swait.ge [sflag:s8], $0xC80  }
0x4d: {  	[sflag:s8] =	ssyncset.done $0x0  }
0x4e: {  	[sflag:s8] =	ssyncadd.s32 $0xFFFFF380  }
0x4f: {  	_ =	swait.ge [sflag:s8], $0xC80  }
0x50: {  	[sflag:s8] =	ssyncset.done $0x0  }
0x51: {  	s9 =	simm.s32 $0xD;
	[sflag:s8] =	ssyncadd.s32 $0xFFFFF380  }
0x52: {  	_ =	swait.ge [sflag:s9], $0xC80  }
0x53: {  	[sflag:s9] =	ssyncset.done $0x0  }
0x54: {  	[sflag:s9] =	ssyncadd.s32 $0xFFFFF380  }
0x55: {  	_ =	swait.ge [sflag:s9], $0xC80  }
0x56: {  	[sflag:s9] =	ssyncset.done $0x0  }
0x57: {  	[sflag:s9] =	ssyncadd.s32 $0xFFFFF380  }
0x58: {  	_ =	swait.ge [sflag:s9], $0xC80  }
0x59: {  	[sflag:s9] =	ssyncset.done $0x0  }
0x5a: {  	[sflag:s9] =	ssyncadd.s32 $0xFFFFF380  }
0x5b: {  	_ =	swait.ge [sflag:s9], $0xC80  }
0x5c: {  	[sflag:s9] =	ssyncset.done $0x0  }
0x5d: {  	s10 =	simm.s32 $0xE;
	[sflag:s9] =	ssyncadd.s32 $0xFFFFF380  }
0x5e: {  	_ =	swait.ge [sflag:s10], $0xC80  }
0x5f: {  	[sflag:s10] =	ssyncset.done $0x0  }
0x60: {  	[sflag:s10] =	ssyncadd.s32 $0xFFFFF380  }
0x61: {  	_ =	swait.ge [sflag:s10], $0xC80  }
0x62: {  	[sflag:s10] =	ssyncset.done $0x0  }
0x63: {  	[sflag:s10] =	ssyncadd.s32 $0xFFFFF380  }
0x64: {  	_ =	swait.ge [sflag:s10], $0xC80  }
0x65: {  	[sflag:s10] =	ssyncset.done $0x0  }
0x66: {  	[sflag:s10] =	ssyncadd.s32 $0xFFFFF380  }
0x67: {  	_ =	swait.ge [sflag:s10], $0xC80  }
0x68: {  	[sflag:s10] =	ssyncset.done $0x0  }
0x69: {  	[sflag:s10] =	ssyncadd.s32 $0xFFFFF380  }
0x6a: {  	_ =	swait.ge [sflag:s25], $0xC80  }
0x6b: {  	[sflag:s25] =	ssyncset.done $0x0  }
0x6c: {  	[sflag:s25] =	ssyncadd.s32 $0xFFFFF380  }
0x6d: {  	_ =	swait.ge [sflag:s25], $0xC80  }
0x6e: {  	[sflag:s25] =	ssyncset.done $0x0  }
0x6f: {  	[sflag:s25] =	ssyncadd.s32 $0xFFFFF380  }
0x70: {  	_ =	swait.ge [sflag:s25], $0xC80  }
0x71: {  	[sflag:s25] =	ssyncset.done $0x0  }
0x72: {  	[sflag:s25] =	ssyncadd.s32 $0xFFFFF380  }
0x73: {  	_ =	swait.ge [sflag:s25], $0xC80  }
0x74: {  	[sflag:s25] =	ssyncset.done $0x0  }
0x75: {  	s7 =	simm.s32 $0x10;
	[sflag:s25] =	ssyncadd.s32 $0xFFFFF380  }
0x76: {  	_ =	swait.ge [sflag:s7], $0xC80  }
0x77: {  	[sflag:s7] =	ssyncset.done $0x0  }
0x78: {  	[sflag:s7] =	ssyncadd.s32 $0xFFFFF380  }
0x79: {  	_ =	swait.ge [sflag:s7], $0xC80  }
0x7a: {  	[sflag:s7] =	ssyncset.done $0x0  }
0x7b: {  	[sflag:s7] =	ssyncadd.s32 $0xFFFFF380  }
0x7c: {  	_ =	swait.ge [sflag:s7], $0xC80  }
0x7d: {  	[sflag:s7] =	ssyncset.done $0x0  }
0x7e: {  	[sflag:s7] =	ssyncadd.s32 $0xFFFFF380  }
0x7f: {  	_ =	swait.ge [sflag:s7], $0xC80  }
0x80: {  	s8 =	rddreg [dreg:$0x9]  }
0x81: {  	s24 =	rddreg [dreg:$0x3];
	s8 =	sadd.s32 $0x1, s8  }
0x82: {  	p0 =	sne.s32 s8, s24  }
.Ltmp1:
0x83: {  	_ = 	snop;
	(pc) =	sbr.rel @!p0 .LBB2_5-.Ltmp1, $3  }
0x84: {  	_ =	sdelay $0x1  }
0x85: {  	[sflag:s7] =	ssyncset.done $0x0  }
0x86: {  	[sflag:s7] =	ssyncadd.s32 $0xFFFFF380  }
.LBB2_1:
0x87: {  	[dreg:$0x9] =	wrdreg s8  }
0x88: {  	s6 =	simm.s32 $0x0;
	s7 =	rddreg [dreg:$0x2];
	s9 =	simm.s32 $0x11  }
0x89: {  	[tilespmem:s6], [sflag:$0x11] =	stream.linear.gather [hbm4b:s7+s6], $0x1900, $0x38;
	[tilespmem:$0x1A900] =	vst v63  }
0x8a: {  	_ =	swait.ge [sflag:s9], $0x1900  }
0x8b: {  	[sflag:s9] =	ssyncset.done $0x0  }
0x8c: {  	s10 =	simm.s32 $0x1900;
	s7 =	simm.s32 $0xC8;
	[sflag:s9] =	ssyncadd.s32 $0xFFFFE700  }
0x8d: {  	[tilespmem:s10], [sflag:$0x1] =	stream.indirect.gather [hbm4b:s3+s7], $0x40, s6, s7, $0xb8;
	[tilespmem:$0x1A900] =	vst v63  }
0x8e: {  	s24 =	simm.s32 $0x4B00  }
0x8f: {  	[tilespmem:s24], [sflag:$0x2] =	stream.indirect.gather [hbm4b:s3+s7], $0x40, s7, s7, $0xb8;
	[tilespmem:$0x1A900] =	vst v63  }
0x90: {  	s8 =	simm.s32 $0x190;
	s9 =	simm.s32 $0x7D00  }
0x91: {  	[tilespmem:s9], [sflag:$0x3] =	stream.indirect.gather [hbm4b:s3+s7], $0x40, s8, s7, $0xb8;
	[tilespmem:$0x1A900] =	vst v63  }
0x92: {  	s10 =	simm.s32 $0x258;
	s24 =	simm.s32 $0xAF00  }
0x93: {  	[tilespmem:s24], [sflag:$0x4] =	stream.indirect.gather [hbm4b:s3+s7], $0x40, s10, s7, $0xb8;
	[tilespmem:$0x1A900] =	vst v63  }
0x94: {  	s8 =	simm.s32 $0x320;
	s9 =	simm.s32 $0xE100  }
0x95: {  	[tilespmem:s9], [sflag:$0x5] =	stream.indirect.gather [hbm4b:s3+s7], $0x40, s8, s7, $0xb8;
	[tilespmem:$0x1A900] =	vst v63  }
0x96: {  	s10 =	simm.s32 $0x3E8;
	s24 =	simm.s32 $0x11300  }
0x97: {  	[tilespmem:s24], [sflag:$0x6] =	stream.indirect.gather [hbm4b:s3+s7], $0x40, s10, s7, $0xb8;
	[tilespmem:$0x1A900] =	vst v63  }
0x98: {  	s9 =	simm.s32 $0x4B0  }
0x99: {  	[tilespmem:s28], [sflag:$0x7] =	stream.indirect.gather [hbm4b:s3+s7], $0x40, s9, s7, $0xb8;
	[tilespmem:$0x1A900] =	vst v63  }
0x9a: {  	s10 =	simm.s32 $0x578;
	s24 =	simm.s32 $0x17700  }
0x9b: {  	[tilespmem:s24], [sflag:$0x8] =	stream.indirect.gather [hbm4b:s3+s7], $0x40, s10, s7, $0xb8;
	[tilespmem:$0x1A900] =	vst v63  }
0x9c: {  	s6 =	simm.s32 $0x0;
	s24 =	simm.s32 $0xAF0  }
.LBB2_2:
0x9d: {  	_ =	swait.ge [sflag:s2], $0x3200  }
0x9e: {  	[sflag:s2] =	ssyncset.done $0x0;
	s7 =	rddreg [dreg:$0x5]  }
0x9f: {  	s8 =	simm.s32 $0x1900;
	[sflag:s2] =	ssyncadd.s32 $0xFFFFCE00;
	s7 =	sadd.s32 s6, s7  }
0xa0: {  	[hbm4b:s7+s4] =	stream.strided.scatter [tilespmem:s8], [sflag:$0x9], $0xC80, s5, s4, $0x38;
	[tilespmem:$0x1A900] =	vst v63  }
0xa1: {  	s9 =	simm.s32 $0x2580;
	s10 =	sadd.s32 $0x380, s7  }
0xa2: {  	[hbm4b:s10+s4] =	stream.strided.scatter [tilespmem:s9], [sflag:$0x9], $0xC80, s5, s4, $0x38;
	[tilespmem:$0x1A900] =	vst v63  }
0xa3: {  	p0 =	seq.s32 s6, $0x0;
	s9 =	sadd.s32 $0x700, s7;
	s10 =	simm.s32 $0x3200  }
0xa4: {  	[hbm4b:s9+s4] =	stream.strided.scatter [tilespmem:s10], [sflag:$0x9], $0xC80, s5, s4, $0x38;
	[tilespmem:$0x1A900] =	vst v63  }
0xa5: {  	s8 =	simm.s32 @!p0 $0x10;
	s9 =	sadd.s32 $0xA80, s7;
	s10 =	simm.s32 $0x3E80  }
0xa6: {  	[hbm4b:s9+s4] =	stream.strided.scatter [tilespmem:s10], [sflag:$0x9], $0xC80, s5, s4, $0x38;
	[tilespmem:$0x1A900] =	vst v63  }
0xa7: {  	_ =	swait.ge @!p0 [sflag:s8], $0xC80  }
0xa8: {  	[sflag:s8] =	ssyncset.done @!p0 $0x0  }
0xa9: {  	[sflag:s8] =	ssyncadd.s32 @!p0 $0xFFFFF380  }
0xaa: {  	_ =	swait.ge @!p0 [sflag:s8], $0xC80  }
0xab: {  	[sflag:s8] =	ssyncset.done @!p0 $0x0  }
0xac: {  	[sflag:s8] =	ssyncadd.s32 @!p0 $0xFFFFF380  }
0xad: {  	_ =	swait.ge @!p0 [sflag:s8], $0xC80  }
0xae: {  	[sflag:s8] =	ssyncset.done @!p0 $0x0  }
0xaf: {  	[sflag:s8] =	ssyncadd.s32 @!p0 $0xFFFFF380  }
0xb0: {  	_ =	swait.ge @!p0 [sflag:s8], $0xC80  }
0xb1: {  	s9 =	simm.s32 @!p0 $0xC8;
	[sflag:s8] =	ssyncset.done @!p0 $0x0  }
0xb2: {  	s10 =	simm.s32 @!p0 $0x17700;
	[sflag:s8] =	ssyncadd.s32 @!p0 $0xFFFFF380;
	s8 =	sadd.s32 @!p0 $0xFFFFFA88, s24  }
0xb3: {  	[tilespmem:s10], [sflag:$0x8] =	stream.indirect.gather @!p0 [hbm4b:s3+s9], $0x40, s8, s9, $0xb8;
	[tilespmem:$0x1A900] =	vst v63  }
0xb4: {  	_ =	swait.ge [sflag:s29], $0x3200  }
0xb5: {  	[sflag:s29] =	ssyncset.done $0x0  }
0xb6: {  	s9 =	sadd.s32 $0xE00, s7;
	s10 =	simm.s32 $0x4B00;
	[sflag:s29] =	ssyncadd.s32 $0xFFFFCE00  }
0xb7: {  	[hbm4b:s9+s4] =	stream.strided.scatter [tilespmem:s10], [sflag:$0xA], $0xC80, s5, s4, $0x38;
	[tilespmem:$0x1A900] =	vst v63  }
0xb8: {  	s9 =	sadd.s32 s6, s19;
	s10 =	simm.s32 $0x5780  }
0xb9: {  	[hbm4b:s9+s4] =	stream.strided.scatter [tilespmem:s10], [sflag:$0xA], $0xC80, s5, s4, $0x38;
	[tilespmem:$0x1A900] =	vst v63  }
0xba: {  	p0 =	seq.s32 s6, $0x15000;
	s9 =	sadd.s32 s6, s18;
	s10 =	simm.s32 $0x6400  }
0xbb: {  	[hbm4b:s9+s4] =	stream.strided.scatter [tilespmem:s10], [sflag:$0xA], $0xC80, s5, s4, $0x38;
	[tilespmem:$0x1A900] =	vst v63  }
0xbc: {  	s8 =	simm.s32 @!p0 $0x9;
	s9 =	sadd.s32 s6, s17;
	s10 =	simm.s32 $0x7080  }
0xbd: {  	[hbm4b:s9+s4] =	stream.strided.scatter [tilespmem:s10], [sflag:$0xA], $0xC80, s5, s4, $0x38;
	[tilespmem:$0x1A900] =	vst v63  }
0xbe: {  	_ =	swait.ge @!p0 [sflag:s8], $0xC80  }
0xbf: {  	[sflag:s8] =	ssyncset.done @!p0 $0x0  }
0xc0: {  	[sflag:s8] =	ssyncadd.s32 @!p0 $0xFFFFF380  }
0xc1: {  	_ =	swait.ge @!p0 [sflag:s8], $0xC80  }
0xc2: {  	[sflag:s8] =	ssyncset.done @!p0 $0x0  }
0xc3: {  	[sflag:s8] =	ssyncadd.s32 @!p0 $0xFFFFF380  }
0xc4: {  	_ =	swait.ge @!p0 [sflag:s8], $0xC80  }
0xc5: {  	[sflag:s8] =	ssyncset.done @!p0 $0x0  }
0xc6: {  	[sflag:s8] =	ssyncadd.s32 @!p0 $0xFFFFF380  }
0xc7: {  	_ =	swait.ge @!p0 [sflag:s8], $0xC80  }
0xc8: {  	s9 =	sadd.s32 @!p0 $0xFFFFFB50, s24;
	[sflag:s8] =	ssyncset.done @!p0 $0x0  }
0xc9: {  	s10 =	simm.s32 @!p0 $0x1900;
	[sflag:s8] =	ssyncadd.s32 @!p0 $0xFFFFF380;
	s8 =	simm.s32 @!p0 $0xC8  }
0xca: {  	[tilespmem:s10], [sflag:$0x1] =	stream.indirect.gather @!p0 [hbm4b:s3+s8], $0x40, s9, s8, $0xb8;
	[tilespmem:$0x1A900] =	vst v63  }
0xcb: {  	_ =	swait.ge [sflag:s26], $0x3200  }
0xcc: {  	[sflag:s26] =	ssyncset.done $0x0  }
0xcd: {  	s9 =	sadd.s32 $0x1C00, s7;
	s10 =	simm.s32 $0x7D00;
	[sflag:s26] =	ssyncadd.s32 $0xFFFFCE00  }
0xce: {  	[hbm4b:s9+s4] =	stream.strided.scatter [tilespmem:s10], [sflag:$0xB], $0xC80, s5, s4, $0x38;
	[tilespmem:$0x1A900] =	vst v63  }
0xcf: {  	s9 =	sadd.s32 $0x1F80, s7;
	s10 =	simm.s32 $0x8980  }
0xd0: {  	[hbm4b:s9+s4] =	stream.strided.scatter [tilespmem:s10], [sflag:$0xB], $0xC80, s5, s4, $0x38;
	[tilespmem:$0x1A900] =	vst v63  }
0xd1: {  	s9 =	sadd.s32 s6, s16;
	s10 =	simm.s32 $0x9600  }
0xd2: {  	[hbm4b:s9+s4] =	stream.strided.scatter [tilespmem:s10], [sflag:$0xB], $0xC80, s5, s4, $0x38;
	[tilespmem:$0x1A900] =	vst v63  }
0xd3: {  	s9 =	sadd.s32 s6, s15;
	s10 =	simm.s32 $0xA280  }
0xd4: {  	[hbm4b:s9+s4] =	stream.strided.scatter [tilespmem:s10], [sflag:$0xB], $0xC80, s5, s4, $0x38;
	[tilespmem:$0x1A900] =	vst v63  }
0xd5: {  	s9 =	simm.s32 @!p0 $0xA  }
0xd6: {  	_ =	swait.ge @!p0 [sflag:s9], $0xC80  }
0xd7: {  	[sflag:s9] =	ssyncset.done @!p0 $0x0  }
0xd8: {  	[sflag:s9] =	ssyncadd.s32 @!p0 $0xFFFFF380  }
0xd9: {  	_ =	swait.ge @!p0 [sflag:s9], $0xC80  }
0xda: {  	[sflag:s9] =	ssyncset.done @!p0 $0x0  }
0xdb: {  	[sflag:s9] =	ssyncadd.s32 @!p0 $0xFFFFF380  }
0xdc: {  	_ =	swait.ge @!p0 [sflag:s9], $0xC80  }
0xdd: {  	[sflag:s9] =	ssyncset.done @!p0 $0x0  }
0xde: {  	[sflag:s9] =	ssyncadd.s32 @!p0 $0xFFFFF380  }
0xdf: {  	_ =	swait.ge @!p0 [sflag:s9], $0xC80  }
0xe0: {  	[sflag:s9] =	ssyncset.done @!p0 $0x0  }
0xe1: {  	s10 =	simm.s32 @!p0 $0x4B00;
	[sflag:s9] =	ssyncadd.s32 @!p0 $0xFFFFF380;
	s9 =	sadd.s32 @!p0 $0xFFFFFC18, s24  }
0xe2: {  	[tilespmem:s10], [sflag:$0x2] =	stream.indirect.gather @!p0 [hbm4b:s3+s8], $0x40, s9, s8, $0xb8;
	[tilespmem:$0x1A900] =	vst v63  }
0xe3: {  	_ =	swait.ge [sflag:s31], $0x3200  }
0xe4: {  	[sflag:s31] =	ssyncset.done $0x0  }
0xe5: {  	s9 =	sadd.s32 $0x2A00, s7;
	s10 =	simm.s32 $0xAF00;
	[sflag:s31] =	ssyncadd.s32 $0xFFFFCE00  }
0xe6: {  	[hbm4b:s9+s4] =	stream.strided.scatter [tilespmem:s10], [sflag:$0xC], $0xC80, s5, s4, $0x38;
	[tilespmem:$0x1A900] =	vst v63  }
0xe7: {  	s9 =	sadd.s32 s6, s14;
	s10 =	simm.s32 $0xBB80  }
0xe8: {  	[hbm4b:s9+s4] =	stream.strided.scatter [tilespmem:s10], [sflag:$0xC], $0xC80, s5, s4, $0x38;
	[tilespmem:$0x1A900] =	vst v63  }
0xe9: {  	s9 =	sadd.s32 s6, s13;
	s10 =	simm.s32 $0xC800  }
0xea: {  	[hbm4b:s9+s4] =	stream.strided.scatter [tilespmem:s10], [sflag:$0xC], $0xC80, s5, s4, $0x38;
	[tilespmem:$0x1A900] =	vst v63  }
0xeb: {  	s9 =	sadd.s32 s6, s12;
	s10 =	simm.s32 $0xD480  }
0xec: {  	[hbm4b:s9+s4] =	stream.strided.scatter [tilespmem:s10], [sflag:$0xC], $0xC80, s5, s4, $0x38;
	[tilespmem:$0x1A900] =	vst v63  }
0xed: {  	s9 =	simm.s32 @!p0 $0xB  }
0xee: {  	_ =	swait.ge @!p0 [sflag:s9], $0xC80  }
0xef: {  	[sflag:s9] =	ssyncset.done @!p0 $0x0  }
0xf0: {  	[sflag:s9] =	ssyncadd.s32 @!p0 $0xFFFFF380  }
0xf1: {  	_ =	swait.ge @!p0 [sflag:s9], $0xC80  }
0xf2: {  	[sflag:s9] =	ssyncset.done @!p0 $0x0  }
0xf3: {  	[sflag:s9] =	ssyncadd.s32 @!p0 $0xFFFFF380  }
0xf4: {  	_ =	swait.ge @!p0 [sflag:s9], $0xC80  }
0xf5: {  	[sflag:s9] =	ssyncset.done @!p0 $0x0  }
0xf6: {  	[sflag:s9] =	ssyncadd.s32 @!p0 $0xFFFFF380  }
0xf7: {  	_ =	swait.ge @!p0 [sflag:s9], $0xC80  }
0xf8: {  	[sflag:s9] =	ssyncset.done @!p0 $0x0  }
0xf9: {  	s10 =	simm.s32 @!p0 $0x7D00;
	[sflag:s9] =	ssyncadd.s32 @!p0 $0xFFFFF380;
	s9 =	sadd.s32 @!p0 $0xFFFFFCE0, s24  }
0xfa: {  	[tilespmem:s10], [sflag:$0x3] =	stream.indirect.gather @!p0 [hbm4b:s3+s8], $0x40, s9, s8, $0xb8;
	[tilespmem:$0x1A900] =	vst v63  }
0xfb: {  	_ =	swait.ge [sflag:s23], $0x3200  }
0xfc: {  	[sflag:s23] =	ssyncset.done $0x0  }
0xfd: {  	s9 =	sadd.s32 $0x3800, s7;
	s10 =	simm.s32 $0xE100;
	[sflag:s23] =	ssyncadd.s32 $0xFFFFCE00  }
0xfe: {  	[hbm4b:s9+s4] =	stream.strided.scatter [tilespmem:s10], [sflag:$0xD], $0xC80, s5, s4, $0x38;
	[tilespmem:$0x1A900] =	vst v63  }
0xff: {  	s9 =	sadd.s32 $0x3B80, s7;
	s10 =	simm.s32 $0xED80  }
0x100: {  	[hbm4b:s9+s4] =	stream.strided.scatter [tilespmem:s10], [sflag:$0xD], $0xC80, s5, s4, $0x38;
	[tilespmem:$0x1A900] =	vst v63  }
0x101: {  	s9 =	sadd.s32 $0x3F00, s7;
	s10 =	simm.s32 $0xFA00  }
0x102: {  	[hbm4b:s9+s4] =	stream.strided.scatter [tilespmem:s10], [sflag:$0xD], $0xC80, s5, s4, $0x38;
	[tilespmem:$0x1A900] =	vst v63  }
0x103: {  	s9 =	sadd.s32 s6, s11;
	s10 =	simm.s32 $0x10680  }
0x104: {  	[hbm4b:s9+s4] =	stream.strided.scatter [tilespmem:s10], [sflag:$0xD], $0xC80, s5, s4, $0x38;
	[tilespmem:$0x1A900] =	vst v63  }
0x105: {  	s9 =	simm.s32 @!p0 $0xC  }
0x106: {  	_ =	swait.ge @!p0 [sflag:s9], $0xC80  }
0x107: {  	[sflag:s9] =	ssyncset.done @!p0 $0x0  }
0x108: {  	[sflag:s9] =	ssyncadd.s32 @!p0 $0xFFFFF380  }
0x109: {  	_ =	swait.ge @!p0 [sflag:s9], $0xC80  }
0x10a: {  	[sflag:s9] =	ssyncset.done @!p0 $0x0  }
0x10b: {  	[sflag:s9] =	ssyncadd.s32 @!p0 $0xFFFFF380  }
0x10c: {  	_ =	swait.ge @!p0 [sflag:s9], $0xC80  }
0x10d: {  	[sflag:s9] =	ssyncset.done @!p0 $0x0  }
0x10e: {  	[sflag:s9] =	ssyncadd.s32 @!p0 $0xFFFFF380  }
0x10f: {  	_ =	swait.ge @!p0 [sflag:s9], $0xC80  }
0x110: {  	[sflag:s9] =	ssyncset.done @!p0 $0x0  }
0x111: {  	s10 =	simm.s32 @!p0 $0xAF00;
	[sflag:s9] =	ssyncadd.s32 @!p0 $0xFFFFF380;
	s9 =	sadd.s32 @!p0 $0xFFFFFDA8, s24  }
0x112: {  	[tilespmem:s10], [sflag:$0x4] =	stream.indirect.gather @!p0 [hbm4b:s3+s8], $0x40, s9, s8, $0xb8;
	[tilespmem:$0x1A900] =	vst v63  }
0x113: {  	_ =	swait.ge [sflag:s1], $0x3200  }
0x114: {  	[sflag:s1] =	ssyncset.done $0x0  }
0x115: {  	s9 =	sadd.s32 $0x4600, s7;
	s10 =	simm.s32 $0x11300;
	[sflag:s1] =	ssyncadd.s32 $0xFFFFCE00  }
0x116: {  	[hbm4b:s9+s4] =	stream.strided.scatter [tilespmem:s10], [sflag:$0xE], $0xC80, s5, s4, $0x38;
	[tilespmem:$0x1A900] =	vst v63  }
0x117: {  	s10 =	rddreg [dreg:$0x8]  }
0x118: {  	s9 =	sadd.s32 s6, s10;
	s10 =	simm.s32 $0x11F80  }
0x119: {  	[hbm4b:s9+s4] =	stream.strided.scatter [tilespmem:s10], [sflag:$0xE], $0xC80, s5, s4, $0x38;
	[tilespmem:$0x1A900] =	vst v63  }
0x11a: {  	s10 =	rddreg [dreg:$0x7]  }
0x11b: {  	s9 =	sadd.s32 s6, s10;
	s10 =	simm.s32 $0x12C00  }
0x11c: {  	[hbm4b:s9+s4] =	stream.strided.scatter [tilespmem:s10], [sflag:$0xE], $0xC80, s5, s4, $0x38;
	[tilespmem:$0x1A900] =	vst v63  }
0x11d: {  	s10 =	rddreg [dreg:$0x6]  }
0x11e: {  	s9 =	sadd.s32 s6, s10;
	s10 =	simm.s32 $0x13880  }
0x11f: {  	[hbm4b:s9+s4] =	stream.strided.scatter [tilespmem:s10], [sflag:$0xE], $0xC80, s5, s4, $0x38;
	[tilespmem:$0x1A900] =	vst v63  }
0x120: {  	s9 =	simm.s32 @!p0 $0xD  }
0x121: {  	_ =	swait.ge @!p0 [sflag:s9], $0xC80  }
0x122: {  	[sflag:s9] =	ssyncset.done @!p0 $0x0  }
0x123: {  	[sflag:s9] =	ssyncadd.s32 @!p0 $0xFFFFF380  }
0x124: {  	_ =	swait.ge @!p0 [sflag:s9], $0xC80  }
0x125: {  	[sflag:s9] =	ssyncset.done @!p0 $0x0  }
0x126: {  	[sflag:s9] =	ssyncadd.s32 @!p0 $0xFFFFF380  }
0x127: {  	_ =	swait.ge @!p0 [sflag:s9], $0xC80  }
0x128: {  	[sflag:s9] =	ssyncset.done @!p0 $0x0  }
0x129: {  	[sflag:s9] =	ssyncadd.s32 @!p0 $0xFFFFF380  }
0x12a: {  	_ =	swait.ge @!p0 [sflag:s9], $0xC80  }
0x12b: {  	[sflag:s9] =	ssyncset.done @!p0 $0x0  }
0x12c: {  	s10 =	simm.s32 @!p0 $0xE100;
	[sflag:s9] =	ssyncadd.s32 @!p0 $0xFFFFF380;
	s9 =	sadd.s32 @!p0 $0xFFFFFE70, s24  }
0x12d: {  	[tilespmem:s10], [sflag:$0x5] =	stream.indirect.gather @!p0 [hbm4b:s3+s8], $0x40, s9, s8, $0xb8;
	[tilespmem:$0x1A900] =	vst v63  }
0x12e: {  	_ =	swait.ge [sflag:s30], $0x3200  }
0x12f: {  	[sflag:s30] =	ssyncset.done $0x0  }
0x130: {  	s10 =	sadd.s32 $0x5400, s7;
	[sflag:s30] =	ssyncadd.s32 $0xFFFFCE00  }
0x131: {  	[hbm4b:s10+s4] =	stream.strided.scatter [tilespmem:s28], [sflag:$0xF], $0xC80, s5, s4, $0x38;
	[tilespmem:$0x1A900] =	vst v63  }
0x132: {  	s9 =	sadd.s32 $0x5780, s7;
	s10 =	simm.s32 $0x15180  }
0x133: {  	[hbm4b:s9+s4] =	stream.strided.scatter [tilespmem:s10], [sflag:$0xF], $0xC80, s5, s4, $0x38;
	[tilespmem:$0x1A900] =	vst v63  }
0x134: {  	s10 =	rddreg [dreg:$0x4]  }
0x135: {  	s9 =	sadd.s32 s6, s10;
	s10 =	simm.s32 $0x15E00  }
0x136: {  	[hbm4b:s9+s4] =	stream.strided.scatter [tilespmem:s10], [sflag:$0xF], $0xC80, s5, s4, $0x38;
	[tilespmem:$0x1A900] =	vst v63  }
0x137: {  	s9 =	sadd.s32 $0x5E80, s7;
	s10 =	simm.s32 $0x16A80  }
0x138: {  	[hbm4b:s9+s4] =	stream.strided.scatter [tilespmem:s10], [sflag:$0xF], $0xC80, s5, s4, $0x38;
	[tilespmem:$0x1A900] =	vst v63  }
0x139: {  	s9 =	simm.s32 @!p0 $0xE  }
0x13a: {  	_ =	swait.ge @!p0 [sflag:s9], $0xC80  }
0x13b: {  	[sflag:s9] =	ssyncset.done @!p0 $0x0  }
0x13c: {  	[sflag:s9] =	ssyncadd.s32 @!p0 $0xFFFFF380  }
0x13d: {  	_ =	swait.ge @!p0 [sflag:s9], $0xC80  }
0x13e: {  	[sflag:s9] =	ssyncset.done @!p0 $0x0  }
0x13f: {  	[sflag:s9] =	ssyncadd.s32 @!p0 $0xFFFFF380  }
0x140: {  	_ =	swait.ge @!p0 [sflag:s9], $0xC80  }
0x141: {  	[sflag:s9] =	ssyncset.done @!p0 $0x0  }
0x142: {  	[sflag:s9] =	ssyncadd.s32 @!p0 $0xFFFFF380  }
0x143: {  	_ =	swait.ge @!p0 [sflag:s9], $0xC80  }
0x144: {  	[sflag:s9] =	ssyncset.done @!p0 $0x0  }
0x145: {  	s10 =	simm.s32 @!p0 $0x11300;
	[sflag:s9] =	ssyncadd.s32 @!p0 $0xFFFFF380;
	s9 =	sadd.s32 @!p0 $0xFFFFFF38, s24  }
0x146: {  	[tilespmem:s10], [sflag:$0x6] =	stream.indirect.gather @!p0 [hbm4b:s3+s8], $0x40, s9, s8, $0xb8;
	[tilespmem:$0x1A900] =	vst v63  }
0x147: {  	_ =	swait.ge [sflag:s0], $0x3200  }
0x148: {  	[sflag:s0] =	ssyncset.done $0x0  }
0x149: {  	s7 =	sadd.s32 $0x6200, s7;
	s10 =	simm.s32 $0x17700;
	[sflag:s0] =	ssyncadd.s32 $0xFFFFCE00  }
0x14a: {  	[hbm4b:s7+s4] =	stream.strided.scatter [tilespmem:s10], [sflag:$0x10], $0xC80, s5, s4, $0x38;
	[tilespmem:$0x1A900] =	vst v63  }
0x14b: {  	s9 =	sadd.s32 s6, s22;
	s10 =	simm.s32 $0x18380  }
0x14c: {  	[hbm4b:s9+s4] =	stream.strided.scatter [tilespmem:s10], [sflag:$0x10], $0xC80, s5, s4, $0x38;
	[tilespmem:$0x1A900] =	vst v63  }
.Ltmp2:
0x14d: {  	_ = 	snop;
	(pc) =	sbr.rel @p0 .LBB2_4-.Ltmp2, $4  }
0x14e: {  	s9 =	sadd.s32 s6, s21;
	s10 =	simm.s32 $0x19000  }
0x14f: {  	[hbm4b:s9+s4] =	stream.strided.scatter [tilespmem:s10], [sflag:$0x10], $0xC80, s5, s4, $0x38;
	[tilespmem:$0x1A900] =	vst v63  }
0x150: {  	s9 =	sadd.s32 s6, s20;
	s10 =	simm.s32 $0x19C80  }
0x151: {  	[hbm4b:s9+s4] =	stream.strided.scatter [tilespmem:s10], [sflag:$0x10], $0xC80, s5, s4, $0x38;
	[tilespmem:$0x1A900] =	vst v63  }
0x152: {  	_ =	swait.ge [sflag:s25], $0xC80  }
0x153: {  	[sflag:s25] =	ssyncset.done $0x0  }
0x154: {  	[sflag:s25] =	ssyncadd.s32 $0xFFFFF380  }
0x155: {  	_ =	swait.ge [sflag:s25], $0xC80  }
0x156: {  	[sflag:s25] =	ssyncset.done $0x0  }
0x157: {  	[sflag:s25] =	ssyncadd.s32 $0xFFFFF380  }
0x158: {  	_ =	swait.ge [sflag:s25], $0xC80  }
0x159: {  	[sflag:s25] =	ssyncset.done $0x0  }
0x15a: {  	[sflag:s25] =	ssyncadd.s32 $0xFFFFF380  }
.Ltmp3:
0x15b: {  	_ =	swait.ge [sflag:s25], $0xC80;
	(pc) =	sbr.rel .LBB2_2-.Ltmp3, $4  }
0x15c: {  	[sflag:s25] =	ssyncset.done $0x0  }
0x15d: {  	s7 =	simm.s32 $0xC8;
	[sflag:s25] =	ssyncadd.s32 $0xFFFFF380  }
0x15e: {  	[tilespmem:s28], [sflag:$0x7] =	stream.indirect.gather [hbm4b:s3+s7], $0x40, s24, s7, $0xb8;
	[tilespmem:$0x1A900] =	vst v63  }
0x15f: {  	s6 =	sadd.s32 $0x7000, s6;
	s24 =	sadd.s32 $0x640, s24  }
.LBB2_5:
0x160: {  	_ =	sfence.sel $0x180000  }
0x161: {  	[bflag:$0x0] =	sbarrier.arrive $0xFFFF  }
0x162: {  	_ =	strace $0x90000047  }
0x163: {  	s0 =	stileid.u32;
	[bflag:$0x2] =	sbarrier.arrive $0xFFFF  }
0x164: {  	p0 =	sne.s32 s0, $0x0;
	s0 =	rddreg [dreg:$0x1]  }
0x165: {  	s0 =	sadd.s32 @!p0 $0x100000, s0  }
0x166: {  	[sflag:s0] =	ssyncadd.tile.s32 @!p0 $0x1;
	_ =	shalt  }
.Lfunc_end2:
_tile_overlayer_lowered:
.L_overlay_start_2:
0x167: {  	(tag) =	ssettag $0x2  }
0x168: {  	s0 =	rddreg [dreg:$0x0];
	s2 =	stileid.u32  }
0x169: {  	s1 =	rddreg [dreg:$0x1];
	p0 =	sne.s32 s2, $0x0  }
0x16a: {  	s3 =	rddreg [dreg:$0x2];
	[bflag:$0x3] =	sbarrier.arrive $0xFFFF;
	s2 =	simm.s32 @!p0 $0x1C11  }
0x16b: {  	[timem:s3], [sflag:s2] =	dma.local @!p0 [hbm:s0], s1  }
0x16c: {  	s0 =	simm.s32 @!p0 $0x11  }
0x16d: {  	_ =	swait.ge @!p0 [sflag:s0], s1  }
0x16e: {  	s1 =	ssub.s32 @!p0 $0x0, s1;
	[sflag:s0] =	ssyncset.done @!p0 $0x0  }
0x16f: {  	[sflag:s0] =	ssyncadd.s32 @!p0 s1  }
0x170: {  	[bflag:$0x3] =	sbarrier.arrive $0xFFFF  }
0x171: {  	_ =	shalt  }

// kernel: sparse-core-data-format-call.cloned.1.call-start
scs
called_computation_lowered:
.L_overlay_start_0:
0x0: {  	s2 =	sld [smem:$0x3FD9]  }
0x1: {  	s3 =	sld [smem:$0x3FFE];
	_ =	sdelay $0x1  }
0x2: {  	s1 =	srdreg.scid  }
0x3: {  	s0 =	sand.u32 $0x1, s1  }
0x4: {  	s18 =	sshll.u32 s0, $0xA;
	s2 =	sadd.s32 s3, s2  }
0x5: {  	s2 =	sadd.s32 s2, s18  }
0x6: {  	[smem:$0x3FC6] =	sst s2  }
0x7: {  	_ = 	snop  }
0x8: {  	s2 =	sld [smem:$0x3FD0];
	(tm) =	ssettm $0x1  }
0x9: {  	s19 =	sld [smem:$0x3FFB];
	_ =	sdelay $0x3  }
0xa: {  	_ =	strace s19  }
0xb: {  	s3 =	sld [smem:$0x3FFC];
	_ =	sdelay $0x3  }
0xc: {  	_ =	strace s3  }
0xd: {  	s3 =	sld [smem:$0x3FFD];
	_ =	sdelay $0x3  }
0xe: {  	_ =	strace s3  }
0xf: {  	_ =	strace $0x8FFFFFFF  }
0x10: {  	s20 =	sld [smem:$0x3FDB];
	_ =	sdelay $0x1  }
0x11: {  	s4 =	simm.s32 $_scs_section_size  }
0x12: {  	s5 =	simm.s32 $_size__tile_overlayer_lowered;
	s6 =	simm.s32 $_tile_overlayer_lowered  }
0x13: {  	s23 =	simm.s32 $0x1BFF;
	s22 =	sshll.u32 s6, $0x1;
	s3 =	sadd.s32 s4, s20  }
0x14: {  	s7 =	simm.s32 $0x0;
	s21 =	sshll.u32 s5, $0x1;
	s5 =	sadd.s32 s22, s3  }
0x15: {  	[timem:s7], [sflag:s23] =	dma.local [hbm:s5], s21  }
0x16: {  	_ =	swait.ge [sflag:s23], s21  }
0x17: {  	s4 =	ssub.s32 $0x0, s21;
	[sflag:s23] =	ssyncset.done $0x0  }
0x18: {  	[sflag:s23] =	ssyncadd.s32 s4;
	_ =	sdelay $0x1  }
0x19: {  	s24 =	simm.s32 $0x1B8B  }
0x1a: {  	_ =	swait.ge [sflag:s24], $0x1  }
0x1b: {  	[sflag:s24] =	ssyncset.done $0x0  }
0x1c: {  	s26 =	simm.s32 $0x1B8E;
	s25 =	sld [smem:$0x3FFE];
	[sflag:s24] =	ssyncadd.s32 $0xFFFFFFFF  }
0x1d: {  	s27 =	simm.s32 $execute0_lowered;
	[smem:$0x3FD2] =	sst s26  }
0x1e: {  	s5 =	sshll.u32 s27, $0x1;
	_ =	strace $0x80000049;
	[dreg:$0x1] =	wrdreg $0xFFFFFFFF  }
0x1f: {  	s28 =	simm.s32 $_size_execute0_lowered;
	s3 =	sadd.s32 s3, s5;
	[dreg:$0x0] =	wrdreg $0x0  }
0x20: {  	s5 =	sshll.u32 s28, $0x1;
	[dreg:$0x2] =	wrdreg s3  }
0x21: {  	[dreg:$0x3] =	wrdreg s5  }
0x22: {  	[dreg:$0x4] =	wrdreg $0xC0  }
0x23: {  	_ =	task [dreg:s7], $0x5FFFF  }
0x24: {  	[dreg:$0x1] =	wrdreg $0xFFFFFFFF  }
0x25: {  	[dreg:$0x0] =	wrdreg $0x60  }
0x26: {  	[dreg:$0x2] =	wrdreg s25  }
0x27: {  	[dreg:$0x3] =	wrdreg s2  }
0x28: {  	[dreg:$0x4] =	wrdreg $0x9  }
0x29: {  	_ =	task.clear_ibuf [dreg:s7], $0x5FFFF;
	_ =	strace $0x90000049  }
0x2a: {  	s29 =	simm.s32 $0x9;
	_ =	strace $0x8000004B  }
0x2b: {  	_ =	swait.ge [sflag:s29], $0x1  }
0x2c: {  	[sflag:s29] =	ssyncadd.s32 $0xFFFFFFFF  }
0x2d: {  	_ =	strace $0x9000004B  }
0x2e: {  	_ =	sfence  }
0x2f: {  	s30 =	sld [smem:$0x0];
	_ =	sdelay $0x2  }
0x30: {  	s31 =	sshll.u32 s1, $0xD;
	s1 =	sshrl.u32 s1, $0x2  }
0x31: {  	s3 =	sand.u32 $0x4000, s31;
	s1 =	sadd.s32 s1, s30  }
0x32: {  	s0 =	sor.u32 s3, s0;
	s1 =	sshll.u32 s1, $0x11  }
0x33: {  	s0 =	sor.u32 s1, s0  }
0x34: {  	s0 =	sadd.s32 $0x8F2B, s0  }
0x35: {  	[sflag:s0] =	ssyncadd.remote.s32 $0x1  }
0x36: {  	_ =	sfence.sel $0xFFFF  }
0x37: {  	[dreg:$0x0] =	wrdreg $0xFFFFFFFF;
	(pc) =	sbr.abs _section_cstart, $3  }
0x38: {  	[dreg:$0x1] =	wrdreg $0xFFFFFFFF  }
0x39: {  	_ =	task.clear_ibuf [dreg:s7], $0x2FFFF;
	_ =	strace $0x9FFFFFFF  }
0x3a: {  	(tm) =	ssettm $0x7FFFFFFF  }
0x3b: {  	_ =	shalt  }
tec
execute0_lowered:
.L_overlay_start_1:
0x0: {  	(tag) =	ssettag $0x1  }
0x1: {  	s0 =	srdreg.scid  }
0x2: {  	s1 =	sshll.u32 s0, $0x4  }
0x3: {  	s0 =	stileid.u32;
	s1 =	sand.u32 $0x10, s1  }
0x4: {  	s1 =	sor.u32 s0, s1  }
0x5: {  	s6 =	rddreg [dreg:$0x0];
	s4 =	simm.s32 $0x1;
	s2 =	sshll.u32 s1, $0x7  }
0x6: {  	s7 =	simm.s32 $0x2;
	s12 =	simm.s32 $0x0;
	s1 =	ssub.s32 $0x1000, s2  }
0x7: {  	s8 =	simm.s32 $0x8000;
	s13 =	simm.s32 $0x0;
	s3 =	sand.u32 $0xF80, s1  }
0x8: {  	s9 =	simm.s32 $0x0;
	s5 =	sshrl.u32 s1, $0xC;
	p0 =	sne.s32 s3, $0x0  }
.Ltmp0:
0x9: {  	s1 =	rddreg [dreg:$0x2];
	s4 =	simm.s32 @!p0 $0x0;
	(pc) =	sbr.rel .LBB1_1-.Ltmp0, $4  }
0xa: {  	s11 =	simm.s32 $0x0;
	s3 =	rddreg [dreg:$0x1];
	s5 =	sadd.s32 s4, s5  }
0xb: {  	_ =	strace $0x8000004A;
	s4 =	simm.s32 $0x1;
	s5 =	smul.u32 $0x32, s5  }
0xc: {  	s6 =	sadd.s32 $0xCA200, s6;
	s10 =	smov.u32 s2;
	[sflag:s4] =	ssyncpa.u1 $0x0  }
0xd: {  	p0 =	por $0x0, $0x0;
	[sflag:s7] =	ssyncpa.u1 $0x0;
	s7 =	sor.u32 $0x1, s5  }
.LBB1_4:
0xe: {  	s16 =	sshll.u32 s13, $0x3;
	s17 =	sand.u32 $0x78, s13  }
0xf: {  	s30 =	sand.u32 $0x7E00, s13;
	s12 =	sshll.u32 s12, $0xF;
	s16 =	sand.u32 $0xC00, s16  }
0x10: {  	[tilespmem:s15+$0x810 ss:$0x81] =	vst.msk $0xffff, v2;
	s31 =	sand.u32 $0x7, s13;
	s16 =	sor.u32 s17, s16;
	s17 =	sadd.s32 s3, s30  }
0x11: {  	[tilespmem:s15+$0x1020 ss:$0x81] =	vst.msk $0xffff, v0;
	s13 =	sshll.u32 s31, $0x12;
	s12 =	sadd.s32 s12, s17;
	s16 =	sshrl.u32 s16, $0x3  }
0x12: {  	[tilespmem:s15+$0x0 ss:$0x81] =	vst.msk $0xffff, v1;
	s13 =	sor.u32 $0x400, s13;
	s12 =	sadd.s32 s16, s12  }
0x13: {  	[hbm4b:s12+s13] =	stream.strided.scatter [tilespmem:s14], [sflag:$0x2], $0x2000, s8, s13, $0x20;
	[tilespmem:$0x8080] =	vst v63  }
.LBB1_5:
0x14: {  	s14 =	sadd.s32 $0x1, s9  }
0x15: {  	s12 =	sadd.s32 $0x1000, s10;
	s16 =	smov.u32 s10;
	p2 =	sgt.s32 s14, $0x31  }
0x16: {  	s16 =	smov.u32 @p2 s12  }
0x17: {  	s14 =	simm.s32 @p2 $0x0;
	p2 =	sgt.s32 s16, $0xFFF  }
0x18: {  	s16 =	smov.u32 @p2 s2;
	p2 =	sne.s32 s11, s7  }
.Ltmp1:
0x19: {  	p1 =	slt.u32 s11, $0x2;
	(pc) =	sbr.rel @!p2 .LBB1_6-.Ltmp1, $4  }
0x1a: {  	s15 =	simm.s32 @!p1 $0x2  }
0x1b: {  	s13 =	smov.u32 s10;
	p0 =	por !p0, !p0;
	_ =	swait.ge @!p1 [sflag:s15], $0x2000  }
0x1c: {  	s12 =	smov.u32 s9;
	[sflag:s15] =	ssyncset.done @!p1 $0x0;
	s9 =	smov.u32 s14  }
0x1d: {  	s11 =	sadd.s32 $0x1, s11;
	[sflag:s15] =	ssyncadd.s32 @!p1 $0xFFFFE000;
	s10 =	smov.u32 s16  }
.LBB1_1:
0x1e: {  	p1 =	sge.u32 s11, s5  }
0x1f: {  	s14 =	sand.u32 @!p1 $0x1FFFFFF, s9  }
0x20: {  	s15 =	smulhi.u32 @!p1 $0x4924925, s14;
	_ =	sdelay $0x1  }
0x21: {  	s15 =	smul.u32 @!p1 $0x38, s15  }
0x22: {  	s16 =	sxor.u32 @!p1 $0xFFFFFFFF, s11;
	s17 =	smul.u32 @!p1 $0x380, s10  }
0x23: {  	s31 =	sadd.s32 $0xFFFFFFFF, s11;
	s16 =	sshll.u32 @!p1 s16, $0xD;
	s14 =	ssub.s32 @!p1 s14, s15  }
0x24: {  	s15 =	sand.u32 @!p1 $0x2000, s16;
	s16 =	sadd.s32 @!p1 s6, s17;
	s14 =	sshll.u32 @!p1 s14, $0x4  }
0x25: {  	s17 =	simm.s32 @!p1 $0x1C00;
	s14 =	sadd.s32 @!p1 s14, s16;
	s16 =	simm.s32 @!p1 $0x40  }
0x26: {  	[tilespmem:s15], [sflag:$0x1] =	stream.strided.gather @!p1 [hbm4b:s14+s16], $0x2000, s17, s16, $0x38;
	[tilespmem:$0x8080] =	vst v63  }
0x27: {  	p1 =	sge.u32 s31, s5  }
.Ltmp2:
0x28: {  	_ = 	snop;
	(pc) =	sbr.rel @p1 .LBB1_5-.Ltmp2, $1  }
0x29: {  	_ =	sdelay $0x3  }
0x2a: {  	s14 =	simm.s32 $0x1  }
0x2b: {  	_ =	swait.ge [sflag:s4], $0x2000;
	s14 =	simm.s32 @!p0 $0x0  }
0x2c: {  	[sflag:s4] =	ssyncset.done $0x0;
	s15 =	sshll.u32 s14, $0xD  }
0x2d: {  	[sflag:s4] =	ssyncadd.s32 $0xFFFFE000;
	s18 =	sor.u32 $0x20, s15  }
0x2e: {  	s14 =	smul.u32 $0x8100, s14;
	v3 =	vld [tilespmem:s18+$0x10]  }
0x2f: {  	s30 =	sand.u32 $0x1, s11;
	v2 =	vld [tilespmem:s18+$0xFFFFFFF0]  }
0x30: {  	s15 =	smul.u32 $0x8100, s30;
	s14 =	sshrl.u32 s14, $0x2;
	v0 =	vld [tilespmem:s18+$0x0]  }
0x31: {  	v1 =	vld [tilespmem:s18+$0xFFFFFFE0];
	s16 =	sor.u32 $0x4000, s14  }
0x32: {  	s31 =	sshrl.u32 s15, $0x2;
	s15 =	sadd.s32 $0x0, s16  }
0x33: {  	s17 =	simm.s32 $0x4;
	s18 =	sadd.s32 $0x40, s18;
	s14 =	sor.u32 $0x4000, s31;
	[tilespmem:s15+$0x1830 ss:$0x81] =	vst.msk $0xffff, v3  }
.LBB1_3:
0x34: {  	v3 =	vld [tilespmem:s18+$0x10];
	p1 =	sne.s32 s17, $0x1FC;
	[tilespmem:s15+$0x810 ss:$0x81] =	vst.msk $0xffff, v2;
	s19 =	smov.u32 s17;
	s17 =	sadd.s32 $0x4, s17  }
.Ltmp3:
0x35: {  	v2 =	vld [tilespmem:s18+$0xFFFFFFF0];
	[tilespmem:s15+$0x1020 ss:$0x81] =	vst.msk $0xffff, v0;
	(pc) =	sbr.rel @p1 .LBB1_3-.Ltmp3, $4  }
0x36: {  	v0 =	vld [tilespmem:s18+$0x0];
	[tilespmem:s15+$0x0 ss:$0x81] =	vst.msk $0xffff, v1  }
0x37: {  	s15 =	sshra.s32 s19, $0x2;
	v1 =	vld [tilespmem:s18+$0xFFFFFFE0]  }
0x38: {  	s15 =	sadd.s32 s15, s16  }
0x39: {  	s18 =	sadd.s32 $0x40, s18;
	[tilespmem:s15+$0x1830 ss:$0x81] =	vst.msk $0xffff, v3  }
.Ltmp4:
0x3a: {  	_ = 	snop;
	(pc) =	sbr.rel .LBB1_4-.Ltmp4, $1  }
0x3b: {  	_ =	sdelay $0x3  }
.LBB1_6:
0x3c: {  	_ =	sfence.sel $0x180000  }
0x3d: {  	s2 =	simm.s32 $0x1;
	[bflag:$0x0] =	sbarrier.arrive $0xFFFF  }
0x3e: {  	s31 =	simm.s32 $0x2;
	[sflag:s2] =	ssyncpa.u1 $0x1  }
0x3f: {  	[sflag:s31] =	ssyncpa.u1 $0x1  }
0x40: {  	p0 =	sne.s32 s0, $0x0;
	_ =	strace $0x9000004A  }
0x41: {  	s0 =	sadd.s32 @!p0 $0x100000, s1;
	[bflag:$0x2] =	sbarrier.arrive $0xFFFF  }
0x42: {  	[sflag:s0] =	ssyncadd.tile.s32 @!p0 $0x1;
	_ =	shalt  }
.Lfunc_end1:
_tile_overlayer_lowered:
.L_overlay_start_2:
0x43: {  	(tag) =	ssettag $0x2  }
0x44: {  	s0 =	rddreg [dreg:$0x0];
	s2 =	stileid.u32  }
0x45: {  	s1 =	rddreg [dreg:$0x1];
	p0 =	sne.s32 s2, $0x0  }
0x46: {  	s3 =	rddreg [dreg:$0x2];
	[bflag:$0x3] =	sbarrier.arrive $0xFFFF;
	s2 =	simm.s32 @!p0 $0x1C01  }
0x47: {  	[timem:s3], [sflag:s2] =	dma.local @!p0 [hbm:s0], s1  }
0x48: {  	s0 =	simm.s32 @!p0 $0x1  }
0x49: {  	_ =	swait.ge @!p0 [sflag:s0], s1  }
0x4a: {  	s1 =	ssub.s32 @!p0 $0x0, s1;
	[sflag:s0] =	ssyncset.done @!p0 $0x0  }
0x4b: {  	[sflag:s0] =	ssyncadd.s32 @!p0 s1  }
0x4c: {  	[bflag:$0x3] =	sbarrier.arrive $0xFFFF  }
0x4d: {  	_ =	shalt  }

</sc_bundles>
